<compile_context>
chip_gen: v7x
topology: tpu7x:2x2x1
jax: 0.10.2.dev20260603
libtpu: 0.0.44.dev20260713+nightly
codegen_flags: <defaults>
</compile_context>

<pallas_src>
import jax
import jax.numpy as jnp
from jax import lax
from jax.experimental import pallas as pl
from jax.experimental.pallas import tpu as pltpu
from jax.experimental.pallas import tpu_sc as plsc

BINS = 64
B, C, H, W = 16, 3, 512, 512
ROW = H * W
ROWS_PER_IMG = B * C
NC, NS, LANES = 2, 16, 16
ROWS_PER_TILE = ROWS_PER_IMG // NS
CHUNK = 32768
CHUNKS_PER_ROW = ROW // CHUNK
NCHTOT = ROWS_PER_TILE * CHUNKS_PER_ROW
SUBH = 2048
SPAN = ROWS_PER_TILE * ROW
UNROLL = 16


def _sc_hist_body(fake_hbm, real_hbm, out_hbm, buf0, buf1, hist, outbuf):
    c = lax.axis_index("c")
    s = lax.axis_index("s")
    lane = lax.iota(jnp.int32, LANES)
    ones = jnp.ones((LANES,), jnp.float32)
    zeros = jnp.zeros((LANES,), jnp.float32)
    span_base = s * SPAN

    def process(src_hbm, img_base):
        @plsc.parallel_loop(0, ROWS_PER_TILE * SUBH, step=LANES, unroll=4)
        def _(j):
            hist[pl.ds(j, LANES)] = zeros

        def start(ci, buf, sem):
            cic = jnp.minimum(ci, NCHTOT - 1)
            pltpu.make_async_copy(
                src_hbm.at[pl.ds(span_base + cic * CHUNK, CHUNK)], buf, sem
            ).start()

        def wait(buf, sem):
            pltpu.make_async_copy(
                src_hbm.at[pl.ds(span_base, CHUNK)], buf, sem).wait()

        def consume(ci, buf):
            base2 = lane + (ci // CHUNKS_PER_ROW) * SUBH

            @plsc.parallel_loop(0, CHUNK, step=LANES, unroll=UNROLL)
            def _(j):
                x = buf[pl.ds(j, LANES)]
                t = (x + 1.0) * 512.0
                a = (t.astype(jnp.int32) & -16) + base2
                plsc.addupdate_scatter(hist, [a], ones)

        def run(sem0, sem1):
            start(0, buf0, sem0)

            def pair(p, carry):
                ci0 = p * 2
                wait(buf0, sem0)
                start(ci0 + 1, buf1, sem1)
                consume(ci0, buf0)
                wait(buf1, sem1)
                start(ci0 + 2, buf0, sem0)
                consume(ci0 + 1, buf1)
                return carry

            lax.fori_loop(0, NCHTOT // 2, pair, 0)
            wait(buf0, sem0)

        pl.run_scoped(run, pltpu.SemaphoreType.DMA, pltpu.SemaphoreType.DMA)

        for r in range(ROWS_PER_TILE):
            hist[pl.ds(r * SUBH + 63 * LANES, LANES)] = (
                hist[pl.ds(r * SUBH + 63 * LANES, LANES)]
                + hist[pl.ds(r * SUBH + 64 * LANES, LANES)])
            for k in range(BINS // LANES):
                binaddr = (k * LANES + lane) * LANES + r * SUBH
                acc = zeros
                for sub in range(LANES):
                    acc = acc + plsc.load_gather(hist, [binaddr + sub])
                outbuf[pl.ds(k * LANES, LANES)] = acc
            row = img_base + s * ROWS_PER_TILE + r
            pltpu.sync_copy(outbuf, out_hbm.at[pl.ds(row * BINS, BINS)])

    @pl.when(c == 0)
    def _():
        process(fake_hbm, 0)

    @pl.when(c == 1)
    def _():
        process(real_hbm, ROWS_PER_IMG)


_sc_hist = pl.kernel(
    _sc_hist_body,
    out_type=jax.ShapeDtypeStruct((2 * ROWS_PER_IMG * BINS,), jnp.float32),
    mesh=plsc.VectorSubcoreMesh(
        core_axis_name="c", subcore_axis_name="s",
        num_cores=NC, num_subcores=NS),
    scratch_types=[
        pltpu.VMEM((CHUNK,), jnp.float32),
        pltpu.VMEM((CHUNK,), jnp.float32),
        pltpu.VMEM((ROWS_PER_TILE * SUBH,), jnp.float32),
        pltpu.VMEM((BINS,), jnp.float32),
    ],
    compiler_params=pltpu.CompilerParams(needs_layout_passes=False),
)


def _kl_body(cf_ref, cr_ref, out_ref):
    cf = cf_ref[...]
    cr = cr_ref[...]
    hf = cf / (jnp.sum(cf, axis=2, keepdims=True) + 1e-08)
    hr = cr / (jnp.sum(cr, axis=2, keepdims=True) + 1e-08)
    pf = jnp.clip(jnp.mean(hf, axis=0), 1e-08, 1.0)
    pr = jnp.clip(jnp.mean(hr, axis=0), 1e-08, 1.0)
    kl = jnp.sum(pr * (jnp.log(pr) - jnp.log(pf))) / (C * BINS)
    out_ref[0, 0] = kl


_kl = pl.pallas_call(
    _kl_body,
    out_shape=jax.ShapeDtypeStruct((1, 1), jnp.float32),
    out_specs=pl.BlockSpec(memory_space=pltpu.SMEM),
)


@jax.jit
def kernel(fake, real):
    counts = _sc_hist(fake.reshape(-1), real.reshape(-1))
    cf = counts[: ROWS_PER_IMG * BINS].reshape(B, C, BINS)
    cr = counts[ROWS_PER_IMG * BINS:].reshape(B, C, BINS)
    return _kl(cf, cr)[0, 0]

# --- scband reference (transcript-rebuilt; emitter-appended) ---
"""Pipeline reference for scband-color-loss-15522011807937 (READ-ONLY COPY).

The authoritative reference and input builder live on the scoring server;
editing this copy changes nothing except your own understanding.
"""

import jax, jax.numpy as jnp
import numpy as np

BINS = 64


def _hist(x, bins=BINS):
    # x in [-1, 1] -> [0, 1]
    x = (x + 1.0) * 0.5
    B, C, H, W = x.shape
    flat = x.reshape(B * C, H * W)
    # torch.histc ignores values outside [min, max]
    mask = ((flat >= 0.0) & (flat <= 1.0)).astype(jnp.float32)
    idx = jnp.clip(jnp.floor(flat * bins), 0, bins - 1).astype(jnp.int32)
    offs = jnp.arange(B * C, dtype=jnp.int32)[:, None] * bins + idx
    counts = jnp.bincount(offs.ravel(), weights=mask.ravel(), length=B * C * bins)
    counts = counts.reshape(B, C, bins)
    hist = counts / (counts.sum(axis=-1, keepdims=True) + 1e-08)
    hist = hist.mean(axis=0)  # (C, bins) averaged over batch
    return hist.reshape(-1)  # concat channels -> (C*bins,)


def setup_inputs(seed: int = 0) -> dict:
    key = jax.random.key(seed)
    k1, k2 = jax.random.split(key)
    # images in [-1, 1] as the loss expects
    fake = jax.random.uniform(k1, (16, 3, 512, 512), dtype=jnp.float32, minval=-1.0, maxval=1.0)
    real = jax.random.uniform(k2, (16, 3, 512, 512), dtype=jnp.float32, minval=-1.0, maxval=1.0)
    return {"fake": fake, "real": real}


def reference(fake, real):
    pf = jnp.clip(_hist(fake), 1e-08, 1.0)
    pr = jnp.clip(_hist(real), 1e-08, 1.0)
    return (pr * (jnp.log(pr) - jnp.log(pf))).sum() / pr.size

if __name__ == "__main__":
    import jax
    _d = setup_inputs()
    print(jax.jit(kernel)(*tuple(_d.values())))

</pallas_src>

<mosaic_0001>
#map = affine_map<(d0, d1) -> (0)>
module attributes {stable_mosaic.version = 14 : i64} {
  func.func @_sc_hist_body(%arg0: i32, %arg1: i32, %arg2: memref<12582912xf32, #tpu.memory_space<hbm>>, %arg3: memref<12582912xf32, #tpu.memory_space<hbm>>, %arg4: memref<6144xf32, #tpu.memory_space<hbm>>, %arg5: memref<32768xf32, #tpu.memory_space<vmem>>, %arg6: memref<32768xf32, #tpu.memory_space<vmem>>, %arg7: memref<6144xf32, #tpu.memory_space<vmem>>, %arg8: memref<64xf32, #tpu.memory_space<vmem>>) attributes {dimension_semantics = [#tpu.dimension_semantics<core_parallel>, #tpu.dimension_semantics<subcore_parallel>], iteration_bounds = array<i64: 2, 16>, scalar_prefetch = 0 : i64, scratch_operands = 4 : i64, tpu.core_type = #tpu.core_type<sc_vector_subcore>, window_params = [{transform_indices = #map}, {transform_indices = #map}, {transform_indices = #map}]} {
    %iota3A = tpu.iota {dimensions = array<i32: 0>} : vector<16xi32>
    %broadcast_in_dim3A = arith.constant 1.000000e+00 : f32
    %broadcast_in_dim3A_0 = vector.broadcast %broadcast_in_dim3A : f32 to vector<16xf32>
    %broadcast_in_dim3A_1 = arith.constant 0.000000e+00 : f32
    %broadcast_in_dim3A_2 = vector.broadcast %broadcast_in_dim3A_1 : f32 to vector<16xf32>
    %mul3A = arith.constant 786432 : i32
    %mul3A_3 = arith.muli %arg1, %mul3A : i32
    %eq3A = arith.constant 0 : i32
    %eq3A_4 = arith.cmpi eq, %arg0, %eq3A : i32
    %convert_element_type3A = arith.extui %eq3A_4 : i1 to i32
    %cond3A = arith.constant 0 : i32
    %cond3A_5 = arith.cmpi ne, %convert_element_type3A, %cond3A : i32
    scf.if %cond3A_5 {
      %parallel_loop3A = arith.constant 0 : i32
      %parallel_loop3A_11 = arith.constant 6144 : i32
      %parallel_loop3A_12 = arith.constant 16 : i32
      scf.for %parallel_loop3A_1146 = %parallel_loop3A to %parallel_loop3A_11 step %parallel_loop3A_12  : i32 {
        %parallel_loop3A_1147 = arith.index_cast %parallel_loop3A_1146 : i32 to index
        %parallel_loop3A_1148 = tpu.vector_load %arg7[%parallel_loop3A_1147] {strides = array<i32>} : memref<6144xf32, #tpu.memory_space<vmem>>, vector<16xf32>,
        tpu.vector_store %arg7[%parallel_loop3A_1147], %broadcast_in_dim3A_2 {strides = array<i32>} : memref<6144xf32, #tpu.memory_space<vmem>>, vector<16xf32>,
      } {sc.loop_unroll_factor = 4 : i64, sc.parallel_access}
      "tpu.region"() ({
        %run_scoped3A = tpu.sem_alloc : memref<!tpu.dma_semaphore, #tpu.memory_space<semaphore_mem>>
        %run_scoped3A_1146 = tpu.sem_alloc : memref<!tpu.dma_semaphore, #tpu.memory_space<semaphore_mem>>
        %min3A = arith.constant 0 : i32
        %min3A_1147 = arith.constant 23 : i32
        %min3A_1148 = arith.minsi %min3A, %min3A_1147 : i32
        %mul3A_1149 = arith.constant 32768 : i32
        %mul3A_1150 = arith.muli %min3A_1148, %mul3A_1149 : i32
        %add3A_1151 = arith.addi %mul3A_3, %mul3A_1150 : i32
        %dma_start3A = tpu.memref_slice %arg2[%add3A_1151] : memref<12582912xf32, #tpu.memory_space<hbm>> -> memref<32768xf32, #tpu.memory_space<hbm>>
        %dma_start3A_1152 = tpu.memref_slice %arg2[%add3A_1151] : memref<12582912xf32, #tpu.memory_space<hbm>> -> memref<32768xf32, #tpu.memory_space<hbm>>
        tpu.enqueue_dma source(%dma_start3A_1152 : memref<32768xf32, #tpu.memory_space<hbm>>) target(%arg5 : memref<32768xf32, #tpu.memory_space<vmem>>) target_semaphore(%run_scoped3A : memref<!tpu.dma_semaphore, #tpu.memory_space<semaphore_mem>>)
        %scan3A = arith.constant 0 : i32
        %scan3A_1153 = arith.constant 0 : i32
        %scan3A_1154 = arith.constant 12 : i32
        %scan3A_1155 = arith.addi %scan3A_1153, %scan3A_1154 : i32
        %scan3A_1156 = arith.constant 1 : i32
        scf.for %scan3A_1159 = %scan3A_1153 to %scan3A_1155 step %scan3A_1156  : i32 {
          %mul3A_1160 = arith.constant 2 : i32
          %mul3A_1161 = arith.muli %scan3A_1159, %mul3A_1160 : i32
          %dma_wait3A_1162 = tpu.memref_slice %arg2[%mul3A_3] : memref<12582912xf32, #tpu.memory_space<hbm>> -> memref<32768xf32, #tpu.memory_space<hbm>>
          %dma_wait3A_1163 = tpu.memref_slice %arg2[%mul3A_3] : memref<12582912xf32, #tpu.memory_space<hbm>> -> memref<32768xf32, #tpu.memory_space<hbm>>
          tpu.wait_dma2 semaphore(%run_scoped3A : memref<!tpu.dma_semaphore, #tpu.memory_space<semaphore_mem>>) src(%dma_wait3A_1163 : memref<32768xf32, #tpu.memory_space<hbm>>) dst(%arg5 : memref<32768xf32, #tpu.memory_space<vmem>>)
          %add3A_1164 = arith.constant 1 : i32
          %add3A_1165 = arith.addi %mul3A_1161, %add3A_1164 : i32
          %min3A_1166 = arith.constant 23 : i32
          %min3A_1167 = arith.minsi %add3A_1165, %min3A_1166 : i32
          %mul3A_1168 = arith.constant 32768 : i32
          %mul3A_1169 = arith.muli %min3A_1167, %mul3A_1168 : i32
          %add3A_1170 = arith.addi %mul3A_3, %mul3A_1169 : i32
          %dma_start3A_1171 = tpu.memref_slice %arg2[%add3A_1170] : memref<12582912xf32, #tpu.memory_space<hbm>> -> memref<32768xf32, #tpu.memory_space<hbm>>
          %dma_start3A_1172 = tpu.memref_slice %arg2[%add3A_1170] : memref<12582912xf32, #tpu.memory_space<hbm>> -> memref<32768xf32, #tpu.memory_space<hbm>>
          tpu.enqueue_dma source(%dma_start3A_1172 : memref<32768xf32, #tpu.memory_space<hbm>>) target(%arg6 : memref<32768xf32, #tpu.memory_space<vmem>>) target_semaphore(%run_scoped3A_1146 : memref<!tpu.dma_semaphore, #tpu.memory_space<semaphore_mem>>)
          %jit3A = arith.constant 8 : i32
          %div3A = arith.divsi %mul3A_1161, %jit3A : i32
          %sign3A = arith.constant 0 : i32
          %sign3A_1173 = arith.cmpi sgt, %mul3A_1161, %sign3A : i32
          %sign3A_1174 = arith.extui %sign3A_1173 : i1 to i32
          %sign3A_1175 = arith.constant 0 : i32
          %sign3A_1176 = arith.cmpi slt, %mul3A_1161, %sign3A_1175 : i32
          %sign3A_1177 = arith.extui %sign3A_1176 : i1 to i32
          %sign3A_1178 = arith.subi %sign3A_1174, %sign3A_1177 : i32
          %sign3A_1179 = arith.constant 0 : i32
          %sign3A_1180 = arith.cmpi sgt, %jit3A, %sign3A_1179 : i32
          %sign3A_1181 = arith.extui %sign3A_1180 : i1 to i32
          %sign3A_1182 = arith.constant 0 : i32
          %sign3A_1183 = arith.cmpi slt, %jit3A, %sign3A_1182 : i32
          %sign3A_1184 = arith.extui %sign3A_1183 : i1 to i32
          %sign3A_1185 = arith.subi %sign3A_1181, %sign3A_1184 : i32
          %ne3A = arith.cmpi ne, %sign3A_1178, %sign3A_1185 : i32
          %rem3A = arith.remsi %mul3A_1161, %jit3A : i32
          %ne3A_1186 = arith.constant 0 : i32
          %ne3A_1187 = arith.cmpi ne, %rem3A, %ne3A_1186 : i32
          %and3A = arith.andi %ne3A, %ne3A_1187 : i1
          %sub3A = arith.constant 1 : i32
          %sub3A_1188 = arith.subi %div3A, %sub3A : i32
          %select_n3A = arith.select %and3A, %sub3A_1188, %div3A : i32
          %mul3A_1189 = arith.constant 2048 : i32
          %mul3A_1190 = arith.muli %select_n3A, %mul3A_1189 : i32
          %add3A_1191 = vector.broadcast %mul3A_1190 : i32 to vector<16xi32>
          %add3A_1192 = arith.addi %iota3A, %add3A_1191 : vector<16xi32>
          %parallel_loop3A_1193 = arith.constant 0 : i32
          %parallel_loop3A_1194 = arith.constant 32768 : i32
          %parallel_loop3A_1195 = arith.constant 16 : i32
          scf.for %parallel_loop3A_1240 = %parallel_loop3A_1193 to %parallel_loop3A_1194 step %parallel_loop3A_1195  : i32 {
            %parallel_loop3A_1241 = arith.index_cast %parallel_loop3A_1240 : i32 to index
            %parallel_loop3A_1242 = tpu.vector_load %arg5[%parallel_loop3A_1241] {strides = array<i32>} : memref<32768xf32, #tpu.memory_space<vmem>>, vector<16xf32>,
            %parallel_loop3A_1243 = arith.constant 1.000000e+00 : f32
            %parallel_loop3A_1244 = vector.broadcast %parallel_loop3A_1243 : f32 to vector<16xf32>
            %parallel_loop3A_1245 = arith.addf %parallel_loop3A_1242, %parallel_loop3A_1244 : vector<16xf32>
            %parallel_loop3A_1246 = arith.constant 5.120000e+02 : f32
            %parallel_loop3A_1247 = vector.broadcast %parallel_loop3A_1246 : f32 to vector<16xf32>
            %parallel_loop3A_1248 = arith.mulf %parallel_loop3A_1245, %parallel_loop3A_1247 : vector<16xf32>
            %parallel_loop3A_1249 = arith.fptosi %parallel_loop3A_1248 : vector<16xf32> to vector<16xi32>
            %parallel_loop3A_1250 = arith.constant -16 : i32
            %parallel_loop3A_1251 = vector.broadcast %parallel_loop3A_1250 : i32 to vector<16xi32>
            %parallel_loop3A_1252 = arith.andi %parallel_loop3A_1249, %parallel_loop3A_1251 : vector<16xi32>
            %parallel_loop3A_1253 = arith.addi %parallel_loop3A_1252, %add3A_1192 : vector<16xi32>
            tpu.vector_store_idx %arg7[%parallel_loop3A_1253], %broadcast_in_dim3A_0 {add = true} : memref<6144xf32, #tpu.memory_space<vmem>>[vector<16xi32>], vector<16xf32>,
          } {sc.loop_unroll_factor = 16 : i64, sc.parallel_access}
          %dma_wait3A_1196 = tpu.memref_slice %arg2[%mul3A_3] : memref<12582912xf32, #tpu.memory_space<hbm>> -> memref<32768xf32, #tpu.memory_space<hbm>>
          %dma_wait3A_1197 = tpu.memref_slice %arg2[%mul3A_3] : memref<12582912xf32, #tpu.memory_space<hbm>> -> memref<32768xf32, #tpu.memory_space<hbm>>
          tpu.wait_dma2 semaphore(%run_scoped3A_1146 : memref<!tpu.dma_semaphore, #tpu.memory_space<semaphore_mem>>) src(%dma_wait3A_1197 : memref<32768xf32, #tpu.memory_space<hbm>>) dst(%arg6 : memref<32768xf32, #tpu.memory_space<vmem>>)
          %add3A_1198 = arith.constant 2 : i32
          %add3A_1199 = arith.addi %mul3A_1161, %add3A_1198 : i32
          %min3A_1200 = arith.constant 23 : i32
          %min3A_1201 = arith.minsi %add3A_1199, %min3A_1200 : i32
          %mul3A_1202 = arith.constant 32768 : i32
          %mul3A_1203 = arith.muli %min3A_1201, %mul3A_1202 : i32
          %add3A_1204 = arith.addi %mul3A_3, %mul3A_1203 : i32
          %dma_start3A_1205 = tpu.memref_slice %arg2[%add3A_1204] : memref<12582912xf32, #tpu.memory_space<hbm>> -> memref<32768xf32, #tpu.memory_space<hbm>>
          %dma_start3A_1206 = tpu.memref_slice %arg2[%add3A_1204] : memref<12582912xf32, #tpu.memory_space<hbm>> -> memref<32768xf32, #tpu.memory_space<hbm>>
          tpu.enqueue_dma source(%dma_start3A_1206 : memref<32768xf32, #tpu.memory_space<hbm>>) target(%arg5 : memref<32768xf32, #tpu.memory_space<vmem>>) target_semaphore(%run_scoped3A : memref<!tpu.dma_semaphore, #tpu.memory_space<semaphore_mem>>)
          %add3A_1207 = arith.constant 1 : i32
          %add3A_1208 = arith.addi %mul3A_1161, %add3A_1207 : i32
          %jit3A_1209 = arith.constant 8 : i32
          %div3A_1210 = arith.divsi %add3A_1208, %jit3A_1209 : i32
          %sign3A_1211 = arith.constant 0 : i32
          %sign3A_1212 = arith.cmpi sgt, %add3A_1208, %sign3A_1211 : i32
          %sign3A_1213 = arith.extui %sign3A_1212 : i1 to i32
          %sign3A_1214 = arith.constant 0 : i32
          %sign3A_1215 = arith.cmpi slt, %add3A_1208, %sign3A_1214 : i32
          %sign3A_1216 = arith.extui %sign3A_1215 : i1 to i32
          %sign3A_1217 = arith.subi %sign3A_1213, %sign3A_1216 : i32
          %sign3A_1218 = arith.constant 0 : i32
          %sign3A_1219 = arith.cmpi sgt, %jit3A_1209, %sign3A_1218 : i32
          %sign3A_1220 = arith.extui %sign3A_1219 : i1 to i32
          %sign3A_1221 = arith.constant 0 : i32
          %sign3A_1222 = arith.cmpi slt, %jit3A_1209, %sign3A_1221 : i32
          %sign3A_1223 = arith.extui %sign3A_1222 : i1 to i32
          %sign3A_1224 = arith.subi %sign3A_1220, %sign3A_1223 : i32
          %ne3A_1225 = arith.cmpi ne, %sign3A_1217, %sign3A_1224 : i32
          %rem3A_1226 = arith.remsi %add3A_1208, %jit3A_1209 : i32
          %ne3A_1227 = arith.constant 0 : i32
          %ne3A_1228 = arith.cmpi ne, %rem3A_1226, %ne3A_1227 : i32
          %and3A_1229 = arith.andi %ne3A_1225, %ne3A_1228 : i1
          %sub3A_1230 = arith.constant 1 : i32
          %sub3A_1231 = arith.subi %div3A_1210, %sub3A_1230 : i32
          %select_n3A_1232 = arith.select %and3A_1229, %sub3A_1231, %div3A_1210 : i32
          %mul3A_1233 = arith.constant 2048 : i32
          %mul3A_1234 = arith.muli %select_n3A_1232, %mul3A_1233 : i32
          %add3A_1235 = vector.broadcast %mul3A_1234 : i32 to vector<16xi32>
          %add3A_1236 = arith.addi %iota3A, %add3A_1235 : vector<16xi32>
          %parallel_loop3A_1237 = arith.constant 0 : i32
          %parallel_loop3A_1238 = arith.constant 32768 : i32
          %parallel_loop3A_1239 = arith.constant 16 : i32
          scf.for %parallel_loop3A_1240 = %parallel_loop3A_1237 to %parallel_loop3A_1238 step %parallel_loop3A_1239  : i32 {
            %parallel_loop3A_1241 = arith.index_cast %parallel_loop3A_1240 : i32 to index
            %parallel_loop3A_1242 = tpu.vector_load %arg6[%parallel_loop3A_1241] {strides = array<i32>} : memref<32768xf32, #tpu.memory_space<vmem>>, vector<16xf32>,
            %parallel_loop3A_1243 = arith.constant 1.000000e+00 : f32
            %parallel_loop3A_1244 = vector.broadcast %parallel_loop3A_1243 : f32 to vector<16xf32>
            %parallel_loop3A_1245 = arith.addf %parallel_loop3A_1242, %parallel_loop3A_1244 : vector<16xf32>
            %parallel_loop3A_1246 = arith.constant 5.120000e+02 : f32
            %parallel_loop3A_1247 = vector.broadcast %parallel_loop3A_1246 : f32 to vector<16xf32>
            %parallel_loop3A_1248 = arith.mulf %parallel_loop3A_1245, %parallel_loop3A_1247 : vector<16xf32>
            %parallel_loop3A_1249 = arith.fptosi %parallel_loop3A_1248 : vector<16xf32> to vector<16xi32>
            %parallel_loop3A_1250 = arith.constant -16 : i32
            %parallel_loop3A_1251 = vector.broadcast %parallel_loop3A_1250 : i32 to vector<16xi32>
            %parallel_loop3A_1252 = arith.andi %parallel_loop3A_1249, %parallel_loop3A_1251 : vector<16xi32>
            %parallel_loop3A_1253 = arith.addi %parallel_loop3A_1252, %add3A_1236 : vector<16xi32>
            tpu.vector_store_idx %arg7[%parallel_loop3A_1253], %broadcast_in_dim3A_0 {add = true} : memref<6144xf32, #tpu.memory_space<vmem>>[vector<16xi32>], vector<16xf32>,
          } {sc.loop_unroll_factor = 16 : i64, sc.parallel_access}
        }
        %scan3A_1157 = arith.constant 12 : i32
        %dma_wait3A = tpu.memref_slice %arg2[%mul3A_3] : memref<12582912xf32, #tpu.memory_space<hbm>> -> memref<32768xf32, #tpu.memory_space<hbm>>
        %dma_wait3A_1158 = tpu.memref_slice %arg2[%mul3A_3] : memref<12582912xf32, #tpu.memory_space<hbm>> -> memref<32768xf32, #tpu.memory_space<hbm>>
        tpu.wait_dma2 semaphore(%run_scoped3A : memref<!tpu.dma_semaphore, #tpu.memory_space<semaphore_mem>>) src(%dma_wait3A_1158 : memref<32768xf32, #tpu.memory_space<hbm>>) dst(%arg5 : memref<32768xf32, #tpu.memory_space<vmem>>)
        tpu.yield
      }) : () -> ()
      %get3A = arith.constant 1008 : index
      %get3A_13 = tpu.vector_load %arg7[%get3A] {strides = array<i32>} : memref<6144xf32, #tpu.memory_space<vmem>>, vector<16xf32>,
      %get3A_14 = arith.constant 1024 : index
      %get3A_15 = tpu.vector_load %arg7[%get3A_14] {strides = array<i32>} : memref<6144xf32, #tpu.memory_space<vmem>>, vector<16xf32>,
      %add3A = arith.addf %get3A_13, %get3A_15 : vector<16xf32>
      %swap3A = arith.constant 1008 : index
      %swap3A_16 = tpu.vector_load %arg7[%swap3A] {strides = array<i32>} : memref<6144xf32, #tpu.memory_space<vmem>>, vector<16xf32>,
      tpu.vector_store %arg7[%swap3A], %add3A {strides = array<i32>} : memref<6144xf32, #tpu.memory_space<vmem>>, vector<16xf32>,
      %add3A_17 = arith.constant 0 : i32
      %add3A_18 = vector.broadcast %add3A_17 : i32 to vector<16xi32>
      %add3A_19 = arith.addi %add3A_18, %iota3A : vector<16xi32>
      %mul3A_20 = arith.constant 16 : i32
      %mul3A_21 = vector.broadcast %mul3A_20 : i32 to vector<16xi32>
      %mul3A_22 = arith.muli %add3A_19, %mul3A_21 : vector<16xi32>
      %add3A_23 = arith.constant 0 : i32
      %add3A_24 = vector.broadcast %add3A_23 : i32 to vector<16xi32>
      %add3A_25 = arith.addi %mul3A_22, %add3A_24 : vector<16xi32>
      %add3A_26 = arith.constant 0 : i32
      %add3A_27 = vector.broadcast %add3A_26 : i32 to vector<16xi32>
      %add3A_28 = arith.addi %add3A_25, %add3A_27 : vector<16xi32>
      %gather3A = tpu.vector_load_idx %arg7[%add3A_28] : memref<6144xf32, #tpu.memory_space<vmem>>[vector<16xi32>], vector<16xf32>,
      %add3A_29 = arith.addf %broadcast_in_dim3A_2, %gather3A : vector<16xf32>
      %add3A_30 = arith.constant 1 : i32
      %add3A_31 = vector.broadcast %add3A_30 : i32 to vector<16xi32>
      %add3A_32 = arith.addi %add3A_25, %add3A_31 : vector<16xi32>
      %gather3A_33 = tpu.vector_load_idx %arg7[%add3A_32] : memref<6144xf32, #tpu.memory_space<vmem>>[vector<16xi32>], vector<16xf32>,
      %add3A_34 = arith.addf %add3A_29, %gather3A_33 : vector<16xf32>
      %add3A_35 = arith.constant 2 : i32
      %add3A_36 = vector.broadcast %add3A_35 : i32 to vector<16xi32>
      %add3A_37 = arith.addi %add3A_25, %add3A_36 : vector<16xi32>
      %gather3A_38 = tpu.vector_load_idx %arg7[%add3A_37] : memref<6144xf32, #tpu.memory_space<vmem>>[vector<16xi32>], vector<16xf32>,
      %add3A_39 = arith.addf %add3A_34, %gather3A_38 : vector<16xf32>
      %add3A_40 = arith.constant 3 : i32
      %add3A_41 = vector.broadcast %add3A_40 : i32 to vector<16xi32>
      %add3A_42 = arith.addi %add3A_25, %add3A_41 : vector<16xi32>
      %gather3A_43 = tpu.vector_load_idx %arg7[%add3A_42] : memref<6144xf32, #tpu.memory_space<vmem>>[vector<16xi32>], vector<16xf32>,
      %add3A_44 = arith.addf %add3A_39, %gather3A_43 : vector<16xf32>
      %add3A_45 = arith.constant 4 : i32
      %add3A_46 = vector.broadcast %add3A_45 : i32 to vector<16xi32>
      %add3A_47 = arith.addi %add3A_25, %add3A_46 : vector<16xi32>
      %gather3A_48 = tpu.vector_load_idx %arg7[%add3A_47] : memref<6144xf32, #tpu.memory_space<vmem>>[vector<16xi32>], vector<16xf32>,
      %add3A_49 = arith.addf %add3A_44, %gather3A_48 : vector<16xf32>
      %add3A_50 = arith.constant 5 : i32
      %add3A_51 = vector.broadcast %add3A_50 : i32 to vector<16xi32>
      %add3A_52 = arith.addi %add3A_25, %add3A_51 : vector<16xi32>
      %gather3A_53 = tpu.vector_load_idx %arg7[%add3A_52] : memref<6144xf32, #tpu.memory_space<vmem>>[vector<16xi32>], vector<16xf32>,
      %add3A_54 = arith.addf %add3A_49, %gather3A_53 : vector<16xf32>
      %add3A_55 = arith.constant 6 : i32
      %add3A_56 = vector.broadcast %add3A_55 : i32 to vector<16xi32>
      %add3A_57 = arith.addi %add3A_25, %add3A_56 : vector<16xi32>
      %gather3A_58 = tpu.vector_load_idx %arg7[%add3A_57] : memref<6144xf32, #tpu.memory_space<vmem>>[vector<16xi32>], vector<16xf32>,
      %add3A_59 = arith.addf %add3A_54, %gather3A_58 : vector<16xf32>
      %add3A_60 = arith.constant 7 : i32
      %add3A_61 = vector.broadcast %add3A_60 : i32 to vector<16xi32>
      %add3A_62 = arith.addi %add3A_25, %add3A_61 : vector<16xi32>
      %gather3A_63 = tpu.vector_load_idx %arg7[%add3A_62] : memref<6144xf32, #tpu.memory_space<vmem>>[vector<16xi32>], vector<16xf32>,
      %add3A_64 = arith.addf %add3A_59, %gather3A_63 : vector<16xf32>
      %add3A_65 = arith.constant 8 : i32
      %add3A_66 = vector.broadcast %add3A_65 : i32 to vector<16xi32>
      %add3A_67 = arith.addi %add3A_25, %add3A_66 : vector<16xi32>
      %gather3A_68 = tpu.vector_load_idx %arg7[%add3A_67] : memref<6144xf32, #tpu.memory_space<vmem>>[vector<16xi32>], vector<16xf32>,
      %add3A_69 = arith.addf %add3A_64, %gather3A_68 : vector<16xf32>
      %add3A_70 = arith.constant 9 : i32
      %add3A_71 = vector.broadcast %add3A_70 : i32 to vector<16xi32>
      %add3A_72 = arith.addi %add3A_25, %add3A_71 : vector<16xi32>
      %gather3A_73 = tpu.vector_load_idx %arg7[%add3A_72] : memref<6144xf32, #tpu.memory_space<vmem>>[vector<16xi32>], vector<16xf32>,
      %add3A_74 = arith.addf %add3A_69, %gather3A_73 : vector<16xf32>
      %add3A_75 = arith.constant 10 : i32
      %add3A_76 = vector.broadcast %add3A_75 : i32 to vector<16xi32>
      %add3A_77 = arith.addi %add3A_25, %add3A_76 : vector<16xi32>
      %gather3A_78 = tpu.vector_load_idx %arg7[%add3A_77] : memref<6144xf32, #tpu.memory_space<vmem>>[vector<16xi32>], vector<16xf32>,
      %add3A_79 = arith.addf %add3A_74, %gather3A_78 : vector<16xf32>
      %add3A_80 = arith.constant 11 : i32
      %add3A_81 = vector.broadcast %add3A_80 : i32 to vector<16xi32>
      %add3A_82 = arith.addi %add3A_25, %add3A_81 : vector<16xi32>
      %gather3A_83 = tpu.vector_load_idx %arg7[%add3A_82] : memref<6144xf32, #tpu.memory_space<vmem>>[vector<16xi32>], vector<16xf32>,
      %add3A_84 = arith.addf %add3A_79, %gather3A_83 : vector<16xf32>
      %add3A_85 = arith.constant 12 : i32
      %add3A_86 = vector.broadcast %add3A_85 : i32 to vector<16xi32>
      %add3A_87 = arith.addi %add3A_25, %add3A_86 : vector<16xi32>
      %gather3A_88 = tpu.vector_load_idx %arg7[%add3A_87] : memref<6144xf32, #tpu.memory_space<vmem>>[vector<16xi32>], vector<16xf32>,
      %add3A_89 = arith.addf %add3A_84, %gather3A_88 : vector<16xf32>
      %add3A_90 = arith.constant 13 : i32
      %add3A_91 = vector.broadcast %add3A_90 : i32 to vector<16xi32>
      %add3A_92 = arith.addi %add3A_25, %add3A_91 : vector<16xi32>
      %gather3A_93 = tpu.vector_load_idx %arg7[%add3A_92] : memref<6144xf32, #tpu.memory_space<vmem>>[vector<16xi32>], vector<16xf32>,
      %add3A_94 = arith.addf %add3A_89, %gather3A_93 : vector<16xf32>
      %add3A_95 = arith.constant 14 : i32
      %add3A_96 = vector.broadcast %add3A_95 : i32 to vector<16xi32>
      %add3A_97 = arith.addi %add3A_25, %add3A_96 : vector<16xi32>
      %gather3A_98 = tpu.vector_load_idx %arg7[%add3A_97] : memref<6144xf32, #tpu.memory_space<vmem>>[vector<16xi32>], vector<16xf32>,
      %add3A_99 = arith.addf %add3A_94, %gather3A_98 : vector<16xf32>
      %add3A_100 = arith.constant 15 : i32
      %add3A_101 = vector.broadcast %add3A_100 : i32 to vector<16xi32>
      %add3A_102 = arith.addi %add3A_25, %add3A_101 : vector<16xi32>
      %gather3A_103 = tpu.vector_load_idx %arg7[%add3A_102] : memref<6144xf32, #tpu.memory_space<vmem>>[vector<16xi32>], vector<16xf32>,
      %add3A_104 = arith.addf %add3A_99, %gather3A_103 : vector<16xf32>
      %swap3A_105 = arith.constant 0 : index
      %swap3A_106 = tpu.vector_load %arg8[%swap3A_105] {strides = array<i32>} : memref<64xf32, #tpu.memory_space<vmem>>, vector<16xf32>,
      tpu.vector_store %arg8[%swap3A_105], %add3A_104 {strides = array<i32>} : memref<64xf32, #tpu.memory_space<vmem>>, vector<16xf32>,
      %add3A_107 = arith.constant 16 : i32
      %add3A_108 = vector.broadcast %add3A_107 : i32 to vector<16xi32>
      %add3A_109 = arith.addi %add3A_108, %iota3A : vector<16xi32>
      %mul3A_110 = arith.constant 16 : i32
      %mul3A_111 = vector.broadcast %mul3A_110 : i32 to vector<16xi32>
      %mul3A_112 = arith.muli %add3A_109, %mul3A_111 : vector<16xi32>
      %add3A_113 = arith.constant 0 : i32
      %add3A_114 = vector.broadcast %add3A_113 : i32 to vector<16xi32>
      %add3A_115 = arith.addi %mul3A_112, %add3A_114 : vector<16xi32>
      %add3A_116 = arith.constant 0 : i32
      %add3A_117 = vector.broadcast %add3A_116 : i32 to vector<16xi32>
      %add3A_118 = arith.addi %add3A_115, %add3A_117 : vector<16xi32>
      %gather3A_119 = tpu.vector_load_idx %arg7[%add3A_118] : memref<6144xf32, #tpu.memory_space<vmem>>[vector<16xi32>], vector<16xf32>,
      %add3A_120 = arith.addf %broadcast_in_dim3A_2, %gather3A_119 : vector<16xf32>
      %add3A_121 = arith.constant 1 : i32
      %add3A_122 = vector.broadcast %add3A_121 : i32 to vector<16xi32>
      %add3A_123 = arith.addi %add3A_115, %add3A_122 : vector<16xi32>
      %gather3A_124 = tpu.vector_load_idx %arg7[%add3A_123] : memref<6144xf32, #tpu.memory_space<vmem>>[vector<16xi32>], vector<16xf32>,
      %add3A_125 = arith.addf %add3A_120, %gather3A_124 : vector<16xf32>
      %add3A_126 = arith.constant 2 : i32
      %add3A_127 = vector.broadcast %add3A_126 : i32 to vector<16xi32>
      %add3A_128 = arith.addi %add3A_115, %add3A_127 : vector<16xi32>
      %gather3A_129 = tpu.vector_load_idx %arg7[%add3A_128] : memref<6144xf32, #tpu.memory_space<vmem>>[vector<16xi32>], vector<16xf32>,
      %add3A_130 = arith.addf %add3A_125, %gather3A_129 : vector<16xf32>
      %add3A_131 = arith.constant 3 : i32
      %add3A_132 = vector.broadcast %add3A_131 : i32 to vector<16xi32>
      %add3A_133 = arith.addi %add3A_115, %add3A_132 : vector<16xi32>
      %gather3A_134 = tpu.vector_load_idx %arg7[%add3A_133] : memref<6144xf32, #tpu.memory_space<vmem>>[vector<16xi32>], vector<16xf32>,
      %add3A_135 = arith.addf %add3A_130, %gather3A_134 : vector<16xf32>
      %add3A_136 = arith.constant 4 : i32
      %add3A_137 = vector.broadcast %add3A_136 : i32 to vector<16xi32>
      %add3A_138 = arith.addi %add3A_115, %add3A_137 : vector<16xi32>
      %gather3A_139 = tpu.vector_load_idx %arg7[%add3A_138] : memref<6144xf32, #tpu.memory_space<vmem>>[vector<16xi32>], vector<16xf32>,
      %add3A_140 = arith.addf %add3A_135, %gather3A_139 : vector<16xf32>
      %add3A_141 = arith.constant 5 : i32
      %add3A_142 = vector.broadcast %add3A_141 : i32 to vector<16xi32>
      %add3A_143 = arith.addi %add3A_115, %add3A_142 : vector<16xi32>
      %gather3A_144 = tpu.vector_load_idx %arg7[%add3A_143] : memref<6144xf32, #tpu.memory_space<vmem>>[vector<16xi32>], vector<16xf32>,
      %add3A_145 = arith.addf %add3A_140, %gather3A_144 : vector<16xf32>
      %add3A_146 = arith.constant 6 : i32
      %add3A_147 = vector.broadcast %add3A_146 : i32 to vector<16xi32>
      %add3A_148 = arith.addi %add3A_115, %add3A_147 : vector<16xi32>
      %gather3A_149 = tpu.vector_load_idx %arg7[%add3A_148] : memref<6144xf32, #tpu.memory_space<vmem>>[vector<16xi32>], vector<16xf32>,
      %add3A_150 = arith.addf %add3A_145, %gather3A_149 : vector<16xf32>
      %add3A_151 = arith.constant 7 : i32
      %add3A_152 = vector.broadcast %add3A_151 : i32 to vector<16xi32>
      %add3A_153 = arith.addi %add3A_115, %add3A_152 : vector<16xi32>
      %gather3A_154 = tpu.vector_load_idx %arg7[%add3A_153] : memref<6144xf32, #tpu.memory_space<vmem>>[vector<16xi32>], vector<16xf32>,
      %add3A_155 = arith.addf %add3A_150, %gather3A_154 : vector<16xf32>
      %add3A_156 = arith.constant 8 : i32
      %add3A_157 = vector.broadcast %add3A_156 : i32 to vector<16xi32>
      %add3A_158 = arith.addi %add3A_115, %add3A_157 : vector<16xi32>
      %gather3A_159 = tpu.vector_load_idx %arg7[%add3A_158] : memref<6144xf32, #tpu.memory_space<vmem>>[vector<16xi32>], vector<16xf32>,
      %add3A_160 = arith.addf %add3A_155, %gather3A_159 : vector<16xf32>
      %add3A_161 = arith.constant 9 : i32
      %add3A_162 = vector.broadcast %add3A_161 : i32 to vector<16xi32>
      %add3A_163 = arith.addi %add3A_115, %add3A_162 : vector<16xi32>
      %gather3A_164 = tpu.vector_load_idx %arg7[%add3A_163] : memref<6144xf32, #tpu.memory_space<vmem>>[vector<16xi32>], vector<16xf32>,
      %add3A_165 = arith.addf %add3A_160, %gather3A_164 : vector<16xf32>
      %add3A_166 = arith.constant 10 : i32
      %add3A_167 = vector.broadcast %add3A_166 : i32 to vector<16xi32>
      %add3A_168 = arith.addi %add3A_115, %add3A_167 : vector<16xi32>
      %gather3A_169 = tpu.vector_load_idx %arg7[%add3A_168] : memref<6144xf32, #tpu.memory_space<vmem>>[vector<16xi32>], vector<16xf32>,
      %add3A_170 = arith.addf %add3A_165, %gather3A_169 : vector<16xf32>
      %add3A_171 = arith.constant 11 : i32
      %add3A_172 = vector.broadcast %add3A_171 : i32 to vector<16xi32>
      %add3A_173 = arith.addi %add3A_115, %add3A_172 : vector<16xi32>
      %gather3A_174 = tpu.vector_load_idx %arg7[%add3A_173] : memref<6144xf32, #tpu.memory_space<vmem>>[vector<16xi32>], vector<16xf32>,
      %add3A_175 = arith.addf %add3A_170, %gather3A_174 : vector<16xf32>
      %add3A_176 = arith.constant 12 : i32
      %add3A_177 = vector.broadcast %add3A_176 : i32 to vector<16xi32>
      %add3A_178 = arith.addi %add3A_115, %add3A_177 : vector<16xi32>
      %gather3A_179 = tpu.vector_load_idx %arg7[%add3A_178] : memref<6144xf32, #tpu.memory_space<vmem>>[vector<16xi32>], vector<16xf32>,
      %add3A_180 = arith.addf %add3A_175, %gather3A_179 : vector<16xf32>
      %add3A_181 = arith.constant 13 : i32
      %add3A_182 = vector.broadcast %add3A_181 : i32 to vector<16xi32>
      %add3A_183 = arith.addi %add3A_115, %add3A_182 : vector<16xi32>
      %gather3A_184 = tpu.vector_load_idx %arg7[%add3A_183] : memref<6144xf32, #tpu.memory_space<vmem>>[vector<16xi32>], vector<16xf32>,
      %add3A_185 = arith.addf %add3A_180, %gather3A_184 : vector<16xf32>
      %add3A_186 = arith.constant 14 : i32
      %add3A_187 = vector.broadcast %add3A_186 : i32 to vector<16xi32>
      %add3A_188 = arith.addi %add3A_115, %add3A_187 : vector<16xi32>
      %gather3A_189 = tpu.vector_load_idx %arg7[%add3A_188] : memref<6144xf32, #tpu.memory_space<vmem>>[vector<16xi32>], vector<16xf32>,
      %add3A_190 = arith.addf %add3A_185, %gather3A_189 : vector<16xf32>
      %add3A_191 = arith.constant 15 : i32
      %add3A_192 = vector.broadcast %add3A_191 : i32 to vector<16xi32>
      %add3A_193 = arith.addi %add3A_115, %add3A_192 : vector<16xi32>
      %gather3A_194 = tpu.vector_load_idx %arg7[%add3A_193] : memref<6144xf32, #tpu.memory_space<vmem>>[vector<16xi32>], vector<16xf32>,
      %add3A_195 = arith.addf %add3A_190, %gather3A_194 : vector<16xf32>
      %swap3A_196 = arith.constant 16 : index
      %swap3A_197 = tpu.vector_load %arg8[%swap3A_196] {strides = array<i32>} : memref<64xf32, #tpu.memory_space<vmem>>, vector<16xf32>,
      tpu.vector_store %arg8[%swap3A_196], %add3A_195 {strides = array<i32>} : memref<64xf32, #tpu.memory_space<vmem>>, vector<16xf32>,
      %add3A_198 = arith.constant 32 : i32
      %add3A_199 = vector.broadcast %add3A_198 : i32 to vector<16xi32>
      %add3A_200 = arith.addi %add3A_199, %iota3A : vector<16xi32>
      %mul3A_201 = arith.constant 16 : i32
      %mul3A_202 = vector.broadcast %mul3A_201 : i32 to vector<16xi32>
      %mul3A_203 = arith.muli %add3A_200, %mul3A_202 : vector<16xi32>
      %add3A_204 = arith.constant 0 : i32
      %add3A_205 = vector.broadcast %add3A_204 : i32 to vector<16xi32>
      %add3A_206 = arith.addi %mul3A_203, %add3A_205 : vector<16xi32>
      %add3A_207 = arith.constant 0 : i32
      %add3A_208 = vector.broadcast %add3A_207 : i32 to vector<16xi32>
      %add3A_209 = arith.addi %add3A_206, %add3A_208 : vector<16xi32>
      %gather3A_210 = tpu.vector_load_idx %arg7[%add3A_209] : memref<6144xf32, #tpu.memory_space<vmem>>[vector<16xi32>], vector<16xf32>,
      %add3A_211 = arith.addf %broadcast_in_dim3A_2, %gather3A_210 : vector<16xf32>
      %add3A_212 = arith.constant 1 : i32
      %add3A_213 = vector.broadcast %add3A_212 : i32 to vector<16xi32>
      %add3A_214 = arith.addi %add3A_206, %add3A_213 : vector<16xi32>
      %gather3A_215 = tpu.vector_load_idx %arg7[%add3A_214] : memref<6144xf32, #tpu.memory_space<vmem>>[vector<16xi32>], vector<16xf32>,
      %add3A_216 = arith.addf %add3A_211, %gather3A_215 : vector<16xf32>
      %add3A_217 = arith.constant 2 : i32
      %add3A_218 = vector.broadcast %add3A_217 : i32 to vector<16xi32>
      %add3A_219 = arith.addi %add3A_206, %add3A_218 : vector<16xi32>
      %gather3A_220 = tpu.vector_load_idx %arg7[%add3A_219] : memref<6144xf32, #tpu.memory_space<vmem>>[vector<16xi32>], vector<16xf32>,
      %add3A_221 = arith.addf %add3A_216, %gather3A_220 : vector<16xf32>
      %add3A_222 = arith.constant 3 : i32
      %add3A_223 = vector.broadcast %add3A_222 : i32 to vector<16xi32>
      %add3A_224 = arith.addi %add3A_206, %add3A_223 : vector<16xi32>
      %gather3A_225 = tpu.vector_load_idx %arg7[%add3A_224] : memref<6144xf32, #tpu.memory_space<vmem>>[vector<16xi32>], vector<16xf32>,
      %add3A_226 = arith.addf %add3A_221, %gather3A_225 : vector<16xf32>
      %add3A_227 = arith.constant 4 : i32
      %add3A_228 = vector.broadcast %add3A_227 : i32 to vector<16xi32>
      %add3A_229 = arith.addi %add3A_206, %add3A_228 : vector<16xi32>
      %gather3A_230 = tpu.vector_load_idx %arg7[%add3A_229] : memref<6144xf32, #tpu.memory_space<vmem>>[vector<16xi32>], vector<16xf32>,
      %add3A_231 = arith.addf %add3A_226, %gather3A_230 : vector<16xf32>
      %add3A_232 = arith.constant 5 : i32
      %add3A_233 = vector.broadcast %add3A_232 : i32 to vector<16xi32>
      %add3A_234 = arith.addi %add3A_206, %add3A_233 : vector<16xi32>
      %gather3A_235 = tpu.vector_load_idx %arg7[%add3A_234] : memref<6144xf32, #tpu.memory_space<vmem>>[vector<16xi32>], vector<16xf32>,
      %add3A_236 = arith.addf %add3A_231, %gather3A_235 : vector<16xf32>
      %add3A_237 = arith.constant 6 : i32
      %add3A_238 = vector.broadcast %add3A_237 : i32 to vector<16xi32>
      %add3A_239 = arith.addi %add3A_206, %add3A_238 : vector<16xi32>
      %gather3A_240 = tpu.vector_load_idx %arg7[%add3A_239] : memref<6144xf32, #tpu.memory_space<vmem>>[vector<16xi32>], vector<16xf32>,
      %add3A_241 = arith.addf %add3A_236, %gather3A_240 : vector<16xf32>
      %add3A_242 = arith.constant 7 : i32
      %add3A_243 = vector.broadcast %add3A_242 : i32 to vector<16xi32>
      %add3A_244 = arith.addi %add3A_206, %add3A_243 : vector<16xi32>
      %gather3A_245 = tpu.vector_load_idx %arg7[%add3A_244] : memref<6144xf32, #tpu.memory_space<vmem>>[vector<16xi32>], vector<16xf32>,
      %add3A_246 = arith.addf %add3A_241, %gather3A_245 : vector<16xf32>
      %add3A_247 = arith.constant 8 : i32
      %add3A_248 = vector.broadcast %add3A_247 : i32 to vector<16xi32>
      %add3A_249 = arith.addi %add3A_206, %add3A_248 : vector<16xi32>
      %gather3A_250 = tpu.vector_load_idx %arg7[%add3A_249] : memref<6144xf32, #tpu.memory_space<vmem>>[vector<16xi32>], vector<16xf32>,
      %add3A_251 = arith.addf %add3A_246, %gather3A_250 : vector<16xf32>
      %add3A_252 = arith.constant 9 : i32
      %add3A_253 = vector.broadcast %add3A_252 : i32 to vector<16xi32>
      %add3A_254 = arith.addi %add3A_206, %add3A_253 : vector<16xi32>
      %gather3A_255 = tpu.vector_load_idx %arg7[%add3A_254] : memref<6144xf32, #tpu.memory_space<vmem>>[vector<16xi32>], vector<16xf32>,
      %add3A_256 = arith.addf %add3A_251, %gather3A_255 : vector<16xf32>
      %add3A_257 = arith.constant 10 : i32
      %add3A_258 = vector.broadcast %add3A_257 : i32 to vector<16xi32>
      %add3A_259 = arith.addi %add3A_206, %add3A_258 : vector<16xi32>
      %gather3A_260 = tpu.vector_load_idx %arg7[%add3A_259] : memref<6144xf32, #tpu.memory_space<vmem>>[vector<16xi32>], vector<16xf32>,
      %add3A_261 = arith.addf %add3A_256, %gather3A_260 : vector<16xf32>
      %add3A_262 = arith.constant 11 : i32
      %add3A_263 = vector.broadcast %add3A_262 : i32 to vector<16xi32>
      %add3A_264 = arith.addi %add3A_206, %add3A_263 : vector<16xi32>
      %gather3A_265 = tpu.vector_load_idx %arg7[%add3A_264] : memref<6144xf32, #tpu.memory_space<vmem>>[vector<16xi32>], vector<16xf32>,
      %add3A_266 = arith.addf %add3A_261, %gather3A_265 : vector<16xf32>
      %add3A_267 = arith.constant 12 : i32
      %add3A_268 = vector.broadcast %add3A_267 : i32 to vector<16xi32>
      %add3A_269 = arith.addi %add3A_206, %add3A_268 : vector<16xi32>
      %gather3A_270 = tpu.vector_load_idx %arg7[%add3A_269] : memref<6144xf32, #tpu.memory_space<vmem>>[vector<16xi32>], vector<16xf32>,
      %add3A_271 = arith.addf %add3A_266, %gather3A_270 : vector<16xf32>
      %add3A_272 = arith.constant 13 : i32
      %add3A_273 = vector.broadcast %add3A_272 : i32 to vector<16xi32>
      %add3A_274 = arith.addi %add3A_206, %add3A_273 : vector<16xi32>
      %gather3A_275 = tpu.vector_load_idx %arg7[%add3A_274] : memref<6144xf32, #tpu.memory_space<vmem>>[vector<16xi32>], vector<16xf32>,
      %add3A_276 = arith.addf %add3A_271, %gather3A_275 : vector<16xf32>
      %add3A_277 = arith.constant 14 : i32
      %add3A_278 = vector.broadcast %add3A_277 : i32 to vector<16xi32>
      %add3A_279 = arith.addi %add3A_206, %add3A_278 : vector<16xi32>
      %gather3A_280 = tpu.vector_load_idx %arg7[%add3A_279] : memref<6144xf32, #tpu.memory_space<vmem>>[vector<16xi32>], vector<16xf32>,
      %add3A_281 = arith.addf %add3A_276, %gather3A_280 : vector<16xf32>
      %add3A_282 = arith.constant 15 : i32
      %add3A_283 = vector.broadcast %add3A_282 : i32 to vector<16xi32>
      %add3A_284 = arith.addi %add3A_206, %add3A_283 : vector<16xi32>
      %gather3A_285 = tpu.vector_load_idx %arg7[%add3A_284] : memref<6144xf32, #tpu.memory_space<vmem>>[vector<16xi32>], vector<16xf32>,
      %add3A_286 = arith.addf %add3A_281, %gather3A_285 : vector<16xf32>
      %swap3A_287 = arith.constant 32 : index
      %swap3A_288 = tpu.vector_load %arg8[%swap3A_287] {strides = array<i32>} : memref<64xf32, #tpu.memory_space<vmem>>, vector<16xf32>,
      tpu.vector_store %arg8[%swap3A_287], %add3A_286 {strides = array<i32>} : memref<64xf32, #tpu.memory_space<vmem>>, vector<16xf32>,
      %add3A_289 = arith.constant 48 : i32
      %add3A_290 = vector.broadcast %add3A_289 : i32 to vector<16xi32>
      %add3A_291 = arith.addi %add3A_290, %iota3A : vector<16xi32>
      %mul3A_292 = arith.constant 16 : i32
      %mul3A_293 = vector.broadcast %mul3A_292 : i32 to vector<16xi32>
      %mul3A_294 = arith.muli %add3A_291, %mul3A_293 : vector<16xi32>
      %add3A_295 = arith.constant 0 : i32
      %add3A_296 = vector.broadcast %add3A_295 : i32 to vector<16xi32>
      %add3A_297 = arith.addi %mul3A_294, %add3A_296 : vector<16xi32>
      %add3A_298 = arith.constant 0 : i32
      %add3A_299 = vector.broadcast %add3A_298 : i32 to vector<16xi32>
      %add3A_300 = arith.addi %add3A_297, %add3A_299 : vector<16xi32>
      %gather3A_301 = tpu.vector_load_idx %arg7[%add3A_300] : memref<6144xf32, #tpu.memory_space<vmem>>[vector<16xi32>], vector<16xf32>,
      %add3A_302 = arith.addf %broadcast_in_dim3A_2, %gather3A_301 : vector<16xf32>
      %add3A_303 = arith.constant 1 : i32
      %add3A_304 = vector.broadcast %add3A_303 : i32 to vector<16xi32>
      %add3A_305 = arith.addi %add3A_297, %add3A_304 : vector<16xi32>
      %gather3A_306 = tpu.vector_load_idx %arg7[%add3A_305] : memref<6144xf32, #tpu.memory_space<vmem>>[vector<16xi32>], vector<16xf32>,
      %add3A_307 = arith.addf %add3A_302, %gather3A_306 : vector<16xf32>
      %add3A_308 = arith.constant 2 : i32
      %add3A_309 = vector.broadcast %add3A_308 : i32 to vector<16xi32>
      %add3A_310 = arith.addi %add3A_297, %add3A_309 : vector<16xi32>
      %gather3A_311 = tpu.vector_load_idx %arg7[%add3A_310] : memref<6144xf32, #tpu.memory_space<vmem>>[vector<16xi32>], vector<16xf32>,
      %add3A_312 = arith.addf %add3A_307, %gather3A_311 : vector<16xf32>
      %add3A_313 = arith.constant 3 : i32
      %add3A_314 = vector.broadcast %add3A_313 : i32 to vector<16xi32>
      %add3A_315 = arith.addi %add3A_297, %add3A_314 : vector<16xi32>
      %gather3A_316 = tpu.vector_load_idx %arg7[%add3A_315] : memref<6144xf32, #tpu.memory_space<vmem>>[vector<16xi32>], vector<16xf32>,
      %add3A_317 = arith.addf %add3A_312, %gather3A_316 : vector<16xf32>
      %add3A_318 = arith.constant 4 : i32
      %add3A_319 = vector.broadcast %add3A_318 : i32 to vector<16xi32>
      %add3A_320 = arith.addi %add3A_297, %add3A_319 : vector<16xi32>
      %gather3A_321 = tpu.vector_load_idx %arg7[%add3A_320] : memref<6144xf32, #tpu.memory_space<vmem>>[vector<16xi32>], vector<16xf32>,
      %add3A_322 = arith.addf %add3A_317, %gather3A_321 : vector<16xf32>
      %add3A_323 = arith.constant 5 : i32
      %add3A_324 = vector.broadcast %add3A_323 : i32 to vector<16xi32>
      %add3A_325 = arith.addi %add3A_297, %add3A_324 : vector<16xi32>
      %gather3A_326 = tpu.vector_load_idx %arg7[%add3A_325] : memref<6144xf32, #tpu.memory_space<vmem>>[vector<16xi32>], vector<16xf32>,
      %add3A_327 = arith.addf %add3A_322, %gather3A_326 : vector<16xf32>
      %add3A_328 = arith.constant 6 : i32
      %add3A_329 = vector.broadcast %add3A_328 : i32 to vector<16xi32>
      %add3A_330 = arith.addi %add3A_297, %add3A_329 : vector<16xi32>
      %gather3A_331 = tpu.vector_load_idx %arg7[%add3A_330] : memref<6144xf32, #tpu.memory_space<vmem>>[vector<16xi32>], vector<16xf32>,
      %add3A_332 = arith.addf %add3A_327, %gather3A_331 : vector<16xf32>
      %add3A_333 = arith.constant 7 : i32
      %add3A_334 = vector.broadcast %add3A_333 : i32 to vector<16xi32>
      %add3A_335 = arith.addi %add3A_297, %add3A_334 : vector<16xi32>
      %gather3A_336 = tpu.vector_load_idx %arg7[%add3A_335] : memref<6144xf32, #tpu.memory_space<vmem>>[vector<16xi32>], vector<16xf32>,
      %add3A_337 = arith.addf %add3A_332, %gather3A_336 : vector<16xf32>
      %add3A_338 = arith.constant 8 : i32
      %add3A_339 = vector.broadcast %add3A_338 : i32 to vector<16xi32>
      %add3A_340 = arith.addi %add3A_297, %add3A_339 : vector<16xi32>
      %gather3A_341 = tpu.vector_load_idx %arg7[%add3A_340] : memref<6144xf32, #tpu.memory_space<vmem>>[vector<16xi32>], vector<16xf32>,
      %add3A_342 = arith.addf %add3A_337, %gather3A_341 : vector<16xf32>
      %add3A_343 = arith.constant 9 : i32
      %add3A_344 = vector.broadcast %add3A_343 : i32 to vector<16xi32>
      %add3A_345 = arith.addi %add3A_297, %add3A_344 : vector<16xi32>
      %gather3A_346 = tpu.vector_load_idx %arg7[%add3A_345] : memref<6144xf32, #tpu.memory_space<vmem>>[vector<16xi32>], vector<16xf32>,
      %add3A_347 = arith.addf %add3A_342, %gather3A_346 : vector<16xf32>
      %add3A_348 = arith.constant 10 : i32
      %add3A_349 = vector.broadcast %add3A_348 : i32 to vector<16xi32>
      %add3A_350 = arith.addi %add3A_297, %add3A_349 : vector<16xi32>
      %gather3A_351 = tpu.vector_load_idx %arg7[%add3A_350] : memref<6144xf32, #tpu.memory_space<vmem>>[vector<16xi32>], vector<16xf32>,
      %add3A_352 = arith.addf %add3A_347, %gather3A_351 : vector<16xf32>
      %add3A_353 = arith.constant 11 : i32
      %add3A_354 = vector.broadcast %add3A_353 : i32 to vector<16xi32>
      %add3A_355 = arith.addi %add3A_297, %add3A_354 : vector<16xi32>
      %gather3A_356 = tpu.vector_load_idx %arg7[%add3A_355] : memref<6144xf32, #tpu.memory_space<vmem>>[vector<16xi32>], vector<16xf32>,
      %add3A_357 = arith.addf %add3A_352, %gather3A_356 : vector<16xf32>
      %add3A_358 = arith.constant 12 : i32
      %add3A_359 = vector.broadcast %add3A_358 : i32 to vector<16xi32>
      %add3A_360 = arith.addi %add3A_297, %add3A_359 : vector<16xi32>
      %gather3A_361 = tpu.vector_load_idx %arg7[%add3A_360] : memref<6144xf32, #tpu.memory_space<vmem>>[vector<16xi32>], vector<16xf32>,
      %add3A_362 = arith.addf %add3A_357, %gather3A_361 : vector<16xf32>
      %add3A_363 = arith.constant 13 : i32
      %add3A_364 = vector.broadcast %add3A_363 : i32 to vector<16xi32>
      %add3A_365 = arith.addi %add3A_297, %add3A_364 : vector<16xi32>
      %gather3A_366 = tpu.vector_load_idx %arg7[%add3A_365] : memref<6144xf32, #tpu.memory_space<vmem>>[vector<16xi32>], vector<16xf32>,
      %add3A_367 = arith.addf %add3A_362, %gather3A_366 : vector<16xf32>
      %add3A_368 = arith.constant 14 : i32
      %add3A_369 = vector.broadcast %add3A_368 : i32 to vector<16xi32>
      %add3A_370 = arith.addi %add3A_297, %add3A_369 : vector<16xi32>
      %gather3A_371 = tpu.vector_load_idx %arg7[%add3A_370] : memref<6144xf32, #tpu.memory_space<vmem>>[vector<16xi32>], vector<16xf32>,
      %add3A_372 = arith.addf %add3A_367, %gather3A_371 : vector<16xf32>
      %add3A_373 = arith.constant 15 : i32
      %add3A_374 = vector.broadcast %add3A_373 : i32 to vector<16xi32>
      %add3A_375 = arith.addi %add3A_297, %add3A_374 : vector<16xi32>
      %gather3A_376 = tpu.vector_load_idx %arg7[%add3A_375] : memref<6144xf32, #tpu.memory_space<vmem>>[vector<16xi32>], vector<16xf32>,
      %add3A_377 = arith.addf %add3A_372, %gather3A_376 : vector<16xf32>
      %swap3A_378 = arith.constant 48 : index
      %swap3A_379 = tpu.vector_load %arg8[%swap3A_378] {strides = array<i32>} : memref<64xf32, #tpu.memory_space<vmem>>, vector<16xf32>,
      tpu.vector_store %arg8[%swap3A_378], %add3A_377 {strides = array<i32>} : memref<64xf32, #tpu.memory_space<vmem>>, vector<16xf32>,
      %mul3A_380 = arith.constant 3 : i32
      %mul3A_381 = arith.muli %arg1, %mul3A_380 : i32
      %add3A_382 = arith.constant 0 : i32
      %add3A_383 = arith.addi %add3A_382, %mul3A_381 : i32
      %add3A_384 = arith.constant 0 : i32
      %add3A_385 = arith.addi %add3A_383, %add3A_384 : i32
      %mul3A_386 = arith.constant 64 : i32
      %mul3A_387 = arith.muli %add3A_385, %mul3A_386 : i32
      "tpu.region"() ({
        %run_scoped3A = tpu.sem_alloc : memref<!tpu.dma_semaphore, #tpu.memory_space<semaphore_mem>>
        %dma_start3A = tpu.memref_slice %arg4[%mul3A_387] : memref<6144xf32, #tpu.memory_space<hbm>> -> memref<64xf32, #tpu.memory_space<hbm>>
        %dma_start3A_1146 = tpu.memref_slice %arg4[%mul3A_387] : memref<6144xf32, #tpu.memory_space<hbm>> -> memref<64xf32, #tpu.memory_space<hbm>>
        tpu.enqueue_dma source(%arg8 : memref<64xf32, #tpu.memory_space<vmem>>) target(%dma_start3A_1146 : memref<64xf32, #tpu.memory_space<hbm>>) target_semaphore(%run_scoped3A : memref<!tpu.dma_semaphore, #tpu.memory_space<semaphore_mem>>)
        %dma_wait3A = tpu.memref_slice %arg4[%mul3A_387] : memref<6144xf32, #tpu.memory_space<hbm>> -> memref<64xf32, #tpu.memory_space<hbm>>
        %dma_wait3A_1147 = tpu.memref_slice %arg4[%mul3A_387] : memref<6144xf32, #tpu.memory_space<hbm>> -> memref<64xf32, #tpu.memory_space<hbm>>
        tpu.wait_dma2 semaphore(%run_scoped3A : memref<!tpu.dma_semaphore, #tpu.memory_space<semaphore_mem>>) src(%arg8 : memref<64xf32, #tpu.memory_space<vmem>>) dst(%dma_wait3A_1147 : memref<64xf32, #tpu.memory_space<hbm>>)
        tpu.yield
      }) : () -> ()
      %get3A_388 = arith.constant 3056 : index
      %get3A_389 = tpu.vector_load %arg7[%get3A_388] {strides = array<i32>} : memref<6144xf32, #tpu.memory_space<vmem>>, vector<16xf32>,
      %get3A_390 = arith.constant 3072 : index
      %get3A_391 = tpu.vector_load %arg7[%get3A_390] {strides = array<i32>} : memref<6144xf32, #tpu.memory_space<vmem>>, vector<16xf32>,
      %add3A_392 = arith.addf %get3A_389, %get3A_391 : vector<16xf32>
      %swap3A_393 = arith.constant 3056 : index
      %swap3A_394 = tpu.vector_load %arg7[%swap3A_393] {strides = array<i32>} : memref<6144xf32, #tpu.memory_space<vmem>>, vector<16xf32>,
      tpu.vector_store %arg7[%swap3A_393], %add3A_392 {strides = array<i32>} : memref<6144xf32, #tpu.memory_space<vmem>>, vector<16xf32>,
      %add3A_395 = arith.constant 0 : i32
      %add3A_396 = vector.broadcast %add3A_395 : i32 to vector<16xi32>
      %add3A_397 = arith.addi %add3A_396, %iota3A : vector<16xi32>
      %mul3A_398 = arith.constant 16 : i32
      %mul3A_399 = vector.broadcast %mul3A_398 : i32 to vector<16xi32>
      %mul3A_400 = arith.muli %add3A_397, %mul3A_399 : vector<16xi32>
      %add3A_401 = arith.constant 2048 : i32
      %add3A_402 = vector.broadcast %add3A_401 : i32 to vector<16xi32>
      %add3A_403 = arith.addi %mul3A_400, %add3A_402 : vector<16xi32>
      %add3A_404 = arith.constant 0 : i32
      %add3A_405 = vector.broadcast %add3A_404 : i32 to vector<16xi32>
      %add3A_406 = arith.addi %add3A_403, %add3A_405 : vector<16xi32>
      %gather3A_407 = tpu.vector_load_idx %arg7[%add3A_406] : memref<6144xf32, #tpu.memory_space<vmem>>[vector<16xi32>], vector<16xf32>,
      %add3A_408 = arith.addf %broadcast_in_dim3A_2, %gather3A_407 : vector<16xf32>
      %add3A_409 = arith.constant 1 : i32
      %add3A_410 = vector.broadcast %add3A_409 : i32 to vector<16xi32>
      %add3A_411 = arith.addi %add3A_403, %add3A_410 : vector<16xi32>
      %gather3A_412 = tpu.vector_load_idx %arg7[%add3A_411] : memref<6144xf32, #tpu.memory_space<vmem>>[vector<16xi32>], vector<16xf32>,
      %add3A_413 = arith.addf %add3A_408, %gather3A_412 : vector<16xf32>
      %add3A_414 = arith.constant 2 : i32
      %add3A_415 = vector.broadcast %add3A_414 : i32 to vector<16xi32>
      %add3A_416 = arith.addi %add3A_403, %add3A_415 : vector<16xi32>
      %gather3A_417 = tpu.vector_load_idx %arg7[%add3A_416] : memref<6144xf32, #tpu.memory_space<vmem>>[vector<16xi32>], vector<16xf32>,
      %add3A_418 = arith.addf %add3A_413, %gather3A_417 : vector<16xf32>
      %add3A_419 = arith.constant 3 : i32
      %add3A_420 = vector.broadcast %add3A_419 : i32 to vector<16xi32>
      %add3A_421 = arith.addi %add3A_403, %add3A_420 : vector<16xi32>
      %gather3A_422 = tpu.vector_load_idx %arg7[%add3A_421] : memref<6144xf32, #tpu.memory_space<vmem>>[vector<16xi32>], vector<16xf32>,
      %add3A_423 = arith.addf %add3A_418, %gather3A_422 : vector<16xf32>
      %add3A_424 = arith.constant 4 : i32
      %add3A_425 = vector.broadcast %add3A_424 : i32 to vector<16xi32>
      %add3A_426 = arith.addi %add3A_403, %add3A_425 : vector<16xi32>
      %gather3A_427 = tpu.vector_load_idx %arg7[%add3A_426] : memref<6144xf32, #tpu.memory_space<vmem>>[vector<16xi32>], vector<16xf32>,
      %add3A_428 = arith.addf %add3A_423, %gather3A_427 : vector<16xf32>
      %add3A_429 = arith.constant 5 : i32
      %add3A_430 = vector.broadcast %add3A_429 : i32 to vector<16xi32>
      %add3A_431 = arith.addi %add3A_403, %add3A_430 : vector<16xi32>
      %gather3A_432 = tpu.vector_load_idx %arg7[%add3A_431] : memref<6144xf32, #tpu.memory_space<vmem>>[vector<16xi32>], vector<16xf32>,
      %add3A_433 = arith.addf %add3A_428, %gather3A_432 : vector<16xf32>
      %add3A_434 = arith.constant 6 : i32
      %add3A_435 = vector.broadcast %add3A_434 : i32 to vector<16xi32>
      %add3A_436 = arith.addi %add3A_403, %add3A_435 : vector<16xi32>
      %gather3A_437 = tpu.vector_load_idx %arg7[%add3A_436] : memref<6144xf32, #tpu.memory_space<vmem>>[vector<16xi32>], vector<16xf32>,
      %add3A_438 = arith.addf %add3A_433, %gather3A_437 : vector<16xf32>
      %add3A_439 = arith.constant 7 : i32
      %add3A_440 = vector.broadcast %add3A_439 : i32 to vector<16xi32>
      %add3A_441 = arith.addi %add3A_403, %add3A_440 : vector<16xi32>
      %gather3A_442 = tpu.vector_load_idx %arg7[%add3A_441] : memref<6144xf32, #tpu.memory_space<vmem>>[vector<16xi32>], vector<16xf32>,
      %add3A_443 = arith.addf %add3A_438, %gather3A_442 : vector<16xf32>
      %add3A_444 = arith.constant 8 : i32
      %add3A_445 = vector.broadcast %add3A_444 : i32 to vector<16xi32>
      %add3A_446 = arith.addi %add3A_403, %add3A_445 : vector<16xi32>
      %gather3A_447 = tpu.vector_load_idx %arg7[%add3A_446] : memref<6144xf32, #tpu.memory_space<vmem>>[vector<16xi32>], vector<16xf32>,
      %add3A_448 = arith.addf %add3A_443, %gather3A_447 : vector<16xf32>
      %add3A_449 = arith.constant 9 : i32
      %add3A_450 = vector.broadcast %add3A_449 : i32 to vector<16xi32>
      %add3A_451 = arith.addi %add3A_403, %add3A_450 : vector<16xi32>
      %gather3A_452 = tpu.vector_load_idx %arg7[%add3A_451] : memref<6144xf32, #tpu.memory_space<vmem>>[vector<16xi32>], vector<16xf32>,
      %add3A_453 = arith.addf %add3A_448, %gather3A_452 : vector<16xf32>
      %add3A_454 = arith.constant 10 : i32
      %add3A_455 = vector.broadcast %add3A_454 : i32 to vector<16xi32>
      %add3A_456 = arith.addi %add3A_403, %add3A_455 : vector<16xi32>
      %gather3A_457 = tpu.vector_load_idx %arg7[%add3A_456] : memref<6144xf32, #tpu.memory_space<vmem>>[vector<16xi32>], vector<16xf32>,
      %add3A_458 = arith.addf %add3A_453, %gather3A_457 : vector<16xf32>
      %add3A_459 = arith.constant 11 : i32
      %add3A_460 = vector.broadcast %add3A_459 : i32 to vector<16xi32>
      %add3A_461 = arith.addi %add3A_403, %add3A_460 : vector<16xi32>
      %gather3A_462 = tpu.vector_load_idx %arg7[%add3A_461] : memref<6144xf32, #tpu.memory_space<vmem>>[vector<16xi32>], vector<16xf32>,
      %add3A_463 = arith.addf %add3A_458, %gather3A_462 : vector<16xf32>
      %add3A_464 = arith.constant 12 : i32
      %add3A_465 = vector.broadcast %add3A_464 : i32 to vector<16xi32>
      %add3A_466 = arith.addi %add3A_403, %add3A_465 : vector<16xi32>
      %gather3A_467 = tpu.vector_load_idx %arg7[%add3A_466] : memref<6144xf32, #tpu.memory_space<vmem>>[vector<16xi32>], vector<16xf32>,
      %add3A_468 = arith.addf %add3A_463, %gather3A_467 : vector<16xf32>
      %add3A_469 = arith.constant 13 : i32
      %add3A_470 = vector.broadcast %add3A_469 : i32 to vector<16xi32>
      %add3A_471 = arith.addi %add3A_403, %add3A_470 : vector<16xi32>
      %gather3A_472 = tpu.vector_load_idx %arg7[%add3A_471] : memref<6144xf32, #tpu.memory_space<vmem>>[vector<16xi32>], vector<16xf32>,
      %add3A_473 = arith.addf %add3A_468, %gather3A_472 : vector<16xf32>
      %add3A_474 = arith.constant 14 : i32
      %add3A_475 = vector.broadcast %add3A_474 : i32 to vector<16xi32>
      %add3A_476 = arith.addi %add3A_403, %add3A_475 : vector<16xi32>
      %gather3A_477 = tpu.vector_load_idx %arg7[%add3A_476] : memref<6144xf32, #tpu.memory_space<vmem>>[vector<16xi32>], vector<16xf32>,
      %add3A_478 = arith.addf %add3A_473, %gather3A_477 : vector<16xf32>
      %add3A_479 = arith.constant 15 : i32
      %add3A_480 = vector.broadcast %add3A_479 : i32 to vector<16xi32>
      %add3A_481 = arith.addi %add3A_403, %add3A_480 : vector<16xi32>
      %gather3A_482 = tpu.vector_load_idx %arg7[%add3A_481] : memref<6144xf32, #tpu.memory_space<vmem>>[vector<16xi32>], vector<16xf32>,
      %add3A_483 = arith.addf %add3A_478, %gather3A_482 : vector<16xf32>
      %swap3A_484 = arith.constant 0 : index
      %swap3A_485 = tpu.vector_load %arg8[%swap3A_484] {strides = array<i32>} : memref<64xf32, #tpu.memory_space<vmem>>, vector<16xf32>,
      tpu.vector_store %arg8[%swap3A_484], %add3A_483 {strides = array<i32>} : memref<64xf32, #tpu.memory_space<vmem>>, vector<16xf32>,
      %add3A_486 = arith.constant 16 : i32
      %add3A_487 = vector.broadcast %add3A_486 : i32 to vector<16xi32>
      %add3A_488 = arith.addi %add3A_487, %iota3A : vector<16xi32>
      %mul3A_489 = arith.constant 16 : i32
      %mul3A_490 = vector.broadcast %mul3A_489 : i32 to vector<16xi32>
      %mul3A_491 = arith.muli %add3A_488, %mul3A_490 : vector<16xi32>
      %add3A_492 = arith.constant 2048 : i32
      %add3A_493 = vector.broadcast %add3A_492 : i32 to vector<16xi32>
      %add3A_494 = arith.addi %mul3A_491, %add3A_493 : vector<16xi32>
      %add3A_495 = arith.constant 0 : i32
      %add3A_496 = vector.broadcast %add3A_495 : i32 to vector<16xi32>
      %add3A_497 = arith.addi %add3A_494, %add3A_496 : vector<16xi32>
      %gather3A_498 = tpu.vector_load_idx %arg7[%add3A_497] : memref<6144xf32, #tpu.memory_space<vmem>>[vector<16xi32>], vector<16xf32>,
      %add3A_499 = arith.addf %broadcast_in_dim3A_2, %gather3A_498 : vector<16xf32>
      %add3A_500 = arith.constant 1 : i32
      %add3A_501 = vector.broadcast %add3A_500 : i32 to vector<16xi32>
      %add3A_502 = arith.addi %add3A_494, %add3A_501 : vector<16xi32>
      %gather3A_503 = tpu.vector_load_idx %arg7[%add3A_502] : memref<6144xf32, #tpu.memory_space<vmem>>[vector<16xi32>], vector<16xf32>,
      %add3A_504 = arith.addf %add3A_499, %gather3A_503 : vector<16xf32>
      %add3A_505 = arith.constant 2 : i32
      %add3A_506 = vector.broadcast %add3A_505 : i32 to vector<16xi32>
      %add3A_507 = arith.addi %add3A_494, %add3A_506 : vector<16xi32>
      %gather3A_508 = tpu.vector_load_idx %arg7[%add3A_507] : memref<6144xf32, #tpu.memory_space<vmem>>[vector<16xi32>], vector<16xf32>,
      %add3A_509 = arith.addf %add3A_504, %gather3A_508 : vector<16xf32>
      %add3A_510 = arith.constant 3 : i32
      %add3A_511 = vector.broadcast %add3A_510 : i32 to vector<16xi32>
      %add3A_512 = arith.addi %add3A_494, %add3A_511 : vector<16xi32>
      %gather3A_513 = tpu.vector_load_idx %arg7[%add3A_512] : memref<6144xf32, #tpu.memory_space<vmem>>[vector<16xi32>], vector<16xf32>,
      %add3A_514 = arith.addf %add3A_509, %gather3A_513 : vector<16xf32>
      %add3A_515 = arith.constant 4 : i32
      %add3A_516 = vector.broadcast %add3A_515 : i32 to vector<16xi32>
      %add3A_517 = arith.addi %add3A_494, %add3A_516 : vector<16xi32>
      %gather3A_518 = tpu.vector_load_idx %arg7[%add3A_517] : memref<6144xf32, #tpu.memory_space<vmem>>[vector<16xi32>], vector<16xf32>,
      %add3A_519 = arith.addf %add3A_514, %gather3A_518 : vector<16xf32>
      %add3A_520 = arith.constant 5 : i32
      %add3A_521 = vector.broadcast %add3A_520 : i32 to vector<16xi32>
      %add3A_522 = arith.addi %add3A_494, %add3A_521 : vector<16xi32>
      %gather3A_523 = tpu.vector_load_idx %arg7[%add3A_522] : memref<6144xf32, #tpu.memory_space<vmem>>[vector<16xi32>], vector<16xf32>,
      %add3A_524 = arith.addf %add3A_519, %gather3A_523 : vector<16xf32>
      %add3A_525 = arith.constant 6 : i32
      %add3A_526 = vector.broadcast %add3A_525 : i32 to vector<16xi32>
      %add3A_527 = arith.addi %add3A_494, %add3A_526 : vector<16xi32>
      %gather3A_528 = tpu.vector_load_idx %arg7[%add3A_527] : memref<6144xf32, #tpu.memory_space<vmem>>[vector<16xi32>], vector<16xf32>,
      %add3A_529 = arith.addf %add3A_524, %gather3A_528 : vector<16xf32>
      %add3A_530 = arith.constant 7 : i32
      %add3A_531 = vector.broadcast %add3A_530 : i32 to vector<16xi32>
      %add3A_532 = arith.addi %add3A_494, %add3A_531 : vector<16xi32>
      %gather3A_533 = tpu.vector_load_idx %arg7[%add3A_532] : memref<6144xf32, #tpu.memory_space<vmem>>[vector<16xi32>], vector<16xf32>,
      %add3A_534 = arith.addf %add3A_529, %gather3A_533 : vector<16xf32>
      %add3A_535 = arith.constant 8 : i32
      %add3A_536 = vector.broadcast %add3A_535 : i32 to vector<16xi32>
      %add3A_537 = arith.addi %add3A_494, %add3A_536 : vector<16xi32>
      %gather3A_538 = tpu.vector_load_idx %arg7[%add3A_537] : memref<6144xf32, #tpu.memory_space<vmem>>[vector<16xi32>], vector<16xf32>,
      %add3A_539 = arith.addf %add3A_534, %gather3A_538 : vector<16xf32>
      %add3A_540 = arith.constant 9 : i32
      %add3A_541 = vector.broadcast %add3A_540 : i32 to vector<16xi32>
      %add3A_542 = arith.addi %add3A_494, %add3A_541 : vector<16xi32>
      %gather3A_543 = tpu.vector_load_idx %arg7[%add3A_542] : memref<6144xf32, #tpu.memory_space<vmem>>[vector<16xi32>], vector<16xf32>,
      %add3A_544 = arith.addf %add3A_539, %gather3A_543 : vector<16xf32>
      %add3A_545 = arith.constant 10 : i32
      %add3A_546 = vector.broadcast %add3A_545 : i32 to vector<16xi32>
      %add3A_547 = arith.addi %add3A_494, %add3A_546 : vector<16xi32>
      %gather3A_548 = tpu.vector_load_idx %arg7[%add3A_547] : memref<6144xf32, #tpu.memory_space<vmem>>[vector<16xi32>], vector<16xf32>,
      %add3A_549 = arith.addf %add3A_544, %gather3A_548 : vector<16xf32>
      %add3A_550 = arith.constant 11 : i32
      %add3A_551 = vector.broadcast %add3A_550 : i32 to vector<16xi32>
      %add3A_552 = arith.addi %add3A_494, %add3A_551 : vector<16xi32>
      %gather3A_553 = tpu.vector_load_idx %arg7[%add3A_552] : memref<6144xf32, #tpu.memory_space<vmem>>[vector<16xi32>], vector<16xf32>,
      %add3A_554 = arith.addf %add3A_549, %gather3A_553 : vector<16xf32>
      %add3A_555 = arith.constant 12 : i32
      %add3A_556 = vector.broadcast %add3A_555 : i32 to vector<16xi32>
      %add3A_557 = arith.addi %add3A_494, %add3A_556 : vector<16xi32>
      %gather3A_558 = tpu.vector_load_idx %arg7[%add3A_557] : memref<6144xf32, #tpu.memory_space<vmem>>[vector<16xi32>], vector<16xf32>,
      %add3A_559 = arith.addf %add3A_554, %gather3A_558 : vector<16xf32>
      %add3A_560 = arith.constant 13 : i32
      %add3A_561 = vector.broadcast %add3A_560 : i32 to vector<16xi32>
      %add3A_562 = arith.addi %add3A_494, %add3A_561 : vector<16xi32>
      %gather3A_563 = tpu.vector_load_idx %arg7[%add3A_562] : memref<6144xf32, #tpu.memory_space<vmem>>[vector<16xi32>], vector<16xf32>,
      %add3A_564 = arith.addf %add3A_559, %gather3A_563 : vector<16xf32>
      %add3A_565 = arith.constant 14 : i32
      %add3A_566 = vector.broadcast %add3A_565 : i32 to vector<16xi32>
      %add3A_567 = arith.addi %add3A_494, %add3A_566 : vector<16xi32>
      %gather3A_568 = tpu.vector_load_idx %arg7[%add3A_567] : memref<6144xf32, #tpu.memory_space<vmem>>[vector<16xi32>], vector<16xf32>,
      %add3A_569 = arith.addf %add3A_564, %gather3A_568 : vector<16xf32>
      %add3A_570 = arith.constant 15 : i32
      %add3A_571 = vector.broadcast %add3A_570 : i32 to vector<16xi32>
      %add3A_572 = arith.addi %add3A_494, %add3A_571 : vector<16xi32>
      %gather3A_573 = tpu.vector_load_idx %arg7[%add3A_572] : memref<6144xf32, #tpu.memory_space<vmem>>[vector<16xi32>], vector<16xf32>,
      %add3A_574 = arith.addf %add3A_569, %gather3A_573 : vector<16xf32>
      %swap3A_575 = arith.constant 16 : index
      %swap3A_576 = tpu.vector_load %arg8[%swap3A_575] {strides = array<i32>} : memref<64xf32, #tpu.memory_space<vmem>>, vector<16xf32>,
      tpu.vector_store %arg8[%swap3A_575], %add3A_574 {strides = array<i32>} : memref<64xf32, #tpu.memory_space<vmem>>, vector<16xf32>,
      %add3A_577 = arith.constant 32 : i32
      %add3A_578 = vector.broadcast %add3A_577 : i32 to vector<16xi32>
      %add3A_579 = arith.addi %add3A_578, %iota3A : vector<16xi32>
      %mul3A_580 = arith.constant 16 : i32
      %mul3A_581 = vector.broadcast %mul3A_580 : i32 to vector<16xi32>
      %mul3A_582 = arith.muli %add3A_579, %mul3A_581 : vector<16xi32>
      %add3A_583 = arith.constant 2048 : i32
      %add3A_584 = vector.broadcast %add3A_583 : i32 to vector<16xi32>
      %add3A_585 = arith.addi %mul3A_582, %add3A_584 : vector<16xi32>
      %add3A_586 = arith.constant 0 : i32
      %add3A_587 = vector.broadcast %add3A_586 : i32 to vector<16xi32>
      %add3A_588 = arith.addi %add3A_585, %add3A_587 : vector<16xi32>
      %gather3A_589 = tpu.vector_load_idx %arg7[%add3A_588] : memref<6144xf32, #tpu.memory_space<vmem>>[vector<16xi32>], vector<16xf32>,
      %add3A_590 = arith.addf %broadcast_in_dim3A_2, %gather3A_589 : vector<16xf32>
      %add3A_591 = arith.constant 1 : i32
      %add3A_592 = vector.broadcast %add3A_591 : i32 to vector<16xi32>
      %add3A_593 = arith.addi %add3A_585, %add3A_592 : vector<16xi32>
      %gather3A_594 = tpu.vector_load_idx %arg7[%add3A_593] : memref<6144xf32, #tpu.memory_space<vmem>>[vector<16xi32>], vector<16xf32>,
      %add3A_595 = arith.addf %add3A_590, %gather3A_594 : vector<16xf32>
      %add3A_596 = arith.constant 2 : i32
      %add3A_597 = vector.broadcast %add3A_596 : i32 to vector<16xi32>
      %add3A_598 = arith.addi %add3A_585, %add3A_597 : vector<16xi32>
      %gather3A_599 = tpu.vector_load_idx %arg7[%add3A_598] : memref<6144xf32, #tpu.memory_space<vmem>>[vector<16xi32>], vector<16xf32>,
      %add3A_600 = arith.addf %add3A_595, %gather3A_599 : vector<16xf32>
      %add3A_601 = arith.constant 3 : i32
      %add3A_602 = vector.broadcast %add3A_601 : i32 to vector<16xi32>
      %add3A_603 = arith.addi %add3A_585, %add3A_602 : vector<16xi32>
      %gather3A_604 = tpu.vector_load_idx %arg7[%add3A_603] : memref<6144xf32, #tpu.memory_space<vmem>>[vector<16xi32>], vector<16xf32>,
      %add3A_605 = arith.addf %add3A_600, %gather3A_604 : vector<16xf32>
      %add3A_606 = arith.constant 4 : i32
      %add3A_607 = vector.broadcast %add3A_606 : i32 to vector<16xi32>
      %add3A_608 = arith.addi %add3A_585, %add3A_607 : vector<16xi32>
      %gather3A_609 = tpu.vector_load_idx %arg7[%add3A_608] : memref<6144xf32, #tpu.memory_space<vmem>>[vector<16xi32>], vector<16xf32>,
      %add3A_610 = arith.addf %add3A_605, %gather3A_609 : vector<16xf32>
      %add3A_611 = arith.constant 5 : i32
      %add3A_612 = vector.broadcast %add3A_611 : i32 to vector<16xi32>
      %add3A_613 = arith.addi %add3A_585, %add3A_612 : vector<16xi32>
      %gather3A_614 = tpu.vector_load_idx %arg7[%add3A_613] : memref<6144xf32, #tpu.memory_space<vmem>>[vector<16xi32>], vector<16xf32>,
      %add3A_615 = arith.addf %add3A_610, %gather3A_614 : vector<16xf32>
      %add3A_616 = arith.constant 6 : i32
      %add3A_617 = vector.broadcast %add3A_616 : i32 to vector<16xi32>
      %add3A_618 = arith.addi %add3A_585, %add3A_617 : vector<16xi32>
      %gather3A_619 = tpu.vector_load_idx %arg7[%add3A_618] : memref<6144xf32, #tpu.memory_space<vmem>>[vector<16xi32>], vector<16xf32>,
      %add3A_620 = arith.addf %add3A_615, %gather3A_619 : vector<16xf32>
      %add3A_621 = arith.constant 7 : i32
      %add3A_622 = vector.broadcast %add3A_621 : i32 to vector<16xi32>
      %add3A_623 = arith.addi %add3A_585, %add3A_622 : vector<16xi32>
      %gather3A_624 = tpu.vector_load_idx %arg7[%add3A_623] : memref<6144xf32, #tpu.memory_space<vmem>>[vector<16xi32>], vector<16xf32>,
      %add3A_625 = arith.addf %add3A_620, %gather3A_624 : vector<16xf32>
      %add3A_626 = arith.constant 8 : i32
      %add3A_627 = vector.broadcast %add3A_626 : i32 to vector<16xi32>
      %add3A_628 = arith.addi %add3A_585, %add3A_627 : vector<16xi32>
      %gather3A_629 = tpu.vector_load_idx %arg7[%add3A_628] : memref<6144xf32, #tpu.memory_space<vmem>>[vector<16xi32>], vector<16xf32>,
      %add3A_630 = arith.addf %add3A_625, %gather3A_629 : vector<16xf32>
      %add3A_631 = arith.constant 9 : i32
      %add3A_632 = vector.broadcast %add3A_631 : i32 to vector<16xi32>
      %add3A_633 = arith.addi %add3A_585, %add3A_632 : vector<16xi32>
      %gather3A_634 = tpu.vector_load_idx %arg7[%add3A_633] : memref<6144xf32, #tpu.memory_space<vmem>>[vector<16xi32>], vector<16xf32>,
      %add3A_635 = arith.addf %add3A_630, %gather3A_634 : vector<16xf32>
      %add3A_636 = arith.constant 10 : i32
      %add3A_637 = vector.broadcast %add3A_636 : i32 to vector<16xi32>
      %add3A_638 = arith.addi %add3A_585, %add3A_637 : vector<16xi32>
      %gather3A_639 = tpu.vector_load_idx %arg7[%add3A_638] : memref<6144xf32, #tpu.memory_space<vmem>>[vector<16xi32>], vector<16xf32>,
      %add3A_640 = arith.addf %add3A_635, %gather3A_639 : vector<16xf32>
      %add3A_641 = arith.constant 11 : i32
      %add3A_642 = vector.broadcast %add3A_641 : i32 to vector<16xi32>
      %add3A_643 = arith.addi %add3A_585, %add3A_642 : vector<16xi32>
      %gather3A_644 = tpu.vector_load_idx %arg7[%add3A_643] : memref<6144xf32, #tpu.memory_space<vmem>>[vector<16xi32>], vector<16xf32>,
      %add3A_645 = arith.addf %add3A_640, %gather3A_644 : vector<16xf32>
      %add3A_646 = arith.constant 12 : i32
      %add3A_647 = vector.broadcast %add3A_646 : i32 to vector<16xi32>
      %add3A_648 = arith.addi %add3A_585, %add3A_647 : vector<16xi32>
      %gather3A_649 = tpu.vector_load_idx %arg7[%add3A_648] : memref<6144xf32, #tpu.memory_space<vmem>>[vector<16xi32>], vector<16xf32>,
      %add3A_650 = arith.addf %add3A_645, %gather3A_649 : vector<16xf32>
      %add3A_651 = arith.constant 13 : i32
      %add3A_652 = vector.broadcast %add3A_651 : i32 to vector<16xi32>
      %add3A_653 = arith.addi %add3A_585, %add3A_652 : vector<16xi32>
      %gather3A_654 = tpu.vector_load_idx %arg7[%add3A_653] : memref<6144xf32, #tpu.memory_space<vmem>>[vector<16xi32>], vector<16xf32>,
      %add3A_655 = arith.addf %add3A_650, %gather3A_654 : vector<16xf32>
      %add3A_656 = arith.constant 14 : i32
      %add3A_657 = vector.broadcast %add3A_656 : i32 to vector<16xi32>
      %add3A_658 = arith.addi %add3A_585, %add3A_657 : vector<16xi32>
      %gather3A_659 = tpu.vector_load_idx %arg7[%add3A_658] : memref<6144xf32, #tpu.memory_space<vmem>>[vector<16xi32>], vector<16xf32>,
      %add3A_660 = arith.addf %add3A_655, %gather3A_659 : vector<16xf32>
      %add3A_661 = arith.constant 15 : i32
      %add3A_662 = vector.broadcast %add3A_661 : i32 to vector<16xi32>
      %add3A_663 = arith.addi %add3A_585, %add3A_662 : vector<16xi32>
      %gather3A_664 = tpu.vector_load_idx %arg7[%add3A_663] : memref<6144xf32, #tpu.memory_space<vmem>>[vector<16xi32>], vector<16xf32>,
      %add3A_665 = arith.addf %add3A_660, %gather3A_664 : vector<16xf32>
      %swap3A_666 = arith.constant 32 : index
      %swap3A_667 = tpu.vector_load %arg8[%swap3A_666] {strides = array<i32>} : memref<64xf32, #tpu.memory_space<vmem>>, vector<16xf32>,
      tpu.vector_store %arg8[%swap3A_666], %add3A_665 {strides = array<i32>} : memref<64xf32, #tpu.memory_space<vmem>>, vector<16xf32>,
      %add3A_668 = arith.constant 48 : i32
      %add3A_669 = vector.broadcast %add3A_668 : i32 to vector<16xi32>
      %add3A_670 = arith.addi %add3A_669, %iota3A : vector<16xi32>
      %mul3A_671 = arith.constant 16 : i32
      %mul3A_672 = vector.broadcast %mul3A_671 : i32 to vector<16xi32>
      %mul3A_673 = arith.muli %add3A_670, %mul3A_672 : vector<16xi32>
      %add3A_674 = arith.constant 2048 : i32
      %add3A_675 = vector.broadcast %add3A_674 : i32 to vector<16xi32>
      %add3A_676 = arith.addi %mul3A_673, %add3A_675 : vector<16xi32>
      %add3A_677 = arith.constant 0 : i32
      %add3A_678 = vector.broadcast %add3A_677 : i32 to vector<16xi32>
      %add3A_679 = arith.addi %add3A_676, %add3A_678 : vector<16xi32>
      %gather3A_680 = tpu.vector_load_idx %arg7[%add3A_679] : memref<6144xf32, #tpu.memory_space<vmem>>[vector<16xi32>], vector<16xf32>,
      %add3A_681 = arith.addf %broadcast_in_dim3A_2, %gather3A_680 : vector<16xf32>
      %add3A_682 = arith.constant 1 : i32
      %add3A_683 = vector.broadcast %add3A_682 : i32 to vector<16xi32>
      %add3A_684 = arith.addi %add3A_676, %add3A_683 : vector<16xi32>
      %gather3A_685 = tpu.vector_load_idx %arg7[%add3A_684] : memref<6144xf32, #tpu.memory_space<vmem>>[vector<16xi32>], vector<16xf32>,
      %add3A_686 = arith.addf %add3A_681, %gather3A_685 : vector<16xf32>
      %add3A_687 = arith.constant 2 : i32
      %add3A_688 = vector.broadcast %add3A_687 : i32 to vector<16xi32>
      %add3A_689 = arith.addi %add3A_676, %add3A_688 : vector<16xi32>
      %gather3A_690 = tpu.vector_load_idx %arg7[%add3A_689] : memref<6144xf32, #tpu.memory_space<vmem>>[vector<16xi32>], vector<16xf32>,
      %add3A_691 = arith.addf %add3A_686, %gather3A_690 : vector<16xf32>
      %add3A_692 = arith.constant 3 : i32
      %add3A_693 = vector.broadcast %add3A_692 : i32 to vector<16xi32>
      %add3A_694 = arith.addi %add3A_676, %add3A_693 : vector<16xi32>
      %gather3A_695 = tpu.vector_load_idx %arg7[%add3A_694] : memref<6144xf32, #tpu.memory_space<vmem>>[vector<16xi32>], vector<16xf32>,
      %add3A_696 = arith.addf %add3A_691, %gather3A_695 : vector<16xf32>
      %add3A_697 = arith.constant 4 : i32
      %add3A_698 = vector.broadcast %add3A_697 : i32 to vector<16xi32>
      %add3A_699 = arith.addi %add3A_676, %add3A_698 : vector<16xi32>
      %gather3A_700 = tpu.vector_load_idx %arg7[%add3A_699] : memref<6144xf32, #tpu.memory_space<vmem>>[vector<16xi32>], vector<16xf32>,
      %add3A_701 = arith.addf %add3A_696, %gather3A_700 : vector<16xf32>
      %add3A_702 = arith.constant 5 : i32
      %add3A_703 = vector.broadcast %add3A_702 : i32 to vector<16xi32>
      %add3A_704 = arith.addi %add3A_676, %add3A_703 : vector<16xi32>
      %gather3A_705 = tpu.vector_load_idx %arg7[%add3A_704] : memref<6144xf32, #tpu.memory_space<vmem>>[vector<16xi32>], vector<16xf32>,
      %add3A_706 = arith.addf %add3A_701, %gather3A_705 : vector<16xf32>
      %add3A_707 = arith.constant 6 : i32
      %add3A_708 = vector.broadcast %add3A_707 : i32 to vector<16xi32>
      %add3A_709 = arith.addi %add3A_676, %add3A_708 : vector<16xi32>
      %gather3A_710 = tpu.vector_load_idx %arg7[%add3A_709] : memref<6144xf32, #tpu.memory_space<vmem>>[vector<16xi32>], vector<16xf32>,
      %add3A_711 = arith.addf %add3A_706, %gather3A_710 : vector<16xf32>
      %add3A_712 = arith.constant 7 : i32
      %add3A_713 = vector.broadcast %add3A_712 : i32 to vector<16xi32>
      %add3A_714 = arith.addi %add3A_676, %add3A_713 : vector<16xi32>
      %gather3A_715 = tpu.vector_load_idx %arg7[%add3A_714] : memref<6144xf32, #tpu.memory_space<vmem>>[vector<16xi32>], vector<16xf32>,
      %add3A_716 = arith.addf %add3A_711, %gather3A_715 : vector<16xf32>
      %add3A_717 = arith.constant 8 : i32
      %add3A_718 = vector.broadcast %add3A_717 : i32 to vector<16xi32>
      %add3A_719 = arith.addi %add3A_676, %add3A_718 : vector<16xi32>
      %gather3A_720 = tpu.vector_load_idx %arg7[%add3A_719] : memref<6144xf32, #tpu.memory_space<vmem>>[vector<16xi32>], vector<16xf32>,
      %add3A_721 = arith.addf %add3A_716, %gather3A_720 : vector<16xf32>
      %add3A_722 = arith.constant 9 : i32
      %add3A_723 = vector.broadcast %add3A_722 : i32 to vector<16xi32>
      %add3A_724 = arith.addi %add3A_676, %add3A_723 : vector<16xi32>
      %gather3A_725 = tpu.vector_load_idx %arg7[%add3A_724] : memref<6144xf32, #tpu.memory_space<vmem>>[vector<16xi32>], vector<16xf32>,
      %add3A_726 = arith.addf %add3A_721, %gather3A_725 : vector<16xf32>
      %add3A_727 = arith.constant 10 : i32
      %add3A_728 = vector.broadcast %add3A_727 : i32 to vector<16xi32>
      %add3A_729 = arith.addi %add3A_676, %add3A_728 : vector<16xi32>
      %gather3A_730 = tpu.vector_load_idx %arg7[%add3A_729] : memref<6144xf32, #tpu.memory_space<vmem>>[vector<16xi32>], vector<16xf32>,
      %add3A_731 = arith.addf %add3A_726, %gather3A_730 : vector<16xf32>
      %add3A_732 = arith.constant 11 : i32
      %add3A_733 = vector.broadcast %add3A_732 : i32 to vector<16xi32>
      %add3A_734 = arith.addi %add3A_676, %add3A_733 : vector<16xi32>
      %gather3A_735 = tpu.vector_load_idx %arg7[%add3A_734] : memref<6144xf32, #tpu.memory_space<vmem>>[vector<16xi32>], vector<16xf32>,
      %add3A_736 = arith.addf %add3A_731, %gather3A_735 : vector<16xf32>
      %add3A_737 = arith.constant 12 : i32
      %add3A_738 = vector.broadcast %add3A_737 : i32 to vector<16xi32>
      %add3A_739 = arith.addi %add3A_676, %add3A_738 : vector<16xi32>
      %gather3A_740 = tpu.vector_load_idx %arg7[%add3A_739] : memref<6144xf32, #tpu.memory_space<vmem>>[vector<16xi32>], vector<16xf32>,
      %add3A_741 = arith.addf %add3A_736, %gather3A_740 : vector<16xf32>
      %add3A_742 = arith.constant 13 : i32
      %add3A_743 = vector.broadcast %add3A_742 : i32 to vector<16xi32>
      %add3A_744 = arith.addi %add3A_676, %add3A_743 : vector<16xi32>
      %gather3A_745 = tpu.vector_load_idx %arg7[%add3A_744] : memref<6144xf32, #tpu.memory_space<vmem>>[vector<16xi32>], vector<16xf32>,
      %add3A_746 = arith.addf %add3A_741, %gather3A_745 : vector<16xf32>
      %add3A_747 = arith.constant 14 : i32
      %add3A_748 = vector.broadcast %add3A_747 : i32 to vector<16xi32>
      %add3A_749 = arith.addi %add3A_676, %add3A_748 : vector<16xi32>
      %gather3A_750 = tpu.vector_load_idx %arg7[%add3A_749] : memref<6144xf32, #tpu.memory_space<vmem>>[vector<16xi32>], vector<16xf32>,
      %add3A_751 = arith.addf %add3A_746, %gather3A_750 : vector<16xf32>
      %add3A_752 = arith.constant 15 : i32
      %add3A_753 = vector.broadcast %add3A_752 : i32 to vector<16xi32>
      %add3A_754 = arith.addi %add3A_676, %add3A_753 : vector<16xi32>
      %gather3A_755 = tpu.vector_load_idx %arg7[%add3A_754] : memref<6144xf32, #tpu.memory_space<vmem>>[vector<16xi32>], vector<16xf32>,
      %add3A_756 = arith.addf %add3A_751, %gather3A_755 : vector<16xf32>
      %swap3A_757 = arith.constant 48 : index
      %swap3A_758 = tpu.vector_load %arg8[%swap3A_757] {strides = array<i32>} : memref<64xf32, #tpu.memory_space<vmem>>, vector<16xf32>,
      tpu.vector_store %arg8[%swap3A_757], %add3A_756 {strides = array<i32>} : memref<64xf32, #tpu.memory_space<vmem>>, vector<16xf32>,
      %mul3A_759 = arith.constant 3 : i32
      %mul3A_760 = arith.muli %arg1, %mul3A_759 : i32
      %add3A_761 = arith.constant 0 : i32
      %add3A_762 = arith.addi %add3A_761, %mul3A_760 : i32
      %add3A_763 = arith.constant 1 : i32
      %add3A_764 = arith.addi %add3A_762, %add3A_763 : i32
      %mul3A_765 = arith.constant 64 : i32
      %mul3A_766 = arith.muli %add3A_764, %mul3A_765 : i32
      "tpu.region"() ({
        %run_scoped3A = tpu.sem_alloc : memref<!tpu.dma_semaphore, #tpu.memory_space<semaphore_mem>>
        %dma_start3A = tpu.memref_slice %arg4[%mul3A_766] : memref<6144xf32, #tpu.memory_space<hbm>> -> memref<64xf32, #tpu.memory_space<hbm>>
        %dma_start3A_1146 = tpu.memref_slice %arg4[%mul3A_766] : memref<6144xf32, #tpu.memory_space<hbm>> -> memref<64xf32, #tpu.memory_space<hbm>>
        tpu.enqueue_dma source(%arg8 : memref<64xf32, #tpu.memory_space<vmem>>) target(%dma_start3A_1146 : memref<64xf32, #tpu.memory_space<hbm>>) target_semaphore(%run_scoped3A : memref<!tpu.dma_semaphore, #tpu.memory_space<semaphore_mem>>)
        %dma_wait3A = tpu.memref_slice %arg4[%mul3A_766] : memref<6144xf32, #tpu.memory_space<hbm>> -> memref<64xf32, #tpu.memory_space<hbm>>
        %dma_wait3A_1147 = tpu.memref_slice %arg4[%mul3A_766] : memref<6144xf32, #tpu.memory_space<hbm>> -> memref<64xf32, #tpu.memory_space<hbm>>
        tpu.wait_dma2 semaphore(%run_scoped3A : memref<!tpu.dma_semaphore, #tpu.memory_space<semaphore_mem>>) src(%arg8 : memref<64xf32, #tpu.memory_space<vmem>>) dst(%dma_wait3A_1147 : memref<64xf32, #tpu.memory_space<hbm>>)
        tpu.yield
      }) : () -> ()
      %get3A_767 = arith.constant 5104 : index
      %get3A_768 = tpu.vector_load %arg7[%get3A_767] {strides = array<i32>} : memref<6144xf32, #tpu.memory_space<vmem>>, vector<16xf32>,
      %get3A_769 = arith.constant 5120 : index
      %get3A_770 = tpu.vector_load %arg7[%get3A_769] {strides = array<i32>} : memref<6144xf32, #tpu.memory_space<vmem>>, vector<16xf32>,
      %add3A_771 = arith.addf %get3A_768, %get3A_770 : vector<16xf32>
      %swap3A_772 = arith.constant 5104 : index
      %swap3A_773 = tpu.vector_load %arg7[%swap3A_772] {strides = array<i32>} : memref<6144xf32, #tpu.memory_space<vmem>>, vector<16xf32>,
      tpu.vector_store %arg7[%swap3A_772], %add3A_771 {strides = array<i32>} : memref<6144xf32, #tpu.memory_space<vmem>>, vector<16xf32>,
      %add3A_774 = arith.constant 0 : i32
      %add3A_775 = vector.broadcast %add3A_774 : i32 to vector<16xi32>
      %add3A_776 = arith.addi %add3A_775, %iota3A : vector<16xi32>
      %mul3A_777 = arith.constant 16 : i32
      %mul3A_778 = vector.broadcast %mul3A_777 : i32 to vector<16xi32>
      %mul3A_779 = arith.muli %add3A_776, %mul3A_778 : vector<16xi32>
      %add3A_780 = arith.constant 4096 : i32
      %add3A_781 = vector.broadcast %add3A_780 : i32 to vector<16xi32>
      %add3A_782 = arith.addi %mul3A_779, %add3A_781 : vector<16xi32>
      %add3A_783 = arith.constant 0 : i32
      %add3A_784 = vector.broadcast %add3A_783 : i32 to vector<16xi32>
      %add3A_785 = arith.addi %add3A_782, %add3A_784 : vector<16xi32>
      %gather3A_786 = tpu.vector_load_idx %arg7[%add3A_785] : memref<6144xf32, #tpu.memory_space<vmem>>[vector<16xi32>], vector<16xf32>,
      %add3A_787 = arith.addf %broadcast_in_dim3A_2, %gather3A_786 : vector<16xf32>
      %add3A_788 = arith.constant 1 : i32
      %add3A_789 = vector.broadcast %add3A_788 : i32 to vector<16xi32>
      %add3A_790 = arith.addi %add3A_782, %add3A_789 : vector<16xi32>
      %gather3A_791 = tpu.vector_load_idx %arg7[%add3A_790] : memref<6144xf32, #tpu.memory_space<vmem>>[vector<16xi32>], vector<16xf32>,
      %add3A_792 = arith.addf %add3A_787, %gather3A_791 : vector<16xf32>
      %add3A_793 = arith.constant 2 : i32
      %add3A_794 = vector.broadcast %add3A_793 : i32 to vector<16xi32>
      %add3A_795 = arith.addi %add3A_782, %add3A_794 : vector<16xi32>
      %gather3A_796 = tpu.vector_load_idx %arg7[%add3A_795] : memref<6144xf32, #tpu.memory_space<vmem>>[vector<16xi32>], vector<16xf32>,
      %add3A_797 = arith.addf %add3A_792, %gather3A_796 : vector<16xf32>
      %add3A_798 = arith.constant 3 : i32
      %add3A_799 = vector.broadcast %add3A_798 : i32 to vector<16xi32>
      %add3A_800 = arith.addi %add3A_782, %add3A_799 : vector<16xi32>
      %gather3A_801 = tpu.vector_load_idx %arg7[%add3A_800] : memref<6144xf32, #tpu.memory_space<vmem>>[vector<16xi32>], vector<16xf32>,
      %add3A_802 = arith.addf %add3A_797, %gather3A_801 : vector<16xf32>
      %add3A_803 = arith.constant 4 : i32
      %add3A_804 = vector.broadcast %add3A_803 : i32 to vector<16xi32>
      %add3A_805 = arith.addi %add3A_782, %add3A_804 : vector<16xi32>
      %gather3A_806 = tpu.vector_load_idx %arg7[%add3A_805] : memref<6144xf32, #tpu.memory_space<vmem>>[vector<16xi32>], vector<16xf32>,
      %add3A_807 = arith.addf %add3A_802, %gather3A_806 : vector<16xf32>
      %add3A_808 = arith.constant 5 : i32
      %add3A_809 = vector.broadcast %add3A_808 : i32 to vector<16xi32>
      %add3A_810 = arith.addi %add3A_782, %add3A_809 : vector<16xi32>
      %gather3A_811 = tpu.vector_load_idx %arg7[%add3A_810] : memref<6144xf32, #tpu.memory_space<vmem>>[vector<16xi32>], vector<16xf32>,
      %add3A_812 = arith.addf %add3A_807, %gather3A_811 : vector<16xf32>
      %add3A_813 = arith.constant 6 : i32
      %add3A_814 = vector.broadcast %add3A_813 : i32 to vector<16xi32>
      %add3A_815 = arith.addi %add3A_782, %add3A_814 : vector<16xi32>
      %gather3A_816 = tpu.vector_load_idx %arg7[%add3A_815] : memref<6144xf32, #tpu.memory_space<vmem>>[vector<16xi32>], vector<16xf32>,
      %add3A_817 = arith.addf %add3A_812, %gather3A_816 : vector<16xf32>
      %add3A_818 = arith.constant 7 : i32
      %add3A_819 = vector.broadcast %add3A_818 : i32 to vector<16xi32>
      %add3A_820 = arith.addi %add3A_782, %add3A_819 : vector<16xi32>
      %gather3A_821 = tpu.vector_load_idx %arg7[%add3A_820] : memref<6144xf32, #tpu.memory_space<vmem>>[vector<16xi32>], vector<16xf32>,
      %add3A_822 = arith.addf %add3A_817, %gather3A_821 : vector<16xf32>
      %add3A_823 = arith.constant 8 : i32
      %add3A_824 = vector.broadcast %add3A_823 : i32 to vector<16xi32>
      %add3A_825 = arith.addi %add3A_782, %add3A_824 : vector<16xi32>
      %gather3A_826 = tpu.vector_load_idx %arg7[%add3A_825] : memref<6144xf32, #tpu.memory_space<vmem>>[vector<16xi32>], vector<16xf32>,
      %add3A_827 = arith.addf %add3A_822, %gather3A_826 : vector<16xf32>
      %add3A_828 = arith.constant 9 : i32
      %add3A_829 = vector.broadcast %add3A_828 : i32 to vector<16xi32>
      %add3A_830 = arith.addi %add3A_782, %add3A_829 : vector<16xi32>
      %gather3A_831 = tpu.vector_load_idx %arg7[%add3A_830] : memref<6144xf32, #tpu.memory_space<vmem>>[vector<16xi32>], vector<16xf32>,
      %add3A_832 = arith.addf %add3A_827, %gather3A_831 : vector<16xf32>
      %add3A_833 = arith.constant 10 : i32
      %add3A_834 = vector.broadcast %add3A_833 : i32 to vector<16xi32>
      %add3A_835 = arith.addi %add3A_782, %add3A_834 : vector<16xi32>
      %gather3A_836 = tpu.vector_load_idx %arg7[%add3A_835] : memref<6144xf32, #tpu.memory_space<vmem>>[vector<16xi32>], vector<16xf32>,
      %add3A_837 = arith.addf %add3A_832, %gather3A_836 : vector<16xf32>
      %add3A_838 = arith.constant 11 : i32
      %add3A_839 = vector.broadcast %add3A_838 : i32 to vector<16xi32>
      %add3A_840 = arith.addi %add3A_782, %add3A_839 : vector<16xi32>
      %gather3A_841 = tpu.vector_load_idx %arg7[%add3A_840] : memref<6144xf32, #tpu.memory_space<vmem>>[vector<16xi32>], vector<16xf32>,
      %add3A_842 = arith.addf %add3A_837, %gather3A_841 : vector<16xf32>
      %add3A_843 = arith.constant 12 : i32
      %add3A_844 = vector.broadcast %add3A_843 : i32 to vector<16xi32>
      %add3A_845 = arith.addi %add3A_782, %add3A_844 : vector<16xi32>
      %gather3A_846 = tpu.vector_load_idx %arg7[%add3A_845] : memref<6144xf32, #tpu.memory_space<vmem>>[vector<16xi32>], vector<16xf32>,
      %add3A_847 = arith.addf %add3A_842, %gather3A_846 : vector<16xf32>
      %add3A_848 = arith.constant 13 : i32
      %add3A_849 = vector.broadcast %add3A_848 : i32 to vector<16xi32>
      %add3A_850 = arith.addi %add3A_782, %add3A_849 : vector<16xi32>
      %gather3A_851 = tpu.vector_load_idx %arg7[%add3A_850] : memref<6144xf32, #tpu.memory_space<vmem>>[vector<16xi32>], vector<16xf32>,
      %add3A_852 = arith.addf %add3A_847, %gather3A_851 : vector<16xf32>
      %add3A_853 = arith.constant 14 : i32
      %add3A_854 = vector.broadcast %add3A_853 : i32 to vector<16xi32>
      %add3A_855 = arith.addi %add3A_782, %add3A_854 : vector<16xi32>
      %gather3A_856 = tpu.vector_load_idx %arg7[%add3A_855] : memref<6144xf32, #tpu.memory_space<vmem>>[vector<16xi32>], vector<16xf32>,
      %add3A_857 = arith.addf %add3A_852, %gather3A_856 : vector<16xf32>
      %add3A_858 = arith.constant 15 : i32
      %add3A_859 = vector.broadcast %add3A_858 : i32 to vector<16xi32>
      %add3A_860 = arith.addi %add3A_782, %add3A_859 : vector<16xi32>
      %gather3A_861 = tpu.vector_load_idx %arg7[%add3A_860] : memref<6144xf32, #tpu.memory_space<vmem>>[vector<16xi32>], vector<16xf32>,
      %add3A_862 = arith.addf %add3A_857, %gather3A_861 : vector<16xf32>
      %swap3A_863 = arith.constant 0 : index
      %swap3A_864 = tpu.vector_load %arg8[%swap3A_863] {strides = array<i32>} : memref<64xf32, #tpu.memory_space<vmem>>, vector<16xf32>,
      tpu.vector_store %arg8[%swap3A_863], %add3A_862 {strides = array<i32>} : memref<64xf32, #tpu.memory_space<vmem>>, vector<16xf32>,
      %add3A_865 = arith.constant 16 : i32
      %add3A_866 = vector.broadcast %add3A_865 : i32 to vector<16xi32>
      %add3A_867 = arith.addi %add3A_866, %iota3A : vector<16xi32>
      %mul3A_868 = arith.constant 16 : i32
      %mul3A_869 = vector.broadcast %mul3A_868 : i32 to vector<16xi32>
      %mul3A_870 = arith.muli %add3A_867, %mul3A_869 : vector<16xi32>
      %add3A_871 = arith.constant 4096 : i32
      %add3A_872 = vector.broadcast %add3A_871 : i32 to vector<16xi32>
      %add3A_873 = arith.addi %mul3A_870, %add3A_872 : vector<16xi32>
      %add3A_874 = arith.constant 0 : i32
      %add3A_875 = vector.broadcast %add3A_874 : i32 to vector<16xi32>
      %add3A_876 = arith.addi %add3A_873, %add3A_875 : vector<16xi32>
      %gather3A_877 = tpu.vector_load_idx %arg7[%add3A_876] : memref<6144xf32, #tpu.memory_space<vmem>>[vector<16xi32>], vector<16xf32>,
      %add3A_878 = arith.addf %broadcast_in_dim3A_2, %gather3A_877 : vector<16xf32>
      %add3A_879 = arith.constant 1 : i32
      %add3A_880 = vector.broadcast %add3A_879 : i32 to vector<16xi32>
      %add3A_881 = arith.addi %add3A_873, %add3A_880 : vector<16xi32>
      %gather3A_882 = tpu.vector_load_idx %arg7[%add3A_881] : memref<6144xf32, #tpu.memory_space<vmem>>[vector<16xi32>], vector<16xf32>,
      %add3A_883 = arith.addf %add3A_878, %gather3A_882 : vector<16xf32>
      %add3A_884 = arith.constant 2 : i32
      %add3A_885 = vector.broadcast %add3A_884 : i32 to vector<16xi32>
      %add3A_886 = arith.addi %add3A_873, %add3A_885 : vector<16xi32>
      %gather3A_887 = tpu.vector_load_idx %arg7[%add3A_886] : memref<6144xf32, #tpu.memory_space<vmem>>[vector<16xi32>], vector<16xf32>,
      %add3A_888 = arith.addf %add3A_883, %gather3A_887 : vector<16xf32>
      %add3A_889 = arith.constant 3 : i32
      %add3A_890 = vector.broadcast %add3A_889 : i32 to vector<16xi32>
      %add3A_891 = arith.addi %add3A_873, %add3A_890 : vector<16xi32>
      %gather3A_892 = tpu.vector_load_idx %arg7[%add3A_891] : memref<6144xf32, #tpu.memory_space<vmem>>[vector<16xi32>], vector<16xf32>,
      %add3A_893 = arith.addf %add3A_888, %gather3A_892 : vector<16xf32>
      %add3A_894 = arith.constant 4 : i32
      %add3A_895 = vector.broadcast %add3A_894 : i32 to vector<16xi32>
      %add3A_896 = arith.addi %add3A_873, %add3A_895 : vector<16xi32>
      %gather3A_897 = tpu.vector_load_idx %arg7[%add3A_896] : memref<6144xf32, #tpu.memory_space<vmem>>[vector<16xi32>], vector<16xf32>,
      %add3A_898 = arith.addf %add3A_893, %gather3A_897 : vector<16xf32>
      %add3A_899 = arith.constant 5 : i32
      %add3A_900 = vector.broadcast %add3A_899 : i32 to vector<16xi32>
      %add3A_901 = arith.addi %add3A_873, %add3A_900 : vector<16xi32>
      %gather3A_902 = tpu.vector_load_idx %arg7[%add3A_901] : memref<6144xf32, #tpu.memory_space<vmem>>[vector<16xi32>], vector<16xf32>,
      %add3A_903 = arith.addf %add3A_898, %gather3A_902 : vector<16xf32>
      %add3A_904 = arith.constant 6 : i32
      %add3A_905 = vector.broadcast %add3A_904 : i32 to vector<16xi32>
      %add3A_906 = arith.addi %add3A_873, %add3A_905 : vector<16xi32>
      %gather3A_907 = tpu.vector_load_idx %arg7[%add3A_906] : memref<6144xf32, #tpu.memory_space<vmem>>[vector<16xi32>], vector<16xf32>,
      %add3A_908 = arith.addf %add3A_903, %gather3A_907 : vector<16xf32>
      %add3A_909 = arith.constant 7 : i32
      %add3A_910 = vector.broadcast %add3A_909 : i32 to vector<16xi32>
      %add3A_911 = arith.addi %add3A_873, %add3A_910 : vector<16xi32>
      %gather3A_912 = tpu.vector_load_idx %arg7[%add3A_911] : memref<6144xf32, #tpu.memory_space<vmem>>[vector<16xi32>], vector<16xf32>,
      %add3A_913 = arith.addf %add3A_908, %gather3A_912 : vector<16xf32>
      %add3A_914 = arith.constant 8 : i32
      %add3A_915 = vector.broadcast %add3A_914 : i32 to vector<16xi32>
      %add3A_916 = arith.addi %add3A_873, %add3A_915 : vector<16xi32>
      %gather3A_917 = tpu.vector_load_idx %arg7[%add3A_916] : memref<6144xf32, #tpu.memory_space<vmem>>[vector<16xi32>], vector<16xf32>,
      %add3A_918 = arith.addf %add3A_913, %gather3A_917 : vector<16xf32>
      %add3A_919 = arith.constant 9 : i32
      %add3A_920 = vector.broadcast %add3A_919 : i32 to vector<16xi32>
      %add3A_921 = arith.addi %add3A_873, %add3A_920 : vector<16xi32>
      %gather3A_922 = tpu.vector_load_idx %arg7[%add3A_921] : memref<6144xf32, #tpu.memory_space<vmem>>[vector<16xi32>], vector<16xf32>,
      %add3A_923 = arith.addf %add3A_918, %gather3A_922 : vector<16xf32>
      %add3A_924 = arith.constant 10 : i32
      %add3A_925 = vector.broadcast %add3A_924 : i32 to vector<16xi32>
      %add3A_926 = arith.addi %add3A_873, %add3A_925 : vector<16xi32>
      %gather3A_927 = tpu.vector_load_idx %arg7[%add3A_926] : memref<6144xf32, #tpu.memory_space<vmem>>[vector<16xi32>], vector<16xf32>,
      %add3A_928 = arith.addf %add3A_923, %gather3A_927 : vector<16xf32>
      %add3A_929 = arith.constant 11 : i32
      %add3A_930 = vector.broadcast %add3A_929 : i32 to vector<16xi32>
      %add3A_931 = arith.addi %add3A_873, %add3A_930 : vector<16xi32>
      %gather3A_932 = tpu.vector_load_idx %arg7[%add3A_931] : memref<6144xf32, #tpu.memory_space<vmem>>[vector<16xi32>], vector<16xf32>,
      %add3A_933 = arith.addf %add3A_928, %gather3A_932 : vector<16xf32>
      %add3A_934 = arith.constant 12 : i32
      %add3A_935 = vector.broadcast %add3A_934 : i32 to vector<16xi32>
      %add3A_936 = arith.addi %add3A_873, %add3A_935 : vector<16xi32>
      %gather3A_937 = tpu.vector_load_idx %arg7[%add3A_936] : memref<6144xf32, #tpu.memory_space<vmem>>[vector<16xi32>], vector<16xf32>,
      %add3A_938 = arith.addf %add3A_933, %gather3A_937 : vector<16xf32>
      %add3A_939 = arith.constant 13 : i32
      %add3A_940 = vector.broadcast %add3A_939 : i32 to vector<16xi32>
      %add3A_941 = arith.addi %add3A_873, %add3A_940 : vector<16xi32>
      %gather3A_942 = tpu.vector_load_idx %arg7[%add3A_941] : memref<6144xf32, #tpu.memory_space<vmem>>[vector<16xi32>], vector<16xf32>,
      %add3A_943 = arith.addf %add3A_938, %gather3A_942 : vector<16xf32>
      %add3A_944 = arith.constant 14 : i32
      %add3A_945 = vector.broadcast %add3A_944 : i32 to vector<16xi32>
      %add3A_946 = arith.addi %add3A_873, %add3A_945 : vector<16xi32>
      %gather3A_947 = tpu.vector_load_idx %arg7[%add3A_946] : memref<6144xf32, #tpu.memory_space<vmem>>[vector<16xi32>], vector<16xf32>,
      %add3A_948 = arith.addf %add3A_943, %gather3A_947 : vector<16xf32>
      %add3A_949 = arith.constant 15 : i32
      %add3A_950 = vector.broadcast %add3A_949 : i32 to vector<16xi32>
      %add3A_951 = arith.addi %add3A_873, %add3A_950 : vector<16xi32>
      %gather3A_952 = tpu.vector_load_idx %arg7[%add3A_951] : memref<6144xf32, #tpu.memory_space<vmem>>[vector<16xi32>], vector<16xf32>,
      %add3A_953 = arith.addf %add3A_948, %gather3A_952 : vector<16xf32>
      %swap3A_954 = arith.constant 16 : index
      %swap3A_955 = tpu.vector_load %arg8[%swap3A_954] {strides = array<i32>} : memref<64xf32, #tpu.memory_space<vmem>>, vector<16xf32>,
      tpu.vector_store %arg8[%swap3A_954], %add3A_953 {strides = array<i32>} : memref<64xf32, #tpu.memory_space<vmem>>, vector<16xf32>,
      %add3A_956 = arith.constant 32 : i32
      %add3A_957 = vector.broadcast %add3A_956 : i32 to vector<16xi32>
      %add3A_958 = arith.addi %add3A_957, %iota3A : vector<16xi32>
      %mul3A_959 = arith.constant 16 : i32
      %mul3A_960 = vector.broadcast %mul3A_959 : i32 to vector<16xi32>
      %mul3A_961 = arith.muli %add3A_958, %mul3A_960 : vector<16xi32>
      %add3A_962 = arith.constant 4096 : i32
      %add3A_963 = vector.broadcast %add3A_962 : i32 to vector<16xi32>
      %add3A_964 = arith.addi %mul3A_961, %add3A_963 : vector<16xi32>
      %add3A_965 = arith.constant 0 : i32
      %add3A_966 = vector.broadcast %add3A_965 : i32 to vector<16xi32>
      %add3A_967 = arith.addi %add3A_964, %add3A_966 : vector<16xi32>
      %gather3A_968 = tpu.vector_load_idx %arg7[%add3A_967] : memref<6144xf32, #tpu.memory_space<vmem>>[vector<16xi32>], vector<16xf32>,
      %add3A_969 = arith.addf %broadcast_in_dim3A_2, %gather3A_968 : vector<16xf32>
      %add3A_970 = arith.constant 1 : i32
      %add3A_971 = vector.broadcast %add3A_970 : i32 to vector<16xi32>
      %add3A_972 = arith.addi %add3A_964, %add3A_971 : vector<16xi32>
      %gather3A_973 = tpu.vector_load_idx %arg7[%add3A_972] : memref<6144xf32, #tpu.memory_space<vmem>>[vector<16xi32>], vector<16xf32>,
      %add3A_974 = arith.addf %add3A_969, %gather3A_973 : vector<16xf32>
      %add3A_975 = arith.constant 2 : i32
      %add3A_976 = vector.broadcast %add3A_975 : i32 to vector<16xi32>
      %add3A_977 = arith.addi %add3A_964, %add3A_976 : vector<16xi32>
      %gather3A_978 = tpu.vector_load_idx %arg7[%add3A_977] : memref<6144xf32, #tpu.memory_space<vmem>>[vector<16xi32>], vector<16xf32>,
      %add3A_979 = arith.addf %add3A_974, %gather3A_978 : vector<16xf32>
      %add3A_980 = arith.constant 3 : i32
      %add3A_981 = vector.broadcast %add3A_980 : i32 to vector<16xi32>
      %add3A_982 = arith.addi %add3A_964, %add3A_981 : vector<16xi32>
      %gather3A_983 = tpu.vector_load_idx %arg7[%add3A_982] : memref<6144xf32, #tpu.memory_space<vmem>>[vector<16xi32>], vector<16xf32>,
      %add3A_984 = arith.addf %add3A_979, %gather3A_983 : vector<16xf32>
      %add3A_985 = arith.constant 4 : i32
      %add3A_986 = vector.broadcast %add3A_985 : i32 to vector<16xi32>
      %add3A_987 = arith.addi %add3A_964, %add3A_986 : vector<16xi32>
      %gather3A_988 = tpu.vector_load_idx %arg7[%add3A_987] : memref<6144xf32, #tpu.memory_space<vmem>>[vector<16xi32>], vector<16xf32>,
      %add3A_989 = arith.addf %add3A_984, %gather3A_988 : vector<16xf32>
      %add3A_990 = arith.constant 5 : i32
      %add3A_991 = vector.broadcast %add3A_990 : i32 to vector<16xi32>
      %add3A_992 = arith.addi %add3A_964, %add3A_991 : vector<16xi32>
      %gather3A_993 = tpu.vector_load_idx %arg7[%add3A_992] : memref<6144xf32, #tpu.memory_space<vmem>>[vector<16xi32>], vector<16xf32>,
      %add3A_994 = arith.addf %add3A_989, %gather3A_993 : vector<16xf32>
      %add3A_995 = arith.constant 6 : i32
      %add3A_996 = vector.broadcast %add3A_995 : i32 to vector<16xi32>
      %add3A_997 = arith.addi %add3A_964, %add3A_996 : vector<16xi32>
      %gather3A_998 = tpu.vector_load_idx %arg7[%add3A_997] : memref<6144xf32, #tpu.memory_space<vmem>>[vector<16xi32>], vector<16xf32>,
      %add3A_999 = arith.addf %add3A_994, %gather3A_998 : vector<16xf32>
      %add3A_1000 = arith.constant 7 : i32
      %add3A_1001 = vector.broadcast %add3A_1000 : i32 to vector<16xi32>
      %add3A_1002 = arith.addi %add3A_964, %add3A_1001 : vector<16xi32>
      %gather3A_1003 = tpu.vector_load_idx %arg7[%add3A_1002] : memref<6144xf32, #tpu.memory_space<vmem>>[vector<16xi32>], vector<16xf32>,
      %add3A_1004 = arith.addf %add3A_999, %gather3A_1003 : vector<16xf32>
      %add3A_1005 = arith.constant 8 : i32
      %add3A_1006 = vector.broadcast %add3A_1005 : i32 to vector<16xi32>
      %add3A_1007 = arith.addi %add3A_964, %add3A_1006 : vector<16xi32>
      %gather3A_1008 = tpu.vector_load_idx %arg7[%add3A_1007] : memref<6144xf32, #tpu.memory_space<vmem>>[vector<16xi32>], vector<16xf32>,
      %add3A_1009 = arith.addf %add3A_1004, %gather3A_1008 : vector<16xf32>
      %add3A_1010 = arith.constant 9 : i32
      %add3A_1011 = vector.broadcast %add3A_1010 : i32 to vector<16xi32>
      %add3A_1012 = arith.addi %add3A_964, %add3A_1011 : vector<16xi32>
      %gather3A_1013 = tpu.vector_load_idx %arg7[%add3A_1012] : memref<6144xf32, #tpu.memory_space<vmem>>[vector<16xi32>], vector<16xf32>,
      %add3A_1014 = arith.addf %add3A_1009, %gather3A_1013 : vector<16xf32>
      %add3A_1015 = arith.constant 10 : i32
      %add3A_1016 = vector.broadcast %add3A_1015 : i32 to vector<16xi32>
      %add3A_1017 = arith.addi %add3A_964, %add3A_1016 : vector<16xi32>
      %gather3A_1018 = tpu.vector_load_idx %arg7[%add3A_1017] : memref<6144xf32, #tpu.memory_space<vmem>>[vector<16xi32>], vector<16xf32>,
      %add3A_1019 = arith.addf %add3A_1014, %gather3A_1018 : vector<16xf32>
      %add3A_1020 = arith.constant 11 : i32
      %add3A_1021 = vector.broadcast %add3A_1020 : i32 to vector<16xi32>
      %add3A_1022 = arith.addi %add3A_964, %add3A_1021 : vector<16xi32>
      %gather3A_1023 = tpu.vector_load_idx %arg7[%add3A_1022] : memref<6144xf32, #tpu.memory_space<vmem>>[vector<16xi32>], vector<16xf32>,
      %add3A_1024 = arith.addf %add3A_1019, %gather3A_1023 : vector<16xf32>
      %add3A_1025 = arith.constant 12 : i32
      %add3A_1026 = vector.broadcast %add3A_1025 : i32 to vector<16xi32>
      %add3A_1027 = arith.addi %add3A_964, %add3A_1026 : vector<16xi32>
      %gather3A_1028 = tpu.vector_load_idx %arg7[%add3A_1027] : memref<6144xf32, #tpu.memory_space<vmem>>[vector<16xi32>], vector<16xf32>,
      %add3A_1029 = arith.addf %add3A_1024, %gather3A_1028 : vector<16xf32>
      %add3A_1030 = arith.constant 13 : i32
      %add3A_1031 = vector.broadcast %add3A_1030 : i32 to vector<16xi32>
      %add3A_1032 = arith.addi %add3A_964, %add3A_1031 : vector<16xi32>
      %gather3A_1033 = tpu.vector_load_idx %arg7[%add3A_1032] : memref<6144xf32, #tpu.memory_space<vmem>>[vector<16xi32>], vector<16xf32>,
      %add3A_1034 = arith.addf %add3A_1029, %gather3A_1033 : vector<16xf32>
      %add3A_1035 = arith.constant 14 : i32
      %add3A_1036 = vector.broadcast %add3A_1035 : i32 to vector<16xi32>
      %add3A_1037 = arith.addi %add3A_964, %add3A_1036 : vector<16xi32>
      %gather3A_1038 = tpu.vector_load_idx %arg7[%add3A_1037] : memref<6144xf32, #tpu.memory_space<vmem>>[vector<16xi32>], vector<16xf32>,
      %add3A_1039 = arith.addf %add3A_1034, %gather3A_1038 : vector<16xf32>
      %add3A_1040 = arith.constant 15 : i32
      %add3A_1041 = vector.broadcast %add3A_1040 : i32 to vector<16xi32>
      %add3A_1042 = arith.addi %add3A_964, %add3A_1041 : vector<16xi32>
      %gather3A_1043 = tpu.vector_load_idx %arg7[%add3A_1042] : memref<6144xf32, #tpu.memory_space<vmem>>[vector<16xi32>], vector<16xf32>,
      %add3A_1044 = arith.addf %add3A_1039, %gather3A_1043 : vector<16xf32>
      %swap3A_1045 = arith.constant 32 : index
      %swap3A_1046 = tpu.vector_load %arg8[%swap3A_1045] {strides = array<i32>} : memref<64xf32, #tpu.memory_space<vmem>>, vector<16xf32>,
      tpu.vector_store %arg8[%swap3A_1045], %add3A_1044 {strides = array<i32>} : memref<64xf32, #tpu.memory_space<vmem>>, vector<16xf32>,
      %add3A_1047 = arith.constant 48 : i32
      %add3A_1048 = vector.broadcast %add3A_1047 : i32 to vector<16xi32>
      %add3A_1049 = arith.addi %add3A_1048, %iota3A : vector<16xi32>
      %mul3A_1050 = arith.constant 16 : i32
      %mul3A_1051 = vector.broadcast %mul3A_1050 : i32 to vector<16xi32>
      %mul3A_1052 = arith.muli %add3A_1049, %mul3A_1051 : vector<16xi32>
      %add3A_1053 = arith.constant 4096 : i32
      %add3A_1054 = vector.broadcast %add3A_1053 : i32 to vector<16xi32>
      %add3A_1055 = arith.addi %mul3A_1052, %add3A_1054 : vector<16xi32>
      %add3A_1056 = arith.constant 0 : i32
      %add3A_1057 = vector.broadcast %add3A_1056 : i32 to vector<16xi32>
      %add3A_1058 = arith.addi %add3A_1055, %add3A_1057 : vector<16xi32>
      %gather3A_1059 = tpu.vector_load_idx %arg7[%add3A_1058] : memref<6144xf32, #tpu.memory_space<vmem>>[vector<16xi32>], vector<16xf32>,
      %add3A_1060 = arith.addf %broadcast_in_dim3A_2, %gather3A_1059 : vector<16xf32>
      %add3A_1061 = arith.constant 1 : i32
      %add3A_1062 = vector.broadcast %add3A_1061 : i32 to vector<16xi32>
      %add3A_1063 = arith.addi %add3A_1055, %add3A_1062 : vector<16xi32>
      %gather3A_1064 = tpu.vector_load_idx %arg7[%add3A_1063] : memref<6144xf32, #tpu.memory_space<vmem>>[vector<16xi32>], vector<16xf32>,
      %add3A_1065 = arith.addf %add3A_1060, %gather3A_1064 : vector<16xf32>
      %add3A_1066 = arith.constant 2 : i32
      %add3A_1067 = vector.broadcast %add3A_1066 : i32 to vector<16xi32>
      %add3A_1068 = arith.addi %add3A_1055, %add3A_1067 : vector<16xi32>
      %gather3A_1069 = tpu.vector_load_idx %arg7[%add3A_1068] : memref<6144xf32, #tpu.memory_space<vmem>>[vector<16xi32>], vector<16xf32>,
      %add3A_1070 = arith.addf %add3A_1065, %gather3A_1069 : vector<16xf32>
      %add3A_1071 = arith.constant 3 : i32
      %add3A_1072 = vector.broadcast %add3A_1071 : i32 to vector<16xi32>
      %add3A_1073 = arith.addi %add3A_1055, %add3A_1072 : vector<16xi32>
      %gather3A_1074 = tpu.vector_load_idx %arg7[%add3A_1073] : memref<6144xf32, #tpu.memory_space<vmem>>[vector<16xi32>], vector<16xf32>,
      %add3A_1075 = arith.addf %add3A_1070, %gather3A_1074 : vector<16xf32>
      %add3A_1076 = arith.constant 4 : i32
      %add3A_1077 = vector.broadcast %add3A_1076 : i32 to vector<16xi32>
      %add3A_1078 = arith.addi %add3A_1055, %add3A_1077 : vector<16xi32>
      %gather3A_1079 = tpu.vector_load_idx %arg7[%add3A_1078] : memref<6144xf32, #tpu.memory_space<vmem>>[vector<16xi32>], vector<16xf32>,
      %add3A_1080 = arith.addf %add3A_1075, %gather3A_1079 : vector<16xf32>
      %add3A_1081 = arith.constant 5 : i32
      %add3A_1082 = vector.broadcast %add3A_1081 : i32 to vector<16xi32>
      %add3A_1083 = arith.addi %add3A_1055, %add3A_1082 : vector<16xi32>
      %gather3A_1084 = tpu.vector_load_idx %arg7[%add3A_1083] : memref<6144xf32, #tpu.memory_space<vmem>>[vector<16xi32>], vector<16xf32>,
      %add3A_1085 = arith.addf %add3A_1080, %gather3A_1084 : vector<16xf32>
      %add3A_1086 = arith.constant 6 : i32
      %add3A_1087 = vector.broadcast %add3A_1086 : i32 to vector<16xi32>
      %add3A_1088 = arith.addi %add3A_1055, %add3A_1087 : vector<16xi32>
      %gather3A_1089 = tpu.vector_load_idx %arg7[%add3A_1088] : memref<6144xf32, #tpu.memory_space<vmem>>[vector<16xi32>], vector<16xf32>,
      %add3A_1090 = arith.addf %add3A_1085, %gather3A_1089 : vector<16xf32>
      %add3A_1091 = arith.constant 7 : i32
      %add3A_1092 = vector.broadcast %add3A_1091 : i32 to vector<16xi32>
      %add3A_1093 = arith.addi %add3A_1055, %add3A_1092 : vector<16xi32>
      %gather3A_1094 = tpu.vector_load_idx %arg7[%add3A_1093] : memref<6144xf32, #tpu.memory_space<vmem>>[vector<16xi32>], vector<16xf32>,
      %add3A_1095 = arith.addf %add3A_1090, %gather3A_1094 : vector<16xf32>
      %add3A_1096 = arith.constant 8 : i32
      %add3A_1097 = vector.broadcast %add3A_1096 : i32 to vector<16xi32>
      %add3A_1098 = arith.addi %add3A_1055, %add3A_1097 : vector<16xi32>
      %gather3A_1099 = tpu.vector_load_idx %arg7[%add3A_1098] : memref<6144xf32, #tpu.memory_space<vmem>>[vector<16xi32>], vector<16xf32>,
      %add3A_1100 = arith.addf %add3A_1095, %gather3A_1099 : vector<16xf32>
      %add3A_1101 = arith.constant 9 : i32
      %add3A_1102 = vector.broadcast %add3A_1101 : i32 to vector<16xi32>
      %add3A_1103 = arith.addi %add3A_1055, %add3A_1102 : vector<16xi32>
      %gather3A_1104 = tpu.vector_load_idx %arg7[%add3A_1103] : memref<6144xf32, #tpu.memory_space<vmem>>[vector<16xi32>], vector<16xf32>,
      %add3A_1105 = arith.addf %add3A_1100, %gather3A_1104 : vector<16xf32>
      %add3A_1106 = arith.constant 10 : i32
      %add3A_1107 = vector.broadcast %add3A_1106 : i32 to vector<16xi32>
      %add3A_1108 = arith.addi %add3A_1055, %add3A_1107 : vector<16xi32>
      %gather3A_1109 = tpu.vector_load_idx %arg7[%add3A_1108] : memref<6144xf32, #tpu.memory_space<vmem>>[vector<16xi32>], vector<16xf32>,
      %add3A_1110 = arith.addf %add3A_1105, %gather3A_1109 : vector<16xf32>
      %add3A_1111 = arith.constant 11 : i32
      %add3A_1112 = vector.broadcast %add3A_1111 : i32 to vector<16xi32>
      %add3A_1113 = arith.addi %add3A_1055, %add3A_1112 : vector<16xi32>
      %gather3A_1114 = tpu.vector_load_idx %arg7[%add3A_1113] : memref<6144xf32, #tpu.memory_space<vmem>>[vector<16xi32>], vector<16xf32>,
      %add3A_1115 = arith.addf %add3A_1110, %gather3A_1114 : vector<16xf32>
      %add3A_1116 = arith.constant 12 : i32
      %add3A_1117 = vector.broadcast %add3A_1116 : i32 to vector<16xi32>
      %add3A_1118 = arith.addi %add3A_1055, %add3A_1117 : vector<16xi32>
      %gather3A_1119 = tpu.vector_load_idx %arg7[%add3A_1118] : memref<6144xf32, #tpu.memory_space<vmem>>[vector<16xi32>], vector<16xf32>,
      %add3A_1120 = arith.addf %add3A_1115, %gather3A_1119 : vector<16xf32>
      %add3A_1121 = arith.constant 13 : i32
      %add3A_1122 = vector.broadcast %add3A_1121 : i32 to vector<16xi32>
      %add3A_1123 = arith.addi %add3A_1055, %add3A_1122 : vector<16xi32>
      %gather3A_1124 = tpu.vector_load_idx %arg7[%add3A_1123] : memref<6144xf32, #tpu.memory_space<vmem>>[vector<16xi32>], vector<16xf32>,
      %add3A_1125 = arith.addf %add3A_1120, %gather3A_1124 : vector<16xf32>
      %add3A_1126 = arith.constant 14 : i32
      %add3A_1127 = vector.broadcast %add3A_1126 : i32 to vector<16xi32>
      %add3A_1128 = arith.addi %add3A_1055, %add3A_1127 : vector<16xi32>
      %gather3A_1129 = tpu.vector_load_idx %arg7[%add3A_1128] : memref<6144xf32, #tpu.memory_space<vmem>>[vector<16xi32>], vector<16xf32>,
      %add3A_1130 = arith.addf %add3A_1125, %gather3A_1129 : vector<16xf32>
      %add3A_1131 = arith.constant 15 : i32
      %add3A_1132 = vector.broadcast %add3A_1131 : i32 to vector<16xi32>
      %add3A_1133 = arith.addi %add3A_1055, %add3A_1132 : vector<16xi32>
      %gather3A_1134 = tpu.vector_load_idx %arg7[%add3A_1133] : memref<6144xf32, #tpu.memory_space<vmem>>[vector<16xi32>], vector<16xf32>,
      %add3A_1135 = arith.addf %add3A_1130, %gather3A_1134 : vector<16xf32>
      %swap3A_1136 = arith.constant 48 : index
      %swap3A_1137 = tpu.vector_load %arg8[%swap3A_1136] {strides = array<i32>} : memref<64xf32, #tpu.memory_space<vmem>>, vector<16xf32>,
      tpu.vector_store %arg8[%swap3A_1136], %add3A_1135 {strides = array<i32>} : memref<64xf32, #tpu.memory_space<vmem>>, vector<16xf32>,
      %mul3A_1138 = arith.constant 3 : i32
      %mul3A_1139 = arith.muli %arg1, %mul3A_1138 : i32
      %add3A_1140 = arith.constant 0 : i32
      %add3A_1141 = arith.addi %add3A_1140, %mul3A_1139 : i32
      %add3A_1142 = arith.constant 2 : i32
      %add3A_1143 = arith.addi %add3A_1141, %add3A_1142 : i32
      %mul3A_1144 = arith.constant 64 : i32
      %mul3A_1145 = arith.muli %add3A_1143, %mul3A_1144 : i32
      "tpu.region"() ({
        %run_scoped3A = tpu.sem_alloc : memref<!tpu.dma_semaphore, #tpu.memory_space<semaphore_mem>>
        %dma_start3A = tpu.memref_slice %arg4[%mul3A_1145] : memref<6144xf32, #tpu.memory_space<hbm>> -> memref<64xf32, #tpu.memory_space<hbm>>
        %dma_start3A_1146 = tpu.memref_slice %arg4[%mul3A_1145] : memref<6144xf32, #tpu.memory_space<hbm>> -> memref<64xf32, #tpu.memory_space<hbm>>
        tpu.enqueue_dma source(%arg8 : memref<64xf32, #tpu.memory_space<vmem>>) target(%dma_start3A_1146 : memref<64xf32, #tpu.memory_space<hbm>>) target_semaphore(%run_scoped3A : memref<!tpu.dma_semaphore, #tpu.memory_space<semaphore_mem>>)
        %dma_wait3A = tpu.memref_slice %arg4[%mul3A_1145] : memref<6144xf32, #tpu.memory_space<hbm>> -> memref<64xf32, #tpu.memory_space<hbm>>
        %dma_wait3A_1147 = tpu.memref_slice %arg4[%mul3A_1145] : memref<6144xf32, #tpu.memory_space<hbm>> -> memref<64xf32, #tpu.memory_space<hbm>>
        tpu.wait_dma2 semaphore(%run_scoped3A : memref<!tpu.dma_semaphore, #tpu.memory_space<semaphore_mem>>) src(%arg8 : memref<64xf32, #tpu.memory_space<vmem>>) dst(%dma_wait3A_1147 : memref<64xf32, #tpu.memory_space<hbm>>)
        tpu.yield
      }) : () -> ()
    } else {
    }
    %eq3A_6 = arith.constant 1 : i32
    %eq3A_7 = arith.cmpi eq, %arg0, %eq3A_6 : i32
    %convert_element_type3A_8 = arith.extui %eq3A_7 : i1 to i32
    %cond3A_9 = arith.constant 0 : i32
    %cond3A_10 = arith.cmpi ne, %convert_element_type3A_8, %cond3A_9 : i32
    scf.if %cond3A_10 {
      %parallel_loop3A = arith.constant 0 : i32
      %parallel_loop3A_11 = arith.constant 6144 : i32
      %parallel_loop3A_12 = arith.constant 16 : i32
      scf.for %parallel_loop3A_1146 = %parallel_loop3A to %parallel_loop3A_11 step %parallel_loop3A_12  : i32 {
        %parallel_loop3A_1147 = arith.index_cast %parallel_loop3A_1146 : i32 to index
        %parallel_loop3A_1148 = tpu.vector_load %arg7[%parallel_loop3A_1147] {strides = array<i32>} : memref<6144xf32, #tpu.memory_space<vmem>>, vector<16xf32>,
        tpu.vector_store %arg7[%parallel_loop3A_1147], %broadcast_in_dim3A_2 {strides = array<i32>} : memref<6144xf32, #tpu.memory_space<vmem>>, vector<16xf32>,
      } {sc.loop_unroll_factor = 4 : i64, sc.parallel_access}
      "tpu.region"() ({
        %run_scoped3A = tpu.sem_alloc : memref<!tpu.dma_semaphore, #tpu.memory_space<semaphore_mem>>
        %run_scoped3A_1146 = tpu.sem_alloc : memref<!tpu.dma_semaphore, #tpu.memory_space<semaphore_mem>>
        %min3A = arith.constant 0 : i32
        %min3A_1147 = arith.constant 23 : i32
        %min3A_1148 = arith.minsi %min3A, %min3A_1147 : i32
        %mul3A_1149 = arith.constant 32768 : i32
        %mul3A_1150 = arith.muli %min3A_1148, %mul3A_1149 : i32
        %add3A_1151 = arith.addi %mul3A_3, %mul3A_1150 : i32
        %dma_start3A = tpu.memref_slice %arg3[%add3A_1151] : memref<12582912xf32, #tpu.memory_space<hbm>> -> memref<32768xf32, #tpu.memory_space<hbm>>
        %dma_start3A_1152 = tpu.memref_slice %arg3[%add3A_1151] : memref<12582912xf32, #tpu.memory_space<hbm>> -> memref<32768xf32, #tpu.memory_space<hbm>>
        tpu.enqueue_dma source(%dma_start3A_1152 : memref<32768xf32, #tpu.memory_space<hbm>>) target(%arg5 : memref<32768xf32, #tpu.memory_space<vmem>>) target_semaphore(%run_scoped3A : memref<!tpu.dma_semaphore, #tpu.memory_space<semaphore_mem>>)
        %scan3A = arith.constant 0 : i32
        %scan3A_1153 = arith.constant 0 : i32
        %scan3A_1154 = arith.constant 12 : i32
        %scan3A_1155 = arith.addi %scan3A_1153, %scan3A_1154 : i32
        %scan3A_1156 = arith.constant 1 : i32
        scf.for %scan3A_1159 = %scan3A_1153 to %scan3A_1155 step %scan3A_1156  : i32 {
          %mul3A_1160 = arith.constant 2 : i32
          %mul3A_1161 = arith.muli %scan3A_1159, %mul3A_1160 : i32
          %dma_wait3A_1162 = tpu.memref_slice %arg3[%mul3A_3] : memref<12582912xf32, #tpu.memory_space<hbm>> -> memref<32768xf32, #tpu.memory_space<hbm>>
          %dma_wait3A_1163 = tpu.memref_slice %arg3[%mul3A_3] : memref<12582912xf32, #tpu.memory_space<hbm>> -> memref<32768xf32, #tpu.memory_space<hbm>>
          tpu.wait_dma2 semaphore(%run_scoped3A : memref<!tpu.dma_semaphore, #tpu.memory_space<semaphore_mem>>) src(%dma_wait3A_1163 : memref<32768xf32, #tpu.memory_space<hbm>>) dst(%arg5 : memref<32768xf32, #tpu.memory_space<vmem>>)
          %add3A_1164 = arith.constant 1 : i32
          %add3A_1165 = arith.addi %mul3A_1161, %add3A_1164 : i32
          %min3A_1166 = arith.constant 23 : i32
          %min3A_1167 = arith.minsi %add3A_1165, %min3A_1166 : i32
          %mul3A_1168 = arith.constant 32768 : i32
          %mul3A_1169 = arith.muli %min3A_1167, %mul3A_1168 : i32
          %add3A_1170 = arith.addi %mul3A_3, %mul3A_1169 : i32
          %dma_start3A_1171 = tpu.memref_slice %arg3[%add3A_1170] : memref<12582912xf32, #tpu.memory_space<hbm>> -> memref<32768xf32, #tpu.memory_space<hbm>>
          %dma_start3A_1172 = tpu.memref_slice %arg3[%add3A_1170] : memref<12582912xf32, #tpu.memory_space<hbm>> -> memref<32768xf32, #tpu.memory_space<hbm>>
          tpu.enqueue_dma source(%dma_start3A_1172 : memref<32768xf32, #tpu.memory_space<hbm>>) target(%arg6 : memref<32768xf32, #tpu.memory_space<vmem>>) target_semaphore(%run_scoped3A_1146 : memref<!tpu.dma_semaphore, #tpu.memory_space<semaphore_mem>>)
          %jit3A = arith.constant 8 : i32
          %div3A = arith.divsi %mul3A_1161, %jit3A : i32
          %sign3A = arith.constant 0 : i32
          %sign3A_1173 = arith.cmpi sgt, %mul3A_1161, %sign3A : i32
          %sign3A_1174 = arith.extui %sign3A_1173 : i1 to i32
          %sign3A_1175 = arith.constant 0 : i32
          %sign3A_1176 = arith.cmpi slt, %mul3A_1161, %sign3A_1175 : i32
          %sign3A_1177 = arith.extui %sign3A_1176 : i1 to i32
          %sign3A_1178 = arith.subi %sign3A_1174, %sign3A_1177 : i32
          %sign3A_1179 = arith.constant 0 : i32
          %sign3A_1180 = arith.cmpi sgt, %jit3A, %sign3A_1179 : i32
          %sign3A_1181 = arith.extui %sign3A_1180 : i1 to i32
          %sign3A_1182 = arith.constant 0 : i32
          %sign3A_1183 = arith.cmpi slt, %jit3A, %sign3A_1182 : i32
          %sign3A_1184 = arith.extui %sign3A_1183 : i1 to i32
          %sign3A_1185 = arith.subi %sign3A_1181, %sign3A_1184 : i32
          %ne3A = arith.cmpi ne, %sign3A_1178, %sign3A_1185 : i32
          %rem3A = arith.remsi %mul3A_1161, %jit3A : i32
          %ne3A_1186 = arith.constant 0 : i32
          %ne3A_1187 = arith.cmpi ne, %rem3A, %ne3A_1186 : i32
          %and3A = arith.andi %ne3A, %ne3A_1187 : i1
          %sub3A = arith.constant 1 : i32
          %sub3A_1188 = arith.subi %div3A, %sub3A : i32
          %select_n3A = arith.select %and3A, %sub3A_1188, %div3A : i32
          %mul3A_1189 = arith.constant 2048 : i32
          %mul3A_1190 = arith.muli %select_n3A, %mul3A_1189 : i32
          %add3A_1191 = vector.broadcast %mul3A_1190 : i32 to vector<16xi32>
          %add3A_1192 = arith.addi %iota3A, %add3A_1191 : vector<16xi32>
          %parallel_loop3A_1193 = arith.constant 0 : i32
          %parallel_loop3A_1194 = arith.constant 32768 : i32
          %parallel_loop3A_1195 = arith.constant 16 : i32
          scf.for %parallel_loop3A_1240 = %parallel_loop3A_1193 to %parallel_loop3A_1194 step %parallel_loop3A_1195  : i32 {
            %parallel_loop3A_1241 = arith.index_cast %parallel_loop3A_1240 : i32 to index
            %parallel_loop3A_1242 = tpu.vector_load %arg5[%parallel_loop3A_1241] {strides = array<i32>} : memref<32768xf32, #tpu.memory_space<vmem>>, vector<16xf32>,
            %parallel_loop3A_1243 = arith.constant 1.000000e+00 : f32
            %parallel_loop3A_1244 = vector.broadcast %parallel_loop3A_1243 : f32 to vector<16xf32>
            %parallel_loop3A_1245 = arith.addf %parallel_loop3A_1242, %parallel_loop3A_1244 : vector<16xf32>
            %parallel_loop3A_1246 = arith.constant 5.120000e+02 : f32
            %parallel_loop3A_1247 = vector.broadcast %parallel_loop3A_1246 : f32 to vector<16xf32>
            %parallel_loop3A_1248 = arith.mulf %parallel_loop3A_1245, %parallel_loop3A_1247 : vector<16xf32>
            %parallel_loop3A_1249 = arith.fptosi %parallel_loop3A_1248 : vector<16xf32> to vector<16xi32>
            %parallel_loop3A_1250 = arith.constant -16 : i32
            %parallel_loop3A_1251 = vector.broadcast %parallel_loop3A_1250 : i32 to vector<16xi32>
            %parallel_loop3A_1252 = arith.andi %parallel_loop3A_1249, %parallel_loop3A_1251 : vector<16xi32>
            %parallel_loop3A_1253 = arith.addi %parallel_loop3A_1252, %add3A_1192 : vector<16xi32>
            tpu.vector_store_idx %arg7[%parallel_loop3A_1253], %broadcast_in_dim3A_0 {add = true} : memref<6144xf32, #tpu.memory_space<vmem>>[vector<16xi32>], vector<16xf32>,
          } {sc.loop_unroll_factor = 16 : i64, sc.parallel_access}
          %dma_wait3A_1196 = tpu.memref_slice %arg3[%mul3A_3] : memref<12582912xf32, #tpu.memory_space<hbm>> -> memref<32768xf32, #tpu.memory_space<hbm>>
          %dma_wait3A_1197 = tpu.memref_slice %arg3[%mul3A_3] : memref<12582912xf32, #tpu.memory_space<hbm>> -> memref<32768xf32, #tpu.memory_space<hbm>>
          tpu.wait_dma2 semaphore(%run_scoped3A_1146 : memref<!tpu.dma_semaphore, #tpu.memory_space<semaphore_mem>>) src(%dma_wait3A_1197 : memref<32768xf32, #tpu.memory_space<hbm>>) dst(%arg6 : memref<32768xf32, #tpu.memory_space<vmem>>)
          %add3A_1198 = arith.constant 2 : i32
          %add3A_1199 = arith.addi %mul3A_1161, %add3A_1198 : i32
          %min3A_1200 = arith.constant 23 : i32
          %min3A_1201 = arith.minsi %add3A_1199, %min3A_1200 : i32
          %mul3A_1202 = arith.constant 32768 : i32
          %mul3A_1203 = arith.muli %min3A_1201, %mul3A_1202 : i32
          %add3A_1204 = arith.addi %mul3A_3, %mul3A_1203 : i32
          %dma_start3A_1205 = tpu.memref_slice %arg3[%add3A_1204] : memref<12582912xf32, #tpu.memory_space<hbm>> -> memref<32768xf32, #tpu.memory_space<hbm>>
          %dma_start3A_1206 = tpu.memref_slice %arg3[%add3A_1204] : memref<12582912xf32, #tpu.memory_space<hbm>> -> memref<32768xf32, #tpu.memory_space<hbm>>
          tpu.enqueue_dma source(%dma_start3A_1206 : memref<32768xf32, #tpu.memory_space<hbm>>) target(%arg5 : memref<32768xf32, #tpu.memory_space<vmem>>) target_semaphore(%run_scoped3A : memref<!tpu.dma_semaphore, #tpu.memory_space<semaphore_mem>>)
          %add3A_1207 = arith.constant 1 : i32
          %add3A_1208 = arith.addi %mul3A_1161, %add3A_1207 : i32
          %jit3A_1209 = arith.constant 8 : i32
          %div3A_1210 = arith.divsi %add3A_1208, %jit3A_1209 : i32
          %sign3A_1211 = arith.constant 0 : i32
          %sign3A_1212 = arith.cmpi sgt, %add3A_1208, %sign3A_1211 : i32
          %sign3A_1213 = arith.extui %sign3A_1212 : i1 to i32
          %sign3A_1214 = arith.constant 0 : i32
          %sign3A_1215 = arith.cmpi slt, %add3A_1208, %sign3A_1214 : i32
          %sign3A_1216 = arith.extui %sign3A_1215 : i1 to i32
          %sign3A_1217 = arith.subi %sign3A_1213, %sign3A_1216 : i32
          %sign3A_1218 = arith.constant 0 : i32
          %sign3A_1219 = arith.cmpi sgt, %jit3A_1209, %sign3A_1218 : i32
          %sign3A_1220 = arith.extui %sign3A_1219 : i1 to i32
          %sign3A_1221 = arith.constant 0 : i32
          %sign3A_1222 = arith.cmpi slt, %jit3A_1209, %sign3A_1221 : i32
          %sign3A_1223 = arith.extui %sign3A_1222 : i1 to i32
          %sign3A_1224 = arith.subi %sign3A_1220, %sign3A_1223 : i32
          %ne3A_1225 = arith.cmpi ne, %sign3A_1217, %sign3A_1224 : i32
          %rem3A_1226 = arith.remsi %add3A_1208, %jit3A_1209 : i32
          %ne3A_1227 = arith.constant 0 : i32
          %ne3A_1228 = arith.cmpi ne, %rem3A_1226, %ne3A_1227 : i32
          %and3A_1229 = arith.andi %ne3A_1225, %ne3A_1228 : i1
          %sub3A_1230 = arith.constant 1 : i32
          %sub3A_1231 = arith.subi %div3A_1210, %sub3A_1230 : i32
          %select_n3A_1232 = arith.select %and3A_1229, %sub3A_1231, %div3A_1210 : i32
          %mul3A_1233 = arith.constant 2048 : i32
          %mul3A_1234 = arith.muli %select_n3A_1232, %mul3A_1233 : i32
          %add3A_1235 = vector.broadcast %mul3A_1234 : i32 to vector<16xi32>
          %add3A_1236 = arith.addi %iota3A, %add3A_1235 : vector<16xi32>
          %parallel_loop3A_1237 = arith.constant 0 : i32
          %parallel_loop3A_1238 = arith.constant 32768 : i32
          %parallel_loop3A_1239 = arith.constant 16 : i32
          scf.for %parallel_loop3A_1240 = %parallel_loop3A_1237 to %parallel_loop3A_1238 step %parallel_loop3A_1239  : i32 {
            %parallel_loop3A_1241 = arith.index_cast %parallel_loop3A_1240 : i32 to index
            %parallel_loop3A_1242 = tpu.vector_load %arg6[%parallel_loop3A_1241] {strides = array<i32>} : memref<32768xf32, #tpu.memory_space<vmem>>, vector<16xf32>,
            %parallel_loop3A_1243 = arith.constant 1.000000e+00 : f32
            %parallel_loop3A_1244 = vector.broadcast %parallel_loop3A_1243 : f32 to vector<16xf32>
            %parallel_loop3A_1245 = arith.addf %parallel_loop3A_1242, %parallel_loop3A_1244 : vector<16xf32>
            %parallel_loop3A_1246 = arith.constant 5.120000e+02 : f32
            %parallel_loop3A_1247 = vector.broadcast %parallel_loop3A_1246 : f32 to vector<16xf32>
            %parallel_loop3A_1248 = arith.mulf %parallel_loop3A_1245, %parallel_loop3A_1247 : vector<16xf32>
            %parallel_loop3A_1249 = arith.fptosi %parallel_loop3A_1248 : vector<16xf32> to vector<16xi32>
            %parallel_loop3A_1250 = arith.constant -16 : i32
            %parallel_loop3A_1251 = vector.broadcast %parallel_loop3A_1250 : i32 to vector<16xi32>
            %parallel_loop3A_1252 = arith.andi %parallel_loop3A_1249, %parallel_loop3A_1251 : vector<16xi32>
            %parallel_loop3A_1253 = arith.addi %parallel_loop3A_1252, %add3A_1236 : vector<16xi32>
            tpu.vector_store_idx %arg7[%parallel_loop3A_1253], %broadcast_in_dim3A_0 {add = true} : memref<6144xf32, #tpu.memory_space<vmem>>[vector<16xi32>], vector<16xf32>,
          } {sc.loop_unroll_factor = 16 : i64, sc.parallel_access}
        }
        %scan3A_1157 = arith.constant 12 : i32
        %dma_wait3A = tpu.memref_slice %arg3[%mul3A_3] : memref<12582912xf32, #tpu.memory_space<hbm>> -> memref<32768xf32, #tpu.memory_space<hbm>>
        %dma_wait3A_1158 = tpu.memref_slice %arg3[%mul3A_3] : memref<12582912xf32, #tpu.memory_space<hbm>> -> memref<32768xf32, #tpu.memory_space<hbm>>
        tpu.wait_dma2 semaphore(%run_scoped3A : memref<!tpu.dma_semaphore, #tpu.memory_space<semaphore_mem>>) src(%dma_wait3A_1158 : memref<32768xf32, #tpu.memory_space<hbm>>) dst(%arg5 : memref<32768xf32, #tpu.memory_space<vmem>>)
        tpu.yield
      }) : () -> ()
      %get3A = arith.constant 1008 : index
      %get3A_13 = tpu.vector_load %arg7[%get3A] {strides = array<i32>} : memref<6144xf32, #tpu.memory_space<vmem>>, vector<16xf32>,
      %get3A_14 = arith.constant 1024 : index
      %get3A_15 = tpu.vector_load %arg7[%get3A_14] {strides = array<i32>} : memref<6144xf32, #tpu.memory_space<vmem>>, vector<16xf32>,
      %add3A = arith.addf %get3A_13, %get3A_15 : vector<16xf32>
      %swap3A = arith.constant 1008 : index
      %swap3A_16 = tpu.vector_load %arg7[%swap3A] {strides = array<i32>} : memref<6144xf32, #tpu.memory_space<vmem>>, vector<16xf32>,
      tpu.vector_store %arg7[%swap3A], %add3A {strides = array<i32>} : memref<6144xf32, #tpu.memory_space<vmem>>, vector<16xf32>,
      %add3A_17 = arith.constant 0 : i32
      %add3A_18 = vector.broadcast %add3A_17 : i32 to vector<16xi32>
      %add3A_19 = arith.addi %add3A_18, %iota3A : vector<16xi32>
      %mul3A_20 = arith.constant 16 : i32
      %mul3A_21 = vector.broadcast %mul3A_20 : i32 to vector<16xi32>
      %mul3A_22 = arith.muli %add3A_19, %mul3A_21 : vector<16xi32>
      %add3A_23 = arith.constant 0 : i32
      %add3A_24 = vector.broadcast %add3A_23 : i32 to vector<16xi32>
      %add3A_25 = arith.addi %mul3A_22, %add3A_24 : vector<16xi32>
      %add3A_26 = arith.constant 0 : i32
      %add3A_27 = vector.broadcast %add3A_26 : i32 to vector<16xi32>
      %add3A_28 = arith.addi %add3A_25, %add3A_27 : vector<16xi32>
      %gather3A = tpu.vector_load_idx %arg7[%add3A_28] : memref<6144xf32, #tpu.memory_space<vmem>>[vector<16xi32>], vector<16xf32>,
      %add3A_29 = arith.addf %broadcast_in_dim3A_2, %gather3A : vector<16xf32>
      %add3A_30 = arith.constant 1 : i32
      %add3A_31 = vector.broadcast %add3A_30 : i32 to vector<16xi32>
      %add3A_32 = arith.addi %add3A_25, %add3A_31 : vector<16xi32>
      %gather3A_33 = tpu.vector_load_idx %arg7[%add3A_32] : memref<6144xf32, #tpu.memory_space<vmem>>[vector<16xi32>], vector<16xf32>,
      %add3A_34 = arith.addf %add3A_29, %gather3A_33 : vector<16xf32>
      %add3A_35 = arith.constant 2 : i32
      %add3A_36 = vector.broadcast %add3A_35 : i32 to vector<16xi32>
      %add3A_37 = arith.addi %add3A_25, %add3A_36 : vector<16xi32>
      %gather3A_38 = tpu.vector_load_idx %arg7[%add3A_37] : memref<6144xf32, #tpu.memory_space<vmem>>[vector<16xi32>], vector<16xf32>,
      %add3A_39 = arith.addf %add3A_34, %gather3A_38 : vector<16xf32>
      %add3A_40 = arith.constant 3 : i32
      %add3A_41 = vector.broadcast %add3A_40 : i32 to vector<16xi32>
      %add3A_42 = arith.addi %add3A_25, %add3A_41 : vector<16xi32>
      %gather3A_43 = tpu.vector_load_idx %arg7[%add3A_42] : memref<6144xf32, #tpu.memory_space<vmem>>[vector<16xi32>], vector<16xf32>,
      %add3A_44 = arith.addf %add3A_39, %gather3A_43 : vector<16xf32>
      %add3A_45 = arith.constant 4 : i32
      %add3A_46 = vector.broadcast %add3A_45 : i32 to vector<16xi32>
      %add3A_47 = arith.addi %add3A_25, %add3A_46 : vector<16xi32>
      %gather3A_48 = tpu.vector_load_idx %arg7[%add3A_47] : memref<6144xf32, #tpu.memory_space<vmem>>[vector<16xi32>], vector<16xf32>,
      %add3A_49 = arith.addf %add3A_44, %gather3A_48 : vector<16xf32>
      %add3A_50 = arith.constant 5 : i32
      %add3A_51 = vector.broadcast %add3A_50 : i32 to vector<16xi32>
      %add3A_52 = arith.addi %add3A_25, %add3A_51 : vector<16xi32>
      %gather3A_53 = tpu.vector_load_idx %arg7[%add3A_52] : memref<6144xf32, #tpu.memory_space<vmem>>[vector<16xi32>], vector<16xf32>,
      %add3A_54 = arith.addf %add3A_49, %gather3A_53 : vector<16xf32>
      %add3A_55 = arith.constant 6 : i32
      %add3A_56 = vector.broadcast %add3A_55 : i32 to vector<16xi32>
      %add3A_57 = arith.addi %add3A_25, %add3A_56 : vector<16xi32>
      %gather3A_58 = tpu.vector_load_idx %arg7[%add3A_57] : memref<6144xf32, #tpu.memory_space<vmem>>[vector<16xi32>], vector<16xf32>,
      %add3A_59 = arith.addf %add3A_54, %gather3A_58 : vector<16xf32>
      %add3A_60 = arith.constant 7 : i32
      %add3A_61 = vector.broadcast %add3A_60 : i32 to vector<16xi32>
      %add3A_62 = arith.addi %add3A_25, %add3A_61 : vector<16xi32>
      %gather3A_63 = tpu.vector_load_idx %arg7[%add3A_62] : memref<6144xf32, #tpu.memory_space<vmem>>[vector<16xi32>], vector<16xf32>,
      %add3A_64 = arith.addf %add3A_59, %gather3A_63 : vector<16xf32>
      %add3A_65 = arith.constant 8 : i32
      %add3A_66 = vector.broadcast %add3A_65 : i32 to vector<16xi32>
      %add3A_67 = arith.addi %add3A_25, %add3A_66 : vector<16xi32>
      %gather3A_68 = tpu.vector_load_idx %arg7[%add3A_67] : memref<6144xf32, #tpu.memory_space<vmem>>[vector<16xi32>], vector<16xf32>,
      %add3A_69 = arith.addf %add3A_64, %gather3A_68 : vector<16xf32>
      %add3A_70 = arith.constant 9 : i32
      %add3A_71 = vector.broadcast %add3A_70 : i32 to vector<16xi32>
      %add3A_72 = arith.addi %add3A_25, %add3A_71 : vector<16xi32>
      %gather3A_73 = tpu.vector_load_idx %arg7[%add3A_72] : memref<6144xf32, #tpu.memory_space<vmem>>[vector<16xi32>], vector<16xf32>,
      %add3A_74 = arith.addf %add3A_69, %gather3A_73 : vector<16xf32>
      %add3A_75 = arith.constant 10 : i32
      %add3A_76 = vector.broadcast %add3A_75 : i32 to vector<16xi32>
      %add3A_77 = arith.addi %add3A_25, %add3A_76 : vector<16xi32>
      %gather3A_78 = tpu.vector_load_idx %arg7[%add3A_77] : memref<6144xf32, #tpu.memory_space<vmem>>[vector<16xi32>], vector<16xf32>,
      %add3A_79 = arith.addf %add3A_74, %gather3A_78 : vector<16xf32>
      %add3A_80 = arith.constant 11 : i32
      %add3A_81 = vector.broadcast %add3A_80 : i32 to vector<16xi32>
      %add3A_82 = arith.addi %add3A_25, %add3A_81 : vector<16xi32>
      %gather3A_83 = tpu.vector_load_idx %arg7[%add3A_82] : memref<6144xf32, #tpu.memory_space<vmem>>[vector<16xi32>], vector<16xf32>,
      %add3A_84 = arith.addf %add3A_79, %gather3A_83 : vector<16xf32>
      %add3A_85 = arith.constant 12 : i32
      %add3A_86 = vector.broadcast %add3A_85 : i32 to vector<16xi32>
      %add3A_87 = arith.addi %add3A_25, %add3A_86 : vector<16xi32>
      %gather3A_88 = tpu.vector_load_idx %arg7[%add3A_87] : memref<6144xf32, #tpu.memory_space<vmem>>[vector<16xi32>], vector<16xf32>,
      %add3A_89 = arith.addf %add3A_84, %gather3A_88 : vector<16xf32>
      %add3A_90 = arith.constant 13 : i32
      %add3A_91 = vector.broadcast %add3A_90 : i32 to vector<16xi32>
      %add3A_92 = arith.addi %add3A_25, %add3A_91 : vector<16xi32>
      %gather3A_93 = tpu.vector_load_idx %arg7[%add3A_92] : memref<6144xf32, #tpu.memory_space<vmem>>[vector<16xi32>], vector<16xf32>,
      %add3A_94 = arith.addf %add3A_89, %gather3A_93 : vector<16xf32>
      %add3A_95 = arith.constant 14 : i32
      %add3A_96 = vector.broadcast %add3A_95 : i32 to vector<16xi32>
      %add3A_97 = arith.addi %add3A_25, %add3A_96 : vector<16xi32>
      %gather3A_98 = tpu.vector_load_idx %arg7[%add3A_97] : memref<6144xf32, #tpu.memory_space<vmem>>[vector<16xi32>], vector<16xf32>,
      %add3A_99 = arith.addf %add3A_94, %gather3A_98 : vector<16xf32>
      %add3A_100 = arith.constant 15 : i32
      %add3A_101 = vector.broadcast %add3A_100 : i32 to vector<16xi32>
      %add3A_102 = arith.addi %add3A_25, %add3A_101 : vector<16xi32>
      %gather3A_103 = tpu.vector_load_idx %arg7[%add3A_102] : memref<6144xf32, #tpu.memory_space<vmem>>[vector<16xi32>], vector<16xf32>,
      %add3A_104 = arith.addf %add3A_99, %gather3A_103 : vector<16xf32>
      %swap3A_105 = arith.constant 0 : index
      %swap3A_106 = tpu.vector_load %arg8[%swap3A_105] {strides = array<i32>} : memref<64xf32, #tpu.memory_space<vmem>>, vector<16xf32>,
      tpu.vector_store %arg8[%swap3A_105], %add3A_104 {strides = array<i32>} : memref<64xf32, #tpu.memory_space<vmem>>, vector<16xf32>,
      %add3A_107 = arith.constant 16 : i32
      %add3A_108 = vector.broadcast %add3A_107 : i32 to vector<16xi32>
      %add3A_109 = arith.addi %add3A_108, %iota3A : vector<16xi32>
      %mul3A_110 = arith.constant 16 : i32
      %mul3A_111 = vector.broadcast %mul3A_110 : i32 to vector<16xi32>
      %mul3A_112 = arith.muli %add3A_109, %mul3A_111 : vector<16xi32>
      %add3A_113 = arith.constant 0 : i32
      %add3A_114 = vector.broadcast %add3A_113 : i32 to vector<16xi32>
      %add3A_115 = arith.addi %mul3A_112, %add3A_114 : vector<16xi32>
      %add3A_116 = arith.constant 0 : i32
      %add3A_117 = vector.broadcast %add3A_116 : i32 to vector<16xi32>
      %add3A_118 = arith.addi %add3A_115, %add3A_117 : vector<16xi32>
      %gather3A_119 = tpu.vector_load_idx %arg7[%add3A_118] : memref<6144xf32, #tpu.memory_space<vmem>>[vector<16xi32>], vector<16xf32>,
      %add3A_120 = arith.addf %broadcast_in_dim3A_2, %gather3A_119 : vector<16xf32>
      %add3A_121 = arith.constant 1 : i32
      %add3A_122 = vector.broadcast %add3A_121 : i32 to vector<16xi32>
      %add3A_123 = arith.addi %add3A_115, %add3A_122 : vector<16xi32>
      %gather3A_124 = tpu.vector_load_idx %arg7[%add3A_123] : memref<6144xf32, #tpu.memory_space<vmem>>[vector<16xi32>], vector<16xf32>,
      %add3A_125 = arith.addf %add3A_120, %gather3A_124 : vector<16xf32>
      %add3A_126 = arith.constant 2 : i32
      %add3A_127 = vector.broadcast %add3A_126 : i32 to vector<16xi32>
      %add3A_128 = arith.addi %add3A_115, %add3A_127 : vector<16xi32>
      %gather3A_129 = tpu.vector_load_idx %arg7[%add3A_128] : memref<6144xf32, #tpu.memory_space<vmem>>[vector<16xi32>], vector<16xf32>,
      %add3A_130 = arith.addf %add3A_125, %gather3A_129 : vector<16xf32>
      %add3A_131 = arith.constant 3 : i32
      %add3A_132 = vector.broadcast %add3A_131 : i32 to vector<16xi32>
      %add3A_133 = arith.addi %add3A_115, %add3A_132 : vector<16xi32>
      %gather3A_134 = tpu.vector_load_idx %arg7[%add3A_133] : memref<6144xf32, #tpu.memory_space<vmem>>[vector<16xi32>], vector<16xf32>,
      %add3A_135 = arith.addf %add3A_130, %gather3A_134 : vector<16xf32>
      %add3A_136 = arith.constant 4 : i32
      %add3A_137 = vector.broadcast %add3A_136 : i32 to vector<16xi32>
      %add3A_138 = arith.addi %add3A_115, %add3A_137 : vector<16xi32>
      %gather3A_139 = tpu.vector_load_idx %arg7[%add3A_138] : memref<6144xf32, #tpu.memory_space<vmem>>[vector<16xi32>], vector<16xf32>,
      %add3A_140 = arith.addf %add3A_135, %gather3A_139 : vector<16xf32>
      %add3A_141 = arith.constant 5 : i32
      %add3A_142 = vector.broadcast %add3A_141 : i32 to vector<16xi32>
      %add3A_143 = arith.addi %add3A_115, %add3A_142 : vector<16xi32>
      %gather3A_144 = tpu.vector_load_idx %arg7[%add3A_143] : memref<6144xf32, #tpu.memory_space<vmem>>[vector<16xi32>], vector<16xf32>,
      %add3A_145 = arith.addf %add3A_140, %gather3A_144 : vector<16xf32>
      %add3A_146 = arith.constant 6 : i32
      %add3A_147 = vector.broadcast %add3A_146 : i32 to vector<16xi32>
      %add3A_148 = arith.addi %add3A_115, %add3A_147 : vector<16xi32>
      %gather3A_149 = tpu.vector_load_idx %arg7[%add3A_148] : memref<6144xf32, #tpu.memory_space<vmem>>[vector<16xi32>], vector<16xf32>,
      %add3A_150 = arith.addf %add3A_145, %gather3A_149 : vector<16xf32>
      %add3A_151 = arith.constant 7 : i32
      %add3A_152 = vector.broadcast %add3A_151 : i32 to vector<16xi32>
      %add3A_153 = arith.addi %add3A_115, %add3A_152 : vector<16xi32>
      %gather3A_154 = tpu.vector_load_idx %arg7[%add3A_153] : memref<6144xf32, #tpu.memory_space<vmem>>[vector<16xi32>], vector<16xf32>,
      %add3A_155 = arith.addf %add3A_150, %gather3A_154 : vector<16xf32>
      %add3A_156 = arith.constant 8 : i32
      %add3A_157 = vector.broadcast %add3A_156 : i32 to vector<16xi32>
      %add3A_158 = arith.addi %add3A_115, %add3A_157 : vector<16xi32>
      %gather3A_159 = tpu.vector_load_idx %arg7[%add3A_158] : memref<6144xf32, #tpu.memory_space<vmem>>[vector<16xi32>], vector<16xf32>,
      %add3A_160 = arith.addf %add3A_155, %gather3A_159 : vector<16xf32>
      %add3A_161 = arith.constant 9 : i32
      %add3A_162 = vector.broadcast %add3A_161 : i32 to vector<16xi32>
      %add3A_163 = arith.addi %add3A_115, %add3A_162 : vector<16xi32>
      %gather3A_164 = tpu.vector_load_idx %arg7[%add3A_163] : memref<6144xf32, #tpu.memory_space<vmem>>[vector<16xi32>], vector<16xf32>,
      %add3A_165 = arith.addf %add3A_160, %gather3A_164 : vector<16xf32>
      %add3A_166 = arith.constant 10 : i32
      %add3A_167 = vector.broadcast %add3A_166 : i32 to vector<16xi32>
      %add3A_168 = arith.addi %add3A_115, %add3A_167 : vector<16xi32>
      %gather3A_169 = tpu.vector_load_idx %arg7[%add3A_168] : memref<6144xf32, #tpu.memory_space<vmem>>[vector<16xi32>], vector<16xf32>,
      %add3A_170 = arith.addf %add3A_165, %gather3A_169 : vector<16xf32>
      %add3A_171 = arith.constant 11 : i32
      %add3A_172 = vector.broadcast %add3A_171 : i32 to vector<16xi32>
      %add3A_173 = arith.addi %add3A_115, %add3A_172 : vector<16xi32>
      %gather3A_174 = tpu.vector_load_idx %arg7[%add3A_173] : memref<6144xf32, #tpu.memory_space<vmem>>[vector<16xi32>], vector<16xf32>,
      %add3A_175 = arith.addf %add3A_170, %gather3A_174 : vector<16xf32>
      %add3A_176 = arith.constant 12 : i32
      %add3A_177 = vector.broadcast %add3A_176 : i32 to vector<16xi32>
      %add3A_178 = arith.addi %add3A_115, %add3A_177 : vector<16xi32>
      %gather3A_179 = tpu.vector_load_idx %arg7[%add3A_178] : memref<6144xf32, #tpu.memory_space<vmem>>[vector<16xi32>], vector<16xf32>,
      %add3A_180 = arith.addf %add3A_175, %gather3A_179 : vector<16xf32>
      %add3A_181 = arith.constant 13 : i32
      %add3A_182 = vector.broadcast %add3A_181 : i32 to vector<16xi32>
      %add3A_183 = arith.addi %add3A_115, %add3A_182 : vector<16xi32>
      %gather3A_184 = tpu.vector_load_idx %arg7[%add3A_183] : memref<6144xf32, #tpu.memory_space<vmem>>[vector<16xi32>], vector<16xf32>,
      %add3A_185 = arith.addf %add3A_180, %gather3A_184 : vector<16xf32>
      %add3A_186 = arith.constant 14 : i32
      %add3A_187 = vector.broadcast %add3A_186 : i32 to vector<16xi32>
      %add3A_188 = arith.addi %add3A_115, %add3A_187 : vector<16xi32>
      %gather3A_189 = tpu.vector_load_idx %arg7[%add3A_188] : memref<6144xf32, #tpu.memory_space<vmem>>[vector<16xi32>], vector<16xf32>,
      %add3A_190 = arith.addf %add3A_185, %gather3A_189 : vector<16xf32>
      %add3A_191 = arith.constant 15 : i32
      %add3A_192 = vector.broadcast %add3A_191 : i32 to vector<16xi32>
      %add3A_193 = arith.addi %add3A_115, %add3A_192 : vector<16xi32>
      %gather3A_194 = tpu.vector_load_idx %arg7[%add3A_193] : memref<6144xf32, #tpu.memory_space<vmem>>[vector<16xi32>], vector<16xf32>,
      %add3A_195 = arith.addf %add3A_190, %gather3A_194 : vector<16xf32>
      %swap3A_196 = arith.constant 16 : index
      %swap3A_197 = tpu.vector_load %arg8[%swap3A_196] {strides = array<i32>} : memref<64xf32, #tpu.memory_space<vmem>>, vector<16xf32>,
      tpu.vector_store %arg8[%swap3A_196], %add3A_195 {strides = array<i32>} : memref<64xf32, #tpu.memory_space<vmem>>, vector<16xf32>,
      %add3A_198 = arith.constant 32 : i32
      %add3A_199 = vector.broadcast %add3A_198 : i32 to vector<16xi32>
      %add3A_200 = arith.addi %add3A_199, %iota3A : vector<16xi32>
      %mul3A_201 = arith.constant 16 : i32
      %mul3A_202 = vector.broadcast %mul3A_201 : i32 to vector<16xi32>
      %mul3A_203 = arith.muli %add3A_200, %mul3A_202 : vector<16xi32>
      %add3A_204 = arith.constant 0 : i32
      %add3A_205 = vector.broadcast %add3A_204 : i32 to vector<16xi32>
      %add3A_206 = arith.addi %mul3A_203, %add3A_205 : vector<16xi32>
      %add3A_207 = arith.constant 0 : i32
      %add3A_208 = vector.broadcast %add3A_207 : i32 to vector<16xi32>
      %add3A_209 = arith.addi %add3A_206, %add3A_208 : vector<16xi32>
      %gather3A_210 = tpu.vector_load_idx %arg7[%add3A_209] : memref<6144xf32, #tpu.memory_space<vmem>>[vector<16xi32>], vector<16xf32>,
      %add3A_211 = arith.addf %broadcast_in_dim3A_2, %gather3A_210 : vector<16xf32>
      %add3A_212 = arith.constant 1 : i32
      %add3A_213 = vector.broadcast %add3A_212 : i32 to vector<16xi32>
      %add3A_214 = arith.addi %add3A_206, %add3A_213 : vector<16xi32>
      %gather3A_215 = tpu.vector_load_idx %arg7[%add3A_214] : memref<6144xf32, #tpu.memory_space<vmem>>[vector<16xi32>], vector<16xf32>,
      %add3A_216 = arith.addf %add3A_211, %gather3A_215 : vector<16xf32>
      %add3A_217 = arith.constant 2 : i32
      %add3A_218 = vector.broadcast %add3A_217 : i32 to vector<16xi32>
      %add3A_219 = arith.addi %add3A_206, %add3A_218 : vector<16xi32>
      %gather3A_220 = tpu.vector_load_idx %arg7[%add3A_219] : memref<6144xf32, #tpu.memory_space<vmem>>[vector<16xi32>], vector<16xf32>,
      %add3A_221 = arith.addf %add3A_216, %gather3A_220 : vector<16xf32>
      %add3A_222 = arith.constant 3 : i32
      %add3A_223 = vector.broadcast %add3A_222 : i32 to vector<16xi32>
      %add3A_224 = arith.addi %add3A_206, %add3A_223 : vector<16xi32>
      %gather3A_225 = tpu.vector_load_idx %arg7[%add3A_224] : memref<6144xf32, #tpu.memory_space<vmem>>[vector<16xi32>], vector<16xf32>,
      %add3A_226 = arith.addf %add3A_221, %gather3A_225 : vector<16xf32>
      %add3A_227 = arith.constant 4 : i32
      %add3A_228 = vector.broadcast %add3A_227 : i32 to vector<16xi32>
      %add3A_229 = arith.addi %add3A_206, %add3A_228 : vector<16xi32>
      %gather3A_230 = tpu.vector_load_idx %arg7[%add3A_229] : memref<6144xf32, #tpu.memory_space<vmem>>[vector<16xi32>], vector<16xf32>,
      %add3A_231 = arith.addf %add3A_226, %gather3A_230 : vector<16xf32>
      %add3A_232 = arith.constant 5 : i32
      %add3A_233 = vector.broadcast %add3A_232 : i32 to vector<16xi32>
      %add3A_234 = arith.addi %add3A_206, %add3A_233 : vector<16xi32>
      %gather3A_235 = tpu.vector_load_idx %arg7[%add3A_234] : memref<6144xf32, #tpu.memory_space<vmem>>[vector<16xi32>], vector<16xf32>,
      %add3A_236 = arith.addf %add3A_231, %gather3A_235 : vector<16xf32>
      %add3A_237 = arith.constant 6 : i32
      %add3A_238 = vector.broadcast %add3A_237 : i32 to vector<16xi32>
      %add3A_239 = arith.addi %add3A_206, %add3A_238 : vector<16xi32>
      %gather3A_240 = tpu.vector_load_idx %arg7[%add3A_239] : memref<6144xf32, #tpu.memory_space<vmem>>[vector<16xi32>], vector<16xf32>,
      %add3A_241 = arith.addf %add3A_236, %gather3A_240 : vector<16xf32>
      %add3A_242 = arith.constant 7 : i32
      %add3A_243 = vector.broadcast %add3A_242 : i32 to vector<16xi32>
      %add3A_244 = arith.addi %add3A_206, %add3A_243 : vector<16xi32>
      %gather3A_245 = tpu.vector_load_idx %arg7[%add3A_244] : memref<6144xf32, #tpu.memory_space<vmem>>[vector<16xi32>], vector<16xf32>,
      %add3A_246 = arith.addf %add3A_241, %gather3A_245 : vector<16xf32>
      %add3A_247 = arith.constant 8 : i32
      %add3A_248 = vector.broadcast %add3A_247 : i32 to vector<16xi32>
      %add3A_249 = arith.addi %add3A_206, %add3A_248 : vector<16xi32>
      %gather3A_250 = tpu.vector_load_idx %arg7[%add3A_249] : memref<6144xf32, #tpu.memory_space<vmem>>[vector<16xi32>], vector<16xf32>,
      %add3A_251 = arith.addf %add3A_246, %gather3A_250 : vector<16xf32>
      %add3A_252 = arith.constant 9 : i32
      %add3A_253 = vector.broadcast %add3A_252 : i32 to vector<16xi32>
      %add3A_254 = arith.addi %add3A_206, %add3A_253 : vector<16xi32>
      %gather3A_255 = tpu.vector_load_idx %arg7[%add3A_254] : memref<6144xf32, #tpu.memory_space<vmem>>[vector<16xi32>], vector<16xf32>,
      %add3A_256 = arith.addf %add3A_251, %gather3A_255 : vector<16xf32>
      %add3A_257 = arith.constant 10 : i32
      %add3A_258 = vector.broadcast %add3A_257 : i32 to vector<16xi32>
      %add3A_259 = arith.addi %add3A_206, %add3A_258 : vector<16xi32>
      %gather3A_260 = tpu.vector_load_idx %arg7[%add3A_259] : memref<6144xf32, #tpu.memory_space<vmem>>[vector<16xi32>], vector<16xf32>,
      %add3A_261 = arith.addf %add3A_256, %gather3A_260 : vector<16xf32>
      %add3A_262 = arith.constant 11 : i32
      %add3A_263 = vector.broadcast %add3A_262 : i32 to vector<16xi32>
      %add3A_264 = arith.addi %add3A_206, %add3A_263 : vector<16xi32>
      %gather3A_265 = tpu.vector_load_idx %arg7[%add3A_264] : memref<6144xf32, #tpu.memory_space<vmem>>[vector<16xi32>], vector<16xf32>,
      %add3A_266 = arith.addf %add3A_261, %gather3A_265 : vector<16xf32>
      %add3A_267 = arith.constant 12 : i32
      %add3A_268 = vector.broadcast %add3A_267 : i32 to vector<16xi32>
      %add3A_269 = arith.addi %add3A_206, %add3A_268 : vector<16xi32>
      %gather3A_270 = tpu.vector_load_idx %arg7[%add3A_269] : memref<6144xf32, #tpu.memory_space<vmem>>[vector<16xi32>], vector<16xf32>,
      %add3A_271 = arith.addf %add3A_266, %gather3A_270 : vector<16xf32>
      %add3A_272 = arith.constant 13 : i32
      %add3A_273 = vector.broadcast %add3A_272 : i32 to vector<16xi32>
      %add3A_274 = arith.addi %add3A_206, %add3A_273 : vector<16xi32>
      %gather3A_275 = tpu.vector_load_idx %arg7[%add3A_274] : memref<6144xf32, #tpu.memory_space<vmem>>[vector<16xi32>], vector<16xf32>,
      %add3A_276 = arith.addf %add3A_271, %gather3A_275 : vector<16xf32>
      %add3A_277 = arith.constant 14 : i32
      %add3A_278 = vector.broadcast %add3A_277 : i32 to vector<16xi32>
      %add3A_279 = arith.addi %add3A_206, %add3A_278 : vector<16xi32>
      %gather3A_280 = tpu.vector_load_idx %arg7[%add3A_279] : memref<6144xf32, #tpu.memory_space<vmem>>[vector<16xi32>], vector<16xf32>,
      %add3A_281 = arith.addf %add3A_276, %gather3A_280 : vector<16xf32>
      %add3A_282 = arith.constant 15 : i32
      %add3A_283 = vector.broadcast %add3A_282 : i32 to vector<16xi32>
      %add3A_284 = arith.addi %add3A_206, %add3A_283 : vector<16xi32>
      %gather3A_285 = tpu.vector_load_idx %arg7[%add3A_284] : memref<6144xf32, #tpu.memory_space<vmem>>[vector<16xi32>], vector<16xf32>,
      %add3A_286 = arith.addf %add3A_281, %gather3A_285 : vector<16xf32>
      %swap3A_287 = arith.constant 32 : index
      %swap3A_288 = tpu.vector_load %arg8[%swap3A_287] {strides = array<i32>} : memref<64xf32, #tpu.memory_space<vmem>>, vector<16xf32>,
      tpu.vector_store %arg8[%swap3A_287], %add3A_286 {strides = array<i32>} : memref<64xf32, #tpu.memory_space<vmem>>, vector<16xf32>,
      %add3A_289 = arith.constant 48 : i32
      %add3A_290 = vector.broadcast %add3A_289 : i32 to vector<16xi32>
      %add3A_291 = arith.addi %add3A_290, %iota3A : vector<16xi32>
      %mul3A_292 = arith.constant 16 : i32
      %mul3A_293 = vector.broadcast %mul3A_292 : i32 to vector<16xi32>
      %mul3A_294 = arith.muli %add3A_291, %mul3A_293 : vector<16xi32>
      %add3A_295 = arith.constant 0 : i32
      %add3A_296 = vector.broadcast %add3A_295 : i32 to vector<16xi32>
      %add3A_297 = arith.addi %mul3A_294, %add3A_296 : vector<16xi32>
      %add3A_298 = arith.constant 0 : i32
      %add3A_299 = vector.broadcast %add3A_298 : i32 to vector<16xi32>
      %add3A_300 = arith.addi %add3A_297, %add3A_299 : vector<16xi32>
      %gather3A_301 = tpu.vector_load_idx %arg7[%add3A_300] : memref<6144xf32, #tpu.memory_space<vmem>>[vector<16xi32>], vector<16xf32>,
      %add3A_302 = arith.addf %broadcast_in_dim3A_2, %gather3A_301 : vector<16xf32>
      %add3A_303 = arith.constant 1 : i32
      %add3A_304 = vector.broadcast %add3A_303 : i32 to vector<16xi32>
      %add3A_305 = arith.addi %add3A_297, %add3A_304 : vector<16xi32>
      %gather3A_306 = tpu.vector_load_idx %arg7[%add3A_305] : memref<6144xf32, #tpu.memory_space<vmem>>[vector<16xi32>], vector<16xf32>,
      %add3A_307 = arith.addf %add3A_302, %gather3A_306 : vector<16xf32>
      %add3A_308 = arith.constant 2 : i32
      %add3A_309 = vector.broadcast %add3A_308 : i32 to vector<16xi32>
      %add3A_310 = arith.addi %add3A_297, %add3A_309 : vector<16xi32>
      %gather3A_311 = tpu.vector_load_idx %arg7[%add3A_310] : memref<6144xf32, #tpu.memory_space<vmem>>[vector<16xi32>], vector<16xf32>,
      %add3A_312 = arith.addf %add3A_307, %gather3A_311 : vector<16xf32>
      %add3A_313 = arith.constant 3 : i32
      %add3A_314 = vector.broadcast %add3A_313 : i32 to vector<16xi32>
      %add3A_315 = arith.addi %add3A_297, %add3A_314 : vector<16xi32>
      %gather3A_316 = tpu.vector_load_idx %arg7[%add3A_315] : memref<6144xf32, #tpu.memory_space<vmem>>[vector<16xi32>], vector<16xf32>,
      %add3A_317 = arith.addf %add3A_312, %gather3A_316 : vector<16xf32>
      %add3A_318 = arith.constant 4 : i32
      %add3A_319 = vector.broadcast %add3A_318 : i32 to vector<16xi32>
      %add3A_320 = arith.addi %add3A_297, %add3A_319 : vector<16xi32>
      %gather3A_321 = tpu.vector_load_idx %arg7[%add3A_320] : memref<6144xf32, #tpu.memory_space<vmem>>[vector<16xi32>], vector<16xf32>,
      %add3A_322 = arith.addf %add3A_317, %gather3A_321 : vector<16xf32>
      %add3A_323 = arith.constant 5 : i32
      %add3A_324 = vector.broadcast %add3A_323 : i32 to vector<16xi32>
      %add3A_325 = arith.addi %add3A_297, %add3A_324 : vector<16xi32>
      %gather3A_326 = tpu.vector_load_idx %arg7[%add3A_325] : memref<6144xf32, #tpu.memory_space<vmem>>[vector<16xi32>], vector<16xf32>,
      %add3A_327 = arith.addf %add3A_322, %gather3A_326 : vector<16xf32>
      %add3A_328 = arith.constant 6 : i32
      %add3A_329 = vector.broadcast %add3A_328 : i32 to vector<16xi32>
      %add3A_330 = arith.addi %add3A_297, %add3A_329 : vector<16xi32>
      %gather3A_331 = tpu.vector_load_idx %arg7[%add3A_330] : memref<6144xf32, #tpu.memory_space<vmem>>[vector<16xi32>], vector<16xf32>,
      %add3A_332 = arith.addf %add3A_327, %gather3A_331 : vector<16xf32>
      %add3A_333 = arith.constant 7 : i32
      %add3A_334 = vector.broadcast %add3A_333 : i32 to vector<16xi32>
      %add3A_335 = arith.addi %add3A_297, %add3A_334 : vector<16xi32>
      %gather3A_336 = tpu.vector_load_idx %arg7[%add3A_335] : memref<6144xf32, #tpu.memory_space<vmem>>[vector<16xi32>], vector<16xf32>,
      %add3A_337 = arith.addf %add3A_332, %gather3A_336 : vector<16xf32>
      %add3A_338 = arith.constant 8 : i32
      %add3A_339 = vector.broadcast %add3A_338 : i32 to vector<16xi32>
      %add3A_340 = arith.addi %add3A_297, %add3A_339 : vector<16xi32>
      %gather3A_341 = tpu.vector_load_idx %arg7[%add3A_340] : memref<6144xf32, #tpu.memory_space<vmem>>[vector<16xi32>], vector<16xf32>,
      %add3A_342 = arith.addf %add3A_337, %gather3A_341 : vector<16xf32>
      %add3A_343 = arith.constant 9 : i32
      %add3A_344 = vector.broadcast %add3A_343 : i32 to vector<16xi32>
      %add3A_345 = arith.addi %add3A_297, %add3A_344 : vector<16xi32>
      %gather3A_346 = tpu.vector_load_idx %arg7[%add3A_345] : memref<6144xf32, #tpu.memory_space<vmem>>[vector<16xi32>], vector<16xf32>,
      %add3A_347 = arith.addf %add3A_342, %gather3A_346 : vector<16xf32>
      %add3A_348 = arith.constant 10 : i32
      %add3A_349 = vector.broadcast %add3A_348 : i32 to vector<16xi32>
      %add3A_350 = arith.addi %add3A_297, %add3A_349 : vector<16xi32>
      %gather3A_351 = tpu.vector_load_idx %arg7[%add3A_350] : memref<6144xf32, #tpu.memory_space<vmem>>[vector<16xi32>], vector<16xf32>,
      %add3A_352 = arith.addf %add3A_347, %gather3A_351 : vector<16xf32>
      %add3A_353 = arith.constant 11 : i32
      %add3A_354 = vector.broadcast %add3A_353 : i32 to vector<16xi32>
      %add3A_355 = arith.addi %add3A_297, %add3A_354 : vector<16xi32>
      %gather3A_356 = tpu.vector_load_idx %arg7[%add3A_355] : memref<6144xf32, #tpu.memory_space<vmem>>[vector<16xi32>], vector<16xf32>,
      %add3A_357 = arith.addf %add3A_352, %gather3A_356 : vector<16xf32>
      %add3A_358 = arith.constant 12 : i32
      %add3A_359 = vector.broadcast %add3A_358 : i32 to vector<16xi32>
      %add3A_360 = arith.addi %add3A_297, %add3A_359 : vector<16xi32>
      %gather3A_361 = tpu.vector_load_idx %arg7[%add3A_360] : memref<6144xf32, #tpu.memory_space<vmem>>[vector<16xi32>], vector<16xf32>,
      %add3A_362 = arith.addf %add3A_357, %gather3A_361 : vector<16xf32>
      %add3A_363 = arith.constant 13 : i32
      %add3A_364 = vector.broadcast %add3A_363 : i32 to vector<16xi32>
      %add3A_365 = arith.addi %add3A_297, %add3A_364 : vector<16xi32>
      %gather3A_366 = tpu.vector_load_idx %arg7[%add3A_365] : memref<6144xf32, #tpu.memory_space<vmem>>[vector<16xi32>], vector<16xf32>,
      %add3A_367 = arith.addf %add3A_362, %gather3A_366 : vector<16xf32>
      %add3A_368 = arith.constant 14 : i32
      %add3A_369 = vector.broadcast %add3A_368 : i32 to vector<16xi32>
      %add3A_370 = arith.addi %add3A_297, %add3A_369 : vector<16xi32>
      %gather3A_371 = tpu.vector_load_idx %arg7[%add3A_370] : memref<6144xf32, #tpu.memory_space<vmem>>[vector<16xi32>], vector<16xf32>,
      %add3A_372 = arith.addf %add3A_367, %gather3A_371 : vector<16xf32>
      %add3A_373 = arith.constant 15 : i32
      %add3A_374 = vector.broadcast %add3A_373 : i32 to vector<16xi32>
      %add3A_375 = arith.addi %add3A_297, %add3A_374 : vector<16xi32>
      %gather3A_376 = tpu.vector_load_idx %arg7[%add3A_375] : memref<6144xf32, #tpu.memory_space<vmem>>[vector<16xi32>], vector<16xf32>,
      %add3A_377 = arith.addf %add3A_372, %gather3A_376 : vector<16xf32>
      %swap3A_378 = arith.constant 48 : index
      %swap3A_379 = tpu.vector_load %arg8[%swap3A_378] {strides = array<i32>} : memref<64xf32, #tpu.memory_space<vmem>>, vector<16xf32>,
      tpu.vector_store %arg8[%swap3A_378], %add3A_377 {strides = array<i32>} : memref<64xf32, #tpu.memory_space<vmem>>, vector<16xf32>,
      %mul3A_380 = arith.constant 3 : i32
      %mul3A_381 = arith.muli %arg1, %mul3A_380 : i32
      %add3A_382 = arith.constant 48 : i32
      %add3A_383 = arith.addi %add3A_382, %mul3A_381 : i32
      %add3A_384 = arith.constant 0 : i32
      %add3A_385 = arith.addi %add3A_383, %add3A_384 : i32
      %mul3A_386 = arith.constant 64 : i32
      %mul3A_387 = arith.muli %add3A_385, %mul3A_386 : i32
      "tpu.region"() ({
        %run_scoped3A = tpu.sem_alloc : memref<!tpu.dma_semaphore, #tpu.memory_space<semaphore_mem>>
        %dma_start3A = tpu.memref_slice %arg4[%mul3A_387] : memref<6144xf32, #tpu.memory_space<hbm>> -> memref<64xf32, #tpu.memory_space<hbm>>
        %dma_start3A_1146 = tpu.memref_slice %arg4[%mul3A_387] : memref<6144xf32, #tpu.memory_space<hbm>> -> memref<64xf32, #tpu.memory_space<hbm>>
        tpu.enqueue_dma source(%arg8 : memref<64xf32, #tpu.memory_space<vmem>>) target(%dma_start3A_1146 : memref<64xf32, #tpu.memory_space<hbm>>) target_semaphore(%run_scoped3A : memref<!tpu.dma_semaphore, #tpu.memory_space<semaphore_mem>>)
        %dma_wait3A = tpu.memref_slice %arg4[%mul3A_387] : memref<6144xf32, #tpu.memory_space<hbm>> -> memref<64xf32, #tpu.memory_space<hbm>>
        %dma_wait3A_1147 = tpu.memref_slice %arg4[%mul3A_387] : memref<6144xf32, #tpu.memory_space<hbm>> -> memref<64xf32, #tpu.memory_space<hbm>>
        tpu.wait_dma2 semaphore(%run_scoped3A : memref<!tpu.dma_semaphore, #tpu.memory_space<semaphore_mem>>) src(%arg8 : memref<64xf32, #tpu.memory_space<vmem>>) dst(%dma_wait3A_1147 : memref<64xf32, #tpu.memory_space<hbm>>)
        tpu.yield
      }) : () -> ()
      %get3A_388 = arith.constant 3056 : index
      %get3A_389 = tpu.vector_load %arg7[%get3A_388] {strides = array<i32>} : memref<6144xf32, #tpu.memory_space<vmem>>, vector<16xf32>,
      %get3A_390 = arith.constant 3072 : index
      %get3A_391 = tpu.vector_load %arg7[%get3A_390] {strides = array<i32>} : memref<6144xf32, #tpu.memory_space<vmem>>, vector<16xf32>,
      %add3A_392 = arith.addf %get3A_389, %get3A_391 : vector<16xf32>
      %swap3A_393 = arith.constant 3056 : index
      %swap3A_394 = tpu.vector_load %arg7[%swap3A_393] {strides = array<i32>} : memref<6144xf32, #tpu.memory_space<vmem>>, vector<16xf32>,
      tpu.vector_store %arg7[%swap3A_393], %add3A_392 {strides = array<i32>} : memref<6144xf32, #tpu.memory_space<vmem>>, vector<16xf32>,
      %add3A_395 = arith.constant 0 : i32
      %add3A_396 = vector.broadcast %add3A_395 : i32 to vector<16xi32>
      %add3A_397 = arith.addi %add3A_396, %iota3A : vector<16xi32>
      %mul3A_398 = arith.constant 16 : i32
      %mul3A_399 = vector.broadcast %mul3A_398 : i32 to vector<16xi32>
      %mul3A_400 = arith.muli %add3A_397, %mul3A_399 : vector<16xi32>
      %add3A_401 = arith.constant 2048 : i32
      %add3A_402 = vector.broadcast %add3A_401 : i32 to vector<16xi32>
      %add3A_403 = arith.addi %mul3A_400, %add3A_402 : vector<16xi32>
      %add3A_404 = arith.constant 0 : i32
      %add3A_405 = vector.broadcast %add3A_404 : i32 to vector<16xi32>
      %add3A_406 = arith.addi %add3A_403, %add3A_405 : vector<16xi32>
      %gather3A_407 = tpu.vector_load_idx %arg7[%add3A_406] : memref<6144xf32, #tpu.memory_space<vmem>>[vector<16xi32>], vector<16xf32>,
      %add3A_408 = arith.addf %broadcast_in_dim3A_2, %gather3A_407 : vector<16xf32>
      %add3A_409 = arith.constant 1 : i32
      %add3A_410 = vector.broadcast %add3A_409 : i32 to vector<16xi32>
      %add3A_411 = arith.addi %add3A_403, %add3A_410 : vector<16xi32>
      %gather3A_412 = tpu.vector_load_idx %arg7[%add3A_411] : memref<6144xf32, #tpu.memory_space<vmem>>[vector<16xi32>], vector<16xf32>,
      %add3A_413 = arith.addf %add3A_408, %gather3A_412 : vector<16xf32>
      %add3A_414 = arith.constant 2 : i32
      %add3A_415 = vector.broadcast %add3A_414 : i32 to vector<16xi32>
      %add3A_416 = arith.addi %add3A_403, %add3A_415 : vector<16xi32>
      %gather3A_417 = tpu.vector_load_idx %arg7[%add3A_416] : memref<6144xf32, #tpu.memory_space<vmem>>[vector<16xi32>], vector<16xf32>,
      %add3A_418 = arith.addf %add3A_413, %gather3A_417 : vector<16xf32>
      %add3A_419 = arith.constant 3 : i32
      %add3A_420 = vector.broadcast %add3A_419 : i32 to vector<16xi32>
      %add3A_421 = arith.addi %add3A_403, %add3A_420 : vector<16xi32>
      %gather3A_422 = tpu.vector_load_idx %arg7[%add3A_421] : memref<6144xf32, #tpu.memory_space<vmem>>[vector<16xi32>], vector<16xf32>,
      %add3A_423 = arith.addf %add3A_418, %gather3A_422 : vector<16xf32>
      %add3A_424 = arith.constant 4 : i32
      %add3A_425 = vector.broadcast %add3A_424 : i32 to vector<16xi32>
      %add3A_426 = arith.addi %add3A_403, %add3A_425 : vector<16xi32>
      %gather3A_427 = tpu.vector_load_idx %arg7[%add3A_426] : memref<6144xf32, #tpu.memory_space<vmem>>[vector<16xi32>], vector<16xf32>,
      %add3A_428 = arith.addf %add3A_423, %gather3A_427 : vector<16xf32>
      %add3A_429 = arith.constant 5 : i32
      %add3A_430 = vector.broadcast %add3A_429 : i32 to vector<16xi32>
      %add3A_431 = arith.addi %add3A_403, %add3A_430 : vector<16xi32>
      %gather3A_432 = tpu.vector_load_idx %arg7[%add3A_431] : memref<6144xf32, #tpu.memory_space<vmem>>[vector<16xi32>], vector<16xf32>,
      %add3A_433 = arith.addf %add3A_428, %gather3A_432 : vector<16xf32>
      %add3A_434 = arith.constant 6 : i32
      %add3A_435 = vector.broadcast %add3A_434 : i32 to vector<16xi32>
      %add3A_436 = arith.addi %add3A_403, %add3A_435 : vector<16xi32>
      %gather3A_437 = tpu.vector_load_idx %arg7[%add3A_436] : memref<6144xf32, #tpu.memory_space<vmem>>[vector<16xi32>], vector<16xf32>,
      %add3A_438 = arith.addf %add3A_433, %gather3A_437 : vector<16xf32>
      %add3A_439 = arith.constant 7 : i32
      %add3A_440 = vector.broadcast %add3A_439 : i32 to vector<16xi32>
      %add3A_441 = arith.addi %add3A_403, %add3A_440 : vector<16xi32>
      %gather3A_442 = tpu.vector_load_idx %arg7[%add3A_441] : memref<6144xf32, #tpu.memory_space<vmem>>[vector<16xi32>], vector<16xf32>,
      %add3A_443 = arith.addf %add3A_438, %gather3A_442 : vector<16xf32>
      %add3A_444 = arith.constant 8 : i32
      %add3A_445 = vector.broadcast %add3A_444 : i32 to vector<16xi32>
      %add3A_446 = arith.addi %add3A_403, %add3A_445 : vector<16xi32>
      %gather3A_447 = tpu.vector_load_idx %arg7[%add3A_446] : memref<6144xf32, #tpu.memory_space<vmem>>[vector<16xi32>], vector<16xf32>,
      %add3A_448 = arith.addf %add3A_443, %gather3A_447 : vector<16xf32>
      %add3A_449 = arith.constant 9 : i32
      %add3A_450 = vector.broadcast %add3A_449 : i32 to vector<16xi32>
      %add3A_451 = arith.addi %add3A_403, %add3A_450 : vector<16xi32>
      %gather3A_452 = tpu.vector_load_idx %arg7[%add3A_451] : memref<6144xf32, #tpu.memory_space<vmem>>[vector<16xi32>], vector<16xf32>,
      %add3A_453 = arith.addf %add3A_448, %gather3A_452 : vector<16xf32>
      %add3A_454 = arith.constant 10 : i32
      %add3A_455 = vector.broadcast %add3A_454 : i32 to vector<16xi32>
      %add3A_456 = arith.addi %add3A_403, %add3A_455 : vector<16xi32>
      %gather3A_457 = tpu.vector_load_idx %arg7[%add3A_456] : memref<6144xf32, #tpu.memory_space<vmem>>[vector<16xi32>], vector<16xf32>,
      %add3A_458 = arith.addf %add3A_453, %gather3A_457 : vector<16xf32>
      %add3A_459 = arith.constant 11 : i32
      %add3A_460 = vector.broadcast %add3A_459 : i32 to vector<16xi32>
      %add3A_461 = arith.addi %add3A_403, %add3A_460 : vector<16xi32>
      %gather3A_462 = tpu.vector_load_idx %arg7[%add3A_461] : memref<6144xf32, #tpu.memory_space<vmem>>[vector<16xi32>], vector<16xf32>,
      %add3A_463 = arith.addf %add3A_458, %gather3A_462 : vector<16xf32>
      %add3A_464 = arith.constant 12 : i32
      %add3A_465 = vector.broadcast %add3A_464 : i32 to vector<16xi32>
      %add3A_466 = arith.addi %add3A_403, %add3A_465 : vector<16xi32>
      %gather3A_467 = tpu.vector_load_idx %arg7[%add3A_466] : memref<6144xf32, #tpu.memory_space<vmem>>[vector<16xi32>], vector<16xf32>,
      %add3A_468 = arith.addf %add3A_463, %gather3A_467 : vector<16xf32>
      %add3A_469 = arith.constant 13 : i32
      %add3A_470 = vector.broadcast %add3A_469 : i32 to vector<16xi32>
      %add3A_471 = arith.addi %add3A_403, %add3A_470 : vector<16xi32>
      %gather3A_472 = tpu.vector_load_idx %arg7[%add3A_471] : memref<6144xf32, #tpu.memory_space<vmem>>[vector<16xi32>], vector<16xf32>,
      %add3A_473 = arith.addf %add3A_468, %gather3A_472 : vector<16xf32>
      %add3A_474 = arith.constant 14 : i32
      %add3A_475 = vector.broadcast %add3A_474 : i32 to vector<16xi32>
      %add3A_476 = arith.addi %add3A_403, %add3A_475 : vector<16xi32>
      %gather3A_477 = tpu.vector_load_idx %arg7[%add3A_476] : memref<6144xf32, #tpu.memory_space<vmem>>[vector<16xi32>], vector<16xf32>,
      %add3A_478 = arith.addf %add3A_473, %gather3A_477 : vector<16xf32>
      %add3A_479 = arith.constant 15 : i32
      %add3A_480 = vector.broadcast %add3A_479 : i32 to vector<16xi32>
      %add3A_481 = arith.addi %add3A_403, %add3A_480 : vector<16xi32>
      %gather3A_482 = tpu.vector_load_idx %arg7[%add3A_481] : memref<6144xf32, #tpu.memory_space<vmem>>[vector<16xi32>], vector<16xf32>,
      %add3A_483 = arith.addf %add3A_478, %gather3A_482 : vector<16xf32>
      %swap3A_484 = arith.constant 0 : index
      %swap3A_485 = tpu.vector_load %arg8[%swap3A_484] {strides = array<i32>} : memref<64xf32, #tpu.memory_space<vmem>>, vector<16xf32>,
      tpu.vector_store %arg8[%swap3A_484], %add3A_483 {strides = array<i32>} : memref<64xf32, #tpu.memory_space<vmem>>, vector<16xf32>,
      %add3A_486 = arith.constant 16 : i32
      %add3A_487 = vector.broadcast %add3A_486 : i32 to vector<16xi32>
      %add3A_488 = arith.addi %add3A_487, %iota3A : vector<16xi32>
      %mul3A_489 = arith.constant 16 : i32
      %mul3A_490 = vector.broadcast %mul3A_489 : i32 to vector<16xi32>
      %mul3A_491 = arith.muli %add3A_488, %mul3A_490 : vector<16xi32>
      %add3A_492 = arith.constant 2048 : i32
      %add3A_493 = vector.broadcast %add3A_492 : i32 to vector<16xi32>
      %add3A_494 = arith.addi %mul3A_491, %add3A_493 : vector<16xi32>
      %add3A_495 = arith.constant 0 : i32
      %add3A_496 = vector.broadcast %add3A_495 : i32 to vector<16xi32>
      %add3A_497 = arith.addi %add3A_494, %add3A_496 : vector<16xi32>
      %gather3A_498 = tpu.vector_load_idx %arg7[%add3A_497] : memref<6144xf32, #tpu.memory_space<vmem>>[vector<16xi32>], vector<16xf32>,
      %add3A_499 = arith.addf %broadcast_in_dim3A_2, %gather3A_498 : vector<16xf32>
      %add3A_500 = arith.constant 1 : i32
      %add3A_501 = vector.broadcast %add3A_500 : i32 to vector<16xi32>
      %add3A_502 = arith.addi %add3A_494, %add3A_501 : vector<16xi32>
      %gather3A_503 = tpu.vector_load_idx %arg7[%add3A_502] : memref<6144xf32, #tpu.memory_space<vmem>>[vector<16xi32>], vector<16xf32>,
      %add3A_504 = arith.addf %add3A_499, %gather3A_503 : vector<16xf32>
      %add3A_505 = arith.constant 2 : i32
      %add3A_506 = vector.broadcast %add3A_505 : i32 to vector<16xi32>
      %add3A_507 = arith.addi %add3A_494, %add3A_506 : vector<16xi32>
      %gather3A_508 = tpu.vector_load_idx %arg7[%add3A_507] : memref<6144xf32, #tpu.memory_space<vmem>>[vector<16xi32>], vector<16xf32>,
      %add3A_509 = arith.addf %add3A_504, %gather3A_508 : vector<16xf32>
      %add3A_510 = arith.constant 3 : i32
      %add3A_511 = vector.broadcast %add3A_510 : i32 to vector<16xi32>
      %add3A_512 = arith.addi %add3A_494, %add3A_511 : vector<16xi32>
      %gather3A_513 = tpu.vector_load_idx %arg7[%add3A_512] : memref<6144xf32, #tpu.memory_space<vmem>>[vector<16xi32>], vector<16xf32>,
      %add3A_514 = arith.addf %add3A_509, %gather3A_513 : vector<16xf32>
      %add3A_515 = arith.constant 4 : i32
      %add3A_516 = vector.broadcast %add3A_515 : i32 to vector<16xi32>
      %add3A_517 = arith.addi %add3A_494, %add3A_516 : vector<16xi32>
      %gather3A_518 = tpu.vector_load_idx %arg7[%add3A_517] : memref<6144xf32, #tpu.memory_space<vmem>>[vector<16xi32>], vector<16xf32>,
      %add3A_519 = arith.addf %add3A_514, %gather3A_518 : vector<16xf32>
      %add3A_520 = arith.constant 5 : i32
      %add3A_521 = vector.broadcast %add3A_520 : i32 to vector<16xi32>
      %add3A_522 = arith.addi %add3A_494, %add3A_521 : vector<16xi32>
      %gather3A_523 = tpu.vector_load_idx %arg7[%add3A_522] : memref<6144xf32, #tpu.memory_space<vmem>>[vector<16xi32>], vector<16xf32>,
      %add3A_524 = arith.addf %add3A_519, %gather3A_523 : vector<16xf32>
      %add3A_525 = arith.constant 6 : i32
      %add3A_526 = vector.broadcast %add3A_525 : i32 to vector<16xi32>
      %add3A_527 = arith.addi %add3A_494, %add3A_526 : vector<16xi32>
      %gather3A_528 = tpu.vector_load_idx %arg7[%add3A_527] : memref<6144xf32, #tpu.memory_space<vmem>>[vector<16xi32>], vector<16xf32>,
      %add3A_529 = arith.addf %add3A_524, %gather3A_528 : vector<16xf32>
      %add3A_530 = arith.constant 7 : i32
      %add3A_531 = vector.broadcast %add3A_530 : i32 to vector<16xi32>
      %add3A_532 = arith.addi %add3A_494, %add3A_531 : vector<16xi32>
      %gather3A_533 = tpu.vector_load_idx %arg7[%add3A_532] : memref<6144xf32, #tpu.memory_space<vmem>>[vector<16xi32>], vector<16xf32>,
      %add3A_534 = arith.addf %add3A_529, %gather3A_533 : vector<16xf32>
      %add3A_535 = arith.constant 8 : i32
      %add3A_536 = vector.broadcast %add3A_535 : i32 to vector<16xi32>
      %add3A_537 = arith.addi %add3A_494, %add3A_536 : vector<16xi32>
      %gather3A_538 = tpu.vector_load_idx %arg7[%add3A_537] : memref<6144xf32, #tpu.memory_space<vmem>>[vector<16xi32>], vector<16xf32>,
      %add3A_539 = arith.addf %add3A_534, %gather3A_538 : vector<16xf32>
      %add3A_540 = arith.constant 9 : i32
      %add3A_541 = vector.broadcast %add3A_540 : i32 to vector<16xi32>
      %add3A_542 = arith.addi %add3A_494, %add3A_541 : vector<16xi32>
      %gather3A_543 = tpu.vector_load_idx %arg7[%add3A_542] : memref<6144xf32, #tpu.memory_space<vmem>>[vector<16xi32>], vector<16xf32>,
      %add3A_544 = arith.addf %add3A_539, %gather3A_543 : vector<16xf32>
      %add3A_545 = arith.constant 10 : i32
      %add3A_546 = vector.broadcast %add3A_545 : i32 to vector<16xi32>
      %add3A_547 = arith.addi %add3A_494, %add3A_546 : vector<16xi32>
      %gather3A_548 = tpu.vector_load_idx %arg7[%add3A_547] : memref<6144xf32, #tpu.memory_space<vmem>>[vector<16xi32>], vector<16xf32>,
      %add3A_549 = arith.addf %add3A_544, %gather3A_548 : vector<16xf32>
      %add3A_550 = arith.constant 11 : i32
      %add3A_551 = vector.broadcast %add3A_550 : i32 to vector<16xi32>
      %add3A_552 = arith.addi %add3A_494, %add3A_551 : vector<16xi32>
      %gather3A_553 = tpu.vector_load_idx %arg7[%add3A_552] : memref<6144xf32, #tpu.memory_space<vmem>>[vector<16xi32>], vector<16xf32>,
      %add3A_554 = arith.addf %add3A_549, %gather3A_553 : vector<16xf32>
      %add3A_555 = arith.constant 12 : i32
      %add3A_556 = vector.broadcast %add3A_555 : i32 to vector<16xi32>
      %add3A_557 = arith.addi %add3A_494, %add3A_556 : vector<16xi32>
      %gather3A_558 = tpu.vector_load_idx %arg7[%add3A_557] : memref<6144xf32, #tpu.memory_space<vmem>>[vector<16xi32>], vector<16xf32>,
      %add3A_559 = arith.addf %add3A_554, %gather3A_558 : vector<16xf32>
      %add3A_560 = arith.constant 13 : i32
      %add3A_561 = vector.broadcast %add3A_560 : i32 to vector<16xi32>
      %add3A_562 = arith.addi %add3A_494, %add3A_561 : vector<16xi32>
      %gather3A_563 = tpu.vector_load_idx %arg7[%add3A_562] : memref<6144xf32, #tpu.memory_space<vmem>>[vector<16xi32>], vector<16xf32>,
      %add3A_564 = arith.addf %add3A_559, %gather3A_563 : vector<16xf32>
      %add3A_565 = arith.constant 14 : i32
      %add3A_566 = vector.broadcast %add3A_565 : i32 to vector<16xi32>
      %add3A_567 = arith.addi %add3A_494, %add3A_566 : vector<16xi32>
      %gather3A_568 = tpu.vector_load_idx %arg7[%add3A_567] : memref<6144xf32, #tpu.memory_space<vmem>>[vector<16xi32>], vector<16xf32>,
      %add3A_569 = arith.addf %add3A_564, %gather3A_568 : vector<16xf32>
      %add3A_570 = arith.constant 15 : i32
      %add3A_571 = vector.broadcast %add3A_570 : i32 to vector<16xi32>
      %add3A_572 = arith.addi %add3A_494, %add3A_571 : vector<16xi32>
      %gather3A_573 = tpu.vector_load_idx %arg7[%add3A_572] : memref<6144xf32, #tpu.memory_space<vmem>>[vector<16xi32>], vector<16xf32>,
      %add3A_574 = arith.addf %add3A_569, %gather3A_573 : vector<16xf32>
      %swap3A_575 = arith.constant 16 : index
      %swap3A_576 = tpu.vector_load %arg8[%swap3A_575] {strides = array<i32>} : memref<64xf32, #tpu.memory_space<vmem>>, vector<16xf32>,
      tpu.vector_store %arg8[%swap3A_575], %add3A_574 {strides = array<i32>} : memref<64xf32, #tpu.memory_space<vmem>>, vector<16xf32>,
      %add3A_577 = arith.constant 32 : i32
      %add3A_578 = vector.broadcast %add3A_577 : i32 to vector<16xi32>
      %add3A_579 = arith.addi %add3A_578, %iota3A : vector<16xi32>
      %mul3A_580 = arith.constant 16 : i32
      %mul3A_581 = vector.broadcast %mul3A_580 : i32 to vector<16xi32>
      %mul3A_582 = arith.muli %add3A_579, %mul3A_581 : vector<16xi32>
      %add3A_583 = arith.constant 2048 : i32
      %add3A_584 = vector.broadcast %add3A_583 : i32 to vector<16xi32>
      %add3A_585 = arith.addi %mul3A_582, %add3A_584 : vector<16xi32>
      %add3A_586 = arith.constant 0 : i32
      %add3A_587 = vector.broadcast %add3A_586 : i32 to vector<16xi32>
      %add3A_588 = arith.addi %add3A_585, %add3A_587 : vector<16xi32>
      %gather3A_589 = tpu.vector_load_idx %arg7[%add3A_588] : memref<6144xf32, #tpu.memory_space<vmem>>[vector<16xi32>], vector<16xf32>,
      %add3A_590 = arith.addf %broadcast_in_dim3A_2, %gather3A_589 : vector<16xf32>
      %add3A_591 = arith.constant 1 : i32
      %add3A_592 = vector.broadcast %add3A_591 : i32 to vector<16xi32>
      %add3A_593 = arith.addi %add3A_585, %add3A_592 : vector<16xi32>
      %gather3A_594 = tpu.vector_load_idx %arg7[%add3A_593] : memref<6144xf32, #tpu.memory_space<vmem>>[vector<16xi32>], vector<16xf32>,
      %add3A_595 = arith.addf %add3A_590, %gather3A_594 : vector<16xf32>
      %add3A_596 = arith.constant 2 : i32
      %add3A_597 = vector.broadcast %add3A_596 : i32 to vector<16xi32>
      %add3A_598 = arith.addi %add3A_585, %add3A_597 : vector<16xi32>
      %gather3A_599 = tpu.vector_load_idx %arg7[%add3A_598] : memref<6144xf32, #tpu.memory_space<vmem>>[vector<16xi32>], vector<16xf32>,
      %add3A_600 = arith.addf %add3A_595, %gather3A_599 : vector<16xf32>
      %add3A_601 = arith.constant 3 : i32
      %add3A_602 = vector.broadcast %add3A_601 : i32 to vector<16xi32>
      %add3A_603 = arith.addi %add3A_585, %add3A_602 : vector<16xi32>
      %gather3A_604 = tpu.vector_load_idx %arg7[%add3A_603] : memref<6144xf32, #tpu.memory_space<vmem>>[vector<16xi32>], vector<16xf32>,
      %add3A_605 = arith.addf %add3A_600, %gather3A_604 : vector<16xf32>
      %add3A_606 = arith.constant 4 : i32
      %add3A_607 = vector.broadcast %add3A_606 : i32 to vector<16xi32>
      %add3A_608 = arith.addi %add3A_585, %add3A_607 : vector<16xi32>
      %gather3A_609 = tpu.vector_load_idx %arg7[%add3A_608] : memref<6144xf32, #tpu.memory_space<vmem>>[vector<16xi32>], vector<16xf32>,
      %add3A_610 = arith.addf %add3A_605, %gather3A_609 : vector<16xf32>
      %add3A_611 = arith.constant 5 : i32
      %add3A_612 = vector.broadcast %add3A_611 : i32 to vector<16xi32>
      %add3A_613 = arith.addi %add3A_585, %add3A_612 : vector<16xi32>
      %gather3A_614 = tpu.vector_load_idx %arg7[%add3A_613] : memref<6144xf32, #tpu.memory_space<vmem>>[vector<16xi32>], vector<16xf32>,
      %add3A_615 = arith.addf %add3A_610, %gather3A_614 : vector<16xf32>
      %add3A_616 = arith.constant 6 : i32
      %add3A_617 = vector.broadcast %add3A_616 : i32 to vector<16xi32>
      %add3A_618 = arith.addi %add3A_585, %add3A_617 : vector<16xi32>
      %gather3A_619 = tpu.vector_load_idx %arg7[%add3A_618] : memref<6144xf32, #tpu.memory_space<vmem>>[vector<16xi32>], vector<16xf32>,
      %add3A_620 = arith.addf %add3A_615, %gather3A_619 : vector<16xf32>
      %add3A_621 = arith.constant 7 : i32
      %add3A_622 = vector.broadcast %add3A_621 : i32 to vector<16xi32>
      %add3A_623 = arith.addi %add3A_585, %add3A_622 : vector<16xi32>
      %gather3A_624 = tpu.vector_load_idx %arg7[%add3A_623] : memref<6144xf32, #tpu.memory_space<vmem>>[vector<16xi32>], vector<16xf32>,
      %add3A_625 = arith.addf %add3A_620, %gather3A_624 : vector<16xf32>
      %add3A_626 = arith.constant 8 : i32
      %add3A_627 = vector.broadcast %add3A_626 : i32 to vector<16xi32>
      %add3A_628 = arith.addi %add3A_585, %add3A_627 : vector<16xi32>
      %gather3A_629 = tpu.vector_load_idx %arg7[%add3A_628] : memref<6144xf32, #tpu.memory_space<vmem>>[vector<16xi32>], vector<16xf32>,
      %add3A_630 = arith.addf %add3A_625, %gather3A_629 : vector<16xf32>
      %add3A_631 = arith.constant 9 : i32
      %add3A_632 = vector.broadcast %add3A_631 : i32 to vector<16xi32>
      %add3A_633 = arith.addi %add3A_585, %add3A_632 : vector<16xi32>
      %gather3A_634 = tpu.vector_load_idx %arg7[%add3A_633] : memref<6144xf32, #tpu.memory_space<vmem>>[vector<16xi32>], vector<16xf32>,
      %add3A_635 = arith.addf %add3A_630, %gather3A_634 : vector<16xf32>
      %add3A_636 = arith.constant 10 : i32
      %add3A_637 = vector.broadcast %add3A_636 : i32 to vector<16xi32>
      %add3A_638 = arith.addi %add3A_585, %add3A_637 : vector<16xi32>
      %gather3A_639 = tpu.vector_load_idx %arg7[%add3A_638] : memref<6144xf32, #tpu.memory_space<vmem>>[vector<16xi32>], vector<16xf32>,
      %add3A_640 = arith.addf %add3A_635, %gather3A_639 : vector<16xf32>
      %add3A_641 = arith.constant 11 : i32
      %add3A_642 = vector.broadcast %add3A_641 : i32 to vector<16xi32>
      %add3A_643 = arith.addi %add3A_585, %add3A_642 : vector<16xi32>
      %gather3A_644 = tpu.vector_load_idx %arg7[%add3A_643] : memref<6144xf32, #tpu.memory_space<vmem>>[vector<16xi32>], vector<16xf32>,
      %add3A_645 = arith.addf %add3A_640, %gather3A_644 : vector<16xf32>
      %add3A_646 = arith.constant 12 : i32
      %add3A_647 = vector.broadcast %add3A_646 : i32 to vector<16xi32>
      %add3A_648 = arith.addi %add3A_585, %add3A_647 : vector<16xi32>
      %gather3A_649 = tpu.vector_load_idx %arg7[%add3A_648] : memref<6144xf32, #tpu.memory_space<vmem>>[vector<16xi32>], vector<16xf32>,
      %add3A_650 = arith.addf %add3A_645, %gather3A_649 : vector<16xf32>
      %add3A_651 = arith.constant 13 : i32
      %add3A_652 = vector.broadcast %add3A_651 : i32 to vector<16xi32>
      %add3A_653 = arith.addi %add3A_585, %add3A_652 : vector<16xi32>
      %gather3A_654 = tpu.vector_load_idx %arg7[%add3A_653] : memref<6144xf32, #tpu.memory_space<vmem>>[vector<16xi32>], vector<16xf32>,
      %add3A_655 = arith.addf %add3A_650, %gather3A_654 : vector<16xf32>
      %add3A_656 = arith.constant 14 : i32
      %add3A_657 = vector.broadcast %add3A_656 : i32 to vector<16xi32>
      %add3A_658 = arith.addi %add3A_585, %add3A_657 : vector<16xi32>
      %gather3A_659 = tpu.vector_load_idx %arg7[%add3A_658] : memref<6144xf32, #tpu.memory_space<vmem>>[vector<16xi32>], vector<16xf32>,
      %add3A_660 = arith.addf %add3A_655, %gather3A_659 : vector<16xf32>
      %add3A_661 = arith.constant 15 : i32
      %add3A_662 = vector.broadcast %add3A_661 : i32 to vector<16xi32>
      %add3A_663 = arith.addi %add3A_585, %add3A_662 : vector<16xi32>
      %gather3A_664 = tpu.vector_load_idx %arg7[%add3A_663] : memref<6144xf32, #tpu.memory_space<vmem>>[vector<16xi32>], vector<16xf32>,
      %add3A_665 = arith.addf %add3A_660, %gather3A_664 : vector<16xf32>
      %swap3A_666 = arith.constant 32 : index
      %swap3A_667 = tpu.vector_load %arg8[%swap3A_666] {strides = array<i32>} : memref<64xf32, #tpu.memory_space<vmem>>, vector<16xf32>,
      tpu.vector_store %arg8[%swap3A_666], %add3A_665 {strides = array<i32>} : memref<64xf32, #tpu.memory_space<vmem>>, vector<16xf32>,
      %add3A_668 = arith.constant 48 : i32
      %add3A_669 = vector.broadcast %add3A_668 : i32 to vector<16xi32>
      %add3A_670 = arith.addi %add3A_669, %iota3A : vector<16xi32>
      %mul3A_671 = arith.constant 16 : i32
      %mul3A_672 = vector.broadcast %mul3A_671 : i32 to vector<16xi32>
      %mul3A_673 = arith.muli %add3A_670, %mul3A_672 : vector<16xi32>
      %add3A_674 = arith.constant 2048 : i32
      %add3A_675 = vector.broadcast %add3A_674 : i32 to vector<16xi32>
      %add3A_676 = arith.addi %mul3A_673, %add3A_675 : vector<16xi32>
      %add3A_677 = arith.constant 0 : i32
      %add3A_678 = vector.broadcast %add3A_677 : i32 to vector<16xi32>
      %add3A_679 = arith.addi %add3A_676, %add3A_678 : vector<16xi32>
      %gather3A_680 = tpu.vector_load_idx %arg7[%add3A_679] : memref<6144xf32, #tpu.memory_space<vmem>>[vector<16xi32>], vector<16xf32>,
      %add3A_681 = arith.addf %broadcast_in_dim3A_2, %gather3A_680 : vector<16xf32>
      %add3A_682 = arith.constant 1 : i32
      %add3A_683 = vector.broadcast %add3A_682 : i32 to vector<16xi32>
      %add3A_684 = arith.addi %add3A_676, %add3A_683 : vector<16xi32>
      %gather3A_685 = tpu.vector_load_idx %arg7[%add3A_684] : memref<6144xf32, #tpu.memory_space<vmem>>[vector<16xi32>], vector<16xf32>,
      %add3A_686 = arith.addf %add3A_681, %gather3A_685 : vector<16xf32>
      %add3A_687 = arith.constant 2 : i32
      %add3A_688 = vector.broadcast %add3A_687 : i32 to vector<16xi32>
      %add3A_689 = arith.addi %add3A_676, %add3A_688 : vector<16xi32>
      %gather3A_690 = tpu.vector_load_idx %arg7[%add3A_689] : memref<6144xf32, #tpu.memory_space<vmem>>[vector<16xi32>], vector<16xf32>,
      %add3A_691 = arith.addf %add3A_686, %gather3A_690 : vector<16xf32>
      %add3A_692 = arith.constant 3 : i32
      %add3A_693 = vector.broadcast %add3A_692 : i32 to vector<16xi32>
      %add3A_694 = arith.addi %add3A_676, %add3A_693 : vector<16xi32>
      %gather3A_695 = tpu.vector_load_idx %arg7[%add3A_694] : memref<6144xf32, #tpu.memory_space<vmem>>[vector<16xi32>], vector<16xf32>,
      %add3A_696 = arith.addf %add3A_691, %gather3A_695 : vector<16xf32>
      %add3A_697 = arith.constant 4 : i32
      %add3A_698 = vector.broadcast %add3A_697 : i32 to vector<16xi32>
      %add3A_699 = arith.addi %add3A_676, %add3A_698 : vector<16xi32>
      %gather3A_700 = tpu.vector_load_idx %arg7[%add3A_699] : memref<6144xf32, #tpu.memory_space<vmem>>[vector<16xi32>], vector<16xf32>,
      %add3A_701 = arith.addf %add3A_696, %gather3A_700 : vector<16xf32>
      %add3A_702 = arith.constant 5 : i32
      %add3A_703 = vector.broadcast %add3A_702 : i32 to vector<16xi32>
      %add3A_704 = arith.addi %add3A_676, %add3A_703 : vector<16xi32>
      %gather3A_705 = tpu.vector_load_idx %arg7[%add3A_704] : memref<6144xf32, #tpu.memory_space<vmem>>[vector<16xi32>], vector<16xf32>,
      %add3A_706 = arith.addf %add3A_701, %gather3A_705 : vector<16xf32>
      %add3A_707 = arith.constant 6 : i32
      %add3A_708 = vector.broadcast %add3A_707 : i32 to vector<16xi32>
      %add3A_709 = arith.addi %add3A_676, %add3A_708 : vector<16xi32>
      %gather3A_710 = tpu.vector_load_idx %arg7[%add3A_709] : memref<6144xf32, #tpu.memory_space<vmem>>[vector<16xi32>], vector<16xf32>,
      %add3A_711 = arith.addf %add3A_706, %gather3A_710 : vector<16xf32>
      %add3A_712 = arith.constant 7 : i32
      %add3A_713 = vector.broadcast %add3A_712 : i32 to vector<16xi32>
      %add3A_714 = arith.addi %add3A_676, %add3A_713 : vector<16xi32>
      %gather3A_715 = tpu.vector_load_idx %arg7[%add3A_714] : memref<6144xf32, #tpu.memory_space<vmem>>[vector<16xi32>], vector<16xf32>,
      %add3A_716 = arith.addf %add3A_711, %gather3A_715 : vector<16xf32>
      %add3A_717 = arith.constant 8 : i32
      %add3A_718 = vector.broadcast %add3A_717 : i32 to vector<16xi32>
      %add3A_719 = arith.addi %add3A_676, %add3A_718 : vector<16xi32>
      %gather3A_720 = tpu.vector_load_idx %arg7[%add3A_719] : memref<6144xf32, #tpu.memory_space<vmem>>[vector<16xi32>], vector<16xf32>,
      %add3A_721 = arith.addf %add3A_716, %gather3A_720 : vector<16xf32>
      %add3A_722 = arith.constant 9 : i32
      %add3A_723 = vector.broadcast %add3A_722 : i32 to vector<16xi32>
      %add3A_724 = arith.addi %add3A_676, %add3A_723 : vector<16xi32>
      %gather3A_725 = tpu.vector_load_idx %arg7[%add3A_724] : memref<6144xf32, #tpu.memory_space<vmem>>[vector<16xi32>], vector<16xf32>,
      %add3A_726 = arith.addf %add3A_721, %gather3A_725 : vector<16xf32>
      %add3A_727 = arith.constant 10 : i32
      %add3A_728 = vector.broadcast %add3A_727 : i32 to vector<16xi32>
      %add3A_729 = arith.addi %add3A_676, %add3A_728 : vector<16xi32>
      %gather3A_730 = tpu.vector_load_idx %arg7[%add3A_729] : memref<6144xf32, #tpu.memory_space<vmem>>[vector<16xi32>], vector<16xf32>,
      %add3A_731 = arith.addf %add3A_726, %gather3A_730 : vector<16xf32>
      %add3A_732 = arith.constant 11 : i32
      %add3A_733 = vector.broadcast %add3A_732 : i32 to vector<16xi32>
      %add3A_734 = arith.addi %add3A_676, %add3A_733 : vector<16xi32>
      %gather3A_735 = tpu.vector_load_idx %arg7[%add3A_734] : memref<6144xf32, #tpu.memory_space<vmem>>[vector<16xi32>], vector<16xf32>,
      %add3A_736 = arith.addf %add3A_731, %gather3A_735 : vector<16xf32>
      %add3A_737 = arith.constant 12 : i32
      %add3A_738 = vector.broadcast %add3A_737 : i32 to vector<16xi32>
      %add3A_739 = arith.addi %add3A_676, %add3A_738 : vector<16xi32>
      %gather3A_740 = tpu.vector_load_idx %arg7[%add3A_739] : memref<6144xf32, #tpu.memory_space<vmem>>[vector<16xi32>], vector<16xf32>,
      %add3A_741 = arith.addf %add3A_736, %gather3A_740 : vector<16xf32>
      %add3A_742 = arith.constant 13 : i32
      %add3A_743 = vector.broadcast %add3A_742 : i32 to vector<16xi32>
      %add3A_744 = arith.addi %add3A_676, %add3A_743 : vector<16xi32>
      %gather3A_745 = tpu.vector_load_idx %arg7[%add3A_744] : memref<6144xf32, #tpu.memory_space<vmem>>[vector<16xi32>], vector<16xf32>,
      %add3A_746 = arith.addf %add3A_741, %gather3A_745 : vector<16xf32>
      %add3A_747 = arith.constant 14 : i32
      %add3A_748 = vector.broadcast %add3A_747 : i32 to vector<16xi32>
      %add3A_749 = arith.addi %add3A_676, %add3A_748 : vector<16xi32>
      %gather3A_750 = tpu.vector_load_idx %arg7[%add3A_749] : memref<6144xf32, #tpu.memory_space<vmem>>[vector<16xi32>], vector<16xf32>,
      %add3A_751 = arith.addf %add3A_746, %gather3A_750 : vector<16xf32>
      %add3A_752 = arith.constant 15 : i32
      %add3A_753 = vector.broadcast %add3A_752 : i32 to vector<16xi32>
      %add3A_754 = arith.addi %add3A_676, %add3A_753 : vector<16xi32>
      %gather3A_755 = tpu.vector_load_idx %arg7[%add3A_754] : memref<6144xf32, #tpu.memory_space<vmem>>[vector<16xi32>], vector<16xf32>,
      %add3A_756 = arith.addf %add3A_751, %gather3A_755 : vector<16xf32>
      %swap3A_757 = arith.constant 48 : index
      %swap3A_758 = tpu.vector_load %arg8[%swap3A_757] {strides = array<i32>} : memref<64xf32, #tpu.memory_space<vmem>>, vector<16xf32>,
      tpu.vector_store %arg8[%swap3A_757], %add3A_756 {strides = array<i32>} : memref<64xf32, #tpu.memory_space<vmem>>, vector<16xf32>,
      %mul3A_759 = arith.constant 3 : i32
      %mul3A_760 = arith.muli %arg1, %mul3A_759 : i32
      %add3A_761 = arith.constant 48 : i32
      %add3A_762 = arith.addi %add3A_761, %mul3A_760 : i32
      %add3A_763 = arith.constant 1 : i32
      %add3A_764 = arith.addi %add3A_762, %add3A_763 : i32
      %mul3A_765 = arith.constant 64 : i32
      %mul3A_766 = arith.muli %add3A_764, %mul3A_765 : i32
      "tpu.region"() ({
        %run_scoped3A = tpu.sem_alloc : memref<!tpu.dma_semaphore, #tpu.memory_space<semaphore_mem>>
        %dma_start3A = tpu.memref_slice %arg4[%mul3A_766] : memref<6144xf32, #tpu.memory_space<hbm>> -> memref<64xf32, #tpu.memory_space<hbm>>
        %dma_start3A_1146 = tpu.memref_slice %arg4[%mul3A_766] : memref<6144xf32, #tpu.memory_space<hbm>> -> memref<64xf32, #tpu.memory_space<hbm>>
        tpu.enqueue_dma source(%arg8 : memref<64xf32, #tpu.memory_space<vmem>>) target(%dma_start3A_1146 : memref<64xf32, #tpu.memory_space<hbm>>) target_semaphore(%run_scoped3A : memref<!tpu.dma_semaphore, #tpu.memory_space<semaphore_mem>>)
        %dma_wait3A = tpu.memref_slice %arg4[%mul3A_766] : memref<6144xf32, #tpu.memory_space<hbm>> -> memref<64xf32, #tpu.memory_space<hbm>>
        %dma_wait3A_1147 = tpu.memref_slice %arg4[%mul3A_766] : memref<6144xf32, #tpu.memory_space<hbm>> -> memref<64xf32, #tpu.memory_space<hbm>>
        tpu.wait_dma2 semaphore(%run_scoped3A : memref<!tpu.dma_semaphore, #tpu.memory_space<semaphore_mem>>) src(%arg8 : memref<64xf32, #tpu.memory_space<vmem>>) dst(%dma_wait3A_1147 : memref<64xf32, #tpu.memory_space<hbm>>)
        tpu.yield
      }) : () -> ()
      %get3A_767 = arith.constant 5104 : index
      %get3A_768 = tpu.vector_load %arg7[%get3A_767] {strides = array<i32>} : memref<6144xf32, #tpu.memory_space<vmem>>, vector<16xf32>,
      %get3A_769 = arith.constant 5120 : index
      %get3A_770 = tpu.vector_load %arg7[%get3A_769] {strides = array<i32>} : memref<6144xf32, #tpu.memory_space<vmem>>, vector<16xf32>,
      %add3A_771 = arith.addf %get3A_768, %get3A_770 : vector<16xf32>
      %swap3A_772 = arith.constant 5104 : index
      %swap3A_773 = tpu.vector_load %arg7[%swap3A_772] {strides = array<i32>} : memref<6144xf32, #tpu.memory_space<vmem>>, vector<16xf32>,
      tpu.vector_store %arg7[%swap3A_772], %add3A_771 {strides = array<i32>} : memref<6144xf32, #tpu.memory_space<vmem>>, vector<16xf32>,
      %add3A_774 = arith.constant 0 : i32
      %add3A_775 = vector.broadcast %add3A_774 : i32 to vector<16xi32>
      %add3A_776 = arith.addi %add3A_775, %iota3A : vector<16xi32>
      %mul3A_777 = arith.constant 16 : i32
      %mul3A_778 = vector.broadcast %mul3A_777 : i32 to vector<16xi32>
      %mul3A_779 = arith.muli %add3A_776, %mul3A_778 : vector<16xi32>
      %add3A_780 = arith.constant 4096 : i32
      %add3A_781 = vector.broadcast %add3A_780 : i32 to vector<16xi32>
      %add3A_782 = arith.addi %mul3A_779, %add3A_781 : vector<16xi32>
      %add3A_783 = arith.constant 0 : i32
      %add3A_784 = vector.broadcast %add3A_783 : i32 to vector<16xi32>
      %add3A_785 = arith.addi %add3A_782, %add3A_784 : vector<16xi32>
      %gather3A_786 = tpu.vector_load_idx %arg7[%add3A_785] : memref<6144xf32, #tpu.memory_space<vmem>>[vector<16xi32>], vector<16xf32>,
      %add3A_787 = arith.addf %broadcast_in_dim3A_2, %gather3A_786 : vector<16xf32>
      %add3A_788 = arith.constant 1 : i32
      %add3A_789 = vector.broadcast %add3A_788 : i32 to vector<16xi32>
      %add3A_790 = arith.addi %add3A_782, %add3A_789 : vector<16xi32>
      %gather3A_791 = tpu.vector_load_idx %arg7[%add3A_790] : memref<6144xf32, #tpu.memory_space<vmem>>[vector<16xi32>], vector<16xf32>,
      %add3A_792 = arith.addf %add3A_787, %gather3A_791 : vector<16xf32>
      %add3A_793 = arith.constant 2 : i32
      %add3A_794 = vector.broadcast %add3A_793 : i32 to vector<16xi32>
      %add3A_795 = arith.addi %add3A_782, %add3A_794 : vector<16xi32>
      %gather3A_796 = tpu.vector_load_idx %arg7[%add3A_795] : memref<6144xf32, #tpu.memory_space<vmem>>[vector<16xi32>], vector<16xf32>,
      %add3A_797 = arith.addf %add3A_792, %gather3A_796 : vector<16xf32>
      %add3A_798 = arith.constant 3 : i32
      %add3A_799 = vector.broadcast %add3A_798 : i32 to vector<16xi32>
      %add3A_800 = arith.addi %add3A_782, %add3A_799 : vector<16xi32>
      %gather3A_801 = tpu.vector_load_idx %arg7[%add3A_800] : memref<6144xf32, #tpu.memory_space<vmem>>[vector<16xi32>], vector<16xf32>,
      %add3A_802 = arith.addf %add3A_797, %gather3A_801 : vector<16xf32>
      %add3A_803 = arith.constant 4 : i32
      %add3A_804 = vector.broadcast %add3A_803 : i32 to vector<16xi32>
      %add3A_805 = arith.addi %add3A_782, %add3A_804 : vector<16xi32>
      %gather3A_806 = tpu.vector_load_idx %arg7[%add3A_805] : memref<6144xf32, #tpu.memory_space<vmem>>[vector<16xi32>], vector<16xf32>,
      %add3A_807 = arith.addf %add3A_802, %gather3A_806 : vector<16xf32>
      %add3A_808 = arith.constant 5 : i32
      %add3A_809 = vector.broadcast %add3A_808 : i32 to vector<16xi32>
      %add3A_810 = arith.addi %add3A_782, %add3A_809 : vector<16xi32>
      %gather3A_811 = tpu.vector_load_idx %arg7[%add3A_810] : memref<6144xf32, #tpu.memory_space<vmem>>[vector<16xi32>], vector<16xf32>,
      %add3A_812 = arith.addf %add3A_807, %gather3A_811 : vector<16xf32>
      %add3A_813 = arith.constant 6 : i32
      %add3A_814 = vector.broadcast %add3A_813 : i32 to vector<16xi32>
      %add3A_815 = arith.addi %add3A_782, %add3A_814 : vector<16xi32>
      %gather3A_816 = tpu.vector_load_idx %arg7[%add3A_815] : memref<6144xf32, #tpu.memory_space<vmem>>[vector<16xi32>], vector<16xf32>,
      %add3A_817 = arith.addf %add3A_812, %gather3A_816 : vector<16xf32>
      %add3A_818 = arith.constant 7 : i32
      %add3A_819 = vector.broadcast %add3A_818 : i32 to vector<16xi32>
      %add3A_820 = arith.addi %add3A_782, %add3A_819 : vector<16xi32>
      %gather3A_821 = tpu.vector_load_idx %arg7[%add3A_820] : memref<6144xf32, #tpu.memory_space<vmem>>[vector<16xi32>], vector<16xf32>,
      %add3A_822 = arith.addf %add3A_817, %gather3A_821 : vector<16xf32>
      %add3A_823 = arith.constant 8 : i32
      %add3A_824 = vector.broadcast %add3A_823 : i32 to vector<16xi32>
      %add3A_825 = arith.addi %add3A_782, %add3A_824 : vector<16xi32>
      %gather3A_826 = tpu.vector_load_idx %arg7[%add3A_825] : memref<6144xf32, #tpu.memory_space<vmem>>[vector<16xi32>], vector<16xf32>,
      %add3A_827 = arith.addf %add3A_822, %gather3A_826 : vector<16xf32>
      %add3A_828 = arith.constant 9 : i32
      %add3A_829 = vector.broadcast %add3A_828 : i32 to vector<16xi32>
      %add3A_830 = arith.addi %add3A_782, %add3A_829 : vector<16xi32>
      %gather3A_831 = tpu.vector_load_idx %arg7[%add3A_830] : memref<6144xf32, #tpu.memory_space<vmem>>[vector<16xi32>], vector<16xf32>,
      %add3A_832 = arith.addf %add3A_827, %gather3A_831 : vector<16xf32>
      %add3A_833 = arith.constant 10 : i32
      %add3A_834 = vector.broadcast %add3A_833 : i32 to vector<16xi32>
      %add3A_835 = arith.addi %add3A_782, %add3A_834 : vector<16xi32>
      %gather3A_836 = tpu.vector_load_idx %arg7[%add3A_835] : memref<6144xf32, #tpu.memory_space<vmem>>[vector<16xi32>], vector<16xf32>,
      %add3A_837 = arith.addf %add3A_832, %gather3A_836 : vector<16xf32>
      %add3A_838 = arith.constant 11 : i32
      %add3A_839 = vector.broadcast %add3A_838 : i32 to vector<16xi32>
      %add3A_840 = arith.addi %add3A_782, %add3A_839 : vector<16xi32>
      %gather3A_841 = tpu.vector_load_idx %arg7[%add3A_840] : memref<6144xf32, #tpu.memory_space<vmem>>[vector<16xi32>], vector<16xf32>,
      %add3A_842 = arith.addf %add3A_837, %gather3A_841 : vector<16xf32>
      %add3A_843 = arith.constant 12 : i32
      %add3A_844 = vector.broadcast %add3A_843 : i32 to vector<16xi32>
      %add3A_845 = arith.addi %add3A_782, %add3A_844 : vector<16xi32>
      %gather3A_846 = tpu.vector_load_idx %arg7[%add3A_845] : memref<6144xf32, #tpu.memory_space<vmem>>[vector<16xi32>], vector<16xf32>,
      %add3A_847 = arith.addf %add3A_842, %gather3A_846 : vector<16xf32>
      %add3A_848 = arith.constant 13 : i32
      %add3A_849 = vector.broadcast %add3A_848 : i32 to vector<16xi32>
      %add3A_850 = arith.addi %add3A_782, %add3A_849 : vector<16xi32>
      %gather3A_851 = tpu.vector_load_idx %arg7[%add3A_850] : memref<6144xf32, #tpu.memory_space<vmem>>[vector<16xi32>], vector<16xf32>,
      %add3A_852 = arith.addf %add3A_847, %gather3A_851 : vector<16xf32>
      %add3A_853 = arith.constant 14 : i32
      %add3A_854 = vector.broadcast %add3A_853 : i32 to vector<16xi32>
      %add3A_855 = arith.addi %add3A_782, %add3A_854 : vector<16xi32>
      %gather3A_856 = tpu.vector_load_idx %arg7[%add3A_855] : memref<6144xf32, #tpu.memory_space<vmem>>[vector<16xi32>], vector<16xf32>,
      %add3A_857 = arith.addf %add3A_852, %gather3A_856 : vector<16xf32>
      %add3A_858 = arith.constant 15 : i32
      %add3A_859 = vector.broadcast %add3A_858 : i32 to vector<16xi32>
      %add3A_860 = arith.addi %add3A_782, %add3A_859 : vector<16xi32>
      %gather3A_861 = tpu.vector_load_idx %arg7[%add3A_860] : memref<6144xf32, #tpu.memory_space<vmem>>[vector<16xi32>], vector<16xf32>,
      %add3A_862 = arith.addf %add3A_857, %gather3A_861 : vector<16xf32>
      %swap3A_863 = arith.constant 0 : index
      %swap3A_864 = tpu.vector_load %arg8[%swap3A_863] {strides = array<i32>} : memref<64xf32, #tpu.memory_space<vmem>>, vector<16xf32>,
      tpu.vector_store %arg8[%swap3A_863], %add3A_862 {strides = array<i32>} : memref<64xf32, #tpu.memory_space<vmem>>, vector<16xf32>,
      %add3A_865 = arith.constant 16 : i32
      %add3A_866 = vector.broadcast %add3A_865 : i32 to vector<16xi32>
      %add3A_867 = arith.addi %add3A_866, %iota3A : vector<16xi32>
      %mul3A_868 = arith.constant 16 : i32
      %mul3A_869 = vector.broadcast %mul3A_868 : i32 to vector<16xi32>
      %mul3A_870 = arith.muli %add3A_867, %mul3A_869 : vector<16xi32>
      %add3A_871 = arith.constant 4096 : i32
      %add3A_872 = vector.broadcast %add3A_871 : i32 to vector<16xi32>
      %add3A_873 = arith.addi %mul3A_870, %add3A_872 : vector<16xi32>
      %add3A_874 = arith.constant 0 : i32
      %add3A_875 = vector.broadcast %add3A_874 : i32 to vector<16xi32>
      %add3A_876 = arith.addi %add3A_873, %add3A_875 : vector<16xi32>
      %gather3A_877 = tpu.vector_load_idx %arg7[%add3A_876] : memref<6144xf32, #tpu.memory_space<vmem>>[vector<16xi32>], vector<16xf32>,
      %add3A_878 = arith.addf %broadcast_in_dim3A_2, %gather3A_877 : vector<16xf32>
      %add3A_879 = arith.constant 1 : i32
      %add3A_880 = vector.broadcast %add3A_879 : i32 to vector<16xi32>
      %add3A_881 = arith.addi %add3A_873, %add3A_880 : vector<16xi32>
      %gather3A_882 = tpu.vector_load_idx %arg7[%add3A_881] : memref<6144xf32, #tpu.memory_space<vmem>>[vector<16xi32>], vector<16xf32>,
      %add3A_883 = arith.addf %add3A_878, %gather3A_882 : vector<16xf32>
      %add3A_884 = arith.constant 2 : i32
      %add3A_885 = vector.broadcast %add3A_884 : i32 to vector<16xi32>
      %add3A_886 = arith.addi %add3A_873, %add3A_885 : vector<16xi32>
      %gather3A_887 = tpu.vector_load_idx %arg7[%add3A_886] : memref<6144xf32, #tpu.memory_space<vmem>>[vector<16xi32>], vector<16xf32>,
      %add3A_888 = arith.addf %add3A_883, %gather3A_887 : vector<16xf32>
      %add3A_889 = arith.constant 3 : i32
      %add3A_890 = vector.broadcast %add3A_889 : i32 to vector<16xi32>
      %add3A_891 = arith.addi %add3A_873, %add3A_890 : vector<16xi32>
      %gather3A_892 = tpu.vector_load_idx %arg7[%add3A_891] : memref<6144xf32, #tpu.memory_space<vmem>>[vector<16xi32>], vector<16xf32>,
      %add3A_893 = arith.addf %add3A_888, %gather3A_892 : vector<16xf32>
      %add3A_894 = arith.constant 4 : i32
      %add3A_895 = vector.broadcast %add3A_894 : i32 to vector<16xi32>
      %add3A_896 = arith.addi %add3A_873, %add3A_895 : vector<16xi32>
      %gather3A_897 = tpu.vector_load_idx %arg7[%add3A_896] : memref<6144xf32, #tpu.memory_space<vmem>>[vector<16xi32>], vector<16xf32>,
      %add3A_898 = arith.addf %add3A_893, %gather3A_897 : vector<16xf32>
      %add3A_899 = arith.constant 5 : i32
      %add3A_900 = vector.broadcast %add3A_899 : i32 to vector<16xi32>
      %add3A_901 = arith.addi %add3A_873, %add3A_900 : vector<16xi32>
      %gather3A_902 = tpu.vector_load_idx %arg7[%add3A_901] : memref<6144xf32, #tpu.memory_space<vmem>>[vector<16xi32>], vector<16xf32>,
      %add3A_903 = arith.addf %add3A_898, %gather3A_902 : vector<16xf32>
      %add3A_904 = arith.constant 6 : i32
      %add3A_905 = vector.broadcast %add3A_904 : i32 to vector<16xi32>
      %add3A_906 = arith.addi %add3A_873, %add3A_905 : vector<16xi32>
      %gather3A_907 = tpu.vector_load_idx %arg7[%add3A_906] : memref<6144xf32, #tpu.memory_space<vmem>>[vector<16xi32>], vector<16xf32>,
      %add3A_908 = arith.addf %add3A_903, %gather3A_907 : vector<16xf32>
      %add3A_909 = arith.constant 7 : i32
      %add3A_910 = vector.broadcast %add3A_909 : i32 to vector<16xi32>
      %add3A_911 = arith.addi %add3A_873, %add3A_910 : vector<16xi32>
      %gather3A_912 = tpu.vector_load_idx %arg7[%add3A_911] : memref<6144xf32, #tpu.memory_space<vmem>>[vector<16xi32>], vector<16xf32>,
      %add3A_913 = arith.addf %add3A_908, %gather3A_912 : vector<16xf32>
      %add3A_914 = arith.constant 8 : i32
      %add3A_915 = vector.broadcast %add3A_914 : i32 to vector<16xi32>
      %add3A_916 = arith.addi %add3A_873, %add3A_915 : vector<16xi32>
      %gather3A_917 = tpu.vector_load_idx %arg7[%add3A_916] : memref<6144xf32, #tpu.memory_space<vmem>>[vector<16xi32>], vector<16xf32>,
      %add3A_918 = arith.addf %add3A_913, %gather3A_917 : vector<16xf32>
      %add3A_919 = arith.constant 9 : i32
      %add3A_920 = vector.broadcast %add3A_919 : i32 to vector<16xi32>
      %add3A_921 = arith.addi %add3A_873, %add3A_920 : vector<16xi32>
      %gather3A_922 = tpu.vector_load_idx %arg7[%add3A_921] : memref<6144xf32, #tpu.memory_space<vmem>>[vector<16xi32>], vector<16xf32>,
      %add3A_923 = arith.addf %add3A_918, %gather3A_922 : vector<16xf32>
      %add3A_924 = arith.constant 10 : i32
      %add3A_925 = vector.broadcast %add3A_924 : i32 to vector<16xi32>
      %add3A_926 = arith.addi %add3A_873, %add3A_925 : vector<16xi32>
      %gather3A_927 = tpu.vector_load_idx %arg7[%add3A_926] : memref<6144xf32, #tpu.memory_space<vmem>>[vector<16xi32>], vector<16xf32>,
      %add3A_928 = arith.addf %add3A_923, %gather3A_927 : vector<16xf32>
      %add3A_929 = arith.constant 11 : i32
      %add3A_930 = vector.broadcast %add3A_929 : i32 to vector<16xi32>
      %add3A_931 = arith.addi %add3A_873, %add3A_930 : vector<16xi32>
      %gather3A_932 = tpu.vector_load_idx %arg7[%add3A_931] : memref<6144xf32, #tpu.memory_space<vmem>>[vector<16xi32>], vector<16xf32>,
      %add3A_933 = arith.addf %add3A_928, %gather3A_932 : vector<16xf32>
      %add3A_934 = arith.constant 12 : i32
      %add3A_935 = vector.broadcast %add3A_934 : i32 to vector<16xi32>
      %add3A_936 = arith.addi %add3A_873, %add3A_935 : vector<16xi32>
      %gather3A_937 = tpu.vector_load_idx %arg7[%add3A_936] : memref<6144xf32, #tpu.memory_space<vmem>>[vector<16xi32>], vector<16xf32>,
      %add3A_938 = arith.addf %add3A_933, %gather3A_937 : vector<16xf32>
      %add3A_939 = arith.constant 13 : i32
      %add3A_940 = vector.broadcast %add3A_939 : i32 to vector<16xi32>
      %add3A_941 = arith.addi %add3A_873, %add3A_940 : vector<16xi32>
      %gather3A_942 = tpu.vector_load_idx %arg7[%add3A_941] : memref<6144xf32, #tpu.memory_space<vmem>>[vector<16xi32>], vector<16xf32>,
      %add3A_943 = arith.addf %add3A_938, %gather3A_942 : vector<16xf32>
      %add3A_944 = arith.constant 14 : i32
      %add3A_945 = vector.broadcast %add3A_944 : i32 to vector<16xi32>
      %add3A_946 = arith.addi %add3A_873, %add3A_945 : vector<16xi32>
      %gather3A_947 = tpu.vector_load_idx %arg7[%add3A_946] : memref<6144xf32, #tpu.memory_space<vmem>>[vector<16xi32>], vector<16xf32>,
      %add3A_948 = arith.addf %add3A_943, %gather3A_947 : vector<16xf32>
      %add3A_949 = arith.constant 15 : i32
      %add3A_950 = vector.broadcast %add3A_949 : i32 to vector<16xi32>
      %add3A_951 = arith.addi %add3A_873, %add3A_950 : vector<16xi32>
      %gather3A_952 = tpu.vector_load_idx %arg7[%add3A_951] : memref<6144xf32, #tpu.memory_space<vmem>>[vector<16xi32>], vector<16xf32>,
      %add3A_953 = arith.addf %add3A_948, %gather3A_952 : vector<16xf32>
      %swap3A_954 = arith.constant 16 : index
      %swap3A_955 = tpu.vector_load %arg8[%swap3A_954] {strides = array<i32>} : memref<64xf32, #tpu.memory_space<vmem>>, vector<16xf32>,
      tpu.vector_store %arg8[%swap3A_954], %add3A_953 {strides = array<i32>} : memref<64xf32, #tpu.memory_space<vmem>>, vector<16xf32>,
      %add3A_956 = arith.constant 32 : i32
      %add3A_957 = vector.broadcast %add3A_956 : i32 to vector<16xi32>
      %add3A_958 = arith.addi %add3A_957, %iota3A : vector<16xi32>
      %mul3A_959 = arith.constant 16 : i32
      %mul3A_960 = vector.broadcast %mul3A_959 : i32 to vector<16xi32>
      %mul3A_961 = arith.muli %add3A_958, %mul3A_960 : vector<16xi32>
      %add3A_962 = arith.constant 4096 : i32
      %add3A_963 = vector.broadcast %add3A_962 : i32 to vector<16xi32>
      %add3A_964 = arith.addi %mul3A_961, %add3A_963 : vector<16xi32>
      %add3A_965 = arith.constant 0 : i32
      %add3A_966 = vector.broadcast %add3A_965 : i32 to vector<16xi32>
      %add3A_967 = arith.addi %add3A_964, %add3A_966 : vector<16xi32>
      %gather3A_968 = tpu.vector_load_idx %arg7[%add3A_967] : memref<6144xf32, #tpu.memory_space<vmem>>[vector<16xi32>], vector<16xf32>,
      %add3A_969 = arith.addf %broadcast_in_dim3A_2, %gather3A_968 : vector<16xf32>
      %add3A_970 = arith.constant 1 : i32
      %add3A_971 = vector.broadcast %add3A_970 : i32 to vector<16xi32>
      %add3A_972 = arith.addi %add3A_964, %add3A_971 : vector<16xi32>
      %gather3A_973 = tpu.vector_load_idx %arg7[%add3A_972] : memref<6144xf32, #tpu.memory_space<vmem>>[vector<16xi32>], vector<16xf32>,
      %add3A_974 = arith.addf %add3A_969, %gather3A_973 : vector<16xf32>
      %add3A_975 = arith.constant 2 : i32
      %add3A_976 = vector.broadcast %add3A_975 : i32 to vector<16xi32>
      %add3A_977 = arith.addi %add3A_964, %add3A_976 : vector<16xi32>
      %gather3A_978 = tpu.vector_load_idx %arg7[%add3A_977] : memref<6144xf32, #tpu.memory_space<vmem>>[vector<16xi32>], vector<16xf32>,
      %add3A_979 = arith.addf %add3A_974, %gather3A_978 : vector<16xf32>
      %add3A_980 = arith.constant 3 : i32
      %add3A_981 = vector.broadcast %add3A_980 : i32 to vector<16xi32>
      %add3A_982 = arith.addi %add3A_964, %add3A_981 : vector<16xi32>
      %gather3A_983 = tpu.vector_load_idx %arg7[%add3A_982] : memref<6144xf32, #tpu.memory_space<vmem>>[vector<16xi32>], vector<16xf32>,
      %add3A_984 = arith.addf %add3A_979, %gather3A_983 : vector<16xf32>
      %add3A_985 = arith.constant 4 : i32
      %add3A_986 = vector.broadcast %add3A_985 : i32 to vector<16xi32>
      %add3A_987 = arith.addi %add3A_964, %add3A_986 : vector<16xi32>
      %gather3A_988 = tpu.vector_load_idx %arg7[%add3A_987] : memref<6144xf32, #tpu.memory_space<vmem>>[vector<16xi32>], vector<16xf32>,
      %add3A_989 = arith.addf %add3A_984, %gather3A_988 : vector<16xf32>
      %add3A_990 = arith.constant 5 : i32
      %add3A_991 = vector.broadcast %add3A_990 : i32 to vector<16xi32>
      %add3A_992 = arith.addi %add3A_964, %add3A_991 : vector<16xi32>
      %gather3A_993 = tpu.vector_load_idx %arg7[%add3A_992] : memref<6144xf32, #tpu.memory_space<vmem>>[vector<16xi32>], vector<16xf32>,
      %add3A_994 = arith.addf %add3A_989, %gather3A_993 : vector<16xf32>
      %add3A_995 = arith.constant 6 : i32
      %add3A_996 = vector.broadcast %add3A_995 : i32 to vector<16xi32>
      %add3A_997 = arith.addi %add3A_964, %add3A_996 : vector<16xi32>
      %gather3A_998 = tpu.vector_load_idx %arg7[%add3A_997] : memref<6144xf32, #tpu.memory_space<vmem>>[vector<16xi32>], vector<16xf32>,
      %add3A_999 = arith.addf %add3A_994, %gather3A_998 : vector<16xf32>
      %add3A_1000 = arith.constant 7 : i32
      %add3A_1001 = vector.broadcast %add3A_1000 : i32 to vector<16xi32>
      %add3A_1002 = arith.addi %add3A_964, %add3A_1001 : vector<16xi32>
      %gather3A_1003 = tpu.vector_load_idx %arg7[%add3A_1002] : memref<6144xf32, #tpu.memory_space<vmem>>[vector<16xi32>], vector<16xf32>,
      %add3A_1004 = arith.addf %add3A_999, %gather3A_1003 : vector<16xf32>
      %add3A_1005 = arith.constant 8 : i32
      %add3A_1006 = vector.broadcast %add3A_1005 : i32 to vector<16xi32>
      %add3A_1007 = arith.addi %add3A_964, %add3A_1006 : vector<16xi32>
      %gather3A_1008 = tpu.vector_load_idx %arg7[%add3A_1007] : memref<6144xf32, #tpu.memory_space<vmem>>[vector<16xi32>], vector<16xf32>,
      %add3A_1009 = arith.addf %add3A_1004, %gather3A_1008 : vector<16xf32>
      %add3A_1010 = arith.constant 9 : i32
      %add3A_1011 = vector.broadcast %add3A_1010 : i32 to vector<16xi32>
      %add3A_1012 = arith.addi %add3A_964, %add3A_1011 : vector<16xi32>
      %gather3A_1013 = tpu.vector_load_idx %arg7[%add3A_1012] : memref<6144xf32, #tpu.memory_space<vmem>>[vector<16xi32>], vector<16xf32>,
      %add3A_1014 = arith.addf %add3A_1009, %gather3A_1013 : vector<16xf32>
      %add3A_1015 = arith.constant 10 : i32
      %add3A_1016 = vector.broadcast %add3A_1015 : i32 to vector<16xi32>
      %add3A_1017 = arith.addi %add3A_964, %add3A_1016 : vector<16xi32>
      %gather3A_1018 = tpu.vector_load_idx %arg7[%add3A_1017] : memref<6144xf32, #tpu.memory_space<vmem>>[vector<16xi32>], vector<16xf32>,
      %add3A_1019 = arith.addf %add3A_1014, %gather3A_1018 : vector<16xf32>
      %add3A_1020 = arith.constant 11 : i32
      %add3A_1021 = vector.broadcast %add3A_1020 : i32 to vector<16xi32>
      %add3A_1022 = arith.addi %add3A_964, %add3A_1021 : vector<16xi32>
      %gather3A_1023 = tpu.vector_load_idx %arg7[%add3A_1022] : memref<6144xf32, #tpu.memory_space<vmem>>[vector<16xi32>], vector<16xf32>,
      %add3A_1024 = arith.addf %add3A_1019, %gather3A_1023 : vector<16xf32>
      %add3A_1025 = arith.constant 12 : i32
      %add3A_1026 = vector.broadcast %add3A_1025 : i32 to vector<16xi32>
      %add3A_1027 = arith.addi %add3A_964, %add3A_1026 : vector<16xi32>
      %gather3A_1028 = tpu.vector_load_idx %arg7[%add3A_1027] : memref<6144xf32, #tpu.memory_space<vmem>>[vector<16xi32>], vector<16xf32>,
      %add3A_1029 = arith.addf %add3A_1024, %gather3A_1028 : vector<16xf32>
      %add3A_1030 = arith.constant 13 : i32
      %add3A_1031 = vector.broadcast %add3A_1030 : i32 to vector<16xi32>
      %add3A_1032 = arith.addi %add3A_964, %add3A_1031 : vector<16xi32>
      %gather3A_1033 = tpu.vector_load_idx %arg7[%add3A_1032] : memref<6144xf32, #tpu.memory_space<vmem>>[vector<16xi32>], vector<16xf32>,
      %add3A_1034 = arith.addf %add3A_1029, %gather3A_1033 : vector<16xf32>
      %add3A_1035 = arith.constant 14 : i32
      %add3A_1036 = vector.broadcast %add3A_1035 : i32 to vector<16xi32>
      %add3A_1037 = arith.addi %add3A_964, %add3A_1036 : vector<16xi32>
      %gather3A_1038 = tpu.vector_load_idx %arg7[%add3A_1037] : memref<6144xf32, #tpu.memory_space<vmem>>[vector<16xi32>], vector<16xf32>,
      %add3A_1039 = arith.addf %add3A_1034, %gather3A_1038 : vector<16xf32>
      %add3A_1040 = arith.constant 15 : i32
      %add3A_1041 = vector.broadcast %add3A_1040 : i32 to vector<16xi32>
      %add3A_1042 = arith.addi %add3A_964, %add3A_1041 : vector<16xi32>
      %gather3A_1043 = tpu.vector_load_idx %arg7[%add3A_1042] : memref<6144xf32, #tpu.memory_space<vmem>>[vector<16xi32>], vector<16xf32>,
      %add3A_1044 = arith.addf %add3A_1039, %gather3A_1043 : vector<16xf32>
      %swap3A_1045 = arith.constant 32 : index
      %swap3A_1046 = tpu.vector_load %arg8[%swap3A_1045] {strides = array<i32>} : memref<64xf32, #tpu.memory_space<vmem>>, vector<16xf32>,
      tpu.vector_store %arg8[%swap3A_1045], %add3A_1044 {strides = array<i32>} : memref<64xf32, #tpu.memory_space<vmem>>, vector<16xf32>,
      %add3A_1047 = arith.constant 48 : i32
      %add3A_1048 = vector.broadcast %add3A_1047 : i32 to vector<16xi32>
      %add3A_1049 = arith.addi %add3A_1048, %iota3A : vector<16xi32>
      %mul3A_1050 = arith.constant 16 : i32
      %mul3A_1051 = vector.broadcast %mul3A_1050 : i32 to vector<16xi32>
      %mul3A_1052 = arith.muli %add3A_1049, %mul3A_1051 : vector<16xi32>
      %add3A_1053 = arith.constant 4096 : i32
      %add3A_1054 = vector.broadcast %add3A_1053 : i32 to vector<16xi32>
      %add3A_1055 = arith.addi %mul3A_1052, %add3A_1054 : vector<16xi32>
      %add3A_1056 = arith.constant 0 : i32
      %add3A_1057 = vector.broadcast %add3A_1056 : i32 to vector<16xi32>
      %add3A_1058 = arith.addi %add3A_1055, %add3A_1057 : vector<16xi32>
      %gather3A_1059 = tpu.vector_load_idx %arg7[%add3A_1058] : memref<6144xf32, #tpu.memory_space<vmem>>[vector<16xi32>], vector<16xf32>,
      %add3A_1060 = arith.addf %broadcast_in_dim3A_2, %gather3A_1059 : vector<16xf32>
      %add3A_1061 = arith.constant 1 : i32
      %add3A_1062 = vector.broadcast %add3A_1061 : i32 to vector<16xi32>
      %add3A_1063 = arith.addi %add3A_1055, %add3A_1062 : vector<16xi32>
      %gather3A_1064 = tpu.vector_load_idx %arg7[%add3A_1063] : memref<6144xf32, #tpu.memory_space<vmem>>[vector<16xi32>], vector<16xf32>,
      %add3A_1065 = arith.addf %add3A_1060, %gather3A_1064 : vector<16xf32>
      %add3A_1066 = arith.constant 2 : i32
      %add3A_1067 = vector.broadcast %add3A_1066 : i32 to vector<16xi32>
      %add3A_1068 = arith.addi %add3A_1055, %add3A_1067 : vector<16xi32>
      %gather3A_1069 = tpu.vector_load_idx %arg7[%add3A_1068] : memref<6144xf32, #tpu.memory_space<vmem>>[vector<16xi32>], vector<16xf32>,
      %add3A_1070 = arith.addf %add3A_1065, %gather3A_1069 : vector<16xf32>
      %add3A_1071 = arith.constant 3 : i32
      %add3A_1072 = vector.broadcast %add3A_1071 : i32 to vector<16xi32>
      %add3A_1073 = arith.addi %add3A_1055, %add3A_1072 : vector<16xi32>
      %gather3A_1074 = tpu.vector_load_idx %arg7[%add3A_1073] : memref<6144xf32, #tpu.memory_space<vmem>>[vector<16xi32>], vector<16xf32>,
      %add3A_1075 = arith.addf %add3A_1070, %gather3A_1074 : vector<16xf32>
      %add3A_1076 = arith.constant 4 : i32
      %add3A_1077 = vector.broadcast %add3A_1076 : i32 to vector<16xi32>
      %add3A_1078 = arith.addi %add3A_1055, %add3A_1077 : vector<16xi32>
      %gather3A_1079 = tpu.vector_load_idx %arg7[%add3A_1078] : memref<6144xf32, #tpu.memory_space<vmem>>[vector<16xi32>], vector<16xf32>,
      %add3A_1080 = arith.addf %add3A_1075, %gather3A_1079 : vector<16xf32>
      %add3A_1081 = arith.constant 5 : i32
      %add3A_1082 = vector.broadcast %add3A_1081 : i32 to vector<16xi32>
      %add3A_1083 = arith.addi %add3A_1055, %add3A_1082 : vector<16xi32>
      %gather3A_1084 = tpu.vector_load_idx %arg7[%add3A_1083] : memref<6144xf32, #tpu.memory_space<vmem>>[vector<16xi32>], vector<16xf32>,
      %add3A_1085 = arith.addf %add3A_1080, %gather3A_1084 : vector<16xf32>
      %add3A_1086 = arith.constant 6 : i32
      %add3A_1087 = vector.broadcast %add3A_1086 : i32 to vector<16xi32>
      %add3A_1088 = arith.addi %add3A_1055, %add3A_1087 : vector<16xi32>
      %gather3A_1089 = tpu.vector_load_idx %arg7[%add3A_1088] : memref<6144xf32, #tpu.memory_space<vmem>>[vector<16xi32>], vector<16xf32>,
      %add3A_1090 = arith.addf %add3A_1085, %gather3A_1089 : vector<16xf32>
      %add3A_1091 = arith.constant 7 : i32
      %add3A_1092 = vector.broadcast %add3A_1091 : i32 to vector<16xi32>
      %add3A_1093 = arith.addi %add3A_1055, %add3A_1092 : vector<16xi32>
      %gather3A_1094 = tpu.vector_load_idx %arg7[%add3A_1093] : memref<6144xf32, #tpu.memory_space<vmem>>[vector<16xi32>], vector<16xf32>,
      %add3A_1095 = arith.addf %add3A_1090, %gather3A_1094 : vector<16xf32>
      %add3A_1096 = arith.constant 8 : i32
      %add3A_1097 = vector.broadcast %add3A_1096 : i32 to vector<16xi32>
      %add3A_1098 = arith.addi %add3A_1055, %add3A_1097 : vector<16xi32>
      %gather3A_1099 = tpu.vector_load_idx %arg7[%add3A_1098] : memref<6144xf32, #tpu.memory_space<vmem>>[vector<16xi32>], vector<16xf32>,
      %add3A_1100 = arith.addf %add3A_1095, %gather3A_1099 : vector<16xf32>
      %add3A_1101 = arith.constant 9 : i32
      %add3A_1102 = vector.broadcast %add3A_1101 : i32 to vector<16xi32>
      %add3A_1103 = arith.addi %add3A_1055, %add3A_1102 : vector<16xi32>
      %gather3A_1104 = tpu.vector_load_idx %arg7[%add3A_1103] : memref<6144xf32, #tpu.memory_space<vmem>>[vector<16xi32>], vector<16xf32>,
      %add3A_1105 = arith.addf %add3A_1100, %gather3A_1104 : vector<16xf32>
      %add3A_1106 = arith.constant 10 : i32
      %add3A_1107 = vector.broadcast %add3A_1106 : i32 to vector<16xi32>
      %add3A_1108 = arith.addi %add3A_1055, %add3A_1107 : vector<16xi32>
      %gather3A_1109 = tpu.vector_load_idx %arg7[%add3A_1108] : memref<6144xf32, #tpu.memory_space<vmem>>[vector<16xi32>], vector<16xf32>,
      %add3A_1110 = arith.addf %add3A_1105, %gather3A_1109 : vector<16xf32>
      %add3A_1111 = arith.constant 11 : i32
      %add3A_1112 = vector.broadcast %add3A_1111 : i32 to vector<16xi32>
      %add3A_1113 = arith.addi %add3A_1055, %add3A_1112 : vector<16xi32>
      %gather3A_1114 = tpu.vector_load_idx %arg7[%add3A_1113] : memref<6144xf32, #tpu.memory_space<vmem>>[vector<16xi32>], vector<16xf32>,
      %add3A_1115 = arith.addf %add3A_1110, %gather3A_1114 : vector<16xf32>
      %add3A_1116 = arith.constant 12 : i32
      %add3A_1117 = vector.broadcast %add3A_1116 : i32 to vector<16xi32>
      %add3A_1118 = arith.addi %add3A_1055, %add3A_1117 : vector<16xi32>
      %gather3A_1119 = tpu.vector_load_idx %arg7[%add3A_1118] : memref<6144xf32, #tpu.memory_space<vmem>>[vector<16xi32>], vector<16xf32>,
      %add3A_1120 = arith.addf %add3A_1115, %gather3A_1119 : vector<16xf32>
      %add3A_1121 = arith.constant 13 : i32
      %add3A_1122 = vector.broadcast %add3A_1121 : i32 to vector<16xi32>
      %add3A_1123 = arith.addi %add3A_1055, %add3A_1122 : vector<16xi32>
      %gather3A_1124 = tpu.vector_load_idx %arg7[%add3A_1123] : memref<6144xf32, #tpu.memory_space<vmem>>[vector<16xi32>], vector<16xf32>,
      %add3A_1125 = arith.addf %add3A_1120, %gather3A_1124 : vector<16xf32>
      %add3A_1126 = arith.constant 14 : i32
      %add3A_1127 = vector.broadcast %add3A_1126 : i32 to vector<16xi32>
      %add3A_1128 = arith.addi %add3A_1055, %add3A_1127 : vector<16xi32>
      %gather3A_1129 = tpu.vector_load_idx %arg7[%add3A_1128] : memref<6144xf32, #tpu.memory_space<vmem>>[vector<16xi32>], vector<16xf32>,
      %add3A_1130 = arith.addf %add3A_1125, %gather3A_1129 : vector<16xf32>
      %add3A_1131 = arith.constant 15 : i32
      %add3A_1132 = vector.broadcast %add3A_1131 : i32 to vector<16xi32>
      %add3A_1133 = arith.addi %add3A_1055, %add3A_1132 : vector<16xi32>
      %gather3A_1134 = tpu.vector_load_idx %arg7[%add3A_1133] : memref<6144xf32, #tpu.memory_space<vmem>>[vector<16xi32>], vector<16xf32>,
      %add3A_1135 = arith.addf %add3A_1130, %gather3A_1134 : vector<16xf32>
      %swap3A_1136 = arith.constant 48 : index
      %swap3A_1137 = tpu.vector_load %arg8[%swap3A_1136] {strides = array<i32>} : memref<64xf32, #tpu.memory_space<vmem>>, vector<16xf32>,
      tpu.vector_store %arg8[%swap3A_1136], %add3A_1135 {strides = array<i32>} : memref<64xf32, #tpu.memory_space<vmem>>, vector<16xf32>,
      %mul3A_1138 = arith.constant 3 : i32
      %mul3A_1139 = arith.muli %arg1, %mul3A_1138 : i32
      %add3A_1140 = arith.constant 48 : i32
      %add3A_1141 = arith.addi %add3A_1140, %mul3A_1139 : i32
      %add3A_1142 = arith.constant 2 : i32
      %add3A_1143 = arith.addi %add3A_1141, %add3A_1142 : i32
      %mul3A_1144 = arith.constant 64 : i32
      %mul3A_1145 = arith.muli %add3A_1143, %mul3A_1144 : i32
      "tpu.region"() ({
        %run_scoped3A = tpu.sem_alloc : memref<!tpu.dma_semaphore, #tpu.memory_space<semaphore_mem>>
        %dma_start3A = tpu.memref_slice %arg4[%mul3A_1145] : memref<6144xf32, #tpu.memory_space<hbm>> -> memref<64xf32, #tpu.memory_space<hbm>>
        %dma_start3A_1146 = tpu.memref_slice %arg4[%mul3A_1145] : memref<6144xf32, #tpu.memory_space<hbm>> -> memref<64xf32, #tpu.memory_space<hbm>>
        tpu.enqueue_dma source(%arg8 : memref<64xf32, #tpu.memory_space<vmem>>) target(%dma_start3A_1146 : memref<64xf32, #tpu.memory_space<hbm>>) target_semaphore(%run_scoped3A : memref<!tpu.dma_semaphore, #tpu.memory_space<semaphore_mem>>)
        %dma_wait3A = tpu.memref_slice %arg4[%mul3A_1145] : memref<6144xf32, #tpu.memory_space<hbm>> -> memref<64xf32, #tpu.memory_space<hbm>>
        %dma_wait3A_1147 = tpu.memref_slice %arg4[%mul3A_1145] : memref<6144xf32, #tpu.memory_space<hbm>> -> memref<64xf32, #tpu.memory_space<hbm>>
        tpu.wait_dma2 semaphore(%run_scoped3A : memref<!tpu.dma_semaphore, #tpu.memory_space<semaphore_mem>>) src(%arg8 : memref<64xf32, #tpu.memory_space<vmem>>) dst(%dma_wait3A_1147 : memref<64xf32, #tpu.memory_space<hbm>>)
        tpu.yield
      }) : () -> ()
    } else {
    }
    return
  }
}

module attributes {stable_mosaic.version = 14 : i64} {
  func.func @_kl_body(%arg0: memref<16x3x64xf32, #tpu.memory_space<vmem>>, %arg1: memref<16x3x64xf32, #tpu.memory_space<vmem>>, %arg2: memref<1x1xf32, #tpu.memory_space<smem>>) attributes {dimension_semantics = [], scalar_prefetch = 0 : i64, scratch_operands = 0 : i64, tpu.core_type = #tpu.core_type<tc>} {
    %get3A = arith.constant 0 : index
    %get3A_0 = arith.constant 0 : index
    %get3A_1 = arith.constant 0 : index
    %get3A_2 = vector.load %arg0[%get3A, %get3A_0, %get3A_1] : memref<16x3x64xf32, #tpu.memory_space<vmem>>, vector<16x3x64xf32>
    %get3A_3 = arith.constant 0 : index
    %get3A_4 = arith.constant 0 : index
    %get3A_5 = arith.constant 0 : index
    %get3A_6 = vector.load %arg1[%get3A_3, %get3A_4, %get3A_5] : memref<16x3x64xf32, #tpu.memory_space<vmem>>, vector<16x3x64xf32>
    %reduce_sum3A = arith.constant dense<0.000000e+00> : vector<16x3xf32>
    %reduce_sum3A_7 = vector.multi_reduction <add>, %get3A_2, %reduce_sum3A [2] : vector<16x3x64xf32> to vector<16x3xf32>
    %broadcast_in_dim3A = vector.shape_cast %reduce_sum3A_7 : vector<16x3xf32> to vector<16x3x1xf32>
    %add3A = arith.constant 9.99999993E-9 : f32
    %add3A_8 = vector.broadcast %add3A : f32 to vector<16x3x1xf32>
    %add3A_9 = arith.addf %broadcast_in_dim3A, %add3A_8 : vector<16x3x1xf32>
    %div3A = vector.broadcast %add3A_9 : vector<16x3x1xf32> to vector<16x3x64xf32>
    %div3A_10 = arith.divf %get3A_2, %div3A : vector<16x3x64xf32>
    %reduce_sum3A_11 = arith.constant dense<0.000000e+00> : vector<16x3xf32>
    %reduce_sum3A_12 = vector.multi_reduction <add>, %get3A_6, %reduce_sum3A_11 [2] : vector<16x3x64xf32> to vector<16x3xf32>
    %broadcast_in_dim3A_13 = vector.shape_cast %reduce_sum3A_12 : vector<16x3xf32> to vector<16x3x1xf32>
    %add3A_14 = arith.constant 9.99999993E-9 : f32
    %add3A_15 = vector.broadcast %add3A_14 : f32 to vector<16x3x1xf32>
    %add3A_16 = arith.addf %broadcast_in_dim3A_13, %add3A_15 : vector<16x3x1xf32>
    %div3A_17 = vector.broadcast %add3A_16 : vector<16x3x1xf32> to vector<16x3x64xf32>
    %div3A_18 = arith.divf %get3A_6, %div3A_17 : vector<16x3x64xf32>
    %reduce_sum3A_19 = arith.constant dense<0.000000e+00> : vector<3x64xf32>
    %reduce_sum3A_20 = vector.multi_reduction <add>, %div3A_10, %reduce_sum3A_19 [0] : vector<16x3x64xf32> to vector<3x64xf32>
    %div3A_21 = arith.constant 1.600000e+01 : f32
    %div3A_22 = vector.broadcast %div3A_21 : f32 to vector<3x64xf32>
    %div3A_23 = arith.divf %reduce_sum3A_20, %div3A_22 : vector<3x64xf32>
    %jit3A = arith.constant 9.99999993E-9 : f32
    %jit3A_24 = arith.constant 1.000000e+00 : f32
    %max3A = vector.broadcast %jit3A : f32 to vector<3x64xf32>
    %max3A_25 = arith.maximumf %max3A, %div3A_23 : vector<3x64xf32>
    %min3A = vector.broadcast %jit3A_24 : f32 to vector<3x64xf32>
    %min3A_26 = arith.minimumf %min3A, %max3A_25 : vector<3x64xf32>
    %reduce_sum3A_27 = arith.constant dense<0.000000e+00> : vector<3x64xf32>
    %reduce_sum3A_28 = vector.multi_reduction <add>, %div3A_18, %reduce_sum3A_27 [0] : vector<16x3x64xf32> to vector<3x64xf32>
    %div3A_29 = arith.constant 1.600000e+01 : f32
    %div3A_30 = vector.broadcast %div3A_29 : f32 to vector<3x64xf32>
    %div3A_31 = arith.divf %reduce_sum3A_28, %div3A_30 : vector<3x64xf32>
    %jit3A_32 = arith.constant 9.99999993E-9 : f32
    %jit3A_33 = arith.constant 1.000000e+00 : f32
    %max3A_34 = vector.broadcast %jit3A_32 : f32 to vector<3x64xf32>
    %max3A_35 = arith.maximumf %max3A_34, %div3A_31 : vector<3x64xf32>
    %min3A_36 = vector.broadcast %jit3A_33 : f32 to vector<3x64xf32>
    %min3A_37 = arith.minimumf %min3A_36, %max3A_35 : vector<3x64xf32>
    %log3A = math.log %min3A_37 : vector<3x64xf32>
    %log3A_38 = math.log %min3A_26 : vector<3x64xf32>
    %sub3A = arith.subf %log3A, %log3A_38 : vector<3x64xf32>
    %mul3A = arith.mulf %min3A_37, %sub3A : vector<3x64xf32>
    %reduce_sum3A_39 = vector.shape_cast %mul3A : vector<3x64xf32> to vector<1x3x64xf32>
    %reduce_sum3A_40 = arith.constant dense<0.000000e+00> : vector<1xf32>
    %reduce_sum3A_41 = vector.multi_reduction <add>, %reduce_sum3A_39, %reduce_sum3A_40 [1, 2] : vector<1x3x64xf32> to vector<1xf32>
    %reduce_sum3A_42 = vector.shape_cast %reduce_sum3A_41 : vector<1xf32> to vector<1x1x1xf32>
    %reduce_sum3A_43 = vector.extract %reduce_sum3A_42[0, 0, 0] : f32 from vector<1x1x1xf32>
    %div3A_44 = arith.constant 1.920000e+02 : f32
    %div3A_45 = arith.divf %reduce_sum3A_43, %div3A_44 : f32
    %swap3A = arith.constant 0 : index
    %swap3A_46 = arith.constant 0 : index
    %swap3A_47 = memref.load %arg2[%swap3A, %swap3A_46] : memref<1x1xf32, #tpu.memory_space<smem>>
    memref.store %div3A_45, %arg2[%swap3A, %swap3A_46] : memref<1x1xf32, #tpu.memory_space<smem>>
    return
  }
}

</mosaic_0001>

<sc_bundles>
// kernel: kernel.4.cloned.1.call-start
scs
__scs_entry_jumppad:
0x0: {  	(pc) =	sbr.rel $0x88, $3  }
0x1: {  	(tag) =	ssettag $0x0;
	lr =	simm.s32 $0x1  }
0x2: {  	[smem:$0x3F9F] =	sst lr;
	_ =	strace $0xD0000000  }
0x3: {  	_ = 	snop  }
0x4: {  	_ = 	snop  }
0x5: {  	_ = 	snop  }
0x6: {  	_ = 	snop  }
0x7: {  	_ = 	snop  }
__scs_overlays_trampoline_lowered:
0x8: {  	[smem:$0x3FAE] =	sst s0  }
0x9: {  	[smem:$0x3FAF] =	sst s1  }
0xa: {  	[smem:$0x3FB0] =	sst s2  }
0xb: {  	[smem:$0x3FB1] =	sst s3  }
0xc: {  	[smem:$0x3FB2] =	sst s4  }
0xd: {  	[smem:$0x3FB3] =	sst s5  }
0xe: {  	[smem:$0x3FB4] =	sst s6  }
0xf: {  	[smem:$0x3FB5] =	sst s7  }
0x10: {  	[smem:$0x3FB6] =	sst s8  }
0x11: {  	[smem:$0x3FB7] =	sst s9;
	s0 =	simm.s32 @!p0 $0x0  }
0x12: {  	s1 =	sld [smem:$0x3F9D];
	s0 =	simm.s32 @p0 $0x1  }
0x13: {  	[smem:$0x3FB8] =	sst s0;
	s0 =	simm.s32 @!p1 $0x0  }
0x14: {  	s2 =	sld [smem:$0x3F9C];
	s0 =	simm.s32 @p1 $0x1  }
0x15: {  	[smem:$0x3FB9] =	sst s0;
	s0 =	simm.s32 @!p2 $0x0  }
0x16: {  	s3 =	sld [smem:$0x3FDB];
	s0 =	simm.s32 @p2 $0x1  }
0x17: {  	s4 =	simm.s32 $0x1BF5;
	[smem:$0x3FBB] =	sst s0  }
0x18: {  	s0 =	sld [smem:$0x3F9E];
	_ =	swait.ge [sflag:s4], $0x0  }
0x19: {  	s7 =	sld [smem:$0x3F9F]  }
0x1a: {  	s8 =	sadd.s32 $0xFFFFE003, lr  }
0x1b: {  	s9 =	sadd.s32 $0xFFFFFEF7, lr;
	s5 =	simm.s32 $0xFFFFFFFF;
	p2 =	slt.u32 s8, $0xFFFFF086  }
0x1c: {  	p1 =	slt.u32 s9, $0xF7A;
	s5 =	simm.s32 @!p2 $0x0  }
0x1d: {  	s5 =	simm.s32 @p1 $0x1;
	p0 =	seq.s32 s7, s2  }
0x1e: {  	s7 =	smul.u32 @!p0 $0xF7A, s2;
	p2 =	seq.s32 @!p0 s5, $0x0  }
0x1f: {  	s9 =	smul.u32 $0xF7A, s1;
	s8 =	simm.s32 @!p0 $0x1BF5;
	p2 =	por !p2, p0  }
0x20: {  	[sflag:s8] =	ssyncset.s32 @!p0 $0xFFFFF086;
	s6 =	sadd.s32 @!p0 s3, s7;
	s7 =	simm.s32 @!p0 $0x108  }
0x21: {  	s3 =	sadd.s32 s3, s9;
	s6 =	sadd.s32 @!p0 $0x88, s6;
	s7 =	simm.s32 @p2 $0x1082  }
0x22: {  	[simem:s7], [sflag:s8] =	dma.local @!p0 [hbm:s6], $0xF7A  }
0x23: {  	s9 =	sor.u32 $0xD0000000, s2;
	s6 =	simm.s32 $0x108;
	_ =	swait.ge @!p0 [sflag:s8], $0x0  }
0x24: {  	s3 =	sadd.s32 $0x88, s3;
	s6 =	simm.s32 @!p1 $0x1082;
	[sflag:s4] =	ssyncset.s32 $0xFFFFF086  }
0x25: {  	[simem:s6], [sflag:s4] =	dma.local [hbm:s3], $0xF7A  }
0x26: {  	[smem:$0x3F9F] =	sst s1;
	(tag) =	ssettag s2;
	_ =	strace s9  }
0x27: {  	s1 =	sld [smem:$0x3FAF]  }
0x28: {  	s2 =	sld [smem:$0x3FB0]  }
0x29: {  	s4 =	sld [smem:$0x3FB2]  }
0x2a: {  	p0 =	seq.s32 s5, $0x0;
	s5 =	sld [smem:$0x3FB3]  }
0x2b: {  	s6 =	sld [smem:$0x3FB4]  }
0x2c: {  	s7 =	sld [smem:$0x3FB5]  }
0x2d: {  	s3 =	simm.s32 $0x108;
	s8 =	sld [smem:$0x3FB6]  }
0x2e: {  	s3 =	simm.s32 @!p0 $0x1082;
	s9 =	sld [smem:$0x3FB7]  }
0x2f: {  	lr =	sadd.s32 s0, s3;
	s0 =	sld [smem:$0x3FAE]  }
0x30: {  	s3 =	sld [smem:$0x3FB1]  }
0x31: {  	[smem:$0x3FBA] =	sst s10  }
0x32: {  	s10 =	sld [smem:$0x3FB8];
	_ =	sdelay $0x3  }
0x33: {  	p0 =	seq.s32 s10, $0x1;
	s10 =	sld [smem:$0x3FBA];
	_ =	sdelay $0x3  }
0x34: {  	[smem:$0x3FBA] =	sst s10  }
0x35: {  	s10 =	sld [smem:$0x3FB9];
	_ =	sdelay $0x3  }
0x36: {  	p1 =	seq.s32 s10, $0x1;
	s10 =	sld [smem:$0x3FBA];
	_ =	sdelay $0x3  }
0x37: {  	[smem:$0x3FBA] =	sst s10  }
0x38: {  	s10 =	sld [smem:$0x3FBB]  }
0x39: {  	_ = 	snop;
	(pc) =	sbr.ind lr, $3  }
0x3a: {  	_ = 	snop  }
0x3b: {  	_ = 	snop  }
0x3c: {  	p2 =	seq.s32 s10, $0x1;
	s10 =	sld [smem:$0x3FBA]  }
0x3d: {  	_ =	shalt  }
0x3e: {  	_ =	shalt  }
0x3f: {  	_ =	shalt  }
0x40: {  	_ =	shalt  }
0x41: {  	_ =	shalt  }
0x42: {  	_ =	shalt  }
0x43: {  	_ =	shalt  }
0x44: {  	_ =	shalt  }
0x45: {  	_ =	shalt  }
0x46: {  	_ =	shalt  }
0x47: {  	_ =	shalt  }
0x48: {  	_ =	shalt  }
0x49: {  	_ =	shalt  }
0x4a: {  	_ =	shalt  }
0x4b: {  	_ =	shalt  }
0x4c: {  	_ =	shalt  }
0x4d: {  	_ =	shalt  }
0x4e: {  	_ =	shalt  }
0x4f: {  	_ =	shalt  }
0x50: {  	_ =	shalt  }
0x51: {  	_ =	shalt  }
0x52: {  	_ =	shalt  }
0x53: {  	_ =	shalt  }
0x54: {  	_ =	shalt  }
0x55: {  	_ =	shalt  }
0x56: {  	_ =	shalt  }
0x57: {  	_ =	shalt  }
0x58: {  	_ =	shalt  }
0x59: {  	_ =	shalt  }
0x5a: {  	_ =	shalt  }
0x5b: {  	_ =	shalt  }
0x5c: {  	_ =	shalt  }
0x5d: {  	_ =	shalt  }
0x5e: {  	_ =	shalt  }
0x5f: {  	_ =	shalt  }
0x60: {  	_ =	shalt  }
0x61: {  	_ =	shalt  }
0x62: {  	_ =	shalt  }
0x63: {  	_ =	shalt  }
0x64: {  	_ =	shalt  }
0x65: {  	_ =	shalt  }
0x66: {  	_ =	shalt  }
0x67: {  	_ =	shalt  }
0x68: {  	_ =	shalt  }
0x69: {  	_ =	shalt  }
0x6a: {  	_ =	shalt  }
0x6b: {  	_ =	shalt  }
0x6c: {  	_ =	shalt  }
0x6d: {  	_ =	shalt  }
0x6e: {  	_ =	shalt  }
0x6f: {  	_ =	shalt  }
0x70: {  	_ =	shalt  }
0x71: {  	_ =	shalt  }
0x72: {  	_ =	shalt  }
0x73: {  	_ =	shalt  }
0x74: {  	_ =	shalt  }
0x75: {  	_ =	shalt  }
0x76: {  	_ =	shalt  }
0x77: {  	_ =	shalt  }
0x78: {  	_ =	shalt  }
0x79: {  	_ =	shalt  }
0x7a: {  	_ =	shalt  }
0x7b: {  	_ =	shalt  }
0x7c: {  	_ =	shalt  }
0x7d: {  	_ =	shalt  }
0x7e: {  	_ =	shalt  }
0x7f: {  	_ =	shalt  }
0x80: {  	_ =	shalt  }
0x81: {  	_ =	shalt  }
0x82: {  	_ =	shalt  }
0x83: {  	_ =	shalt  }
0x84: {  	_ =	shalt  }
0x85: {  	_ =	shalt  }
0x86: {  	_ =	shalt  }
0x87: {  	_ =	shalt  }
.Lfunc_end0:
.L_simem_size_0:
called_computation.2_lowered:
.L_overlay_start_0:
0x88: {  	s2 =	sld [smem:$0x3FD9]  }
0x89: {  	s3 =	sld [smem:$0x3FFE];
	_ =	sdelay $0x1  }
0x8a: {  	s1 =	srdreg.scid  }
0x8b: {  	s0 =	sand.u32 $0x1, s1  }
0x8c: {  	s16 =	sshll.u32 s0, $0xA;
	s2 =	sadd.s32 s3, s2  }
0x8d: {  	s2 =	sadd.s32 s2, s16  }
0x8e: {  	[smem:$0x3FC6] =	sst s2  }
0x8f: {  	_ = 	snop  }
0x90: {  	(tm) =	ssettm $0x1  }
0x91: {  	s17 =	sld [smem:$0x3FFB];
	_ =	sdelay $0x3  }
0x92: {  	_ =	strace s17  }
0x93: {  	s2 =	sld [smem:$0x3FFC];
	_ =	sdelay $0x3  }
0x94: {  	_ =	strace s2  }
0x95: {  	s2 =	sld [smem:$0x3FFD];
	_ =	sdelay $0x3  }
0x96: {  	_ =	strace s2  }
0x97: {  	_ =	strace $0x8FFFFFFF  }
0x98: {  	s18 =	sld [smem:$0x3FDB];
	_ =	sdelay $0x1  }
0x99: {  	s19 =	simm.s32 $_scs_section_size  }
0x9a: {  	s4 =	simm.s32 $_size__tile_overlayer_lowered;
	s5 =	simm.s32 $_tile_overlayer_lowered  }
0x9b: {  	s22 =	simm.s32 $0x1BFF;
	s21 =	sshll.u32 s5, $0x1;
	s2 =	sadd.s32 s19, s18  }
0x9c: {  	s6 =	simm.s32 $0x0;
	s20 =	sshll.u32 s4, $0x1;
	s4 =	sadd.s32 s21, s2  }
0x9d: {  	[timem:s6], [sflag:s22] =	dma.local [hbm:s4], s20  }
0x9e: {  	_ =	swait.ge [sflag:s22], s20  }
0x9f: {  	s3 =	ssub.s32 $0x0, s20;
	[sflag:s22] =	ssyncset.done $0x0  }
0xa0: {  	[sflag:s22] =	ssyncadd.s32 s3;
	_ =	sdelay $0x1  }
0xa1: {  	s23 =	simm.s32 $0x1B8B  }
0xa2: {  	_ =	swait.ge [sflag:s23], $0x1  }
0xa3: {  	[sflag:s23] =	ssyncset.done $0x0  }
0xa4: {  	s25 =	simm.s32 $0x1B8E;
	s24 =	sld [smem:$0x3FFE];
	[sflag:s23] =	ssyncadd.s32 $0xFFFFFFFF  }
0xa5: {  	s26 =	simm.s32 $execute0_lowered;
	[smem:$0x3FD2] =	sst s25  }
0xa6: {  	s4 =	sshll.u32 s26, $0x1;
	_ =	strace $0x8000004C;
	[dreg:$0x1] =	wrdreg $0xFFFFFFFF  }
0xa7: {  	s28 =	simm.s32 $_size_execute0_lowered;
	s2 =	sadd.s32 s2, s4;
	[dreg:$0x0] =	wrdreg $0x0  }
0xa8: {  	s4 =	sshll.u32 s28, $0x1;
	[dreg:$0x2] =	wrdreg s2  }
0xa9: {  	[dreg:$0x3] =	wrdreg s4  }
0xaa: {  	[dreg:$0x4] =	wrdreg $0xC0  }
0xab: {  	_ =	task [dreg:s6], $0x5FFFF  }
0xac: {  	[dreg:$0x1] =	wrdreg $0xFFFFFFFF  }
0xad: {  	[dreg:$0x0] =	wrdreg $0x60  }
0xae: {  	[dreg:$0x2] =	wrdreg s24  }
0xaf: {  	[dreg:$0x3] =	wrdreg $0x9  }
0xb0: {  	_ =	task.clear_ibuf [dreg:s6], $0x4FFFF;
	_ =	strace $0x9000004C  }
0xb1: {  	s29 =	simm.s32 $0x9;
	_ =	strace $0x8000004E  }
0xb2: {  	_ =	swait.ge [sflag:s29], $0x1  }
0xb3: {  	[sflag:s29] =	ssyncadd.s32 $0xFFFFFFFF  }
0xb4: {  	_ =	strace $0x9000004E  }
0xb5: {  	_ =	sfence  }
0xb6: {  	s30 =	sld [smem:$0x0];
	_ =	sdelay $0x2  }
0xb7: {  	s31 =	sshll.u32 s1, $0xD;
	s1 =	sshrl.u32 s1, $0x2  }
0xb8: {  	s3 =	sand.u32 $0x4000, s31;
	s1 =	sadd.s32 s1, s30  }
0xb9: {  	s0 =	sor.u32 s3, s0;
	s1 =	sshll.u32 s1, $0x11  }
0xba: {  	s0 =	sor.u32 s1, s0  }
0xbb: {  	s0 =	sadd.s32 $0x8F2B, s0  }
0xbc: {  	[sflag:s0] =	ssyncadd.remote.s32 $0x1  }
0xbd: {  	_ =	sfence.sel $0xFFFF  }
0xbe: {  	[dreg:$0x0] =	wrdreg $0xFFFFFFFF;
	(pc) =	sbr.abs _section_cstart, $3  }
0xbf: {  	[dreg:$0x1] =	wrdreg $0xFFFFFFFF  }
0xc0: {  	_ =	task.clear_ibuf [dreg:s6], $0x2FFFF;
	_ =	strace $0x9FFFFFFF  }
0xc1: {  	(tm) =	ssettm $0x7FFFFFFF  }
tec
execute0_lowered:
.L_overlay_start_1:
0x0: {  	(tag) =	ssettag $0x1  }
0x1: {  	v0 =	vlaneseq.u32  }
0x2: {  	v1 =	vmul.u32 $0x10, v0;
	_ =	sdelay $0x1  }
0x3: {  	v4 =	vor.u32 $0x1, v1  }
0x4: {  	[tilespmem:$0x1FDF0] =	vst v4;
	v4 =	vor.u32 $0x2, v1  }
0x5: {  	[tilespmem:$0x1FE00] =	vst v4;
	v4 =	vor.u32 $0x3, v1  }
0x6: {  	[tilespmem:$0x1FE10] =	vst v4;
	v4 =	vor.u32 $0x4, v1  }
0x7: {  	[tilespmem:$0x1FE20] =	vst v4;
	v4 =	vor.u32 $0x5, v1  }
0x8: {  	[tilespmem:$0x1FE30] =	vst v4;
	v4 =	vor.u32 $0x6, v1  }
0x9: {  	[tilespmem:$0x1FE40] =	vst v4;
	v4 =	vor.u32 $0x7, v1  }
0xa: {  	[tilespmem:$0x1FE50] =	vst v4;
	v4 =	vor.u32 $0x8, v1  }
0xb: {  	[tilespmem:$0x1FE60] =	vst v4;
	v4 =	vor.u32 $0x9, v1  }
0xc: {  	[tilespmem:$0x1FE70] =	vst v4;
	v4 =	vor.u32 $0xA, v1  }
0xd: {  	[tilespmem:$0x1FE80] =	vst v4;
	v4 =	vor.u32 $0xB, v1  }
0xe: {  	[tilespmem:$0x1FE90] =	vst v4;
	v4 =	vor.u32 $0xC, v1  }
0xf: {  	[tilespmem:$0x1FEA0] =	vst v4;
	v4 =	vor.u32 $0xD, v1  }
0x10: {  	[tilespmem:$0x1FEB0] =	vst v4;
	v4 =	vor.u32 $0xE, v1  }
0x11: {  	[tilespmem:$0x1FEC0] =	vst v4;
	v4 =	vor.u32 $0xF, v1  }
0x12: {  	[tilespmem:$0x1FED0] =	vst v4;
	v4 =	vor.u32 $0x100, v1  }
0x13: {  	[tilespmem:$0x1FEE0] =	vst v4;
	v4 =	vor.u32 $0x101, v1  }
0x14: {  	[tilespmem:$0x1FEF0] =	vst v4;
	v4 =	vor.u32 $0x102, v1  }
0x15: {  	[tilespmem:$0x1FF00] =	vst v4;
	v4 =	vor.u32 $0x103, v1  }
0x16: {  	[tilespmem:$0x1FF10] =	vst v4;
	v4 =	vor.u32 $0x104, v1  }
0x17: {  	v2 =	vimm.f32 $0.0e+00;
	v3 =	vimm.f32 $1.000000000e+00;
	[tilespmem:$0x1FF20] =	vst v4;
	v4 =	vor.u32 $0x105, v1  }
0x18: {  	s5 =	rddreg [dreg:$0x0];
	v37 =	vor.u32 $0x202, v1;
	v38 =	vor.u32 $0x203, v1;
	[tilespmem:$0x1FF30] =	vst v4;
	v4 =	vor.u32 $0x106, v1  }
0x19: {  	s0 =	rddreg [dreg:$0x1];
	s1 =	simm.s32 $0x0;
	s2 =	srdreg.scid;
	v39 =	vor.u32 $0x204, v1;
	v40 =	vor.u32 $0x205, v1;
	[tilespmem:$0x1FF40] =	vst v4;
	v4 =	vor.u32 $0x107, v1  }
0x1a: {  	s17 =	simm.s32 $0x1;
	s18 =	simm.s32 $0x8000;
	s19 =	simm.s32 $0x10000;
	v41 =	vor.u32 $0x206, v1;
	v42 =	vor.u32 $0x207, v1;
	[tilespmem:$0x1FF50] =	vst v4;
	v4 =	vor.u32 $0x108, v1  }
0x1b: {  	s20 =	simm.s32 $0x2;
	s21 =	simm.s32 $0x11800;
	s22 =	simm.s32 $0x0;
	v43 =	vor.u32 $0x208, v1;
	v44 =	vor.u32 $0x209, v1;
	[tilespmem:$0x1FF60] =	vst v4;
	v4 =	vor.u32 $0x109, v1  }
0x1c: {  	s6 =	sand.u32 $0x1, s2;
	s2 =	stileid.u32;
	s3 =	sadd.s32 $0x180E00, s5;
	v45 =	vor.u32 $0x20A, v1;
	v46 =	vor.u32 $0x20B, v1;
	[tilespmem:$0x1FF70] =	vst v4;
	v4 =	vor.u32 $0x10A, v1  }
0x1d: {  	s4 =	sadd.s32 $0xE00, s5;
	s5 =	sadd.s32 $0x300E00, s5;
	s7 =	ssub.s32 $0x2, s6;
	v47 =	vor.u32 $0x20C, v1;
	v48 =	vor.u32 $0x20D, v1;
	[tilespmem:$0x1FF80] =	vst v4;
	v4 =	vor.u32 $0x10B, v1  }
0x1e: {  	[smem:$0x7FF] =	sst s1;
	s9 =	smul.u32 $0xC0000, s2;
	s8 =	sshrl.u32 s7, $0x1;
	v49 =	vor.u32 $0x20E, v1;
	v50 =	vor.u32 $0x20F, v1;
	[tilespmem:$0x1FF90] =	vst v4;
	v4 =	vor.u32 $0x10C, v1  }
0x1f: {  	p0 =	seq.s32 s6, $0x1;
	s15 =	smul.u32 $0xC0, s2;
	v51 =	vor.u32 $0x300, v1;
	v52 =	vor.u32 $0x301, v1;
	s16 =	ssub.s32 s7, s8;
	[tilespmem:$0x1FFA0] =	vst v4;
	v4 =	vor.u32 $0x10D, v1  }
.Ltmp0:
0x20: {  	v53 =	vor.u32 $0x302, v1;
	v54 =	vor.u32 $0x303, v1;
	s12 =	sshrl.u32 s9, $0x3;
	s7 =	sor.u32 $0x8000, s9;
	[tilespmem:$0x1FFB0] =	vst v4;
	v4 =	vor.u32 $0x10E, v1;
	(pc) =	sbr.rel .LBB2_1-.Ltmp0, $4  }
0x21: {  	v55 =	vor.u32 $0x304, v1;
	v56 =	vor.u32 $0x305, v1;
	s8 =	sor.u32 $0x10000, s9;
	s9 =	smul.u32 $0x18, s2;
	s10 =	sadd.s32 $0x40, s15;
	[tilespmem:$0x1FFC0] =	vst v4;
	v4 =	vor.u32 $0x10F, v1  }
0x22: {  	v57 =	vor.u32 $0x306, v1;
	v58 =	vor.u32 $0x307, v1;
	s13 =	sshrl.u32 s15, $0x3;
	s11 =	sadd.s32 $0x80, s15;
	_ =	strace $0x8000004D;
	[tilespmem:$0x1FFD0] =	vst v4;
	v4 =	vor.u32 $0x200, v1  }
0x23: {  	v59 =	vor.u32 $0x308, v1;
	v60 =	vor.u32 $0x309, v1;
	s14 =	sadd.s32 $0xC40, s15;
	s15 =	sadd.s32 $0xC80, s15;
	s6 =	sadd.s32 s4, s12;
	[tilespmem:$0x1FFE0] =	vst v4;
	v4 =	vor.u32 $0x201, v1  }
0x24: {  	v61 =	vor.u32 $0x30A, v1;
	v62 =	vor.u32 $0x30B, v1;
	v63 =	vor.u32 $0x30C, v1;
	s12 =	sadd.s32 s3, s12;
	s13 =	sadd.s32 $0x180, s13;
	s16 =	smax.u32 s16, $0x1;
	[tilespmem:$0x1FFF0] =	vst v4  }
.LBB2_20:
0x25: {  	_ =	swait.ge [sflag:s17], $0x8000  }
0x26: {  	[sflag:s17] =	ssyncset.done $0x0  }
0x27: {  	[sflag:s17] =	ssyncadd.s32 $0xFFFF8000  }
0x28: {  	v4 =	vld [tilespmem:$0x103F0]  }
0x29: {  	v5 =	vld [tilespmem:$0x10400];
	_ =	sdelay $0x4  }
0x2a: {  	v4 =	vadd.f32 v5, v4;
	v5 =	vld [tilespmem:$0x1FDF0];
	_ =	sdelay $0x4  }
0x2b: {  	[tilespmem:$0x103F0] =	vst v4  }
0x2c: {  	v4 =	vld.idx.msk [tilespmem:v1+s19+$0x0], $0xffff;
	_ =	sdelay $0x1  }
0x2d: {  	v5 =	vld.idx.msk [tilespmem:v5+s19+$0x0], $0xffff  }
0x2e: {  	v6 =	vld [tilespmem:$0x1FE00];
	_ =	sdelay $0x1  }
0x2f: {  	v7 =	vld [tilespmem:$0x1FE10];
	v4 =	vadd.f32 $0.0e+00, v4;
	_ =	sdelay $0x1  }
0x30: {  	v4 =	vadd.f32 v5, v4;
	v5 =	vld [tilespmem:$0x1FE20];
	_ =	sdelay $0x3  }
0x31: {  	v6 =	vld.idx.msk [tilespmem:v6+s19+$0x0], $0xffff;
	_ =	sdelay $0x1  }
0x32: {  	v7 =	vld.idx.msk [tilespmem:v7+s19+$0x0], $0xffff;
	_ =	sdelay $0x1  }
0x33: {  	v5 =	vld.idx.msk [tilespmem:v5+s19+$0x0], $0xffff  }
0x34: {  	v29 =	vld [tilespmem:$0x1FE30];
	v4 =	vadd.f32 v6, v4;
	_ =	sdelay $0x1  }
0x35: {  	v30 =	vld [tilespmem:$0x1FE40];
	v4 =	vadd.f32 v7, v4;
	_ =	sdelay $0x1  }
0x36: {  	v4 =	vadd.f32 v5, v4;
	v5 =	vld [tilespmem:$0x1FE50];
	_ =	sdelay $0x3  }
0x37: {  	v6 =	vld.idx.msk [tilespmem:v29+s19+$0x0], $0xffff;
	_ =	sdelay $0x1  }
0x38: {  	v7 =	vld.idx.msk [tilespmem:v30+s19+$0x0], $0xffff;
	_ =	sdelay $0x1  }
0x39: {  	v5 =	vld.idx.msk [tilespmem:v5+s19+$0x0], $0xffff  }
0x3a: {  	v31 =	vld [tilespmem:$0x1FE60];
	v4 =	vadd.f32 v6, v4;
	_ =	sdelay $0x1  }
0x3b: {  	v32 =	vld [tilespmem:$0x1FE70];
	v4 =	vadd.f32 v7, v4;
	_ =	sdelay $0x1  }
0x3c: {  	v4 =	vadd.f32 v5, v4;
	v5 =	vld [tilespmem:$0x1FE80];
	_ =	sdelay $0x3  }
0x3d: {  	v6 =	vld.idx.msk [tilespmem:v31+s19+$0x0], $0xffff;
	_ =	sdelay $0x1  }
0x3e: {  	v7 =	vld.idx.msk [tilespmem:v32+s19+$0x0], $0xffff;
	_ =	sdelay $0x1  }
0x3f: {  	v5 =	vld.idx.msk [tilespmem:v5+s19+$0x0], $0xffff  }
0x40: {  	v33 =	vld [tilespmem:$0x1FE90];
	v4 =	vadd.f32 v6, v4;
	_ =	sdelay $0x1  }
0x41: {  	v34 =	vld [tilespmem:$0x1FEA0];
	v4 =	vadd.f32 v7, v4;
	_ =	sdelay $0x1  }
0x42: {  	v4 =	vadd.f32 v5, v4;
	v5 =	vld [tilespmem:$0x1FEB0];
	_ =	sdelay $0x1  }
0x43: {  	v35 =	vld [tilespmem:$0x1FEC0]  }
0x44: {  	v36 =	vld [tilespmem:$0x1FED0]  }
0x45: {  	v6 =	vld.idx.msk [tilespmem:v33+s19+$0x0], $0xffff;
	_ =	sdelay $0x1  }
0x46: {  	v7 =	vld.idx.msk [tilespmem:v34+s19+$0x0], $0xffff;
	_ =	sdelay $0x1  }
0x47: {  	v5 =	vld.idx.msk [tilespmem:v5+s19+$0x0], $0xffff  }
0x48: {  	v4 =	vadd.f32 v6, v4  }
0x49: {  	v6 =	vld.idx.msk [tilespmem:v35+s19+$0x0], $0xffff  }
0x4a: {  	v4 =	vadd.f32 v7, v4  }
0x4b: {  	v7 =	vld.idx.msk [tilespmem:v36+s19+$0x0], $0xffff  }
0x4c: {  	v4 =	vadd.f32 v5, v4;
	_ =	sdelay $0x1  }
0x4d: {  	v4 =	vadd.f32 v6, v4;
	_ =	sdelay $0x1  }
0x4e: {  	v4 =	vadd.f32 v7, v4;
	_ =	sdelay $0x1  }
0x4f: {  	[tilespmem:$0x11800] =	vst v4;
	v4 =	vld [tilespmem:$0x1FEE0];
	_ =	sdelay $0x1  }
0x50: {  	v5 =	vld [tilespmem:$0x1FEF0];
	_ =	sdelay $0x5  }
0x51: {  	v4 =	vld.idx.msk [tilespmem:v4+s19+$0x0], $0xffff;
	_ =	sdelay $0x1  }
0x52: {  	v5 =	vld.idx.msk [tilespmem:v5+s19+$0x0], $0xffff  }
0x53: {  	v9 =	vld [tilespmem:$0x1FF00];
	_ =	sdelay $0x1  }
0x54: {  	v10 =	vld [tilespmem:$0x1FF10];
	v4 =	vadd.f32 $0.0e+00, v4;
	_ =	sdelay $0x1  }
0x55: {  	v4 =	vadd.f32 v5, v4;
	v5 =	vld [tilespmem:$0x1FF20];
	_ =	sdelay $0x3  }
0x56: {  	v6 =	vld.idx.msk [tilespmem:v9+s19+$0x0], $0xffff;
	_ =	sdelay $0x1  }
0x57: {  	v7 =	vld.idx.msk [tilespmem:v10+s19+$0x0], $0xffff;
	_ =	sdelay $0x1  }
0x58: {  	v5 =	vld.idx.msk [tilespmem:v5+s19+$0x0], $0xffff  }
0x59: {  	v11 =	vld [tilespmem:$0x1FF30];
	v4 =	vadd.f32 v6, v4;
	_ =	sdelay $0x1  }
0x5a: {  	v12 =	vld [tilespmem:$0x1FF40];
	v4 =	vadd.f32 v7, v4;
	_ =	sdelay $0x1  }
0x5b: {  	v4 =	vadd.f32 v5, v4;
	v5 =	vld [tilespmem:$0x1FF50];
	_ =	sdelay $0x3  }
0x5c: {  	v6 =	vld.idx.msk [tilespmem:v11+s19+$0x0], $0xffff;
	_ =	sdelay $0x1  }
0x5d: {  	v7 =	vld.idx.msk [tilespmem:v12+s19+$0x0], $0xffff;
	_ =	sdelay $0x1  }
0x5e: {  	v5 =	vld.idx.msk [tilespmem:v5+s19+$0x0], $0xffff  }
0x5f: {  	v13 =	vld [tilespmem:$0x1FF60];
	v4 =	vadd.f32 v6, v4;
	_ =	sdelay $0x1  }
0x60: {  	v14 =	vld [tilespmem:$0x1FF70];
	v4 =	vadd.f32 v7, v4;
	_ =	sdelay $0x1  }
0x61: {  	v4 =	vadd.f32 v5, v4;
	v5 =	vld [tilespmem:$0x1FF80];
	_ =	sdelay $0x3  }
0x62: {  	v6 =	vld.idx.msk [tilespmem:v13+s19+$0x0], $0xffff;
	_ =	sdelay $0x1  }
0x63: {  	v7 =	vld.idx.msk [tilespmem:v14+s19+$0x0], $0xffff;
	_ =	sdelay $0x1  }
0x64: {  	v5 =	vld.idx.msk [tilespmem:v5+s19+$0x0], $0xffff  }
0x65: {  	v15 =	vld [tilespmem:$0x1FF90];
	v4 =	vadd.f32 v6, v4;
	_ =	sdelay $0x1  }
0x66: {  	v16 =	vld [tilespmem:$0x1FFA0];
	v4 =	vadd.f32 v7, v4;
	_ =	sdelay $0x1  }
0x67: {  	v4 =	vadd.f32 v5, v4;
	v5 =	vld [tilespmem:$0x1FFB0];
	_ =	sdelay $0x1  }
0x68: {  	v17 =	vld [tilespmem:$0x1FFC0]  }
0x69: {  	v18 =	vld [tilespmem:$0x1FFD0]  }
0x6a: {  	v6 =	vld.idx.msk [tilespmem:v15+s19+$0x0], $0xffff;
	_ =	sdelay $0x1  }
0x6b: {  	v7 =	vld.idx.msk [tilespmem:v16+s19+$0x0], $0xffff;
	_ =	sdelay $0x1  }
0x6c: {  	v5 =	vld.idx.msk [tilespmem:v5+s19+$0x0], $0xffff  }
0x6d: {  	v4 =	vadd.f32 v6, v4  }
0x6e: {  	v6 =	vld.idx.msk [tilespmem:v17+s19+$0x0], $0xffff  }
0x6f: {  	v4 =	vadd.f32 v7, v4  }
0x70: {  	v7 =	vld.idx.msk [tilespmem:v18+s19+$0x0], $0xffff  }
0x71: {  	v4 =	vadd.f32 v5, v4;
	_ =	sdelay $0x1  }
0x72: {  	v4 =	vadd.f32 v6, v4;
	_ =	sdelay $0x1  }
0x73: {  	v4 =	vadd.f32 v7, v4;
	_ =	sdelay $0x1  }
0x74: {  	[tilespmem:$0x11810] =	vst v4;
	v4 =	vld [tilespmem:$0x1FFE0];
	_ =	sdelay $0x1  }
0x75: {  	v5 =	vld [tilespmem:$0x1FFF0];
	_ =	sdelay $0x5  }
0x76: {  	v4 =	vld.idx.msk [tilespmem:v4+s19+$0x0], $0xffff;
	_ =	sdelay $0x1  }
0x77: {  	v5 =	vld.idx.msk [tilespmem:v5+s19+$0x0], $0xffff;
	_ =	sdelay $0x1  }
0x78: {  	v19 =	vld.idx.msk [tilespmem:v37+s19+$0x0], $0xffff  }
0x79: {  	v4 =	vadd.f32 $0.0e+00, v4  }
0x7a: {  	v20 =	vld.idx.msk [tilespmem:v38+s19+$0x0], $0xffff  }
0x7b: {  	v4 =	vadd.f32 v5, v4  }
0x7c: {  	v5 =	vld.idx.msk [tilespmem:v39+s19+$0x0], $0xffff  }
0x7d: {  	v4 =	vadd.f32 v19, v4  }
0x7e: {  	v21 =	vld.idx.msk [tilespmem:v40+s19+$0x0], $0xffff  }
0x7f: {  	v4 =	vadd.f32 v20, v4  }
0x80: {  	v22 =	vld.idx.msk [tilespmem:v41+s19+$0x0], $0xffff  }
0x81: {  	v4 =	vadd.f32 v5, v4  }
0x82: {  	v5 =	vld.idx.msk [tilespmem:v42+s19+$0x0], $0xffff  }
0x83: {  	v4 =	vadd.f32 v21, v4  }
0x84: {  	v23 =	vld.idx.msk [tilespmem:v43+s19+$0x0], $0xffff  }
0x85: {  	v4 =	vadd.f32 v22, v4  }
0x86: {  	v24 =	vld.idx.msk [tilespmem:v44+s19+$0x0], $0xffff  }
0x87: {  	v4 =	vadd.f32 v5, v4  }
0x88: {  	v5 =	vld.idx.msk [tilespmem:v45+s19+$0x0], $0xffff  }
0x89: {  	v4 =	vadd.f32 v23, v4  }
0x8a: {  	v25 =	vld.idx.msk [tilespmem:v46+s19+$0x0], $0xffff  }
0x8b: {  	v4 =	vadd.f32 v24, v4  }
0x8c: {  	v26 =	vld.idx.msk [tilespmem:v47+s19+$0x0], $0xffff  }
0x8d: {  	v4 =	vadd.f32 v5, v4  }
0x8e: {  	v5 =	vld.idx.msk [tilespmem:v48+s19+$0x0], $0xffff  }
0x8f: {  	v4 =	vadd.f32 v25, v4  }
0x90: {  	v27 =	vld.idx.msk [tilespmem:v49+s19+$0x0], $0xffff  }
0x91: {  	v4 =	vadd.f32 v26, v4  }
0x92: {  	v28 =	vld.idx.msk [tilespmem:v50+s19+$0x0], $0xffff  }
0x93: {  	v4 =	vadd.f32 v5, v4;
	_ =	sdelay $0x1  }
0x94: {  	v4 =	vadd.f32 v27, v4;
	_ =	sdelay $0x1  }
0x95: {  	v4 =	vadd.f32 v28, v4;
	_ =	sdelay $0x1  }
0x96: {  	[tilespmem:$0x11820] =	vst v4  }
0x97: {  	v4 =	vld.idx.msk [tilespmem:v51+s19+$0x0], $0xffff;
	_ =	sdelay $0x1  }
0x98: {  	v5 =	vld.idx.msk [tilespmem:v52+s19+$0x0], $0xffff;
	_ =	sdelay $0x1  }
0x99: {  	v29 =	vld.idx.msk [tilespmem:v53+s19+$0x0], $0xffff  }
0x9a: {  	v4 =	vadd.f32 $0.0e+00, v4  }
0x9b: {  	v30 =	vld.idx.msk [tilespmem:v54+s19+$0x0], $0xffff  }
0x9c: {  	v4 =	vadd.f32 v5, v4  }
0x9d: {  	v5 =	vld.idx.msk [tilespmem:v55+s19+$0x0], $0xffff  }
0x9e: {  	v4 =	vadd.f32 v29, v4  }
0x9f: {  	v31 =	vld.idx.msk [tilespmem:v56+s19+$0x0], $0xffff  }
0xa0: {  	v4 =	vadd.f32 v30, v4  }
0xa1: {  	v32 =	vld.idx.msk [tilespmem:v57+s19+$0x0], $0xffff  }
0xa2: {  	v4 =	vadd.f32 v5, v4  }
0xa3: {  	v5 =	vld.idx.msk [tilespmem:v58+s19+$0x0], $0xffff  }
0xa4: {  	v4 =	vadd.f32 v31, v4  }
0xa5: {  	v33 =	vld.idx.msk [tilespmem:v59+s19+$0x0], $0xffff  }
0xa6: {  	v4 =	vadd.f32 v32, v4  }
0xa7: {  	v34 =	vld.idx.msk [tilespmem:v60+s19+$0x0], $0xffff  }
0xa8: {  	v4 =	vadd.f32 v5, v4  }
0xa9: {  	v5 =	vld.idx.msk [tilespmem:v61+s19+$0x0], $0xffff  }
0xaa: {  	v35 =	vor.u32 $0x30D, v1;
	v4 =	vadd.f32 v33, v4  }
0xab: {  	v8 =	vld.idx.msk [tilespmem:v62+s19+$0x0], $0xffff  }
0xac: {  	v36 =	vor.u32 $0x30E, v1;
	v4 =	vadd.f32 v34, v4  }
0xad: {  	v9 =	vld.idx.msk [tilespmem:v63+s19+$0x0], $0xffff  }
0xae: {  	v4 =	vadd.f32 v5, v4;
	v5 =	vor.u32 $0x30F, v1  }
0xaf: {  	v6 =	vld.idx.msk [tilespmem:v35+s19+$0x0], $0xffff  }
0xb0: {  	v4 =	vadd.f32 v8, v4  }
0xb1: {  	v7 =	vld.idx.msk [tilespmem:v36+s19+$0x0], $0xffff  }
0xb2: {  	v4 =	vadd.f32 v9, v4  }
0xb3: {  	v5 =	vld.idx.msk [tilespmem:v5+s19+$0x0], $0xffff  }
0xb4: {  	v4 =	vadd.f32 v6, v4;
	_ =	sdelay $0x1  }
0xb5: {  	v4 =	vadd.f32 v7, v4;
	_ =	sdelay $0x1  }
0xb6: {  	v4 =	vadd.f32 v5, v4;
	_ =	sdelay $0x1  }
0xb7: {  	s25 =	sadd.s32 s5, s25;
	[tilespmem:$0x11830] =	vst v4  }
0xb8: {  	[hbm4b:s25+s1] =	stream.linear.scatter [tilespmem:s21], [sflag:$0x1], $0x40, $0x38;
	[tilespmem:$0x11880] =	vst v63  }
0xb9: {  	_ =	swait.ge [sflag:s17], $0x40  }
0xba: {  	[sflag:s17] =	ssyncset.done $0x0  }
0xbb: {  	[sflag:s17] =	ssyncadd.s32 $0xFFFFFFC0  }
0xbc: {  	v4 =	vld [tilespmem:$0x10BF0]  }
0xbd: {  	v5 =	vld [tilespmem:$0x10C00];
	_ =	sdelay $0x2  }
0xbe: {  	v12 =	vor.u32 $0x800, v1;
	_ =	sdelay $0x1  }
0xbf: {  	v4 =	vadd.f32 v5, v4;
	v5 =	vor.u32 $0x801, v1;
	_ =	sdelay $0x1  }
0xc0: {  	[tilespmem:$0x10BF0] =	vst v4;
	v4 =	vor.u32 $0x802, v1  }
0xc1: {  	v6 =	vld.idx.msk [tilespmem:v12+s19+$0x0], $0xffff  }
0xc2: {  	v13 =	vor.u32 $0x803, v1  }
0xc3: {  	v5 =	vld.idx.msk [tilespmem:v5+s19+$0x0], $0xffff  }
0xc4: {  	v14 =	vor.u32 $0x804, v1  }
0xc5: {  	v4 =	vld.idx.msk [tilespmem:v4+s19+$0x0], $0xffff  }
0xc6: {  	v15 =	vor.u32 $0x805, v1;
	v6 =	vadd.f32 $0.0e+00, v6  }
0xc7: {  	v7 =	vld.idx.msk [tilespmem:v13+s19+$0x0], $0xffff  }
0xc8: {  	v16 =	vor.u32 $0x806, v1;
	v5 =	vadd.f32 v5, v6  }
0xc9: {  	v8 =	vld.idx.msk [tilespmem:v14+s19+$0x0], $0xffff  }
0xca: {  	v4 =	vadd.f32 v4, v5;
	v5 =	vor.u32 $0x807, v1  }
0xcb: {  	v9 =	vld.idx.msk [tilespmem:v15+s19+$0x0], $0xffff  }
0xcc: {  	v17 =	vor.u32 $0x808, v1;
	v4 =	vadd.f32 v7, v4  }
0xcd: {  	v6 =	vld.idx.msk [tilespmem:v16+s19+$0x0], $0xffff  }
0xce: {  	v18 =	vor.u32 $0x809, v1;
	v4 =	vadd.f32 v8, v4  }
0xcf: {  	v5 =	vld.idx.msk [tilespmem:v5+s19+$0x0], $0xffff  }
0xd0: {  	v19 =	vor.u32 $0x80A, v1;
	v4 =	vadd.f32 v9, v4  }
0xd1: {  	v7 =	vld.idx.msk [tilespmem:v17+s19+$0x0], $0xffff  }
0xd2: {  	v20 =	vor.u32 $0x80B, v1;
	v4 =	vadd.f32 v6, v4  }
0xd3: {  	v8 =	vld.idx.msk [tilespmem:v18+s19+$0x0], $0xffff  }
0xd4: {  	v4 =	vadd.f32 v5, v4;
	v5 =	vor.u32 $0x80C, v1  }
0xd5: {  	v9 =	vld.idx.msk [tilespmem:v19+s19+$0x0], $0xffff  }
0xd6: {  	v21 =	vor.u32 $0x80D, v1;
	v4 =	vadd.f32 v7, v4  }
0xd7: {  	v6 =	vld.idx.msk [tilespmem:v20+s19+$0x0], $0xffff  }
0xd8: {  	v22 =	vor.u32 $0x80E, v1;
	v4 =	vadd.f32 v8, v4  }
0xd9: {  	v5 =	vld.idx.msk [tilespmem:v5+s19+$0x0], $0xffff  }
0xda: {  	v23 =	vor.u32 $0x80F, v1;
	v4 =	vadd.f32 v9, v4  }
0xdb: {  	v7 =	vld.idx.msk [tilespmem:v21+s19+$0x0], $0xffff  }
0xdc: {  	v4 =	vadd.f32 v6, v4  }
0xdd: {  	v24 =	vld.idx.msk [tilespmem:v22+s19+$0x0], $0xffff  }
0xde: {  	v4 =	vadd.f32 v5, v4  }
0xdf: {  	v5 =	vld.idx.msk [tilespmem:v23+s19+$0x0], $0xffff  }
0xe0: {  	v4 =	vadd.f32 v7, v4;
	_ =	sdelay $0x1  }
0xe1: {  	v25 =	vor.u32 $0x900, v1;
	v4 =	vadd.f32 v24, v4;
	_ =	sdelay $0x1  }
0xe2: {  	v4 =	vadd.f32 v5, v4;
	v5 =	vor.u32 $0x901, v1;
	_ =	sdelay $0x1  }
0xe3: {  	[tilespmem:$0x11800] =	vst v4;
	v4 =	vor.u32 $0x902, v1  }
0xe4: {  	v6 =	vld.idx.msk [tilespmem:v25+s19+$0x0], $0xffff  }
0xe5: {  	v26 =	vor.u32 $0x903, v1  }
0xe6: {  	v5 =	vld.idx.msk [tilespmem:v5+s19+$0x0], $0xffff  }
0xe7: {  	v27 =	vor.u32 $0x904, v1  }
0xe8: {  	v4 =	vld.idx.msk [tilespmem:v4+s19+$0x0], $0xffff  }
0xe9: {  	v28 =	vor.u32 $0x905, v1;
	v6 =	vadd.f32 $0.0e+00, v6  }
0xea: {  	v7 =	vld.idx.msk [tilespmem:v26+s19+$0x0], $0xffff  }
0xeb: {  	v29 =	vor.u32 $0x906, v1;
	v5 =	vadd.f32 v5, v6  }
0xec: {  	v8 =	vld.idx.msk [tilespmem:v27+s19+$0x0], $0xffff  }
0xed: {  	v4 =	vadd.f32 v4, v5;
	v5 =	vor.u32 $0x907, v1  }
0xee: {  	v9 =	vld.idx.msk [tilespmem:v28+s19+$0x0], $0xffff  }
0xef: {  	v30 =	vor.u32 $0x908, v1;
	v4 =	vadd.f32 v7, v4  }
0xf0: {  	v6 =	vld.idx.msk [tilespmem:v29+s19+$0x0], $0xffff  }
0xf1: {  	v31 =	vor.u32 $0x909, v1;
	v4 =	vadd.f32 v8, v4  }
0xf2: {  	v5 =	vld.idx.msk [tilespmem:v5+s19+$0x0], $0xffff  }
0xf3: {  	v32 =	vor.u32 $0x90A, v1;
	v4 =	vadd.f32 v9, v4  }
0xf4: {  	v7 =	vld.idx.msk [tilespmem:v30+s19+$0x0], $0xffff  }
0xf5: {  	v33 =	vor.u32 $0x90B, v1;
	v4 =	vadd.f32 v6, v4  }
0xf6: {  	v8 =	vld.idx.msk [tilespmem:v31+s19+$0x0], $0xffff  }
0xf7: {  	v4 =	vadd.f32 v5, v4;
	v5 =	vor.u32 $0x90C, v1  }
0xf8: {  	v9 =	vld.idx.msk [tilespmem:v32+s19+$0x0], $0xffff  }
0xf9: {  	v34 =	vor.u32 $0x90D, v1;
	v4 =	vadd.f32 v7, v4  }
0xfa: {  	v6 =	vld.idx.msk [tilespmem:v33+s19+$0x0], $0xffff  }
0xfb: {  	v35 =	vor.u32 $0x90E, v1;
	v4 =	vadd.f32 v8, v4  }
0xfc: {  	v5 =	vld.idx.msk [tilespmem:v5+s19+$0x0], $0xffff  }
0xfd: {  	v36 =	vor.u32 $0x90F, v1;
	v4 =	vadd.f32 v9, v4  }
0xfe: {  	v7 =	vld.idx.msk [tilespmem:v34+s19+$0x0], $0xffff  }
0xff: {  	v4 =	vadd.f32 v6, v4  }
0x100: {  	v11 =	vld.idx.msk [tilespmem:v35+s19+$0x0], $0xffff  }
0x101: {  	v4 =	vadd.f32 v5, v4  }
0x102: {  	v5 =	vld.idx.msk [tilespmem:v36+s19+$0x0], $0xffff  }
0x103: {  	v4 =	vadd.f32 v7, v4;
	_ =	sdelay $0x1  }
0x104: {  	v12 =	vor.u32 $0xA00, v1;
	v4 =	vadd.f32 v11, v4;
	_ =	sdelay $0x1  }
0x105: {  	v4 =	vadd.f32 v5, v4;
	v5 =	vor.u32 $0xA01, v1;
	_ =	sdelay $0x1  }
0x106: {  	[tilespmem:$0x11810] =	vst v4;
	v4 =	vor.u32 $0xA02, v1  }
0x107: {  	v6 =	vld.idx.msk [tilespmem:v12+s19+$0x0], $0xffff  }
0x108: {  	v13 =	vor.u32 $0xA03, v1  }
0x109: {  	v5 =	vld.idx.msk [tilespmem:v5+s19+$0x0], $0xffff  }
0x10a: {  	v14 =	vor.u32 $0xA04, v1  }
0x10b: {  	v4 =	vld.idx.msk [tilespmem:v4+s19+$0x0], $0xffff  }
0x10c: {  	v15 =	vor.u32 $0xA05, v1;
	v6 =	vadd.f32 $0.0e+00, v6  }
0x10d: {  	v7 =	vld.idx.msk [tilespmem:v13+s19+$0x0], $0xffff  }
0x10e: {  	v16 =	vor.u32 $0xA06, v1;
	v5 =	vadd.f32 v5, v6  }
0x10f: {  	v8 =	vld.idx.msk [tilespmem:v14+s19+$0x0], $0xffff  }
0x110: {  	v4 =	vadd.f32 v4, v5;
	v5 =	vor.u32 $0xA07, v1  }
0x111: {  	v9 =	vld.idx.msk [tilespmem:v15+s19+$0x0], $0xffff  }
0x112: {  	v17 =	vor.u32 $0xA08, v1;
	v4 =	vadd.f32 v7, v4  }
0x113: {  	v6 =	vld.idx.msk [tilespmem:v16+s19+$0x0], $0xffff  }
0x114: {  	v18 =	vor.u32 $0xA09, v1;
	v4 =	vadd.f32 v8, v4  }
0x115: {  	v5 =	vld.idx.msk [tilespmem:v5+s19+$0x0], $0xffff  }
0x116: {  	v19 =	vor.u32 $0xA0A, v1;
	v4 =	vadd.f32 v9, v4  }
0x117: {  	v7 =	vld.idx.msk [tilespmem:v17+s19+$0x0], $0xffff  }
0x118: {  	v20 =	vor.u32 $0xA0B, v1;
	v4 =	vadd.f32 v6, v4  }
0x119: {  	v8 =	vld.idx.msk [tilespmem:v18+s19+$0x0], $0xffff  }
0x11a: {  	v4 =	vadd.f32 v5, v4;
	v5 =	vor.u32 $0xA0C, v1  }
0x11b: {  	v9 =	vld.idx.msk [tilespmem:v19+s19+$0x0], $0xffff  }
0x11c: {  	v21 =	vor.u32 $0xA0D, v1;
	v4 =	vadd.f32 v7, v4  }
0x11d: {  	v6 =	vld.idx.msk [tilespmem:v20+s19+$0x0], $0xffff  }
0x11e: {  	v22 =	vor.u32 $0xA0E, v1;
	v4 =	vadd.f32 v8, v4  }
0x11f: {  	v5 =	vld.idx.msk [tilespmem:v5+s19+$0x0], $0xffff  }
0x120: {  	v23 =	vor.u32 $0xA0F, v1;
	v4 =	vadd.f32 v9, v4  }
0x121: {  	v7 =	vld.idx.msk [tilespmem:v21+s19+$0x0], $0xffff  }
0x122: {  	v4 =	vadd.f32 v6, v4  }
0x123: {  	v24 =	vld.idx.msk [tilespmem:v22+s19+$0x0], $0xffff  }
0x124: {  	v4 =	vadd.f32 v5, v4  }
0x125: {  	v5 =	vld.idx.msk [tilespmem:v23+s19+$0x0], $0xffff  }
0x126: {  	v4 =	vadd.f32 v7, v4;
	_ =	sdelay $0x1  }
0x127: {  	v25 =	vor.u32 $0xB00, v1;
	v4 =	vadd.f32 v24, v4;
	_ =	sdelay $0x1  }
0x128: {  	v4 =	vadd.f32 v5, v4;
	v5 =	vor.u32 $0xB01, v1;
	_ =	sdelay $0x1  }
0x129: {  	[tilespmem:$0x11820] =	vst v4;
	v4 =	vor.u32 $0xB02, v1  }
0x12a: {  	v6 =	vld.idx.msk [tilespmem:v25+s19+$0x0], $0xffff  }
0x12b: {  	v26 =	vor.u32 $0xB03, v1  }
0x12c: {  	v5 =	vld.idx.msk [tilespmem:v5+s19+$0x0], $0xffff  }
0x12d: {  	v27 =	vor.u32 $0xB04, v1  }
0x12e: {  	v4 =	vld.idx.msk [tilespmem:v4+s19+$0x0], $0xffff  }
0x12f: {  	v28 =	vor.u32 $0xB05, v1;
	v6 =	vadd.f32 $0.0e+00, v6  }
0x130: {  	v7 =	vld.idx.msk [tilespmem:v26+s19+$0x0], $0xffff  }
0x131: {  	v29 =	vor.u32 $0xB06, v1;
	v5 =	vadd.f32 v5, v6  }
0x132: {  	v8 =	vld.idx.msk [tilespmem:v27+s19+$0x0], $0xffff  }
0x133: {  	v4 =	vadd.f32 v4, v5;
	v5 =	vor.u32 $0xB07, v1  }
0x134: {  	v9 =	vld.idx.msk [tilespmem:v28+s19+$0x0], $0xffff  }
0x135: {  	v30 =	vor.u32 $0xB08, v1;
	v4 =	vadd.f32 v7, v4  }
0x136: {  	v6 =	vld.idx.msk [tilespmem:v29+s19+$0x0], $0xffff  }
0x137: {  	v31 =	vor.u32 $0xB09, v1;
	v4 =	vadd.f32 v8, v4  }
0x138: {  	v5 =	vld.idx.msk [tilespmem:v5+s19+$0x0], $0xffff  }
0x139: {  	v32 =	vor.u32 $0xB0A, v1;
	v4 =	vadd.f32 v9, v4  }
0x13a: {  	v7 =	vld.idx.msk [tilespmem:v30+s19+$0x0], $0xffff  }
0x13b: {  	v33 =	vor.u32 $0xB0B, v1;
	v4 =	vadd.f32 v6, v4  }
0x13c: {  	v8 =	vld.idx.msk [tilespmem:v31+s19+$0x0], $0xffff  }
0x13d: {  	v4 =	vadd.f32 v5, v4;
	v5 =	vor.u32 $0xB0C, v1  }
0x13e: {  	v9 =	vld.idx.msk [tilespmem:v32+s19+$0x0], $0xffff  }
0x13f: {  	v34 =	vor.u32 $0xB0D, v1;
	v4 =	vadd.f32 v7, v4  }
0x140: {  	v6 =	vld.idx.msk [tilespmem:v33+s19+$0x0], $0xffff  }
0x141: {  	v35 =	vor.u32 $0xB0E, v1;
	v4 =	vadd.f32 v8, v4  }
0x142: {  	v5 =	vld.idx.msk [tilespmem:v5+s19+$0x0], $0xffff  }
0x143: {  	v36 =	vor.u32 $0xB0F, v1;
	v4 =	vadd.f32 v9, v4  }
0x144: {  	v7 =	vld.idx.msk [tilespmem:v34+s19+$0x0], $0xffff  }
0x145: {  	v4 =	vadd.f32 v6, v4  }
0x146: {  	v11 =	vld.idx.msk [tilespmem:v35+s19+$0x0], $0xffff  }
0x147: {  	v4 =	vadd.f32 v5, v4  }
0x148: {  	v5 =	vld.idx.msk [tilespmem:v36+s19+$0x0], $0xffff  }
0x149: {  	v4 =	vadd.f32 v7, v4;
	_ =	sdelay $0x1  }
0x14a: {  	v4 =	vadd.f32 v11, v4;
	_ =	sdelay $0x1  }
0x14b: {  	v4 =	vadd.f32 v5, v4  }
0x14c: {  	s24 =	sshrl.u32 s24, $0x3  }
0x14d: {  	s24 =	sadd.s32 s5, s24;
	[tilespmem:$0x11830] =	vst v4  }
0x14e: {  	[hbm4b:s24+s1] =	stream.linear.scatter [tilespmem:s21], [sflag:$0x1], $0x40, $0x38;
	[tilespmem:$0x11880] =	vst v63  }
0x14f: {  	_ =	swait.ge [sflag:s17], $0x40  }
0x150: {  	[sflag:s17] =	ssyncset.done $0x0  }
0x151: {  	[sflag:s17] =	ssyncadd.s32 $0xFFFFFFC0  }
0x152: {  	v4 =	vld [tilespmem:$0x113F0]  }
0x153: {  	v5 =	vld [tilespmem:$0x11400];
	_ =	sdelay $0x2  }
0x154: {  	v12 =	vor.u32 $0x1000, v1;
	_ =	sdelay $0x1  }
0x155: {  	v4 =	vadd.f32 v5, v4;
	v5 =	vor.u32 $0x1001, v1;
	_ =	sdelay $0x1  }
0x156: {  	[tilespmem:$0x113F0] =	vst v4;
	v4 =	vor.u32 $0x1002, v1  }
0x157: {  	v6 =	vld.idx.msk [tilespmem:v12+s19+$0x0], $0xffff  }
0x158: {  	v13 =	vor.u32 $0x1003, v1  }
0x159: {  	v5 =	vld.idx.msk [tilespmem:v5+s19+$0x0], $0xffff  }
0x15a: {  	v14 =	vor.u32 $0x1004, v1  }
0x15b: {  	v4 =	vld.idx.msk [tilespmem:v4+s19+$0x0], $0xffff  }
0x15c: {  	v15 =	vor.u32 $0x1005, v1;
	v6 =	vadd.f32 $0.0e+00, v6  }
0x15d: {  	v7 =	vld.idx.msk [tilespmem:v13+s19+$0x0], $0xffff  }
0x15e: {  	v16 =	vor.u32 $0x1006, v1;
	v5 =	vadd.f32 v5, v6  }
0x15f: {  	v8 =	vld.idx.msk [tilespmem:v14+s19+$0x0], $0xffff  }
0x160: {  	v4 =	vadd.f32 v4, v5;
	v5 =	vor.u32 $0x1007, v1  }
0x161: {  	v9 =	vld.idx.msk [tilespmem:v15+s19+$0x0], $0xffff  }
0x162: {  	v17 =	vor.u32 $0x1008, v1;
	v4 =	vadd.f32 v7, v4  }
0x163: {  	v6 =	vld.idx.msk [tilespmem:v16+s19+$0x0], $0xffff  }
0x164: {  	v18 =	vor.u32 $0x1009, v1;
	v4 =	vadd.f32 v8, v4  }
0x165: {  	v5 =	vld.idx.msk [tilespmem:v5+s19+$0x0], $0xffff  }
0x166: {  	v19 =	vor.u32 $0x100A, v1;
	v4 =	vadd.f32 v9, v4  }
0x167: {  	v7 =	vld.idx.msk [tilespmem:v17+s19+$0x0], $0xffff  }
0x168: {  	v20 =	vor.u32 $0x100B, v1;
	v4 =	vadd.f32 v6, v4  }
0x169: {  	v8 =	vld.idx.msk [tilespmem:v18+s19+$0x0], $0xffff  }
0x16a: {  	v4 =	vadd.f32 v5, v4;
	v5 =	vor.u32 $0x100C, v1  }
0x16b: {  	v9 =	vld.idx.msk [tilespmem:v19+s19+$0x0], $0xffff  }
0x16c: {  	v21 =	vor.u32 $0x100D, v1;
	v4 =	vadd.f32 v7, v4  }
0x16d: {  	v6 =	vld.idx.msk [tilespmem:v20+s19+$0x0], $0xffff  }
0x16e: {  	v22 =	vor.u32 $0x100E, v1;
	v4 =	vadd.f32 v8, v4  }
0x16f: {  	v5 =	vld.idx.msk [tilespmem:v5+s19+$0x0], $0xffff  }
0x170: {  	v23 =	vor.u32 $0x100F, v1;
	v4 =	vadd.f32 v9, v4  }
0x171: {  	v7 =	vld.idx.msk [tilespmem:v21+s19+$0x0], $0xffff  }
0x172: {  	v4 =	vadd.f32 v6, v4  }
0x173: {  	v24 =	vld.idx.msk [tilespmem:v22+s19+$0x0], $0xffff  }
0x174: {  	v4 =	vadd.f32 v5, v4  }
0x175: {  	v5 =	vld.idx.msk [tilespmem:v23+s19+$0x0], $0xffff  }
0x176: {  	v4 =	vadd.f32 v7, v4;
	_ =	sdelay $0x1  }
0x177: {  	v25 =	vor.u32 $0x1100, v1;
	v4 =	vadd.f32 v24, v4;
	_ =	sdelay $0x1  }
0x178: {  	v4 =	vadd.f32 v5, v4;
	v5 =	vor.u32 $0x1101, v1;
	_ =	sdelay $0x1  }
0x179: {  	[tilespmem:$0x11800] =	vst v4;
	v4 =	vor.u32 $0x1102, v1  }
0x17a: {  	v6 =	vld.idx.msk [tilespmem:v25+s19+$0x0], $0xffff  }
0x17b: {  	v26 =	vor.u32 $0x1103, v1  }
0x17c: {  	v5 =	vld.idx.msk [tilespmem:v5+s19+$0x0], $0xffff  }
0x17d: {  	v27 =	vor.u32 $0x1104, v1  }
0x17e: {  	v4 =	vld.idx.msk [tilespmem:v4+s19+$0x0], $0xffff  }
0x17f: {  	v28 =	vor.u32 $0x1105, v1;
	v6 =	vadd.f32 $0.0e+00, v6  }
0x180: {  	v7 =	vld.idx.msk [tilespmem:v26+s19+$0x0], $0xffff  }
0x181: {  	v29 =	vor.u32 $0x1106, v1;
	v5 =	vadd.f32 v5, v6  }
0x182: {  	v8 =	vld.idx.msk [tilespmem:v27+s19+$0x0], $0xffff  }
0x183: {  	v4 =	vadd.f32 v4, v5;
	v5 =	vor.u32 $0x1107, v1  }
0x184: {  	v9 =	vld.idx.msk [tilespmem:v28+s19+$0x0], $0xffff  }
0x185: {  	v30 =	vor.u32 $0x1108, v1;
	v4 =	vadd.f32 v7, v4  }
0x186: {  	v6 =	vld.idx.msk [tilespmem:v29+s19+$0x0], $0xffff  }
0x187: {  	v31 =	vor.u32 $0x1109, v1;
	v4 =	vadd.f32 v8, v4  }
0x188: {  	v5 =	vld.idx.msk [tilespmem:v5+s19+$0x0], $0xffff  }
0x189: {  	v32 =	vor.u32 $0x110A, v1;
	v4 =	vadd.f32 v9, v4  }
0x18a: {  	v7 =	vld.idx.msk [tilespmem:v30+s19+$0x0], $0xffff  }
0x18b: {  	v33 =	vor.u32 $0x110B, v1;
	v4 =	vadd.f32 v6, v4  }
0x18c: {  	v8 =	vld.idx.msk [tilespmem:v31+s19+$0x0], $0xffff  }
0x18d: {  	v4 =	vadd.f32 v5, v4;
	v5 =	vor.u32 $0x110C, v1  }
0x18e: {  	v9 =	vld.idx.msk [tilespmem:v32+s19+$0x0], $0xffff  }
0x18f: {  	v34 =	vor.u32 $0x110D, v1;
	v4 =	vadd.f32 v7, v4  }
0x190: {  	v6 =	vld.idx.msk [tilespmem:v33+s19+$0x0], $0xffff  }
0x191: {  	v35 =	vor.u32 $0x110E, v1;
	v4 =	vadd.f32 v8, v4  }
0x192: {  	v5 =	vld.idx.msk [tilespmem:v5+s19+$0x0], $0xffff  }
0x193: {  	v36 =	vor.u32 $0x110F, v1;
	v4 =	vadd.f32 v9, v4  }
0x194: {  	v7 =	vld.idx.msk [tilespmem:v34+s19+$0x0], $0xffff  }
0x195: {  	v4 =	vadd.f32 v6, v4  }
0x196: {  	v10 =	vld.idx.msk [tilespmem:v35+s19+$0x0], $0xffff  }
0x197: {  	v4 =	vadd.f32 v5, v4  }
0x198: {  	v5 =	vld.idx.msk [tilespmem:v36+s19+$0x0], $0xffff  }
0x199: {  	v4 =	vadd.f32 v7, v4;
	_ =	sdelay $0x1  }
0x19a: {  	v11 =	vor.u32 $0x1200, v1;
	v4 =	vadd.f32 v10, v4;
	_ =	sdelay $0x1  }
0x19b: {  	v4 =	vadd.f32 v5, v4;
	v5 =	vor.u32 $0x1201, v1;
	_ =	sdelay $0x1  }
0x19c: {  	[tilespmem:$0x11810] =	vst v4;
	v4 =	vor.u32 $0x1202, v1  }
0x19d: {  	v6 =	vld.idx.msk [tilespmem:v11+s19+$0x0], $0xffff  }
0x19e: {  	v12 =	vor.u32 $0x1203, v1  }
0x19f: {  	v5 =	vld.idx.msk [tilespmem:v5+s19+$0x0], $0xffff  }
0x1a0: {  	v13 =	vor.u32 $0x1204, v1  }
0x1a1: {  	v4 =	vld.idx.msk [tilespmem:v4+s19+$0x0], $0xffff  }
0x1a2: {  	v14 =	vor.u32 $0x1205, v1;
	v6 =	vadd.f32 $0.0e+00, v6  }
0x1a3: {  	v7 =	vld.idx.msk [tilespmem:v12+s19+$0x0], $0xffff  }
0x1a4: {  	v15 =	vor.u32 $0x1206, v1;
	v5 =	vadd.f32 v5, v6  }
0x1a5: {  	v8 =	vld.idx.msk [tilespmem:v13+s19+$0x0], $0xffff  }
0x1a6: {  	v4 =	vadd.f32 v4, v5;
	v5 =	vor.u32 $0x1207, v1  }
0x1a7: {  	v9 =	vld.idx.msk [tilespmem:v14+s19+$0x0], $0xffff  }
0x1a8: {  	v16 =	vor.u32 $0x1208, v1;
	v4 =	vadd.f32 v7, v4  }
0x1a9: {  	v6 =	vld.idx.msk [tilespmem:v15+s19+$0x0], $0xffff  }
0x1aa: {  	v17 =	vor.u32 $0x1209, v1;
	v4 =	vadd.f32 v8, v4  }
0x1ab: {  	v5 =	vld.idx.msk [tilespmem:v5+s19+$0x0], $0xffff  }
0x1ac: {  	v18 =	vor.u32 $0x120A, v1;
	v4 =	vadd.f32 v9, v4  }
0x1ad: {  	v7 =	vld.idx.msk [tilespmem:v16+s19+$0x0], $0xffff  }
0x1ae: {  	v19 =	vor.u32 $0x120B, v1;
	v4 =	vadd.f32 v6, v4  }
0x1af: {  	v8 =	vld.idx.msk [tilespmem:v17+s19+$0x0], $0xffff  }
0x1b0: {  	v4 =	vadd.f32 v5, v4;
	v5 =	vor.u32 $0x120C, v1  }
0x1b1: {  	v9 =	vld.idx.msk [tilespmem:v18+s19+$0x0], $0xffff  }
0x1b2: {  	v20 =	vor.u32 $0x120D, v1;
	v4 =	vadd.f32 v7, v4  }
0x1b3: {  	v6 =	vld.idx.msk [tilespmem:v19+s19+$0x0], $0xffff  }
0x1b4: {  	v21 =	vor.u32 $0x120E, v1;
	v4 =	vadd.f32 v8, v4  }
0x1b5: {  	v5 =	vld.idx.msk [tilespmem:v5+s19+$0x0], $0xffff  }
0x1b6: {  	v22 =	vor.u32 $0x120F, v1;
	v4 =	vadd.f32 v9, v4  }
0x1b7: {  	v7 =	vld.idx.msk [tilespmem:v20+s19+$0x0], $0xffff  }
0x1b8: {  	v4 =	vadd.f32 v6, v4  }
0x1b9: {  	v23 =	vld.idx.msk [tilespmem:v21+s19+$0x0], $0xffff  }
0x1ba: {  	v4 =	vadd.f32 v5, v4  }
0x1bb: {  	v5 =	vld.idx.msk [tilespmem:v22+s19+$0x0], $0xffff  }
0x1bc: {  	v4 =	vadd.f32 v7, v4;
	_ =	sdelay $0x1  }
0x1bd: {  	v24 =	vor.u32 $0x1300, v1;
	v4 =	vadd.f32 v23, v4;
	_ =	sdelay $0x1  }
0x1be: {  	v4 =	vadd.f32 v5, v4;
	v5 =	vor.u32 $0x1301, v1;
	_ =	sdelay $0x1  }
0x1bf: {  	[tilespmem:$0x11820] =	vst v4;
	v4 =	vor.u32 $0x1302, v1  }
0x1c0: {  	v6 =	vld.idx.msk [tilespmem:v24+s19+$0x0], $0xffff  }
0x1c1: {  	v25 =	vor.u32 $0x1303, v1  }
0x1c2: {  	v5 =	vld.idx.msk [tilespmem:v5+s19+$0x0], $0xffff  }
0x1c3: {  	v26 =	vor.u32 $0x1304, v1  }
0x1c4: {  	v4 =	vld.idx.msk [tilespmem:v4+s19+$0x0], $0xffff  }
0x1c5: {  	v27 =	vor.u32 $0x1305, v1;
	v6 =	vadd.f32 $0.0e+00, v6  }
0x1c6: {  	v7 =	vld.idx.msk [tilespmem:v25+s19+$0x0], $0xffff  }
0x1c7: {  	v28 =	vor.u32 $0x1306, v1;
	v5 =	vadd.f32 v5, v6  }
0x1c8: {  	v8 =	vld.idx.msk [tilespmem:v26+s19+$0x0], $0xffff  }
0x1c9: {  	v4 =	vadd.f32 v4, v5;
	v5 =	vor.u32 $0x1307, v1  }
0x1ca: {  	v9 =	vld.idx.msk [tilespmem:v27+s19+$0x0], $0xffff  }
0x1cb: {  	v29 =	vor.u32 $0x1308, v1;
	v4 =	vadd.f32 v7, v4  }
0x1cc: {  	v6 =	vld.idx.msk [tilespmem:v28+s19+$0x0], $0xffff  }
0x1cd: {  	v30 =	vor.u32 $0x1309, v1;
	v4 =	vadd.f32 v8, v4  }
0x1ce: {  	v5 =	vld.idx.msk [tilespmem:v5+s19+$0x0], $0xffff  }
0x1cf: {  	v31 =	vor.u32 $0x130A, v1;
	v4 =	vadd.f32 v9, v4  }
0x1d0: {  	v7 =	vld.idx.msk [tilespmem:v29+s19+$0x0], $0xffff  }
0x1d1: {  	v32 =	vor.u32 $0x130B, v1;
	v4 =	vadd.f32 v6, v4  }
0x1d2: {  	v8 =	vld.idx.msk [tilespmem:v30+s19+$0x0], $0xffff  }
0x1d3: {  	v4 =	vadd.f32 v5, v4;
	v5 =	vor.u32 $0x130C, v1  }
0x1d4: {  	v9 =	vld.idx.msk [tilespmem:v31+s19+$0x0], $0xffff  }
0x1d5: {  	v33 =	vor.u32 $0x130D, v1;
	v4 =	vadd.f32 v7, v4  }
0x1d6: {  	v6 =	vld.idx.msk [tilespmem:v32+s19+$0x0], $0xffff  }
0x1d7: {  	v34 =	vor.u32 $0x130E, v1;
	v4 =	vadd.f32 v8, v4  }
0x1d8: {  	v5 =	vld.idx.msk [tilespmem:v5+s19+$0x0], $0xffff  }
0x1d9: {  	v35 =	vor.u32 $0x130F, v1;
	v4 =	vadd.f32 v9, v4  }
0x1da: {  	v7 =	vld.idx.msk [tilespmem:v33+s19+$0x0], $0xffff  }
0x1db: {  	v4 =	vadd.f32 v6, v4  }
0x1dc: {  	v36 =	vld.idx.msk [tilespmem:v34+s19+$0x0], $0xffff  }
0x1dd: {  	v4 =	vadd.f32 v5, v4  }
0x1de: {  	v5 =	vld.idx.msk [tilespmem:v35+s19+$0x0], $0xffff  }
0x1df: {  	v4 =	vadd.f32 v7, v4;
	_ =	sdelay $0x1  }
0x1e0: {  	v4 =	vadd.f32 v36, v4;
	_ =	sdelay $0x1  }
0x1e1: {  	s22 =	sadd.s32 $0x1, s22;
	v4 =	vadd.f32 v5, v4  }
0x1e2: {  	s23 =	sshrl.u32 s23, $0x3;
	p1 =	sne.s32 s22, s16  }
.Ltmp1:
0x1e3: {  	s23 =	sadd.s32 s5, s23;
	[tilespmem:$0x11830] =	vst v4;
	(pc) =	sbr.rel @!p1 .LBB2_21-.Ltmp1, $4  }
0x1e4: {  	[hbm4b:s23+s1] =	stream.linear.scatter [tilespmem:s21], [sflag:$0x1], $0x40, $0x38;
	[tilespmem:$0x11880] =	vst v63  }
0x1e5: {  	_ =	swait.ge [sflag:s17], $0x40  }
0x1e6: {  	[sflag:s17] =	ssyncset.done $0x0  }
0x1e7: {  	[sflag:s17] =	ssyncadd.s32 $0xFFFFFFC0  }
.LBB2_1:
.Ltmp2:
0x1e8: {  	(pc) =	sbr.rel @!p0 .LBB2_2-.Ltmp2, $2  }
0x1e9: {  	_ =	sdelay $0x2  }
0x1ea: {  	s24 =	simm.s32 $0xFFFFFFC0;
	s23 =	simm.s32 $0x10020  }
0x1eb: {  	[tilespmem:s23+$0xFFFFFFE0] =	vst v2  }
0x1ec: {  	[tilespmem:s23+$0x10] =	vst v2  }
0x1ed: {  	s24 =	sadd.s32 $0x40, s24;
	[tilespmem:s23+$0x0] =	vst v2  }
.LBB2_12:
0x1ee: {  	s24 =	sadd.s32 $0x40, s24  }
0x1ef: {  	[tilespmem:s23+$0xFFFFFFF0] =	vst v2;
	s23 =	sadd.s32 $0x40, s23;
	p1 =	slt.u32 s24, $0x17C0  }
.Ltmp3:
0x1f0: {  	[tilespmem:s23+$0xFFFFFFE0] =	vst v2;
	(pc) =	sbr.rel @p1 .LBB2_12-.Ltmp3, $3  }
0x1f1: {  	_ =	sdelay $0x1  }
0x1f2: {  	[tilespmem:s23+$0x10] =	vst v2  }
0x1f3: {  	[tilespmem:s23+$0x0] =	vst v2  }
0x1f4: {  	[tilespmem:s23+$0xFFFFFFF0] =	vst v2;
	s23 =	simm.s32 $0x0  }
0x1f5: {  	[tilespmem:s23], [sflag:$0x1] =	stream.linear.gather [hbm4b:s12+s23], $0x8000, $0x38;
	[tilespmem:$0x11880] =	vst v63  }
.LBB2_14:
0x1f6: {  	s24 =	sshll.u32 s23, $0x10  }
0x1f7: {  	_ =	swait.ge [sflag:s17], $0x8000;
	s24 =	sadd.s32 s24, s7  }
0x1f8: {  	[sflag:s17] =	ssyncset.done $0x0;
	s24 =	sshrl.u32 s24, $0x3  }
0x1f9: {  	s30 =	simm.s32 $0x80;
	[sflag:s17] =	ssyncadd.s32 $0xFFFF8000;
	s24 =	sadd.s32 s3, s24  }
0x1fa: {  	[tilespmem:s18], [sflag:$0x2] =	stream.linear.gather [hbm4b:s24+s1], $0x8000, $0x38;
	[tilespmem:$0x11880] =	vst v63  }
0x1fb: {  	v4 =	vld [tilespmem:s30+$0x70]  }
0x1fc: {  	v5 =	vld [tilespmem:s30+$0xFFFFFF90]  }
0x1fd: {  	v6 =	vld [tilespmem:s30+$0xFFFFFFA0]  }
0x1fe: {  	v7 =	vld [tilespmem:s30+$0xFFFFFFB0]  }
0x1ff: {  	v9 =	vld [tilespmem:s30+$0xFFFFFFD0]  }
0x200: {  	v8 =	vld [tilespmem:s30+$0xFFFFFFC0]  }
0x201: {  	v10 =	vld [tilespmem:s30+$0xFFFFFFE0]  }
0x202: {  	v12 =	vld [tilespmem:s30+$0x0];
	v4 =	vadd.f32 $1.000000000e+00, v4;
	v5 =	vadd.f32 $1.000000000e+00, v5  }
0x203: {  	v11 =	vld [tilespmem:s30+$0xFFFFFFF0];
	v6 =	vadd.f32 $1.000000000e+00, v6;
	v7 =	vadd.f32 $1.000000000e+00, v7  }
0x204: {  	v9 =	vadd.f32 $1.000000000e+00, v9;
	v4 =	vmul.f32 $5.120000000e+02, v4;
	v5 =	vmul.f32 $5.120000000e+02, v5  }
0x205: {  	v13 =	vld [tilespmem:s30+$0x10];
	v8 =	vadd.f32 $1.000000000e+00, v8;
	v6 =	vmul.f32 $5.120000000e+02, v6;
	v7 =	vmul.f32 $5.120000000e+02, v7  }
0x206: {  	v14 =	vld [tilespmem:s30+$0x20];
	v9 =	vmul.f32 $5.120000000e+02, v9;
	v4 =	vtrunc.f32 v4  }
0x207: {  	v17 =	vld [tilespmem:s30+$0x50];
	v12 =	vadd.f32 $1.000000000e+00, v12;
	v16 =	vtrunc.f32 v5;
	v5 =	vmul.f32 $5.120000000e+02, v8  }
0x208: {  	v8 =	vadd.f32 $1.000000000e+00, v11;
	v15 =	vcvt.f32.s32 v4;
	v4 =	vadd.f32 $1.000000000e+00, v10;
	v10 =	vld [tilespmem:s30+$0x30]  }
0x209: {  	v11 =	vld [tilespmem:s30+$0x40];
	v18 =	vtrunc.f32 v6;
	v20 =	vtrunc.f32 v7  }
0x20a: {  	v19 =	vld [tilespmem:s30+$0xFFFFFF80];
	v7 =	vmul.f32 $5.120000000e+02, v12;
	v6 =	vmul.f32 $5.120000000e+02, v8;
	v8 =	vadd.f32 $1.000000000e+00, v13  }
0x20b: {  	v12 =	vadd.f32 $1.000000000e+00, v14;
	v9 =	vtrunc.f32 v9;
	v13 =	vld [tilespmem:s30+$0x60];
	v14 =	vtrunc.f32 v5  }
0x20c: {  	v4 =	vmul.f32 $5.120000000e+02, v4;
	v5 =	vmul.f32 $5.120000000e+02, v8  }
0x20d: {  	v21 =	vtrunc.f32 v7;
	v8 =	vadd.f32 $1.000000000e+00, v10;
	v10 =	vmul.f32 $5.120000000e+02, v12  }
0x20e: {  	v11 =	vadd.f32 $1.000000000e+00, v11;
	v12 =	vtrunc.f32 v4;
	v22 =	vtrunc.f32 v5  }
0x20f: {  	v4 =	vmul.f32 $5.120000000e+02, v8;
	v8 =	vadd.f32 $1.000000000e+00, v17;
	v17 =	vtrunc.f32 v6  }
0x210: {  	v6 =	vmul.f32 $5.120000000e+02, v11;
	v11 =	vadd.f32 $1.000000000e+00, v13;
	v13 =	vadd.f32 $1.000000000e+00, v19  }
0x211: {  	v19 =	vcvt.f32.s32 v9;
	v7 =	vmul.f32 $5.120000000e+02, v8  }
0x212: {  	v8 =	vmul.f32 $5.120000000e+02, v11;
	v5 =	vmul.f32 $5.120000000e+02, v13  }
0x213: {  	s31 =	sshll.u32 s23, $0x9;
	v11 =	vtrunc.f32 v10;
	v23 =	vtrunc.f32 v4  }
0x214: {  	s24 =	sand.u32 $0x1800, s31;
	v24 =	vtrunc.f32 v6;
	v13 =	vcvt.f32.s32 v12  }
0x215: {  	v4 =	vor.u32 s24, v0;
	v12 =	vcvt.f32.s32 v11;
	v11 =	vcvt.f32.s32 v24  }
0x216: {  	v6 =	vtrunc.f32 v5;
	v5 =	vtrunc.f32 v7;
	v7 =	vand.u32 $0xFFFFFFF0, v15  }
0x217: {  	v15 =	vcvt.f32.s32 v18;
	v18 =	vcvt.f32.s32 v17;
	v25 =	vadd.s32 v4, v7  }
0x218: {  	v10 =	vcvt.f32.s32 v6;
	v6 =	vtrunc.f32 v8  }
0x219: {  	v8 =	vcvt.f32.s32 v16;
	v16 =	vcvt.f32.s32 v14  }
0x21a: {  	v14 =	vcvt.f32.s32 v21;
	v7 =	vand.u32 $0xFFFFFFF0, v10;
	v10 =	vcvt.f32.s32 v20  }
0x21b: {  	v9 =	vand.u32 $0xFFFFFFF0, v15;
	v15 =	vcvt.f32.s32 v22;
	v8 =	vand.u32 $0xFFFFFFF0, v8  }
0x21c: {  	s25 =	simm.s32 $0x180;
	s24 =	simm.s32 $0x0;
	v17 =	vand.u32 $0xFFFFFFF0, v16;
	v16 =	vcvt.f32.s32 v23;
	v10 =	vand.u32 $0xFFFFFFF0, v10;
	[tilespmem:v25+s19+$0x0] =	vst.idx.add.f32.msk $0xffff, v3  }
.LBB2_15:
0x21d: {  	v20 =	vld [tilespmem:s25+$0x70];
	s24 =	sadd.s32 $0x100, s24;
	v19 =	vand.u32 $0xFFFFFFF0, v19;
	v5 =	vcvt.f32.s32 v5;
	v6 =	vcvt.f32.s32 v6  }
0x21e: {  	v13 =	vand.u32 $0xFFFFFFF0, v13;
	v18 =	vand.u32 $0xFFFFFFF0, v18;
	v14 =	vand.u32 $0xFFFFFFF0, v14;
	v21 =	vld [tilespmem:s25+$0xFFFFFF90];
	p1 =	slt.u32 s24, $0x7F00  }
0x21f: {  	v15 =	vand.u32 $0xFFFFFFF0, v15;
	v12 =	vand.u32 $0xFFFFFFF0, v12;
	v16 =	vand.u32 $0xFFFFFFF0, v16;
	v22 =	vld [tilespmem:s25+$0xFFFFFFA0]  }
0x220: {  	v11 =	vand.u32 $0xFFFFFFF0, v11;
	v24 =	vand.u32 $0xFFFFFFF0, v5;
	v25 =	vand.u32 $0xFFFFFFF0, v6;
	v23 =	vld [tilespmem:s25+$0xFFFFFFB0]  }
0x221: {  	v6 =	vadd.s32 v4, v7;
	v7 =	vadd.s32 v4, v8;
	v8 =	vadd.s32 v4, v9;
	v5 =	vld [tilespmem:s25+$0xFFFFFFC0]  }
0x222: {  	v10 =	vadd.s32 v4, v10;
	v17 =	vadd.s32 v4, v17;
	v9 =	vld [tilespmem:s25+$0xFFFFFFD0];
	v20 =	vadd.f32 $1.000000000e+00, v20  }
0x223: {  	v19 =	vadd.s32 v4, v19;
	v13 =	vadd.s32 v4, v13;
	v21 =	vadd.f32 $1.000000000e+00, v21;
	v26 =	vld [tilespmem:s25+$0xFFFFFFE0]  }
0x224: {  	v18 =	vadd.s32 v4, v18;
	v22 =	vadd.f32 $1.000000000e+00, v22;
	v27 =	vld [tilespmem:s25+$0xFFFFFFF0];
	v20 =	vmul.f32 $5.120000000e+02, v20  }
0x225: {  	v14 =	vadd.s32 v4, v14;
	v21 =	vmul.f32 $5.120000000e+02, v21;
	v23 =	vadd.f32 $1.000000000e+00, v23;
	v28 =	vld [tilespmem:s25+$0x0]  }
0x226: {  	v22 =	vmul.f32 $5.120000000e+02, v22;
	v5 =	vadd.f32 $1.000000000e+00, v5;
	v29 =	vld [tilespmem:s25+$0x10];
	v20 =	vtrunc.f32 v20  }
0x227: {  	v23 =	vmul.f32 $5.120000000e+02, v23;
	v9 =	vadd.f32 $1.000000000e+00, v9;
	v30 =	vld [tilespmem:s25+$0x20];
	v20 =	vcvt.f32.s32 v20  }
0x228: {  	v21 =	vtrunc.f32 v21;
	v5 =	vmul.f32 $5.120000000e+02, v5;
	v26 =	vadd.f32 $1.000000000e+00, v26;
	v31 =	vld [tilespmem:s25+$0x30]  }
0x229: {  	v9 =	vmul.f32 $5.120000000e+02, v9;
	v27 =	vadd.f32 $1.000000000e+00, v27;
	v32 =	vld [tilespmem:s25+$0x40];
	v20 =	vand.u32 $0xFFFFFFF0, v20  }
0x22a: {  	v26 =	vmul.f32 $5.120000000e+02, v26;
	v28 =	vadd.f32 $1.000000000e+00, v28;
	v33 =	vld [tilespmem:s25+$0x50];
	v20 =	vadd.s32 v4, v20  }
0x22b: {  	v22 =	vtrunc.f32 v22;
	v27 =	vmul.f32 $5.120000000e+02, v27;
	v29 =	vadd.f32 $1.000000000e+00, v29;
	v34 =	vld [tilespmem:s25+$0x60]  }
0x22c: {  	v23 =	vtrunc.f32 v23;
	v35 =	vld [tilespmem:s25+$0xFFFFFF80];
	v28 =	vmul.f32 $5.120000000e+02, v28;
	v30 =	vadd.f32 $1.000000000e+00, v30  }
0x22d: {  	v36 =	vtrunc.f32 v5;
	v5 =	vmul.f32 $5.120000000e+02, v29;
	v29 =	vadd.f32 $1.000000000e+00, v31;
	[tilespmem:v6+s19+$0x0] =	vst.idx.add.f32.msk $0xffff, v3  }
0x22e: {  	v9 =	vtrunc.f32 v9;
	v6 =	vmul.f32 $5.120000000e+02, v30;
	v30 =	vadd.f32 $1.000000000e+00, v32;
	[tilespmem:v7+s19+$0x0] =	vst.idx.add.f32.msk $0xffff, v3  }
0x22f: {  	v26 =	vtrunc.f32 v26;
	v7 =	vmul.f32 $5.120000000e+02, v29;
	v29 =	vadd.f32 $1.000000000e+00, v33;
	[tilespmem:v20+s19+$0x0] =	vst.idx.add.f32.msk $0xffff, v3  }
0x230: {  	v20 =	vtrunc.f32 v27;
	v27 =	vmul.f32 $5.120000000e+02, v30;
	v30 =	vadd.f32 $1.000000000e+00, v34;
	[tilespmem:v8+s19+$0x0] =	vst.idx.add.f32.msk $0xffff, v3  }
0x231: {  	v28 =	vtrunc.f32 v28;
	v8 =	vadd.f32 $1.000000000e+00, v35;
	v29 =	vmul.f32 $5.120000000e+02, v29;
	[tilespmem:v10+s19+$0x0] =	vst.idx.add.f32.msk $0xffff, v3  }
0x232: {  	v15 =	vadd.s32 v4, v15;
	v31 =	vtrunc.f32 v5;
	v10 =	vmul.f32 $5.120000000e+02, v30;
	[tilespmem:v17+s19+$0x0] =	vst.idx.add.f32.msk $0xffff, v3  }
0x233: {  	v17 =	vtrunc.f32 v6;
	v5 =	vmul.f32 $5.120000000e+02, v8;
	[tilespmem:v19+s19+$0x0] =	vst.idx.add.f32.msk $0xffff, v3;
	v8 =	vadd.s32 v4, v12  }
0x234: {  	v30 =	vtrunc.f32 v7;
	v27 =	vtrunc.f32 v27;
	v12 =	vadd.s32 v4, v16;
	[tilespmem:v13+s19+$0x0] =	vst.idx.add.f32.msk $0xffff, v3  }
0x235: {  	v11 =	vadd.s32 v4, v11;
	v6 =	vtrunc.f32 v5;
	v5 =	vtrunc.f32 v29;
	[tilespmem:v18+s19+$0x0] =	vst.idx.add.f32.msk $0xffff, v3  }
0x236: {  	v16 =	vadd.s32 v4, v24;
	v7 =	vcvt.f32.s32 v6;
	v6 =	vtrunc.f32 v10;
	[tilespmem:v14+s19+$0x0] =	vst.idx.add.f32.msk $0xffff, v3  }
0x237: {  	v10 =	vcvt.f32.s32 v21;
	v14 =	vcvt.f32.s32 v22;
	v21 =	vadd.s32 v4, v25;
	[tilespmem:v15+s19+$0x0] =	vst.idx.add.f32.msk $0xffff, v3  }
.Ltmp4:
0x238: {  	v22 =	vcvt.f32.s32 v36;
	v15 =	vcvt.f32.s32 v23;
	v7 =	vand.u32 $0xFFFFFFF0, v7;
	[tilespmem:v8+s19+$0x0] =	vst.idx.add.f32.msk $0xffff, v3;
	(pc) =	sbr.rel @p1 .LBB2_15-.Ltmp4, $4  }
0x239: {  	v19 =	vcvt.f32.s32 v9;
	v13 =	vcvt.f32.s32 v26;
	v8 =	vand.u32 $0xFFFFFFF0, v10;
	[tilespmem:v12+s19+$0x0] =	vst.idx.add.f32.msk $0xffff, v3  }
0x23a: {  	v18 =	vcvt.f32.s32 v20;
	v9 =	vand.u32 $0xFFFFFFF0, v14;
	v14 =	vcvt.f32.s32 v28;
	[tilespmem:v11+s19+$0x0] =	vst.idx.add.f32.msk $0xffff, v3  }
0x23b: {  	v10 =	vand.u32 $0xFFFFFFF0, v15;
	v15 =	vcvt.f32.s32 v31;
	v12 =	vcvt.f32.s32 v17;
	[tilespmem:v16+s19+$0x0] =	vst.idx.add.f32.msk $0xffff, v3  }
0x23c: {  	s25 =	sadd.s32 $0x100, s25;
	v17 =	vand.u32 $0xFFFFFFF0, v22;
	v11 =	vcvt.f32.s32 v27;
	v16 =	vcvt.f32.s32 v30;
	[tilespmem:v21+s19+$0x0] =	vst.idx.add.f32.msk $0xffff, v3  }
0x23d: {  	v7 =	vadd.s32 v4, v7  }
0x23e: {  	v8 =	vadd.s32 v4, v8  }
0x23f: {  	v9 =	vadd.s32 v4, v9  }
0x240: {  	v10 =	vadd.s32 v4, v10  }
0x241: {  	v19 =	vand.u32 $0xFFFFFFF0, v19;
	v17 =	vadd.s32 v4, v17;
	v5 =	vcvt.f32.s32 v5  }
0x242: {  	v13 =	vand.u32 $0xFFFFFFF0, v13;
	v6 =	vcvt.f32.s32 v6;
	v19 =	vadd.s32 v4, v19;
	[tilespmem:v7+s19+$0x0] =	vst.idx.add.f32.msk $0xffff, v3  }
0x243: {  	v13 =	vadd.s32 v4, v13;
	v5 =	vand.u32 $0xFFFFFFF0, v5;
	[tilespmem:v8+s19+$0x0] =	vst.idx.add.f32.msk $0xffff, v3  }
0x244: {  	v6 =	vand.u32 $0xFFFFFFF0, v6;
	v5 =	vadd.s32 v4, v5;
	[tilespmem:v9+s19+$0x0] =	vst.idx.add.f32.msk $0xffff, v3  }
0x245: {  	v6 =	vadd.s32 v4, v6;
	v7 =	vand.u32 $0xFFFFFFF0, v18;
	[tilespmem:v10+s19+$0x0] =	vst.idx.add.f32.msk $0xffff, v3  }
0x246: {  	v8 =	vand.u32 $0xFFFFFFF0, v14;
	[tilespmem:v17+s19+$0x0] =	vst.idx.add.f32.msk $0xffff, v3;
	v7 =	vadd.s32 v4, v7  }
0x247: {  	v9 =	vand.u32 $0xFFFFFFF0, v15;
	v8 =	vadd.s32 v4, v8;
	[tilespmem:v19+s19+$0x0] =	vst.idx.add.f32.msk $0xffff, v3  }
0x248: {  	v10 =	vand.u32 $0xFFFFFFF0, v12;
	v9 =	vadd.s32 v4, v9;
	[tilespmem:v13+s19+$0x0] =	vst.idx.add.f32.msk $0xffff, v3  }
0x249: {  	v12 =	vand.u32 $0xFFFFFFF0, v16;
	v10 =	vadd.s32 v4, v10;
	[tilespmem:v5+s19+$0x0] =	vst.idx.add.f32.msk $0xffff, v3  }
0x24a: {  	v11 =	vand.u32 $0xFFFFFFF0, v11;
	v12 =	vadd.s32 v4, v12;
	[tilespmem:v6+s19+$0x0] =	vst.idx.add.f32.msk $0xffff, v3  }
0x24b: {  	[tilespmem:v7+s19+$0x0] =	vst.idx.add.f32.msk $0xffff, v3;
	v7 =	vadd.s32 v4, v11  }
0x24c: {  	[tilespmem:v8+s19+$0x0] =	vst.idx.add.f32.msk $0xffff, v3  }
0x24d: {  	[tilespmem:v9+s19+$0x0] =	vst.idx.add.f32.msk $0xffff, v3  }
0x24e: {  	s24 =	sshll.u32 s23, $0x1;
	[tilespmem:v10+s19+$0x0] =	vst.idx.add.f32.msk $0xffff, v3  }
0x24f: {  	s24 =	smin.u32 s24, $0x15;
	[tilespmem:v12+s19+$0x0] =	vst.idx.add.f32.msk $0xffff, v3  }
0x250: {  	s24 =	sshll.u32 s24, $0xF;
	[tilespmem:v7+s19+$0x0] =	vst.idx.add.f32.msk $0xffff, v3  }
0x251: {  	s24 =	sadd.s32 s24, s8;
	_ =	swait.ge [sflag:s20], $0x8000  }
0x252: {  	s24 =	sshrl.u32 s24, $0x3;
	[sflag:s20] =	ssyncset.done $0x0  }
0x253: {  	s31 =	simm.s32 $0x8080;
	s24 =	sadd.s32 s3, s24;
	[sflag:s20] =	ssyncadd.s32 $0xFFFF8000  }
0x254: {  	[tilespmem:s1], [sflag:$0x1] =	stream.linear.gather [hbm4b:s24+s1], $0x8000, $0x38;
	[tilespmem:$0x11880] =	vst v63  }
0x255: {  	v5 =	vld [tilespmem:s31+$0x70]  }
0x256: {  	v6 =	vld [tilespmem:s31+$0xFFFFFF90]  }
0x257: {  	v7 =	vld [tilespmem:s31+$0xFFFFFFA0]  }
0x258: {  	v8 =	vld [tilespmem:s31+$0xFFFFFFB0]  }
0x259: {  	v10 =	vld [tilespmem:s31+$0xFFFFFFD0]  }
0x25a: {  	v13 =	vld [tilespmem:s31+$0x0]  }
0x25b: {  	v9 =	vld [tilespmem:s31+$0xFFFFFFC0]  }
0x25c: {  	v14 =	vld [tilespmem:s31+$0x10];
	v5 =	vadd.f32 $1.000000000e+00, v5  }
0x25d: {  	v11 =	vld [tilespmem:s31+$0xFFFFFFE0];
	v6 =	vadd.f32 $1.000000000e+00, v6;
	v7 =	vadd.f32 $1.000000000e+00, v7  }
0x25e: {  	v12 =	vld [tilespmem:s31+$0xFFFFFFF0];
	v8 =	vadd.f32 $1.000000000e+00, v8;
	v10 =	vadd.f32 $1.000000000e+00, v10;
	v5 =	vmul.f32 $5.120000000e+02, v5  }
0x25f: {  	v15 =	vld [tilespmem:s31+$0x20];
	v13 =	vadd.f32 $1.000000000e+00, v13;
	v6 =	vmul.f32 $5.120000000e+02, v6;
	v7 =	vmul.f32 $5.120000000e+02, v7  }
0x260: {  	v9 =	vadd.f32 $1.000000000e+00, v9;
	v8 =	vmul.f32 $5.120000000e+02, v8;
	v10 =	vmul.f32 $5.120000000e+02, v10  }
0x261: {  	v14 =	vadd.f32 $1.000000000e+00, v14;
	v13 =	vmul.f32 $5.120000000e+02, v13;
	v5 =	vtrunc.f32 v5  }
0x262: {  	v17 =	vtrunc.f32 v6;
	v16 =	vcvt.f32.s32 v5;
	v5 =	vadd.f32 $1.000000000e+00, v11;
	v11 =	vld [tilespmem:s31+$0x30]  }
0x263: {  	v6 =	vmul.f32 $5.120000000e+02, v9;
	v9 =	vadd.f32 $1.000000000e+00, v12;
	v12 =	vld [tilespmem:s31+$0x40];
	v7 =	vtrunc.f32 v7  }
0x264: {  	v18 =	vld [tilespmem:s31+$0x50];
	v15 =	vadd.f32 $1.000000000e+00, v15;
	v8 =	vtrunc.f32 v8;
	v10 =	vtrunc.f32 v10  }
0x265: {  	v19 =	vld [tilespmem:s31+$0x60];
	v21 =	vtrunc.f32 v6;
	v6 =	vmul.f32 $5.120000000e+02, v14  }
0x266: {  	v20 =	vld [tilespmem:s31+$0xFFFFFF80];
	v9 =	vmul.f32 $5.120000000e+02, v9;
	v14 =	vmul.f32 $5.120000000e+02, v15  }
0x267: {  	v5 =	vmul.f32 $5.120000000e+02, v5;
	v22 =	vtrunc.f32 v6;
	v11 =	vadd.f32 $1.000000000e+00, v11  }
0x268: {  	v23 =	vtrunc.f32 v14;
	v14 =	vcvt.f32.s32 v7;
	v12 =	vadd.f32 $1.000000000e+00, v12  }
0x269: {  	v15 =	vtrunc.f32 v5;
	v5 =	vmul.f32 $5.120000000e+02, v11  }
0x26a: {  	v11 =	vadd.f32 $1.000000000e+00, v18;
	v18 =	vtrunc.f32 v9;
	v9 =	vmul.f32 $5.120000000e+02, v12  }
0x26b: {  	v12 =	vadd.f32 $1.000000000e+00, v19;
	v19 =	vadd.f32 $1.000000000e+00, v20;
	v20 =	vtrunc.f32 v13  }
0x26c: {  	v13 =	vcvt.f32.s32 v15;
	v15 =	vcvt.f32.s32 v22  }
0x26d: {  	v18 =	vcvt.f32.s32 v18;
	v11 =	vmul.f32 $5.120000000e+02, v11  }
0x26e: {  	v6 =	vmul.f32 $5.120000000e+02, v12;
	v12 =	vmul.f32 $5.120000000e+02, v19  }
0x26f: {  	v24 =	vtrunc.f32 v5;
	v25 =	vtrunc.f32 v9  }
0x270: {  	v19 =	vcvt.f32.s32 v10;
	v5 =	vtrunc.f32 v11;
	v11 =	vand.u32 $0xFFFFFFF0, v16  }
0x271: {  	v9 =	vtrunc.f32 v12;
	v6 =	vtrunc.f32 v6;
	v11 =	vadd.s32 v4, v11  }
0x272: {  	v12 =	vcvt.f32.s32 v17;
	v16 =	vcvt.f32.s32 v8  }
0x273: {  	v17 =	vcvt.f32.s32 v21;
	v9 =	vcvt.f32.s32 v9  }
0x274: {  	v8 =	vand.u32 $0xFFFFFFF0, v12;
	v10 =	vand.u32 $0xFFFFFFF0, v16;
	v12 =	vcvt.f32.s32 v23  }
0x275: {  	v17 =	vand.u32 $0xFFFFFFF0, v17;
	v16 =	vcvt.f32.s32 v24;
	v7 =	vand.u32 $0xFFFFFFF0, v9  }
0x276: {  	s25 =	simm.s32 $0x8180;
	s24 =	simm.s32 $0x0;
	v9 =	vand.u32 $0xFFFFFFF0, v14;
	v14 =	vcvt.f32.s32 v20;
	[tilespmem:v11+s19+$0x0] =	vst.idx.add.f32.msk $0xffff, v3;
	v11 =	vcvt.f32.s32 v25  }
.LBB2_17:
0x277: {  	v20 =	vld [tilespmem:s25+$0x70];
	s24 =	sadd.s32 $0x100, s24;
	v19 =	vand.u32 $0xFFFFFFF0, v19;
	v5 =	vcvt.f32.s32 v5;
	v6 =	vcvt.f32.s32 v6  }
0x278: {  	v13 =	vand.u32 $0xFFFFFFF0, v13;
	v18 =	vand.u32 $0xFFFFFFF0, v18;
	v14 =	vand.u32 $0xFFFFFFF0, v14;
	v21 =	vld [tilespmem:s25+$0xFFFFFF90];
	p1 =	slt.u32 s24, $0x7F00  }
0x279: {  	v15 =	vand.u32 $0xFFFFFFF0, v15;
	v12 =	vand.u32 $0xFFFFFFF0, v12;
	v16 =	vand.u32 $0xFFFFFFF0, v16;
	v22 =	vld [tilespmem:s25+$0xFFFFFFA0]  }
0x27a: {  	v11 =	vand.u32 $0xFFFFFFF0, v11;
	v24 =	vand.u32 $0xFFFFFFF0, v5;
	v25 =	vand.u32 $0xFFFFFFF0, v6;
	v23 =	vld [tilespmem:s25+$0xFFFFFFB0]  }
0x27b: {  	v6 =	vadd.s32 v4, v7;
	v7 =	vadd.s32 v4, v8;
	v8 =	vadd.s32 v4, v9;
	v5 =	vld [tilespmem:s25+$0xFFFFFFC0]  }
0x27c: {  	v10 =	vadd.s32 v4, v10;
	v17 =	vadd.s32 v4, v17;
	v9 =	vld [tilespmem:s25+$0xFFFFFFD0];
	v20 =	vadd.f32 $1.000000000e+00, v20  }
0x27d: {  	v19 =	vadd.s32 v4, v19;
	v13 =	vadd.s32 v4, v13;
	v21 =	vadd.f32 $1.000000000e+00, v21;
	v26 =	vld [tilespmem:s25+$0xFFFFFFE0]  }
0x27e: {  	v18 =	vadd.s32 v4, v18;
	v22 =	vadd.f32 $1.000000000e+00, v22;
	v27 =	vld [tilespmem:s25+$0xFFFFFFF0];
	v20 =	vmul.f32 $5.120000000e+02, v20  }
0x27f: {  	v14 =	vadd.s32 v4, v14;
	v21 =	vmul.f32 $5.120000000e+02, v21;
	v23 =	vadd.f32 $1.000000000e+00, v23;
	v28 =	vld [tilespmem:s25+$0x0]  }
0x280: {  	v22 =	vmul.f32 $5.120000000e+02, v22;
	v5 =	vadd.f32 $1.000000000e+00, v5;
	v29 =	vld [tilespmem:s25+$0x10];
	v20 =	vtrunc.f32 v20  }
0x281: {  	v23 =	vmul.f32 $5.120000000e+02, v23;
	v9 =	vadd.f32 $1.000000000e+00, v9;
	v30 =	vld [tilespmem:s25+$0x20];
	v20 =	vcvt.f32.s32 v20  }
0x282: {  	v21 =	vtrunc.f32 v21;
	v5 =	vmul.f32 $5.120000000e+02, v5;
	v26 =	vadd.f32 $1.000000000e+00, v26;
	v31 =	vld [tilespmem:s25+$0x30]  }
0x283: {  	v9 =	vmul.f32 $5.120000000e+02, v9;
	v27 =	vadd.f32 $1.000000000e+00, v27;
	v32 =	vld [tilespmem:s25+$0x40];
	v20 =	vand.u32 $0xFFFFFFF0, v20  }
0x284: {  	v26 =	vmul.f32 $5.120000000e+02, v26;
	v28 =	vadd.f32 $1.000000000e+00, v28;
	v33 =	vld [tilespmem:s25+$0x50];
	v20 =	vadd.s32 v4, v20  }
0x285: {  	v22 =	vtrunc.f32 v22;
	v27 =	vmul.f32 $5.120000000e+02, v27;
	v29 =	vadd.f32 $1.000000000e+00, v29;
	v34 =	vld [tilespmem:s25+$0x60]  }
0x286: {  	v23 =	vtrunc.f32 v23;
	v35 =	vld [tilespmem:s25+$0xFFFFFF80];
	v28 =	vmul.f32 $5.120000000e+02, v28;
	v30 =	vadd.f32 $1.000000000e+00, v30  }
0x287: {  	v36 =	vtrunc.f32 v5;
	v5 =	vmul.f32 $5.120000000e+02, v29;
	v29 =	vadd.f32 $1.000000000e+00, v31;
	[tilespmem:v6+s19+$0x0] =	vst.idx.add.f32.msk $0xffff, v3  }
0x288: {  	v9 =	vtrunc.f32 v9;
	v6 =	vmul.f32 $5.120000000e+02, v30;
	v30 =	vadd.f32 $1.000000000e+00, v32;
	[tilespmem:v7+s19+$0x0] =	vst.idx.add.f32.msk $0xffff, v3  }
0x289: {  	v26 =	vtrunc.f32 v26;
	v7 =	vmul.f32 $5.120000000e+02, v29;
	v29 =	vadd.f32 $1.000000000e+00, v33;
	[tilespmem:v20+s19+$0x0] =	vst.idx.add.f32.msk $0xffff, v3  }
0x28a: {  	v20 =	vtrunc.f32 v27;
	v27 =	vmul.f32 $5.120000000e+02, v30;
	v30 =	vadd.f32 $1.000000000e+00, v34;
	[tilespmem:v8+s19+$0x0] =	vst.idx.add.f32.msk $0xffff, v3  }
0x28b: {  	v28 =	vtrunc.f32 v28;
	v8 =	vadd.f32 $1.000000000e+00, v35;
	v29 =	vmul.f32 $5.120000000e+02, v29;
	[tilespmem:v10+s19+$0x0] =	vst.idx.add.f32.msk $0xffff, v3  }
0x28c: {  	v15 =	vadd.s32 v4, v15;
	v31 =	vtrunc.f32 v5;
	v10 =	vmul.f32 $5.120000000e+02, v30;
	[tilespmem:v17+s19+$0x0] =	vst.idx.add.f32.msk $0xffff, v3  }
0x28d: {  	v17 =	vtrunc.f32 v6;
	v5 =	vmul.f32 $5.120000000e+02, v8;
	[tilespmem:v19+s19+$0x0] =	vst.idx.add.f32.msk $0xffff, v3;
	v8 =	vadd.s32 v4, v12  }
0x28e: {  	v30 =	vtrunc.f32 v7;
	v27 =	vtrunc.f32 v27;
	v12 =	vadd.s32 v4, v16;
	[tilespmem:v13+s19+$0x0] =	vst.idx.add.f32.msk $0xffff, v3  }
0x28f: {  	v11 =	vadd.s32 v4, v11;
	v6 =	vtrunc.f32 v5;
	v5 =	vtrunc.f32 v29;
	[tilespmem:v18+s19+$0x0] =	vst.idx.add.f32.msk $0xffff, v3  }
0x290: {  	v16 =	vadd.s32 v4, v24;
	v7 =	vcvt.f32.s32 v6;
	v6 =	vtrunc.f32 v10;
	[tilespmem:v14+s19+$0x0] =	vst.idx.add.f32.msk $0xffff, v3  }
0x291: {  	v10 =	vcvt.f32.s32 v21;
	v14 =	vcvt.f32.s32 v22;
	v21 =	vadd.s32 v4, v25;
	[tilespmem:v15+s19+$0x0] =	vst.idx.add.f32.msk $0xffff, v3  }
.Ltmp5:
0x292: {  	v22 =	vcvt.f32.s32 v36;
	v15 =	vcvt.f32.s32 v23;
	v7 =	vand.u32 $0xFFFFFFF0, v7;
	[tilespmem:v8+s19+$0x0] =	vst.idx.add.f32.msk $0xffff, v3;
	(pc) =	sbr.rel @p1 .LBB2_17-.Ltmp5, $4  }
0x293: {  	v19 =	vcvt.f32.s32 v9;
	v13 =	vcvt.f32.s32 v26;
	v8 =	vand.u32 $0xFFFFFFF0, v10;
	[tilespmem:v12+s19+$0x0] =	vst.idx.add.f32.msk $0xffff, v3  }
0x294: {  	v18 =	vcvt.f32.s32 v20;
	v9 =	vand.u32 $0xFFFFFFF0, v14;
	v14 =	vcvt.f32.s32 v28;
	[tilespmem:v11+s19+$0x0] =	vst.idx.add.f32.msk $0xffff, v3  }
0x295: {  	v10 =	vand.u32 $0xFFFFFFF0, v15;
	v15 =	vcvt.f32.s32 v31;
	v12 =	vcvt.f32.s32 v17;
	[tilespmem:v16+s19+$0x0] =	vst.idx.add.f32.msk $0xffff, v3  }
0x296: {  	s25 =	sadd.s32 $0x100, s25;
	v17 =	vand.u32 $0xFFFFFFF0, v22;
	v11 =	vcvt.f32.s32 v27;
	v16 =	vcvt.f32.s32 v30;
	[tilespmem:v21+s19+$0x0] =	vst.idx.add.f32.msk $0xffff, v3  }
0x297: {  	v7 =	vadd.s32 v4, v7  }
0x298: {  	v8 =	vadd.s32 v4, v8  }
0x299: {  	v9 =	vadd.s32 v4, v9  }
0x29a: {  	v10 =	vadd.s32 v4, v10  }
0x29b: {  	v19 =	vand.u32 $0xFFFFFFF0, v19;
	v17 =	vadd.s32 v4, v17  }
0x29c: {  	v13 =	vand.u32 $0xFFFFFFF0, v13;
	v19 =	vadd.s32 v4, v19;
	[tilespmem:v7+s19+$0x0] =	vst.idx.add.f32.msk $0xffff, v3  }
0x29d: {  	v5 =	vcvt.f32.s32 v5;
	v13 =	vadd.s32 v4, v13;
	v35 =	vand.u32 $0xFFFFFFF0, v16;
	[tilespmem:v8+s19+$0x0] =	vst.idx.add.f32.msk $0xffff, v3  }
0x29e: {  	v34 =	vand.u32 $0xFFFFFFF0, v12;
	v11 =	vand.u32 $0xFFFFFFF0, v11;
	v12 =	vadd.s32 v4, v35;
	[tilespmem:v9+s19+$0x0] =	vst.idx.add.f32.msk $0xffff, v3  }
0x29f: {  	v5 =	vand.u32 $0xFFFFFFF0, v5;
	v36 =	vadd.s32 v4, v11;
	[tilespmem:v10+s19+$0x0] =	vst.idx.add.f32.msk $0xffff, v3  }
0x2a0: {  	v31 =	vand.u32 $0xFFFFFFF0, v18;
	v5 =	vadd.s32 v4, v5;
	[tilespmem:v17+s19+$0x0] =	vst.idx.add.f32.msk $0xffff, v3  }
0x2a1: {  	v32 =	vand.u32 $0xFFFFFFF0, v14;
	v7 =	vadd.s32 v4, v31;
	[tilespmem:v19+s19+$0x0] =	vst.idx.add.f32.msk $0xffff, v3  }
0x2a2: {  	v33 =	vand.u32 $0xFFFFFFF0, v15;
	v6 =	vcvt.f32.s32 v6;
	v8 =	vadd.s32 v4, v32;
	[tilespmem:v13+s19+$0x0] =	vst.idx.add.f32.msk $0xffff, v3  }
0x2a3: {  	v9 =	vadd.s32 v4, v33;
	[tilespmem:v12+s19+$0x0] =	vst.idx.add.f32.msk $0xffff, v3  }
0x2a4: {  	s23 =	sadd.s32 $0x1, s23;
	v6 =	vand.u32 $0xFFFFFFF0, v6;
	v10 =	vadd.s32 v4, v34;
	[tilespmem:v36+s19+$0x0] =	vst.idx.add.f32.msk $0xffff, v3  }
0x2a5: {  	p1 =	sne.s32 s23, $0xC;
	v4 =	vadd.s32 v4, v6;
	[tilespmem:v5+s19+$0x0] =	vst.idx.add.f32.msk $0xffff, v3  }
.Ltmp6:
0x2a6: {  	[tilespmem:v7+s19+$0x0] =	vst.idx.add.f32.msk $0xffff, v3;
	(pc) =	sbr.rel @p1 .LBB2_14-.Ltmp6, $4  }
0x2a7: {  	[tilespmem:v8+s19+$0x0] =	vst.idx.add.f32.msk $0xffff, v3  }
0x2a8: {  	[tilespmem:v9+s19+$0x0] =	vst.idx.add.f32.msk $0xffff, v3  }
0x2a9: {  	[tilespmem:v10+s19+$0x0] =	vst.idx.add.f32.msk $0xffff, v3  }
0x2aa: {  	[tilespmem:v4+s19+$0x0] =	vst.idx.add.f32.msk $0xffff, v3  }
.Ltmp7:
0x2ab: {  	(pc) =	sbr.rel .LBB2_20-.Ltmp7, $2  }
0x2ac: {  	_ =	sdelay $0x2  }
0x2ad: {  	s25 =	smov.u32 s13;
	s24 =	smov.u32 s14;
	s23 =	smov.u32 s15  }
.LBB2_2:
0x2ae: {  	[tilespmem:s23+$0xFFFFFFE0] =	vst v2  }
0x2af: {  	[tilespmem:s23+$0x10] =	vst v2  }
0x2b0: {  	s24 =	sadd.s32 $0x40, s24;
	[tilespmem:s23+$0x0] =	vst v2  }
.LBB2_3:
0x2b1: {  	s24 =	sadd.s32 $0x40, s24  }
0x2b2: {  	[tilespmem:s23+$0xFFFFFFF0] =	vst v2;
	s23 =	sadd.s32 $0x40, s23;
	p1 =	slt.u32 s24, $0x17C0  }
.Ltmp8:
0x2b3: {  	[tilespmem:s23+$0xFFFFFFE0] =	vst v2;
	(pc) =	sbr.rel @p1 .LBB2_3-.Ltmp8, $3  }
0x2b4: {  	_ =	sdelay $0x1  }
0x2b5: {  	[tilespmem:s23+$0x10] =	vst v2  }
0x2b6: {  	[tilespmem:s23+$0x0] =	vst v2  }
0x2b7: {  	[tilespmem:s23+$0xFFFFFFF0] =	vst v2;
	s23 =	simm.s32 $0x0  }
0x2b8: {  	[tilespmem:s23], [sflag:$0x1] =	stream.linear.gather [hbm4b:s6+s23], $0x8000, $0x38;
	[tilespmem:$0x11880] =	vst v63  }
.LBB2_5:
0x2b9: {  	s24 =	sshll.u32 s23, $0x10  }
0x2ba: {  	_ =	swait.ge [sflag:s17], $0x8000;
	s24 =	sadd.s32 s24, s7  }
0x2bb: {  	[sflag:s17] =	ssyncset.done $0x0;
	s24 =	sshrl.u32 s24, $0x3  }
0x2bc: {  	s30 =	simm.s32 $0x80;
	[sflag:s17] =	ssyncadd.s32 $0xFFFF8000;
	s24 =	sadd.s32 s4, s24  }
0x2bd: {  	[tilespmem:s18], [sflag:$0x2] =	stream.linear.gather [hbm4b:s24+s1], $0x8000, $0x38;
	[tilespmem:$0x11880] =	vst v63  }
0x2be: {  	v4 =	vld [tilespmem:s30+$0x70]  }
0x2bf: {  	v5 =	vld [tilespmem:s30+$0xFFFFFF90]  }
0x2c0: {  	v6 =	vld [tilespmem:s30+$0xFFFFFFA0]  }
0x2c1: {  	v7 =	vld [tilespmem:s30+$0xFFFFFFB0]  }
0x2c2: {  	v9 =	vld [tilespmem:s30+$0xFFFFFFD0]  }
0x2c3: {  	v8 =	vld [tilespmem:s30+$0xFFFFFFC0]  }
0x2c4: {  	v10 =	vld [tilespmem:s30+$0xFFFFFFE0]  }
0x2c5: {  	v12 =	vld [tilespmem:s30+$0x0];
	v4 =	vadd.f32 $1.000000000e+00, v4;
	v5 =	vadd.f32 $1.000000000e+00, v5  }
0x2c6: {  	v11 =	vld [tilespmem:s30+$0xFFFFFFF0];
	v6 =	vadd.f32 $1.000000000e+00, v6;
	v7 =	vadd.f32 $1.000000000e+00, v7  }
0x2c7: {  	v9 =	vadd.f32 $1.000000000e+00, v9;
	v4 =	vmul.f32 $5.120000000e+02, v4;
	v5 =	vmul.f32 $5.120000000e+02, v5  }
0x2c8: {  	v13 =	vld [tilespmem:s30+$0x10];
	v8 =	vadd.f32 $1.000000000e+00, v8;
	v6 =	vmul.f32 $5.120000000e+02, v6;
	v7 =	vmul.f32 $5.120000000e+02, v7  }
0x2c9: {  	v14 =	vld [tilespmem:s30+$0x20];
	v9 =	vmul.f32 $5.120000000e+02, v9;
	v4 =	vtrunc.f32 v4  }
0x2ca: {  	v17 =	vld [tilespmem:s30+$0x50];
	v12 =	vadd.f32 $1.000000000e+00, v12;
	v16 =	vtrunc.f32 v5;
	v5 =	vmul.f32 $5.120000000e+02, v8  }
0x2cb: {  	v8 =	vadd.f32 $1.000000000e+00, v11;
	v15 =	vcvt.f32.s32 v4;
	v4 =	vadd.f32 $1.000000000e+00, v10;
	v10 =	vld [tilespmem:s30+$0x30]  }
0x2cc: {  	v11 =	vld [tilespmem:s30+$0x40];
	v18 =	vtrunc.f32 v6;
	v20 =	vtrunc.f32 v7  }
0x2cd: {  	v19 =	vld [tilespmem:s30+$0xFFFFFF80];
	v7 =	vmul.f32 $5.120000000e+02, v12;
	v6 =	vmul.f32 $5.120000000e+02, v8;
	v8 =	vadd.f32 $1.000000000e+00, v13  }
0x2ce: {  	v12 =	vadd.f32 $1.000000000e+00, v14;
	v9 =	vtrunc.f32 v9;
	v13 =	vld [tilespmem:s30+$0x60];
	v14 =	vtrunc.f32 v5  }
0x2cf: {  	v4 =	vmul.f32 $5.120000000e+02, v4;
	v5 =	vmul.f32 $5.120000000e+02, v8  }
0x2d0: {  	v21 =	vtrunc.f32 v7;
	v8 =	vadd.f32 $1.000000000e+00, v10;
	v10 =	vmul.f32 $5.120000000e+02, v12  }
0x2d1: {  	v11 =	vadd.f32 $1.000000000e+00, v11;
	v12 =	vtrunc.f32 v4;
	v22 =	vtrunc.f32 v5  }
0x2d2: {  	v4 =	vmul.f32 $5.120000000e+02, v8;
	v8 =	vadd.f32 $1.000000000e+00, v17;
	v17 =	vtrunc.f32 v6  }
0x2d3: {  	v6 =	vmul.f32 $5.120000000e+02, v11;
	v11 =	vadd.f32 $1.000000000e+00, v13;
	v13 =	vadd.f32 $1.000000000e+00, v19  }
0x2d4: {  	v19 =	vcvt.f32.s32 v9;
	v7 =	vmul.f32 $5.120000000e+02, v8  }
0x2d5: {  	v8 =	vmul.f32 $5.120000000e+02, v11;
	v5 =	vmul.f32 $5.120000000e+02, v13  }
0x2d6: {  	s31 =	sshll.u32 s23, $0x9;
	v11 =	vtrunc.f32 v10;
	v23 =	vtrunc.f32 v4  }
0x2d7: {  	s24 =	sand.u32 $0x1800, s31;
	v24 =	vtrunc.f32 v6;
	v13 =	vcvt.f32.s32 v12  }
0x2d8: {  	v4 =	vor.u32 s24, v0;
	v12 =	vcvt.f32.s32 v11;
	v11 =	vcvt.f32.s32 v24  }
0x2d9: {  	v6 =	vtrunc.f32 v5;
	v5 =	vtrunc.f32 v7;
	v7 =	vand.u32 $0xFFFFFFF0, v15  }
0x2da: {  	v15 =	vcvt.f32.s32 v18;
	v18 =	vcvt.f32.s32 v17;
	v25 =	vadd.s32 v4, v7  }
0x2db: {  	v10 =	vcvt.f32.s32 v6;
	v6 =	vtrunc.f32 v8  }
0x2dc: {  	v8 =	vcvt.f32.s32 v16;
	v16 =	vcvt.f32.s32 v14  }
0x2dd: {  	v14 =	vcvt.f32.s32 v21;
	v7 =	vand.u32 $0xFFFFFFF0, v10;
	v10 =	vcvt.f32.s32 v20  }
0x2de: {  	v9 =	vand.u32 $0xFFFFFFF0, v15;
	v15 =	vcvt.f32.s32 v22;
	v8 =	vand.u32 $0xFFFFFFF0, v8  }
0x2df: {  	s25 =	simm.s32 $0x180;
	s24 =	simm.s32 $0x0;
	v17 =	vand.u32 $0xFFFFFFF0, v16;
	v16 =	vcvt.f32.s32 v23;
	v10 =	vand.u32 $0xFFFFFFF0, v10;
	[tilespmem:v25+s19+$0x0] =	vst.idx.add.f32.msk $0xffff, v3  }
.LBB2_6:
0x2e0: {  	v20 =	vld [tilespmem:s25+$0x70];
	s24 =	sadd.s32 $0x100, s24;
	v19 =	vand.u32 $0xFFFFFFF0, v19;
	v5 =	vcvt.f32.s32 v5;
	v6 =	vcvt.f32.s32 v6  }
0x2e1: {  	v13 =	vand.u32 $0xFFFFFFF0, v13;
	v18 =	vand.u32 $0xFFFFFFF0, v18;
	v14 =	vand.u32 $0xFFFFFFF0, v14;
	v21 =	vld [tilespmem:s25+$0xFFFFFF90];
	p1 =	slt.u32 s24, $0x7F00  }
0x2e2: {  	v15 =	vand.u32 $0xFFFFFFF0, v15;
	v12 =	vand.u32 $0xFFFFFFF0, v12;
	v16 =	vand.u32 $0xFFFFFFF0, v16;
	v22 =	vld [tilespmem:s25+$0xFFFFFFA0]  }
0x2e3: {  	v11 =	vand.u32 $0xFFFFFFF0, v11;
	v24 =	vand.u32 $0xFFFFFFF0, v5;
	v25 =	vand.u32 $0xFFFFFFF0, v6;
	v23 =	vld [tilespmem:s25+$0xFFFFFFB0]  }
0x2e4: {  	v6 =	vadd.s32 v4, v7;
	v7 =	vadd.s32 v4, v8;
	v8 =	vadd.s32 v4, v9;
	v5 =	vld [tilespmem:s25+$0xFFFFFFC0]  }
0x2e5: {  	v10 =	vadd.s32 v4, v10;
	v17 =	vadd.s32 v4, v17;
	v9 =	vld [tilespmem:s25+$0xFFFFFFD0];
	v20 =	vadd.f32 $1.000000000e+00, v20  }
0x2e6: {  	v19 =	vadd.s32 v4, v19;
	v13 =	vadd.s32 v4, v13;
	v21 =	vadd.f32 $1.000000000e+00, v21;
	v26 =	vld [tilespmem:s25+$0xFFFFFFE0]  }
0x2e7: {  	v18 =	vadd.s32 v4, v18;
	v22 =	vadd.f32 $1.000000000e+00, v22;
	v27 =	vld [tilespmem:s25+$0xFFFFFFF0];
	v20 =	vmul.f32 $5.120000000e+02, v20  }
0x2e8: {  	v14 =	vadd.s32 v4, v14;
	v21 =	vmul.f32 $5.120000000e+02, v21;
	v23 =	vadd.f32 $1.000000000e+00, v23;
	v28 =	vld [tilespmem:s25+$0x0]  }
0x2e9: {  	v22 =	vmul.f32 $5.120000000e+02, v22;
	v5 =	vadd.f32 $1.000000000e+00, v5;
	v29 =	vld [tilespmem:s25+$0x10];
	v20 =	vtrunc.f32 v20  }
0x2ea: {  	v23 =	vmul.f32 $5.120000000e+02, v23;
	v9 =	vadd.f32 $1.000000000e+00, v9;
	v30 =	vld [tilespmem:s25+$0x20];
	v20 =	vcvt.f32.s32 v20  }
0x2eb: {  	v21 =	vtrunc.f32 v21;
	v5 =	vmul.f32 $5.120000000e+02, v5;
	v26 =	vadd.f32 $1.000000000e+00, v26;
	v31 =	vld [tilespmem:s25+$0x30]  }
0x2ec: {  	v9 =	vmul.f32 $5.120000000e+02, v9;
	v27 =	vadd.f32 $1.000000000e+00, v27;
	v32 =	vld [tilespmem:s25+$0x40];
	v20 =	vand.u32 $0xFFFFFFF0, v20  }
0x2ed: {  	v26 =	vmul.f32 $5.120000000e+02, v26;
	v28 =	vadd.f32 $1.000000000e+00, v28;
	v33 =	vld [tilespmem:s25+$0x50];
	v20 =	vadd.s32 v4, v20  }
0x2ee: {  	v22 =	vtrunc.f32 v22;
	v27 =	vmul.f32 $5.120000000e+02, v27;
	v29 =	vadd.f32 $1.000000000e+00, v29;
	v34 =	vld [tilespmem:s25+$0x60]  }
0x2ef: {  	v23 =	vtrunc.f32 v23;
	v35 =	vld [tilespmem:s25+$0xFFFFFF80];
	v28 =	vmul.f32 $5.120000000e+02, v28;
	v30 =	vadd.f32 $1.000000000e+00, v30  }
0x2f0: {  	v36 =	vtrunc.f32 v5;
	v5 =	vmul.f32 $5.120000000e+02, v29;
	v29 =	vadd.f32 $1.000000000e+00, v31;
	[tilespmem:v6+s19+$0x0] =	vst.idx.add.f32.msk $0xffff, v3  }
0x2f1: {  	v9 =	vtrunc.f32 v9;
	v6 =	vmul.f32 $5.120000000e+02, v30;
	v30 =	vadd.f32 $1.000000000e+00, v32;
	[tilespmem:v7+s19+$0x0] =	vst.idx.add.f32.msk $0xffff, v3  }
0x2f2: {  	v26 =	vtrunc.f32 v26;
	v7 =	vmul.f32 $5.120000000e+02, v29;
	v29 =	vadd.f32 $1.000000000e+00, v33;
	[tilespmem:v20+s19+$0x0] =	vst.idx.add.f32.msk $0xffff, v3  }
0x2f3: {  	v20 =	vtrunc.f32 v27;
	v27 =	vmul.f32 $5.120000000e+02, v30;
	v30 =	vadd.f32 $1.000000000e+00, v34;
	[tilespmem:v8+s19+$0x0] =	vst.idx.add.f32.msk $0xffff, v3  }
0x2f4: {  	v28 =	vtrunc.f32 v28;
	v8 =	vadd.f32 $1.000000000e+00, v35;
	v29 =	vmul.f32 $5.120000000e+02, v29;
	[tilespmem:v10+s19+$0x0] =	vst.idx.add.f32.msk $0xffff, v3  }
0x2f5: {  	v15 =	vadd.s32 v4, v15;
	v31 =	vtrunc.f32 v5;
	v10 =	vmul.f32 $5.120000000e+02, v30;
	[tilespmem:v17+s19+$0x0] =	vst.idx.add.f32.msk $0xffff, v3  }
0x2f6: {  	v17 =	vtrunc.f32 v6;
	v5 =	vmul.f32 $5.120000000e+02, v8;
	[tilespmem:v19+s19+$0x0] =	vst.idx.add.f32.msk $0xffff, v3;
	v8 =	vadd.s32 v4, v12  }
0x2f7: {  	v30 =	vtrunc.f32 v7;
	v27 =	vtrunc.f32 v27;
	v12 =	vadd.s32 v4, v16;
	[tilespmem:v13+s19+$0x0] =	vst.idx.add.f32.msk $0xffff, v3  }
0x2f8: {  	v11 =	vadd.s32 v4, v11;
	v6 =	vtrunc.f32 v5;
	v5 =	vtrunc.f32 v29;
	[tilespmem:v18+s19+$0x0] =	vst.idx.add.f32.msk $0xffff, v3  }
0x2f9: {  	v16 =	vadd.s32 v4, v24;
	v7 =	vcvt.f32.s32 v6;
	v6 =	vtrunc.f32 v10;
	[tilespmem:v14+s19+$0x0] =	vst.idx.add.f32.msk $0xffff, v3  }
0x2fa: {  	v10 =	vcvt.f32.s32 v21;
	v14 =	vcvt.f32.s32 v22;
	v21 =	vadd.s32 v4, v25;
	[tilespmem:v15+s19+$0x0] =	vst.idx.add.f32.msk $0xffff, v3  }
.Ltmp9:
0x2fb: {  	v22 =	vcvt.f32.s32 v36;
	v15 =	vcvt.f32.s32 v23;
	v7 =	vand.u32 $0xFFFFFFF0, v7;
	[tilespmem:v8+s19+$0x0] =	vst.idx.add.f32.msk $0xffff, v3;
	(pc) =	sbr.rel @p1 .LBB2_6-.Ltmp9, $4  }
0x2fc: {  	v19 =	vcvt.f32.s32 v9;
	v13 =	vcvt.f32.s32 v26;
	v8 =	vand.u32 $0xFFFFFFF0, v10;
	[tilespmem:v12+s19+$0x0] =	vst.idx.add.f32.msk $0xffff, v3  }
0x2fd: {  	v18 =	vcvt.f32.s32 v20;
	v9 =	vand.u32 $0xFFFFFFF0, v14;
	v14 =	vcvt.f32.s32 v28;
	[tilespmem:v11+s19+$0x0] =	vst.idx.add.f32.msk $0xffff, v3  }
0x2fe: {  	v10 =	vand.u32 $0xFFFFFFF0, v15;
	v15 =	vcvt.f32.s32 v31;
	v12 =	vcvt.f32.s32 v17;
	[tilespmem:v16+s19+$0x0] =	vst.idx.add.f32.msk $0xffff, v3  }
0x2ff: {  	s25 =	sadd.s32 $0x100, s25;
	v17 =	vand.u32 $0xFFFFFFF0, v22;
	v11 =	vcvt.f32.s32 v27;
	v16 =	vcvt.f32.s32 v30;
	[tilespmem:v21+s19+$0x0] =	vst.idx.add.f32.msk $0xffff, v3  }
0x300: {  	v7 =	vadd.s32 v4, v7  }
0x301: {  	v8 =	vadd.s32 v4, v8  }
0x302: {  	v9 =	vadd.s32 v4, v9  }
0x303: {  	v10 =	vadd.s32 v4, v10  }
0x304: {  	v19 =	vand.u32 $0xFFFFFFF0, v19;
	v17 =	vadd.s32 v4, v17;
	v5 =	vcvt.f32.s32 v5  }
0x305: {  	v13 =	vand.u32 $0xFFFFFFF0, v13;
	v6 =	vcvt.f32.s32 v6;
	v19 =	vadd.s32 v4, v19;
	[tilespmem:v7+s19+$0x0] =	vst.idx.add.f32.msk $0xffff, v3  }
0x306: {  	v13 =	vadd.s32 v4, v13;
	v5 =	vand.u32 $0xFFFFFFF0, v5;
	[tilespmem:v8+s19+$0x0] =	vst.idx.add.f32.msk $0xffff, v3  }
0x307: {  	v6 =	vand.u32 $0xFFFFFFF0, v6;
	v5 =	vadd.s32 v4, v5;
	[tilespmem:v9+s19+$0x0] =	vst.idx.add.f32.msk $0xffff, v3  }
0x308: {  	v6 =	vadd.s32 v4, v6;
	v7 =	vand.u32 $0xFFFFFFF0, v18;
	[tilespmem:v10+s19+$0x0] =	vst.idx.add.f32.msk $0xffff, v3  }
0x309: {  	v8 =	vand.u32 $0xFFFFFFF0, v14;
	[tilespmem:v17+s19+$0x0] =	vst.idx.add.f32.msk $0xffff, v3;
	v7 =	vadd.s32 v4, v7  }
0x30a: {  	v9 =	vand.u32 $0xFFFFFFF0, v15;
	v8 =	vadd.s32 v4, v8;
	[tilespmem:v19+s19+$0x0] =	vst.idx.add.f32.msk $0xffff, v3  }
0x30b: {  	v10 =	vand.u32 $0xFFFFFFF0, v12;
	v9 =	vadd.s32 v4, v9;
	[tilespmem:v13+s19+$0x0] =	vst.idx.add.f32.msk $0xffff, v3  }
0x30c: {  	v12 =	vand.u32 $0xFFFFFFF0, v16;
	v10 =	vadd.s32 v4, v10;
	[tilespmem:v5+s19+$0x0] =	vst.idx.add.f32.msk $0xffff, v3  }
0x30d: {  	v11 =	vand.u32 $0xFFFFFFF0, v11;
	v12 =	vadd.s32 v4, v12;
	[tilespmem:v6+s19+$0x0] =	vst.idx.add.f32.msk $0xffff, v3  }
0x30e: {  	[tilespmem:v7+s19+$0x0] =	vst.idx.add.f32.msk $0xffff, v3;
	v7 =	vadd.s32 v4, v11  }
0x30f: {  	[tilespmem:v8+s19+$0x0] =	vst.idx.add.f32.msk $0xffff, v3  }
0x310: {  	[tilespmem:v9+s19+$0x0] =	vst.idx.add.f32.msk $0xffff, v3  }
0x311: {  	s24 =	sshll.u32 s23, $0x1;
	[tilespmem:v10+s19+$0x0] =	vst.idx.add.f32.msk $0xffff, v3  }
0x312: {  	s24 =	smin.u32 s24, $0x15;
	[tilespmem:v12+s19+$0x0] =	vst.idx.add.f32.msk $0xffff, v3  }
0x313: {  	s24 =	sshll.u32 s24, $0xF;
	[tilespmem:v7+s19+$0x0] =	vst.idx.add.f32.msk $0xffff, v3  }
0x314: {  	s24 =	sadd.s32 s24, s8;
	_ =	swait.ge [sflag:s20], $0x8000  }
0x315: {  	s24 =	sshrl.u32 s24, $0x3;
	[sflag:s20] =	ssyncset.done $0x0  }
0x316: {  	s31 =	simm.s32 $0x8080;
	s24 =	sadd.s32 s4, s24;
	[sflag:s20] =	ssyncadd.s32 $0xFFFF8000  }
0x317: {  	[tilespmem:s1], [sflag:$0x1] =	stream.linear.gather [hbm4b:s24+s1], $0x8000, $0x38;
	[tilespmem:$0x11880] =	vst v63  }
0x318: {  	v5 =	vld [tilespmem:s31+$0x70]  }
0x319: {  	v6 =	vld [tilespmem:s31+$0xFFFFFF90]  }
0x31a: {  	v7 =	vld [tilespmem:s31+$0xFFFFFFA0]  }
0x31b: {  	v8 =	vld [tilespmem:s31+$0xFFFFFFB0]  }
0x31c: {  	v10 =	vld [tilespmem:s31+$0xFFFFFFD0]  }
0x31d: {  	v13 =	vld [tilespmem:s31+$0x0]  }
0x31e: {  	v9 =	vld [tilespmem:s31+$0xFFFFFFC0]  }
0x31f: {  	v14 =	vld [tilespmem:s31+$0x10];
	v5 =	vadd.f32 $1.000000000e+00, v5  }
0x320: {  	v11 =	vld [tilespmem:s31+$0xFFFFFFE0];
	v6 =	vadd.f32 $1.000000000e+00, v6;
	v7 =	vadd.f32 $1.000000000e+00, v7  }
0x321: {  	v12 =	vld [tilespmem:s31+$0xFFFFFFF0];
	v8 =	vadd.f32 $1.000000000e+00, v8;
	v10 =	vadd.f32 $1.000000000e+00, v10;
	v5 =	vmul.f32 $5.120000000e+02, v5  }
0x322: {  	v15 =	vld [tilespmem:s31+$0x20];
	v13 =	vadd.f32 $1.000000000e+00, v13;
	v6 =	vmul.f32 $5.120000000e+02, v6;
	v7 =	vmul.f32 $5.120000000e+02, v7  }
0x323: {  	v9 =	vadd.f32 $1.000000000e+00, v9;
	v8 =	vmul.f32 $5.120000000e+02, v8;
	v10 =	vmul.f32 $5.120000000e+02, v10  }
0x324: {  	v14 =	vadd.f32 $1.000000000e+00, v14;
	v13 =	vmul.f32 $5.120000000e+02, v13;
	v5 =	vtrunc.f32 v5  }
0x325: {  	v17 =	vtrunc.f32 v6;
	v16 =	vcvt.f32.s32 v5;
	v5 =	vadd.f32 $1.000000000e+00, v11;
	v11 =	vld [tilespmem:s31+$0x30]  }
0x326: {  	v6 =	vmul.f32 $5.120000000e+02, v9;
	v9 =	vadd.f32 $1.000000000e+00, v12;
	v12 =	vld [tilespmem:s31+$0x40];
	v7 =	vtrunc.f32 v7  }
0x327: {  	v18 =	vld [tilespmem:s31+$0x50];
	v15 =	vadd.f32 $1.000000000e+00, v15;
	v8 =	vtrunc.f32 v8;
	v10 =	vtrunc.f32 v10  }
0x328: {  	v19 =	vld [tilespmem:s31+$0x60];
	v21 =	vtrunc.f32 v6;
	v6 =	vmul.f32 $5.120000000e+02, v14  }
0x329: {  	v20 =	vld [tilespmem:s31+$0xFFFFFF80];
	v9 =	vmul.f32 $5.120000000e+02, v9;
	v14 =	vmul.f32 $5.120000000e+02, v15  }
0x32a: {  	v5 =	vmul.f32 $5.120000000e+02, v5;
	v22 =	vtrunc.f32 v6;
	v11 =	vadd.f32 $1.000000000e+00, v11  }
0x32b: {  	v23 =	vtrunc.f32 v14;
	v14 =	vcvt.f32.s32 v7;
	v12 =	vadd.f32 $1.000000000e+00, v12  }
0x32c: {  	v15 =	vtrunc.f32 v5;
	v5 =	vmul.f32 $5.120000000e+02, v11  }
0x32d: {  	v11 =	vadd.f32 $1.000000000e+00, v18;
	v18 =	vtrunc.f32 v9;
	v9 =	vmul.f32 $5.120000000e+02, v12  }
0x32e: {  	v12 =	vadd.f32 $1.000000000e+00, v19;
	v19 =	vadd.f32 $1.000000000e+00, v20;
	v20 =	vtrunc.f32 v13  }
0x32f: {  	v13 =	vcvt.f32.s32 v15;
	v15 =	vcvt.f32.s32 v22  }
0x330: {  	v18 =	vcvt.f32.s32 v18;
	v11 =	vmul.f32 $5.120000000e+02, v11  }
0x331: {  	v6 =	vmul.f32 $5.120000000e+02, v12;
	v12 =	vmul.f32 $5.120000000e+02, v19  }
0x332: {  	v24 =	vtrunc.f32 v5;
	v25 =	vtrunc.f32 v9  }
0x333: {  	v19 =	vcvt.f32.s32 v10;
	v5 =	vtrunc.f32 v11;
	v11 =	vand.u32 $0xFFFFFFF0, v16  }
0x334: {  	v9 =	vtrunc.f32 v12;
	v6 =	vtrunc.f32 v6;
	v11 =	vadd.s32 v4, v11  }
0x335: {  	v12 =	vcvt.f32.s32 v17;
	v16 =	vcvt.f32.s32 v8  }
0x336: {  	v17 =	vcvt.f32.s32 v21;
	v9 =	vcvt.f32.s32 v9  }
0x337: {  	v8 =	vand.u32 $0xFFFFFFF0, v12;
	v10 =	vand.u32 $0xFFFFFFF0, v16;
	v12 =	vcvt.f32.s32 v23  }
0x338: {  	v17 =	vand.u32 $0xFFFFFFF0, v17;
	v16 =	vcvt.f32.s32 v24;
	v7 =	vand.u32 $0xFFFFFFF0, v9  }
0x339: {  	s25 =	simm.s32 $0x8180;
	s24 =	simm.s32 $0x0;
	v9 =	vand.u32 $0xFFFFFFF0, v14;
	v14 =	vcvt.f32.s32 v20;
	[tilespmem:v11+s19+$0x0] =	vst.idx.add.f32.msk $0xffff, v3;
	v11 =	vcvt.f32.s32 v25  }
.LBB2_8:
0x33a: {  	v20 =	vld [tilespmem:s25+$0x70];
	s24 =	sadd.s32 $0x100, s24;
	v19 =	vand.u32 $0xFFFFFFF0, v19;
	v5 =	vcvt.f32.s32 v5;
	v6 =	vcvt.f32.s32 v6  }
0x33b: {  	v13 =	vand.u32 $0xFFFFFFF0, v13;
	v18 =	vand.u32 $0xFFFFFFF0, v18;
	v14 =	vand.u32 $0xFFFFFFF0, v14;
	v21 =	vld [tilespmem:s25+$0xFFFFFF90];
	p1 =	slt.u32 s24, $0x7F00  }
0x33c: {  	v15 =	vand.u32 $0xFFFFFFF0, v15;
	v12 =	vand.u32 $0xFFFFFFF0, v12;
	v16 =	vand.u32 $0xFFFFFFF0, v16;
	v22 =	vld [tilespmem:s25+$0xFFFFFFA0]  }
0x33d: {  	v11 =	vand.u32 $0xFFFFFFF0, v11;
	v24 =	vand.u32 $0xFFFFFFF0, v5;
	v25 =	vand.u32 $0xFFFFFFF0, v6;
	v23 =	vld [tilespmem:s25+$0xFFFFFFB0]  }
0x33e: {  	v6 =	vadd.s32 v4, v7;
	v7 =	vadd.s32 v4, v8;
	v8 =	vadd.s32 v4, v9;
	v5 =	vld [tilespmem:s25+$0xFFFFFFC0]  }
0x33f: {  	v10 =	vadd.s32 v4, v10;
	v17 =	vadd.s32 v4, v17;
	v9 =	vld [tilespmem:s25+$0xFFFFFFD0];
	v20 =	vadd.f32 $1.000000000e+00, v20  }
0x340: {  	v19 =	vadd.s32 v4, v19;
	v13 =	vadd.s32 v4, v13;
	v21 =	vadd.f32 $1.000000000e+00, v21;
	v26 =	vld [tilespmem:s25+$0xFFFFFFE0]  }
0x341: {  	v18 =	vadd.s32 v4, v18;
	v22 =	vadd.f32 $1.000000000e+00, v22;
	v27 =	vld [tilespmem:s25+$0xFFFFFFF0];
	v20 =	vmul.f32 $5.120000000e+02, v20  }
0x342: {  	v14 =	vadd.s32 v4, v14;
	v21 =	vmul.f32 $5.120000000e+02, v21;
	v23 =	vadd.f32 $1.000000000e+00, v23;
	v28 =	vld [tilespmem:s25+$0x0]  }
0x343: {  	v22 =	vmul.f32 $5.120000000e+02, v22;
	v5 =	vadd.f32 $1.000000000e+00, v5;
	v29 =	vld [tilespmem:s25+$0x10];
	v20 =	vtrunc.f32 v20  }
0x344: {  	v23 =	vmul.f32 $5.120000000e+02, v23;
	v9 =	vadd.f32 $1.000000000e+00, v9;
	v30 =	vld [tilespmem:s25+$0x20];
	v20 =	vcvt.f32.s32 v20  }
0x345: {  	v21 =	vtrunc.f32 v21;
	v5 =	vmul.f32 $5.120000000e+02, v5;
	v26 =	vadd.f32 $1.000000000e+00, v26;
	v31 =	vld [tilespmem:s25+$0x30]  }
0x346: {  	v9 =	vmul.f32 $5.120000000e+02, v9;
	v27 =	vadd.f32 $1.000000000e+00, v27;
	v32 =	vld [tilespmem:s25+$0x40];
	v20 =	vand.u32 $0xFFFFFFF0, v20  }
0x347: {  	v26 =	vmul.f32 $5.120000000e+02, v26;
	v28 =	vadd.f32 $1.000000000e+00, v28;
	v33 =	vld [tilespmem:s25+$0x50];
	v20 =	vadd.s32 v4, v20  }
0x348: {  	v22 =	vtrunc.f32 v22;
	v27 =	vmul.f32 $5.120000000e+02, v27;
	v29 =	vadd.f32 $1.000000000e+00, v29;
	v34 =	vld [tilespmem:s25+$0x60]  }
0x349: {  	v23 =	vtrunc.f32 v23;
	v35 =	vld [tilespmem:s25+$0xFFFFFF80];
	v28 =	vmul.f32 $5.120000000e+02, v28;
	v30 =	vadd.f32 $1.000000000e+00, v30  }
0x34a: {  	v36 =	vtrunc.f32 v5;
	v5 =	vmul.f32 $5.120000000e+02, v29;
	v29 =	vadd.f32 $1.000000000e+00, v31;
	[tilespmem:v6+s19+$0x0] =	vst.idx.add.f32.msk $0xffff, v3  }
0x34b: {  	v9 =	vtrunc.f32 v9;
	v6 =	vmul.f32 $5.120000000e+02, v30;
	v30 =	vadd.f32 $1.000000000e+00, v32;
	[tilespmem:v7+s19+$0x0] =	vst.idx.add.f32.msk $0xffff, v3  }
0x34c: {  	v26 =	vtrunc.f32 v26;
	v7 =	vmul.f32 $5.120000000e+02, v29;
	v29 =	vadd.f32 $1.000000000e+00, v33;
	[tilespmem:v20+s19+$0x0] =	vst.idx.add.f32.msk $0xffff, v3  }
0x34d: {  	v20 =	vtrunc.f32 v27;
	v27 =	vmul.f32 $5.120000000e+02, v30;
	v30 =	vadd.f32 $1.000000000e+00, v34;
	[tilespmem:v8+s19+$0x0] =	vst.idx.add.f32.msk $0xffff, v3  }
0x34e: {  	v28 =	vtrunc.f32 v28;
	v8 =	vadd.f32 $1.000000000e+00, v35;
	v29 =	vmul.f32 $5.120000000e+02, v29;
	[tilespmem:v10+s19+$0x0] =	vst.idx.add.f32.msk $0xffff, v3  }
0x34f: {  	v15 =	vadd.s32 v4, v15;
	v31 =	vtrunc.f32 v5;
	v10 =	vmul.f32 $5.120000000e+02, v30;
	[tilespmem:v17+s19+$0x0] =	vst.idx.add.f32.msk $0xffff, v3  }
0x350: {  	v17 =	vtrunc.f32 v6;
	v5 =	vmul.f32 $5.120000000e+02, v8;
	[tilespmem:v19+s19+$0x0] =	vst.idx.add.f32.msk $0xffff, v3;
	v8 =	vadd.s32 v4, v12  }
0x351: {  	v30 =	vtrunc.f32 v7;
	v27 =	vtrunc.f32 v27;
	v12 =	vadd.s32 v4, v16;
	[tilespmem:v13+s19+$0x0] =	vst.idx.add.f32.msk $0xffff, v3  }
0x352: {  	v11 =	vadd.s32 v4, v11;
	v6 =	vtrunc.f32 v5;
	v5 =	vtrunc.f32 v29;
	[tilespmem:v18+s19+$0x0] =	vst.idx.add.f32.msk $0xffff, v3  }
0x353: {  	v16 =	vadd.s32 v4, v24;
	v7 =	vcvt.f32.s32 v6;
	v6 =	vtrunc.f32 v10;
	[tilespmem:v14+s19+$0x0] =	vst.idx.add.f32.msk $0xffff, v3  }
0x354: {  	v10 =	vcvt.f32.s32 v21;
	v14 =	vcvt.f32.s32 v22;
	v21 =	vadd.s32 v4, v25;
	[tilespmem:v15+s19+$0x0] =	vst.idx.add.f32.msk $0xffff, v3  }
.Ltmp10:
0x355: {  	v22 =	vcvt.f32.s32 v36;
	v15 =	vcvt.f32.s32 v23;
	v7 =	vand.u32 $0xFFFFFFF0, v7;
	[tilespmem:v8+s19+$0x0] =	vst.idx.add.f32.msk $0xffff, v3;
	(pc) =	sbr.rel @p1 .LBB2_8-.Ltmp10, $4  }
0x356: {  	v19 =	vcvt.f32.s32 v9;
	v13 =	vcvt.f32.s32 v26;
	v8 =	vand.u32 $0xFFFFFFF0, v10;
	[tilespmem:v12+s19+$0x0] =	vst.idx.add.f32.msk $0xffff, v3  }
0x357: {  	v18 =	vcvt.f32.s32 v20;
	v9 =	vand.u32 $0xFFFFFFF0, v14;
	v14 =	vcvt.f32.s32 v28;
	[tilespmem:v11+s19+$0x0] =	vst.idx.add.f32.msk $0xffff, v3  }
0x358: {  	v10 =	vand.u32 $0xFFFFFFF0, v15;
	v15 =	vcvt.f32.s32 v31;
	v12 =	vcvt.f32.s32 v17;
	[tilespmem:v16+s19+$0x0] =	vst.idx.add.f32.msk $0xffff, v3  }
0x359: {  	s25 =	sadd.s32 $0x100, s25;
	v17 =	vand.u32 $0xFFFFFFF0, v22;
	v11 =	vcvt.f32.s32 v27;
	v16 =	vcvt.f32.s32 v30;
	[tilespmem:v21+s19+$0x0] =	vst.idx.add.f32.msk $0xffff, v3  }
0x35a: {  	v7 =	vadd.s32 v4, v7  }
0x35b: {  	v8 =	vadd.s32 v4, v8  }
0x35c: {  	v9 =	vadd.s32 v4, v9  }
0x35d: {  	v10 =	vadd.s32 v4, v10  }
0x35e: {  	v19 =	vand.u32 $0xFFFFFFF0, v19;
	v17 =	vadd.s32 v4, v17  }
0x35f: {  	v13 =	vand.u32 $0xFFFFFFF0, v13;
	v19 =	vadd.s32 v4, v19;
	[tilespmem:v7+s19+$0x0] =	vst.idx.add.f32.msk $0xffff, v3  }
0x360: {  	v5 =	vcvt.f32.s32 v5;
	v13 =	vadd.s32 v4, v13;
	v35 =	vand.u32 $0xFFFFFFF0, v16;
	[tilespmem:v8+s19+$0x0] =	vst.idx.add.f32.msk $0xffff, v3  }
0x361: {  	v34 =	vand.u32 $0xFFFFFFF0, v12;
	v11 =	vand.u32 $0xFFFFFFF0, v11;
	v12 =	vadd.s32 v4, v35;
	[tilespmem:v9+s19+$0x0] =	vst.idx.add.f32.msk $0xffff, v3  }
0x362: {  	v5 =	vand.u32 $0xFFFFFFF0, v5;
	v36 =	vadd.s32 v4, v11;
	[tilespmem:v10+s19+$0x0] =	vst.idx.add.f32.msk $0xffff, v3  }
0x363: {  	v31 =	vand.u32 $0xFFFFFFF0, v18;
	v5 =	vadd.s32 v4, v5;
	[tilespmem:v17+s19+$0x0] =	vst.idx.add.f32.msk $0xffff, v3  }
0x364: {  	v32 =	vand.u32 $0xFFFFFFF0, v14;
	v7 =	vadd.s32 v4, v31;
	[tilespmem:v19+s19+$0x0] =	vst.idx.add.f32.msk $0xffff, v3  }
0x365: {  	v33 =	vand.u32 $0xFFFFFFF0, v15;
	v6 =	vcvt.f32.s32 v6;
	v8 =	vadd.s32 v4, v32;
	[tilespmem:v13+s19+$0x0] =	vst.idx.add.f32.msk $0xffff, v3  }
0x366: {  	v9 =	vadd.s32 v4, v33;
	[tilespmem:v12+s19+$0x0] =	vst.idx.add.f32.msk $0xffff, v3  }
0x367: {  	s23 =	sadd.s32 $0x1, s23;
	v6 =	vand.u32 $0xFFFFFFF0, v6;
	v10 =	vadd.s32 v4, v34;
	[tilespmem:v36+s19+$0x0] =	vst.idx.add.f32.msk $0xffff, v3  }
0x368: {  	p1 =	seq.s32 s23, $0xC;
	v4 =	vadd.s32 v4, v6;
	[tilespmem:v5+s19+$0x0] =	vst.idx.add.f32.msk $0xffff, v3  }
.Ltmp11:
0x369: {  	[tilespmem:v7+s19+$0x0] =	vst.idx.add.f32.msk $0xffff, v3;
	(pc) =	sbr.rel @!p1 .LBB2_5-.Ltmp11, $4  }
0x36a: {  	[tilespmem:v8+s19+$0x0] =	vst.idx.add.f32.msk $0xffff, v3  }
0x36b: {  	[tilespmem:v9+s19+$0x0] =	vst.idx.add.f32.msk $0xffff, v3  }
0x36c: {  	[tilespmem:v10+s19+$0x0] =	vst.idx.add.f32.msk $0xffff, v3  }
0x36d: {  	[tilespmem:v4+s19+$0x0] =	vst.idx.add.f32.msk $0xffff, v3  }
.Ltmp12:
0x36e: {  	(pc) =	sbr.rel .LBB2_20-.Ltmp12, $2  }
0x36f: {  	_ =	sdelay $0x2  }
0x370: {  	s25 =	smov.u32 s9;
	s24 =	smov.u32 s10;
	s23 =	smov.u32 s11  }
.LBB2_21:
0x371: {  	_ =	sfence.sel $0x180000  }
0x372: {  	[bflag:$0x0] =	sbarrier.arrive $0xFFFF  }
0x373: {  	p0 =	sne.s32 s2, $0x0;
	_ =	strace $0x9000004D  }
0x374: {  	s0 =	sadd.s32 @!p0 $0x100000, s0;
	[bflag:$0x2] =	sbarrier.arrive $0xFFFF  }
0x375: {  	[sflag:s0] =	ssyncadd.tile.s32 @!p0 $0x1;
	_ =	shalt  }
.Lfunc_end2:
_tile_overlayer_lowered:
.L_overlay_start_2:
0x376: {  	(tag) =	ssettag $0x2  }
0x377: {  	s0 =	rddreg [dreg:$0x0];
	s2 =	stileid.u32  }
0x378: {  	s1 =	rddreg [dreg:$0x1];
	p0 =	sne.s32 s2, $0x0  }
0x379: {  	s3 =	rddreg [dreg:$0x2];
	[bflag:$0x3] =	sbarrier.arrive $0xFFFF;
	s2 =	simm.s32 @!p0 $0x1C01  }
0x37a: {  	[timem:s3], [sflag:s2] =	dma.local @!p0 [hbm:s0], s1  }
0x37b: {  	s0 =	simm.s32 @!p0 $0x1  }
0x37c: {  	_ =	swait.ge @!p0 [sflag:s0], s1  }
0x37d: {  	s1 =	ssub.s32 @!p0 $0x0, s1;
	[sflag:s0] =	ssyncset.done @!p0 $0x0  }
0x37e: {  	[sflag:s0] =	ssyncadd.s32 @!p0 s1  }
0x37f: {  	[bflag:$0x3] =	sbarrier.arrive $0xFFFF  }
0x380: {  	_ =	shalt  }

// kernel: sparse-core-data-format-call.1.cloned.1.call-start
scs
called_computation.1_lowered:
.L_overlay_start_0:
0x0: {  	s2 =	sld [smem:$0x3FD9]  }
0x1: {  	s3 =	sld [smem:$0x3FFE];
	_ =	sdelay $0x1  }
0x2: {  	s1 =	srdreg.scid  }
0x3: {  	s0 =	sand.u32 $0x1, s1  }
0x4: {  	s18 =	sshll.u32 s0, $0xA;
	s2 =	sadd.s32 s3, s2  }
0x5: {  	s2 =	sadd.s32 s2, s18  }
0x6: {  	[smem:$0x3FC6] =	sst s2  }
0x7: {  	_ = 	snop  }
0x8: {  	s2 =	sld [smem:$0x3FC9];
	(tm) =	ssettm $0x1  }
0x9: {  	s19 =	sld [smem:$0x3FFB];
	_ =	sdelay $0x3  }
0xa: {  	_ =	strace s19  }
0xb: {  	s3 =	sld [smem:$0x3FFC];
	_ =	sdelay $0x3  }
0xc: {  	_ =	strace s3  }
0xd: {  	s3 =	sld [smem:$0x3FFD];
	_ =	sdelay $0x3  }
0xe: {  	_ =	strace s3  }
0xf: {  	_ =	strace $0x8FFFFFFF  }
0x10: {  	s20 =	sld [smem:$0x3FDB];
	_ =	sdelay $0x1  }
0x11: {  	s4 =	simm.s32 $_scs_section_size  }
0x12: {  	s5 =	simm.s32 $_size__tile_overlayer_lowered;
	s6 =	simm.s32 $_tile_overlayer_lowered  }
0x13: {  	s23 =	simm.s32 $0x1BFF;
	s22 =	sshll.u32 s6, $0x1;
	s3 =	sadd.s32 s4, s20  }
0x14: {  	s7 =	simm.s32 $0x0;
	s21 =	sshll.u32 s5, $0x1;
	s5 =	sadd.s32 s22, s3  }
0x15: {  	[timem:s7], [sflag:s23] =	dma.local [hbm:s5], s21  }
0x16: {  	_ =	swait.ge [sflag:s23], s21  }
0x17: {  	s4 =	ssub.s32 $0x0, s21;
	[sflag:s23] =	ssyncset.done $0x0  }
0x18: {  	[sflag:s23] =	ssyncadd.s32 s4;
	_ =	sdelay $0x1  }
0x19: {  	s24 =	simm.s32 $0x1B8B  }
0x1a: {  	_ =	swait.ge [sflag:s24], $0x1  }
0x1b: {  	[sflag:s24] =	ssyncset.done $0x0  }
0x1c: {  	s26 =	simm.s32 $0x1B8E;
	s25 =	sld [smem:$0x3FFE];
	[sflag:s24] =	ssyncadd.s32 $0xFFFFFFFF  }
0x1d: {  	s27 =	simm.s32 $execute0_lowered;
	[smem:$0x3FD2] =	sst s26  }
0x1e: {  	s5 =	sshll.u32 s27, $0x1;
	_ =	strace $0x80000046;
	[dreg:$0x1] =	wrdreg $0xFFFFFFFF  }
0x1f: {  	s28 =	simm.s32 $_size_execute0_lowered;
	s3 =	sadd.s32 s3, s5;
	[dreg:$0x0] =	wrdreg $0x0  }
0x20: {  	s5 =	sshll.u32 s28, $0x1;
	[dreg:$0x2] =	wrdreg s3  }
0x21: {  	[dreg:$0x3] =	wrdreg s5  }
0x22: {  	[dreg:$0x4] =	wrdreg $0xC0  }
0x23: {  	_ =	task [dreg:s7], $0x5FFFF  }
0x24: {  	[dreg:$0x1] =	wrdreg $0xFFFFFFFF  }
0x25: {  	[dreg:$0x0] =	wrdreg $0x60  }
0x26: {  	[dreg:$0x2] =	wrdreg s2  }
0x27: {  	[dreg:$0x3] =	wrdreg s25  }
0x28: {  	[dreg:$0x4] =	wrdreg $0xA  }
0x29: {  	_ =	task.clear_ibuf [dreg:s7], $0x5FFFF;
	_ =	strace $0x90000046  }
0x2a: {  	s29 =	simm.s32 $0xA;
	_ =	strace $0x80000048  }
0x2b: {  	_ =	swait.ge [sflag:s29], $0x1  }
0x2c: {  	[sflag:s29] =	ssyncadd.s32 $0xFFFFFFFF  }
0x2d: {  	_ =	strace $0x90000048  }
0x2e: {  	_ =	sfence  }
0x2f: {  	s30 =	sld [smem:$0x0];
	_ =	sdelay $0x2  }
0x30: {  	s31 =	sshll.u32 s1, $0xD;
	s1 =	sshrl.u32 s1, $0x2  }
0x31: {  	s3 =	sand.u32 $0x4000, s31;
	s1 =	sadd.s32 s1, s30  }
0x32: {  	s0 =	sor.u32 s3, s0;
	s1 =	sshll.u32 s1, $0x11  }
0x33: {  	s0 =	sor.u32 s1, s0  }
0x34: {  	s0 =	sadd.s32 $0x8F2B, s0  }
0x35: {  	[sflag:s0] =	ssyncadd.remote.s32 $0x1  }
0x36: {  	_ =	sfence.sel $0xFFFF  }
0x37: {  	[dreg:$0x0] =	wrdreg $0xFFFFFFFF;
	(pc) =	sbr.abs _section_cstart, $3  }
0x38: {  	[dreg:$0x1] =	wrdreg $0xFFFFFFFF  }
0x39: {  	_ =	task.clear_ibuf [dreg:s7], $0x2FFFF;
	_ =	strace $0x9FFFFFFF  }
0x3a: {  	(tm) =	ssettm $0x7FFFFFFF  }
0x3b: {  	_ =	shalt  }
tec
execute0_lowered:
.L_overlay_start_1:
0x0: {  	(tag) =	ssettag $0x1  }
0x1: {  	s0 =	srdreg.scid  }
0x2: {  	s1 =	sshll.u32 s0, $0x4  }
0x3: {  	s2 =	rddreg [dreg:$0x0];
	s0 =	stileid.u32;
	s1 =	sand.u32 $0x10, s1  }
0x4: {  	s4 =	rddreg [dreg:$0x1];
	s7 =	simm.s32 $0x1;
	s1 =	sor.u32 s0, s1  }
0x5: {  	s8 =	simm.s32 $0x2;
	s9 =	simm.s32 $0x0;
	s3 =	sshll.u32 s1, $0x2  }
0x6: {  	s12 =	simm.s32 $0x0;
	s11 =	simm.s32 $0x0;
	s6 =	ssub.s32 $0xC00, s3  }
.Ltmp0:
0x7: {  	s4 =	sadd.s32 $0xE00, s4;
	s5 =	sand.u32 $0x7C, s6;
	(pc) =	sbr.rel .LBB1_1-.Ltmp0, $4  }
0x8: {  	s1 =	rddreg [dreg:$0x2];
	_ =	strace $0x80000047;
	p0 =	sne.s32 s5, $0x0  }
0x9: {  	s6 =	sshrl.u32 s6, $0x7;
	s5 =	simm.s32 $0x1;
	s7 =	simm.s32 @!p0 $0x0  }
0xa: {  	s10 =	smov.u32 s3;
	[sflag:s5] =	ssyncpa.u1 $0x0;
	s6 =	sadd.s32 s7, s6  }
0xb: {  	[sflag:s8] =	ssyncpa.u1 $0x0;
	s8 =	simm.s32 $0x0;
	s7 =	sadd.s32 $0x1, s6  }
.LBB1_9:
0xc: {  	s14 =	sadd.s32 $0x80, s10  }
0xd: {  	p1 =	sgt.s32 s14, $0xBFF  }
0xe: {  	s14 =	smov.u32 @p1 s3;
	p1 =	sne.s32 s11, s7  }
.Ltmp1:
0xf: {  	p0 =	slt.u32 s11, $0x2;
	(pc) =	sbr.rel @!p1 .LBB1_10-.Ltmp1, $4  }
0x10: {  	s13 =	simm.s32 @!p0 $0x2  }
0x11: {  	s15 =	sadd.s32 $0x1, s11;
	_ =	swait.ge @!p0 [sflag:s13], $0x4000  }
0x12: {  	s12 =	smov.u32 s10;
	s9 =	sadd.s32 $0x4000, s9;
	[sflag:s13] =	ssyncset.done @!p0 $0x0  }
0x13: {  	s11 =	smov.u32 s15;
	s10 =	smov.u32 s14;
	[sflag:s13] =	ssyncadd.s32 @!p0 $0xFFFFC000  }
.LBB1_1:
0x14: {  	p0 =	sge.u32 s11, s6  }
0x15: {  	s13 =	sxor.u32 @!p0 $0xFFFFFFFF, s11  }
0x16: {  	s31 =	sadd.s32 $0xFFFFFFFF, s11;
	s14 =	sshll.u32 @!p0 s10, $0x9;
	s13 =	sshll.u32 @!p0 s13, $0xE  }
0x17: {  	s15 =	simm.s32 @!p0 $0x0;
	s14 =	sadd.s32 @!p0 s2, s14;
	s13 =	sand.u32 @!p0 $0x4000, s13  }
0x18: {  	[tilespmem:s13], [sflag:$0x1] =	stream.linear.gather @!p0 [hbm4b:s14+s15], $0x4000, $0x38;
	[tilespmem:$0x10000] =	vst v63  }
0x19: {  	p0 =	sge.u32 s31, s6  }
.Ltmp2:
0x1a: {  	_ = 	snop;
	(pc) =	sbr.rel @p0 .LBB1_9-.Ltmp2, $1  }
0x1b: {  	_ =	sdelay $0x3  }
0x1c: {  	s14 =	sand.u32 $0x4000, s9  }
0x1d: {  	_ =	swait.ge [sflag:s5], $0x4000;
	s15 =	sshll.u32 s11, $0xE;
	s16 =	simm.s32 $0x0  }
0x1e: {  	s13 =	sor.u32 $0x40, s14;
	[sflag:s5] =	ssyncset.done $0x0;
	s15 =	sand.u32 $0x4000, s15  }
0x1f: {  	s14 =	sor.u32 $0x8040, s14;
	[sflag:s5] =	ssyncadd.s32 $0xFFFFC000;
	s15 =	sor.u32 $0x8000, s15  }
.LBB1_3:
0x20: {  	s17 =	smov.u32 s14;
	s18 =	smov.u32 s13;
	s19 =	simm.s32 $0x0  }
.LBB1_4:
0x21: {  	v0 =	vmov s17;
	v2 =	vld [tilespmem:s18+$0x30]  }
0x22: {  	v4 =	vld [tilespmem:s18+$0xFFFFFFD0]  }
0x23: {  	v6 =	vld [tilespmem:s18+$0xFFFFFFE0]  }
0x24: {  	v7 =	vld [tilespmem:s18+$0xFFFFFFF0]  }
0x25: {  	s20 =	simm.s32 $0x0;
	v1 =	vld [tilespmem:s18+$0x0]  }
0x26: {  	v3 =	vld [tilespmem:s18+$0x10];
	[tilespmem:v0+s20+$0x30 ss:$0x1] =	vst.idx.msk $0xffff, v2  }
0x27: {  	v5 =	vld [tilespmem:s18+$0x20];
	[tilespmem:v0+s20+$0xFFFFFFD0 ss:$0x1] =	vst.idx.msk $0xffff, v4  }
0x28: {  	s21 =	sadd.s32 $0x80, s18;
	v2 =	vld [tilespmem:s18+$0xFFFFFFC0];
	[tilespmem:v0+s20+$0xFFFFFFE0 ss:$0x1] =	vst.idx.msk $0xffff, v6  }
0x29: {  	s22 =	simm.s32 $0x800;
	s23 =	simm.s32 $0x1000;
	v4 =	vld [tilespmem:s21+$0x30];
	[tilespmem:v0+s20+$0xFFFFFFF0 ss:$0x1] =	vst.idx.msk $0xffff, v7  }
.LBB1_5:
0x2a: {  	p0 =	sne.s32 s23, $0x3800;
	v6 =	vld [tilespmem:s21+$0xFFFFFFD0];
	[tilespmem:v0+s20+$0x0 ss:$0x1] =	vst.idx.msk $0xffff, v1  }
0x2b: {  	v7 =	vld [tilespmem:s21+$0xFFFFFFE0];
	[tilespmem:v0+s20+$0x10 ss:$0x1] =	vst.idx.msk $0xffff, v3  }
0x2c: {  	v8 =	vld [tilespmem:s21+$0xFFFFFFF0];
	[tilespmem:v0+s20+$0x20 ss:$0x1] =	vst.idx.msk $0xffff, v5  }
.Ltmp3:
0x2d: {  	v1 =	vld [tilespmem:s21+$0x0];
	[tilespmem:v0+s20+$0xFFFFFFC0 ss:$0x1] =	vst.idx.msk $0xffff, v2;
	s20 =	sshra.s32 s22, $0x2;
	s22 =	smov.u32 s23;
	(pc) =	sbr.rel @p0 .LBB1_5-.Ltmp3, $4  }
0x2e: {  	v3 =	vld [tilespmem:s21+$0x10];
	[tilespmem:v0+s20+$0x30 ss:$0x1] =	vst.idx.msk $0xffff, v4  }
0x2f: {  	[tilespmem:v0+s20+$0xFFFFFFD0 ss:$0x1] =	vst.idx.msk $0xffff, v6;
	v5 =	vld [tilespmem:s21+$0x20]  }
0x30: {  	v2 =	vld [tilespmem:s21+$0xFFFFFFC0];
	[tilespmem:v0+s20+$0xFFFFFFE0 ss:$0x1] =	vst.idx.msk $0xffff, v7;
	s21 =	sadd.s32 $0x80, s21  }
0x31: {  	s23 =	sadd.s32 $0x800, s23;
	v4 =	vld [tilespmem:s21+$0x30];
	[tilespmem:v0+s20+$0xFFFFFFF0 ss:$0x1] =	vst.idx.msk $0xffff, v8  }
0x32: {  	_ =	sdelay $0x3  }
0x33: {  	v6 =	vld [tilespmem:s21+$0xFFFFFFD0];
	[tilespmem:v0+s20+$0x0 ss:$0x1] =	vst.idx.msk $0xffff, v1  }
0x34: {  	v58 =	vld [tilespmem:s21+$0xFFFFFFE0];
	[tilespmem:v0+s20+$0x10 ss:$0x1] =	vst.idx.msk $0xffff, v3  }
0x35: {  	v59 =	vld [tilespmem:s21+$0xFFFFFFF0];
	[tilespmem:v0+s20+$0x20 ss:$0x1] =	vst.idx.msk $0xffff, v5  }
0x36: {  	s22 =	sshra.s32 s22, $0x2;
	v60 =	vld [tilespmem:s21+$0x0];
	[tilespmem:v0+s20+$0xFFFFFFC0 ss:$0x1] =	vst.idx.msk $0xffff, v2  }
0x37: {  	v61 =	vld [tilespmem:s21+$0x10];
	[tilespmem:v0+s22+$0x30 ss:$0x1] =	vst.idx.msk $0xffff, v4  }
0x38: {  	v62 =	vld [tilespmem:s21+$0x20];
	s19 =	sadd.s32 $0x1, s19;
	[tilespmem:v0+s22+$0xFFFFFFD0 ss:$0x1] =	vst.idx.msk $0xffff, v6  }
0x39: {  	v63 =	vld [tilespmem:s21+$0xFFFFFFC0];
	p0 =	sne.s32 s19, $0x4;
	[tilespmem:v0+s22+$0xFFFFFFE0 ss:$0x1] =	vst.idx.msk $0xffff, v58  }
.Ltmp4:
0x3a: {  	[tilespmem:v0+s22+$0xFFFFFFF0 ss:$0x1] =	vst.idx.msk $0xffff, v59;
	(pc) =	sbr.rel @p0 .LBB1_4-.Ltmp4, $4  }
0x3b: {  	[tilespmem:v0+s22+$0x0 ss:$0x1] =	vst.idx.msk $0xffff, v60  }
0x3c: {  	[tilespmem:v0+s22+$0x10 ss:$0x1] =	vst.idx.msk $0xffff, v61  }
0x3d: {  	[tilespmem:v0+s22+$0x20 ss:$0x1] =	vst.idx.msk $0xffff, v62  }
0x3e: {  	s18 =	sadd.s32 $0x400, s18;
	s17 =	sadd.s32 $0x80, s17;
	[tilespmem:v0+s22+$0xFFFFFFC0 ss:$0x1] =	vst.idx.msk $0xffff, v63  }
0x3f: {  	s16 =	sadd.s32 $0x1, s16  }
0x40: {  	p0 =	sne.s32 s16, $0x4  }
.Ltmp5:
0x41: {  	_ = 	snop;
	(pc) =	sbr.rel @p0 .LBB1_3-.Ltmp5, $2  }
0x42: {  	_ =	sdelay $0x2  }
0x43: {  	s13 =	sadd.s32 $0x1000, s13;
	s14 =	sadd.s32 $0x1000, s14  }
.Ltmp6:
0x44: {  	(pc) =	sbr.rel .LBB1_9-.Ltmp6, $4  }
0x45: {  	_ = 	snop  }
0x46: {  	s12 =	sshll.u32 s12, $0x9  }
0x47: {  	s12 =	sadd.s32 s4, s12  }
0x48: {  	[hbm4b:s12+s8] =	stream.linear.scatter [tilespmem:s15], [sflag:$0x2], $0x4000, $0x38;
	[tilespmem:$0x10000] =	vst v63  }
.LBB1_10:
0x49: {  	_ =	sfence.sel $0x180000  }
0x4a: {  	s2 =	simm.s32 $0x1;
	[bflag:$0x0] =	sbarrier.arrive $0xFFFF  }
0x4b: {  	s31 =	simm.s32 $0x2;
	[sflag:s2] =	ssyncpa.u1 $0x1  }
0x4c: {  	[sflag:s31] =	ssyncpa.u1 $0x1  }
0x4d: {  	p0 =	sne.s32 s0, $0x0;
	_ =	strace $0x90000047  }
0x4e: {  	s0 =	sadd.s32 @!p0 $0x100000, s1;
	[bflag:$0x2] =	sbarrier.arrive $0xFFFF  }
0x4f: {  	[sflag:s0] =	ssyncadd.tile.s32 @!p0 $0x1;
	_ =	shalt  }
.Lfunc_end1:
_tile_overlayer_lowered:
.L_overlay_start_2:
0x50: {  	(tag) =	ssettag $0x2  }
0x51: {  	s0 =	rddreg [dreg:$0x0];
	s2 =	stileid.u32  }
0x52: {  	s1 =	rddreg [dreg:$0x1];
	p0 =	sne.s32 s2, $0x0  }
0x53: {  	s3 =	rddreg [dreg:$0x2];
	[bflag:$0x3] =	sbarrier.arrive $0xFFFF;
	s2 =	simm.s32 @!p0 $0x1C01  }
0x54: {  	[timem:s3], [sflag:s2] =	dma.local @!p0 [hbm:s0], s1  }
0x55: {  	s0 =	simm.s32 @!p0 $0x1  }
0x56: {  	_ =	swait.ge @!p0 [sflag:s0], s1  }
0x57: {  	s1 =	ssub.s32 @!p0 $0x0, s1;
	[sflag:s0] =	ssyncset.done @!p0 $0x0  }
0x58: {  	[sflag:s0] =	ssyncadd.s32 @!p0 s1  }
0x59: {  	[bflag:$0x3] =	sbarrier.arrive $0xFFFF  }
0x5a: {  	_ =	shalt  }

// kernel: sparse-core-data-format-call.cloned.1.call-start
scs
called_computation_lowered:
.L_overlay_start_0:
0x0: {  	s2 =	sld [smem:$0x3FD9]  }
0x1: {  	s3 =	sld [smem:$0x3FFE];
	_ =	sdelay $0x1  }
0x2: {  	s1 =	srdreg.scid  }
0x3: {  	s0 =	sand.u32 $0x1, s1  }
0x4: {  	s18 =	sshll.u32 s0, $0xA;
	s2 =	sadd.s32 s3, s2  }
0x5: {  	s2 =	sadd.s32 s2, s18  }
0x6: {  	[smem:$0x3FC6] =	sst s2  }
0x7: {  	_ = 	snop  }
0x8: {  	s19 =	sld [smem:$0x3FC8];
	(tm) =	ssettm $0x1  }
0x9: {  	s20 =	sld [smem:$0x3FFB];
	_ =	sdelay $0x3  }
0xa: {  	_ =	strace s20  }
0xb: {  	s2 =	sld [smem:$0x3FFC];
	_ =	sdelay $0x3  }
0xc: {  	_ =	strace s2  }
0xd: {  	s2 =	sld [smem:$0x3FFD];
	_ =	sdelay $0x3  }
0xe: {  	_ =	strace s2  }
0xf: {  	_ =	strace $0x8FFFFFFF  }
0x10: {  	s21 =	sld [smem:$0x3FDB];
	_ =	sdelay $0x1  }
0x11: {  	s4 =	simm.s32 $_scs_section_size  }
0x12: {  	s5 =	simm.s32 $_size__tile_overlayer_lowered;
	s6 =	simm.s32 $_tile_overlayer_lowered  }
0x13: {  	s7 =	simm.s32 $0x1BFF;
	s22 =	sshll.u32 s6, $0x1;
	s4 =	sadd.s32 s4, s21  }
0x14: {  	s23 =	simm.s32 $0x0;
	s5 =	sshll.u32 s5, $0x1;
	s6 =	sadd.s32 s22, s4  }
0x15: {  	[timem:s23], [sflag:s7] =	dma.local [hbm:s6], s5  }
0x16: {  	_ =	swait.ge [sflag:s7], s5  }
0x17: {  	s5 =	ssub.s32 $0x0, s5;
	[sflag:s7] =	ssyncset.done $0x0  }
0x18: {  	[sflag:s7] =	ssyncadd.s32 s5;
	_ =	sdelay $0x1  }
0x19: {  	s24 =	simm.s32 $0x1B8B  }
0x1a: {  	_ =	swait.ge [sflag:s24], $0x1  }
0x1b: {  	[sflag:s24] =	ssyncset.done $0x0  }
0x1c: {  	[sflag:s24] =	ssyncadd.s32 $0xFFFFFFFF  }
0x1d: {  	s5 =	sld [smem:$0x0]  }
0x1e: {  	s6 =	sand.u32 $0xFFFFFFFE, s1  }
0x1f: {  	p0 =	sne.s32 s1, s6  }
0x20: {  	s6 =	sshll.u32 @p0 s6, $0xE  }
0x21: {  	s6 =	sadd.s32 @p0 $0x11B8D, s6;
	s7 =	sshll.u32 @p0 s5, $0x11  }
0x22: {  	s6 =	sor.u32 @p0 s7, s6  }
0x23: {  	[sflag:s6] =	ssyncadd.remote.s32 @p0 $0x1;
	_ =	sdelay $0x1  }
0x24: {  	s6 =	simm.s32 @p0 $0x1B8D  }
0x25: {  	_ =	swait.eq @p0 [sflag:s6], $0x1  }
0x26: {  	[sflag:s6] =	ssyncadd.s32 @p0 $0xFFFFFFFF  }
0x27: {  	s7 =	sshll.u32 @!p0 s1, $0xE  }
0x28: {  	s7 =	sor.u32 @!p0 $0x4000, s7;
	s6 =	simm.s32 @!p0 $0x1B8D  }
0x29: {  	s5 =	sshll.u32 @!p0 s5, $0x11;
	s7 =	sadd.s32 @!p0 $0x11B8D, s7;
	_ =	swait.eq @!p0 [sflag:s6], $0x1  }
0x2a: {  	s5 =	sor.u32 @!p0 s5, s7;
	[sflag:s6] =	ssyncadd.s32 @!p0 $0xFFFFFFFF  }
0x2b: {  	s26 =	simm.s32 $0x1B8E;
	s25 =	sld [smem:$0x3FFE];
	[sflag:s5] =	ssyncadd.remote.s32 @!p0 $0x1  }
0x2c: {  	s27 =	simm.s32 $execute0_lowered;
	[smem:$0x3FD2] =	sst s26  }
0x2d: {  	s6 =	sshll.u32 s27, $0x1;
	_ =	strace $0x80000049;
	[dreg:$0x1] =	wrdreg $0xFFFFFFFF  }
0x2e: {  	s28 =	simm.s32 $_size_execute0_lowered;
	s4 =	sadd.s32 s4, s6;
	[dreg:$0x0] =	wrdreg $0x0  }
0x2f: {  	s6 =	sshll.u32 s28, $0x1;
	[dreg:$0x2] =	wrdreg s4  }
0x30: {  	[dreg:$0x3] =	wrdreg s6  }
0x31: {  	[dreg:$0x4] =	wrdreg $0xC0  }
0x32: {  	_ =	task [dreg:s23], $0x5FFFF  }
0x33: {  	[dreg:$0x1] =	wrdreg $0xFFFFFFFF  }
0x34: {  	[dreg:$0x0] =	wrdreg $0x60  }
0x35: {  	[dreg:$0x2] =	wrdreg s19  }
0x36: {  	[dreg:$0x3] =	wrdreg s25  }
0x37: {  	[dreg:$0x4] =	wrdreg $0x9  }
0x38: {  	_ =	task.clear_ibuf [dreg:s23], $0x5FFFF;
	_ =	strace $0x90000049  }
0x39: {  	s29 =	simm.s32 $0x9;
	_ =	strace $0x8000004B  }
0x3a: {  	_ =	swait.ge [sflag:s29], $0x1  }
0x3b: {  	[sflag:s29] =	ssyncadd.s32 $0xFFFFFFFF  }
0x3c: {  	_ =	strace $0x9000004B  }
0x3d: {  	_ =	sfence  }
0x3e: {  	s30 =	sld [smem:$0x0];
	_ =	sdelay $0x2  }
0x3f: {  	s31 =	sshll.u32 s1, $0xD;
	s1 =	sshrl.u32 s1, $0x2  }
0x40: {  	s4 =	sand.u32 $0x4000, s31;
	s1 =	sadd.s32 s1, s30  }
0x41: {  	s0 =	sor.u32 s4, s0;
	s1 =	sshll.u32 s1, $0x11  }
0x42: {  	s0 =	sor.u32 s1, s0  }
0x43: {  	s0 =	sadd.s32 $0x8F2B, s0  }
0x44: {  	[sflag:s0] =	ssyncadd.remote.s32 $0x1  }
0x45: {  	_ =	sfence.sel $0xFFFF  }
0x46: {  	[dreg:$0x0] =	wrdreg $0xFFFFFFFF;
	(pc) =	sbr.abs _section_cstart, $3  }
0x47: {  	[dreg:$0x1] =	wrdreg $0xFFFFFFFF  }
0x48: {  	_ =	task.clear_ibuf [dreg:s23], $0x2FFFF;
	_ =	strace $0x9FFFFFFF  }
0x49: {  	(tm) =	ssettm $0x7FFFFFFF  }
tec
execute0_lowered:
.L_overlay_start_1:
0x0: {  	(tag) =	ssettag $0x1  }
0x1: {  	s0 =	srdreg.scid  }
0x2: {  	s1 =	sshll.u32 s0, $0x4  }
0x3: {  	s2 =	rddreg [dreg:$0x0];
	s0 =	stileid.u32;
	s1 =	sand.u32 $0x10, s1  }
0x4: {  	s4 =	rddreg [dreg:$0x1];
	s7 =	simm.s32 $0x1;
	s1 =	sor.u32 s0, s1  }
0x5: {  	s8 =	simm.s32 $0x2;
	s9 =	simm.s32 $0x0;
	s3 =	sshll.u32 s1, $0x2  }
0x6: {  	s12 =	simm.s32 $0x0;
	s11 =	simm.s32 $0x0;
	s6 =	ssub.s32 $0xC00, s3  }
.Ltmp0:
0x7: {  	s4 =	sadd.s32 $0x180E00, s4;
	s5 =	sand.u32 $0x7C, s6;
	(pc) =	sbr.rel .LBB1_1-.Ltmp0, $4  }
0x8: {  	s1 =	rddreg [dreg:$0x2];
	_ =	strace $0x8000004A;
	p0 =	sne.s32 s5, $0x0  }
0x9: {  	s6 =	sshrl.u32 s6, $0x7;
	s5 =	simm.s32 $0x1;
	s7 =	simm.s32 @!p0 $0x0  }
0xa: {  	s10 =	smov.u32 s3;
	[sflag:s5] =	ssyncpa.u1 $0x0;
	s6 =	sadd.s32 s7, s6  }
0xb: {  	[sflag:s8] =	ssyncpa.u1 $0x0;
	s8 =	simm.s32 $0x0;
	s7 =	sadd.s32 $0x1, s6  }
.LBB1_9:
0xc: {  	s14 =	sadd.s32 $0x80, s10  }
0xd: {  	p1 =	sgt.s32 s14, $0xBFF  }
0xe: {  	s14 =	smov.u32 @p1 s3;
	p1 =	sne.s32 s11, s7  }
.Ltmp1:
0xf: {  	p0 =	slt.u32 s11, $0x2;
	(pc) =	sbr.rel @!p1 .LBB1_10-.Ltmp1, $4  }
0x10: {  	s13 =	simm.s32 @!p0 $0x2  }
0x11: {  	s15 =	sadd.s32 $0x1, s11;
	_ =	swait.ge @!p0 [sflag:s13], $0x4000  }
0x12: {  	s12 =	smov.u32 s10;
	s9 =	sadd.s32 $0x4000, s9;
	[sflag:s13] =	ssyncset.done @!p0 $0x0  }
0x13: {  	s11 =	smov.u32 s15;
	s10 =	smov.u32 s14;
	[sflag:s13] =	ssyncadd.s32 @!p0 $0xFFFFC000  }
.LBB1_1:
0x14: {  	p0 =	sge.u32 s11, s6  }
0x15: {  	s13 =	sxor.u32 @!p0 $0xFFFFFFFF, s11  }
0x16: {  	s31 =	sadd.s32 $0xFFFFFFFF, s11;
	s14 =	sshll.u32 @!p0 s10, $0x9;
	s13 =	sshll.u32 @!p0 s13, $0xE  }
0x17: {  	s15 =	simm.s32 @!p0 $0x0;
	s14 =	sadd.s32 @!p0 s2, s14;
	s13 =	sand.u32 @!p0 $0x4000, s13  }
0x18: {  	[tilespmem:s13], [sflag:$0x1] =	stream.linear.gather @!p0 [hbm4b:s14+s15], $0x4000, $0x38;
	[tilespmem:$0x10000] =	vst v63  }
0x19: {  	p0 =	sge.u32 s31, s6  }
.Ltmp2:
0x1a: {  	_ = 	snop;
	(pc) =	sbr.rel @p0 .LBB1_9-.Ltmp2, $1  }
0x1b: {  	_ =	sdelay $0x3  }
0x1c: {  	s14 =	sand.u32 $0x4000, s9  }
0x1d: {  	_ =	swait.ge [sflag:s5], $0x4000;
	s15 =	sshll.u32 s11, $0xE;
	s16 =	simm.s32 $0x0  }
0x1e: {  	s13 =	sor.u32 $0x40, s14;
	[sflag:s5] =	ssyncset.done $0x0;
	s15 =	sand.u32 $0x4000, s15  }
0x1f: {  	s14 =	sor.u32 $0x8040, s14;
	[sflag:s5] =	ssyncadd.s32 $0xFFFFC000;
	s15 =	sor.u32 $0x8000, s15  }
.LBB1_3:
0x20: {  	s17 =	smov.u32 s14;
	s18 =	smov.u32 s13;
	s19 =	simm.s32 $0x0  }
.LBB1_4:
0x21: {  	v0 =	vmov s17;
	v2 =	vld [tilespmem:s18+$0x30]  }
0x22: {  	v4 =	vld [tilespmem:s18+$0xFFFFFFD0]  }
0x23: {  	v6 =	vld [tilespmem:s18+$0xFFFFFFE0]  }
0x24: {  	v7 =	vld [tilespmem:s18+$0xFFFFFFF0]  }
0x25: {  	s20 =	simm.s32 $0x0;
	v1 =	vld [tilespmem:s18+$0x0]  }
0x26: {  	v3 =	vld [tilespmem:s18+$0x10];
	[tilespmem:v0+s20+$0x30 ss:$0x1] =	vst.idx.msk $0xffff, v2  }
0x27: {  	v5 =	vld [tilespmem:s18+$0x20];
	[tilespmem:v0+s20+$0xFFFFFFD0 ss:$0x1] =	vst.idx.msk $0xffff, v4  }
0x28: {  	s21 =	sadd.s32 $0x80, s18;
	v2 =	vld [tilespmem:s18+$0xFFFFFFC0];
	[tilespmem:v0+s20+$0xFFFFFFE0 ss:$0x1] =	vst.idx.msk $0xffff, v6  }
0x29: {  	s22 =	simm.s32 $0x800;
	s23 =	simm.s32 $0x1000;
	v4 =	vld [tilespmem:s21+$0x30];
	[tilespmem:v0+s20+$0xFFFFFFF0 ss:$0x1] =	vst.idx.msk $0xffff, v7  }
.LBB1_5:
0x2a: {  	p0 =	sne.s32 s23, $0x3800;
	v6 =	vld [tilespmem:s21+$0xFFFFFFD0];
	[tilespmem:v0+s20+$0x0 ss:$0x1] =	vst.idx.msk $0xffff, v1  }
0x2b: {  	v7 =	vld [tilespmem:s21+$0xFFFFFFE0];
	[tilespmem:v0+s20+$0x10 ss:$0x1] =	vst.idx.msk $0xffff, v3  }
0x2c: {  	v8 =	vld [tilespmem:s21+$0xFFFFFFF0];
	[tilespmem:v0+s20+$0x20 ss:$0x1] =	vst.idx.msk $0xffff, v5  }
.Ltmp3:
0x2d: {  	v1 =	vld [tilespmem:s21+$0x0];
	[tilespmem:v0+s20+$0xFFFFFFC0 ss:$0x1] =	vst.idx.msk $0xffff, v2;
	s20 =	sshra.s32 s22, $0x2;
	s22 =	smov.u32 s23;
	(pc) =	sbr.rel @p0 .LBB1_5-.Ltmp3, $4  }
0x2e: {  	v3 =	vld [tilespmem:s21+$0x10];
	[tilespmem:v0+s20+$0x30 ss:$0x1] =	vst.idx.msk $0xffff, v4  }
0x2f: {  	[tilespmem:v0+s20+$0xFFFFFFD0 ss:$0x1] =	vst.idx.msk $0xffff, v6;
	v5 =	vld [tilespmem:s21+$0x20]  }
0x30: {  	v2 =	vld [tilespmem:s21+$0xFFFFFFC0];
	[tilespmem:v0+s20+$0xFFFFFFE0 ss:$0x1] =	vst.idx.msk $0xffff, v7;
	s21 =	sadd.s32 $0x80, s21  }
0x31: {  	s23 =	sadd.s32 $0x800, s23;
	v4 =	vld [tilespmem:s21+$0x30];
	[tilespmem:v0+s20+$0xFFFFFFF0 ss:$0x1] =	vst.idx.msk $0xffff, v8  }
0x32: {  	_ =	sdelay $0x3  }
0x33: {  	v6 =	vld [tilespmem:s21+$0xFFFFFFD0];
	[tilespmem:v0+s20+$0x0 ss:$0x1] =	vst.idx.msk $0xffff, v1  }
0x34: {  	v58 =	vld [tilespmem:s21+$0xFFFFFFE0];
	[tilespmem:v0+s20+$0x10 ss:$0x1] =	vst.idx.msk $0xffff, v3  }
0x35: {  	v59 =	vld [tilespmem:s21+$0xFFFFFFF0];
	[tilespmem:v0+s20+$0x20 ss:$0x1] =	vst.idx.msk $0xffff, v5  }
0x36: {  	s22 =	sshra.s32 s22, $0x2;
	v60 =	vld [tilespmem:s21+$0x0];
	[tilespmem:v0+s20+$0xFFFFFFC0 ss:$0x1] =	vst.idx.msk $0xffff, v2  }
0x37: {  	v61 =	vld [tilespmem:s21+$0x10];
	[tilespmem:v0+s22+$0x30 ss:$0x1] =	vst.idx.msk $0xffff, v4  }
0x38: {  	v62 =	vld [tilespmem:s21+$0x20];
	s19 =	sadd.s32 $0x1, s19;
	[tilespmem:v0+s22+$0xFFFFFFD0 ss:$0x1] =	vst.idx.msk $0xffff, v6  }
0x39: {  	v63 =	vld [tilespmem:s21+$0xFFFFFFC0];
	p0 =	sne.s32 s19, $0x4;
	[tilespmem:v0+s22+$0xFFFFFFE0 ss:$0x1] =	vst.idx.msk $0xffff, v58  }
.Ltmp4:
0x3a: {  	[tilespmem:v0+s22+$0xFFFFFFF0 ss:$0x1] =	vst.idx.msk $0xffff, v59;
	(pc) =	sbr.rel @p0 .LBB1_4-.Ltmp4, $4  }
0x3b: {  	[tilespmem:v0+s22+$0x0 ss:$0x1] =	vst.idx.msk $0xffff, v60  }
0x3c: {  	[tilespmem:v0+s22+$0x10 ss:$0x1] =	vst.idx.msk $0xffff, v61  }
0x3d: {  	[tilespmem:v0+s22+$0x20 ss:$0x1] =	vst.idx.msk $0xffff, v62  }
0x3e: {  	s18 =	sadd.s32 $0x400, s18;
	s17 =	sadd.s32 $0x80, s17;
	[tilespmem:v0+s22+$0xFFFFFFC0 ss:$0x1] =	vst.idx.msk $0xffff, v63  }
0x3f: {  	s16 =	sadd.s32 $0x1, s16  }
0x40: {  	p0 =	sne.s32 s16, $0x4  }
.Ltmp5:
0x41: {  	_ = 	snop;
	(pc) =	sbr.rel @p0 .LBB1_3-.Ltmp5, $2  }
0x42: {  	_ =	sdelay $0x2  }
0x43: {  	s13 =	sadd.s32 $0x1000, s13;
	s14 =	sadd.s32 $0x1000, s14  }
.Ltmp6:
0x44: {  	(pc) =	sbr.rel .LBB1_9-.Ltmp6, $4  }
0x45: {  	_ = 	snop  }
0x46: {  	s12 =	sshll.u32 s12, $0x9  }
0x47: {  	s12 =	sadd.s32 s4, s12  }
0x48: {  	[hbm4b:s12+s8] =	stream.linear.scatter [tilespmem:s15], [sflag:$0x2], $0x4000, $0x38;
	[tilespmem:$0x10000] =	vst v63  }
.LBB1_10:
0x49: {  	_ =	sfence.sel $0x180000  }
0x4a: {  	s2 =	simm.s32 $0x1;
	[bflag:$0x0] =	sbarrier.arrive $0xFFFF  }
0x4b: {  	s31 =	simm.s32 $0x2;
	[sflag:s2] =	ssyncpa.u1 $0x1  }
0x4c: {  	[sflag:s31] =	ssyncpa.u1 $0x1  }
0x4d: {  	p0 =	sne.s32 s0, $0x0;
	_ =	strace $0x9000004A  }
0x4e: {  	s0 =	sadd.s32 @!p0 $0x100000, s1;
	[bflag:$0x2] =	sbarrier.arrive $0xFFFF  }
0x4f: {  	[sflag:s0] =	ssyncadd.tile.s32 @!p0 $0x1;
	_ =	shalt  }
.Lfunc_end1:
_tile_overlayer_lowered:
.L_overlay_start_2:
0x50: {  	(tag) =	ssettag $0x2  }
0x51: {  	s0 =	rddreg [dreg:$0x0];
	s2 =	stileid.u32  }
0x52: {  	s1 =	rddreg [dreg:$0x1];
	p0 =	sne.s32 s2, $0x0  }
0x53: {  	s3 =	rddreg [dreg:$0x2];
	[bflag:$0x3] =	sbarrier.arrive $0xFFFF;
	s2 =	simm.s32 @!p0 $0x1C01  }
0x54: {  	[timem:s3], [sflag:s2] =	dma.local @!p0 [hbm:s0], s1  }
0x55: {  	s0 =	simm.s32 @!p0 $0x1  }
0x56: {  	_ =	swait.ge @!p0 [sflag:s0], s1  }
0x57: {  	s1 =	ssub.s32 @!p0 $0x0, s1;
	[sflag:s0] =	ssyncset.done @!p0 $0x0  }
0x58: {  	[sflag:s0] =	ssyncadd.s32 @!p0 s1  }
0x59: {  	[bflag:$0x3] =	sbarrier.arrive $0xFFFF  }
0x5a: {  	_ =	shalt  }

</sc_bundles>
